<compile_context>
chip_gen: v7x
topology: tpu7x:2x2x1
jax: 0.10.2.dev20260603
libtpu: 0.0.44.dev20260713+nightly
codegen_flags: <defaults>
</compile_context>

<pallas_src>
import jax
import jax.numpy as jnp
from jax import lax
from jax.experimental import pallas as pl
from jax.experimental.pallas import tpu as pltpu
from jax.experimental.pallas import tpu_sc as plsc

N = 10000
B = 128
E = 320000
NC, NS, L = 2, 16, 16
W = NC * NS
BLK = 128
NBLK = E // BLK
BLK_PER_W = -(-NBLK // W)
STRIPE = 624
STRIPE_LAST = N - STRIPE * (NS - 1)
GRID = 10


def _exp_body(x_ref, o_ref):
    o_ref[...] = jnp.exp(x_ref[...])


def _log_body(p_ref, o_ref):
    s = p_ref[0] + p_ref[1]
    o_ref[...] = jnp.log(jnp.maximum(s, 1e-30))


def _sc_body(ev, meta, pf, zeros, out, md_v0, p_v0, rows_v0,
             md_v1, p_v1, rows_v1, s_sh, sem, ssem):
    cid = lax.axis_index("c")
    sid = lax.axis_index("s")
    wid = cid * NS + sid
    r0 = sid * STRIPE
    md_v = (md_v0, md_v1)
    p_v = (p_v0, p_v1)
    rows_v = (rows_v0, rows_v1)

    pltpu.sync_copy(meta.at[wid], md_v0)
    pltpu.sync_copy(pf.at[wid], p_v0)
    pltpu.async_copy(ev.at[md_v0.at[0]], rows_v0, sem)

    @pl.when(sid < NS - 1)
    def _():
        pltpu.sync_copy(zeros.at[pl.ds(r0, STRIPE)],
                        s_sh.at[pl.ds(r0, STRIPE)])

    @pl.when(sid == NS - 1)
    def _():
        pltpu.sync_copy(zeros.at[pl.ds(r0, STRIPE_LAST)],
                        s_sh.at[pl.ds(r0, STRIPE_LAST)])

    plsc.subcore_barrier()

    def do_pair(t2, carry):
        for u in range(2):
            t = 2 * t2 + u
            blk = wid + t * W
            mdc, pc, rc = md_v[u], p_v[u], rows_v[u]
            mdn, rn = md_v[1 - u], rows_v[1 - u]

            @pl.when(blk < NBLK)
            def _():
                pltpu.make_async_copy(ev.at[mdc.at[0]], rc, sem).wait()

                def wait_prev_scatter():
                    pltpu.make_async_copy(rn, s_sh.at[mdn.at[1]],
                                          ssem).wait()

                if u == 0:
                    pl.when(t2 >= 1)(wait_prev_scatter)
                else:
                    wait_prev_scatter()

                @pl.when(blk + W < NBLK)
                def _():
                    pltpu.sync_copy(meta.at[blk + W], mdn)
                    pltpu.sync_copy(pf.at[blk + W], p_v[1 - u])
                    pltpu.async_copy(ev.at[mdn.at[0]], rn, sem)

                def mul_group(g, c):
                    p16 = pc[0, pl.ds(g * L, L)]
                    for k in range(L):
                        ps = jnp.full((L,), p16[k], jnp.float32)
                        row = g * L + k
                        for j in range(B // L):
                            sl = (row, pl.ds(j * L, L))
                            rc[sl] = rc[sl] * ps
                    return c

                lax.fori_loop(0, BLK // L, mul_group, 0)

                pltpu.async_copy(rc, s_sh.at[mdc.at[1]], ssem, add=True)

        return carry

    lax.fori_loop(0, (BLK_PER_W + 1) // 2, do_pair, 0)
    pltpu.make_async_copy(rows_v0, s_sh.at[md_v0.at[1]], ssem).wait()
    plsc.subcore_barrier()

    @pl.when(sid < NS - 1)
    def _():
        pltpu.sync_copy(s_sh.at[pl.ds(r0, STRIPE)],
                        out.at[cid, pl.ds(r0, STRIPE)])

    @pl.when(sid == NS - 1)
    def _():
        pltpu.sync_copy(s_sh.at[pl.ds(r0, STRIPE_LAST)],
                        out.at[cid, pl.ds(r0, STRIPE_LAST)])


def kernel(ch_vals, edge_src, edge_dst, params):
    ev = pl.pallas_call(
        _exp_body,
        grid=(GRID,),
        in_specs=[pl.BlockSpec((N // GRID, B), lambda i: (i, 0))],
        out_specs=pl.BlockSpec((N // GRID, B), lambda i: (i, 0)),
        out_shape=jax.ShapeDtypeStruct((N, B), jnp.float32),
    )(ch_vals)

    meta = jnp.stack([edge_src.reshape(NBLK, BLK),
                      edge_dst.reshape(NBLK, BLK)], axis=1)
    pf = params.reshape(NBLK, 1, BLK)
    zeros = jnp.zeros((N, B), jnp.float32)

    sc = pl.kernel(
        _sc_body,
        out_type=jax.ShapeDtypeStruct((NC, N, B), jnp.float32),
        mesh=plsc.VectorSubcoreMesh(core_axis_name="c", subcore_axis_name="s"),
        scratch_types=[
            pltpu.VMEM((2, BLK), jnp.int32),
            pltpu.VMEM((1, BLK), jnp.float32),
            pltpu.VMEM((BLK, B), jnp.float32),
            pltpu.VMEM((2, BLK), jnp.int32),
            pltpu.VMEM((1, BLK), jnp.float32),
            pltpu.VMEM((BLK, B), jnp.float32),
            pltpu.VMEM_SHARED((N, B), jnp.float32),
            pltpu.SemaphoreType.DMA,
            pltpu.SemaphoreType.DMA,
        ],
    )
    partial = sc(ev, meta, pf, zeros)

    out = pl.pallas_call(
        _log_body,
        grid=(GRID,),
        in_specs=[pl.BlockSpec((NC, N // GRID, B), lambda i: (0, i, 0))],
        out_specs=pl.BlockSpec((N // GRID, B), lambda i: (i, 0)),
        out_shape=jax.ShapeDtypeStruct((N, B), jnp.float32),
    )(partial)
    return out

# --- scband reference (transcript-rebuilt; emitter-appended) ---
"""Pipeline reference for scband-sum-layer-65360812310793 (READ-ONLY COPY).

The authoritative reference and input builder live on the scoring server;
editing this copy changes nothing except your own understanding.
"""

import jax, jax.numpy as jnp
import numpy as np

NUM_SUM_NODES = 10000
CH_PROD_LAYER_SIZE = 10000
NUM_EDGES = 320000
BATCH = 128


def setup_inputs(seed: int = 0) -> dict:
    key = jax.random.key(seed)
    k1, k2, k3, k4 = jax.random.split(key, 4)
    ch_vals = jax.random.normal(k1, (CH_PROD_LAYER_SIZE, BATCH), dtype=jnp.float32)
    edge_src = jax.random.randint(k2, (NUM_EDGES,), 0, CH_PROD_LAYER_SIZE, dtype=jnp.int32)
    edge_dst = jnp.sort(jax.random.randint(k3, (NUM_EDGES,), 0, NUM_SUM_NODES, dtype=jnp.int32))
    params = jax.random.uniform(k4, (NUM_EDGES,), dtype=jnp.float32, minval=0.01, maxval=1.0)
    return {"ch_vals": ch_vals, "edge_src": edge_src, "edge_dst": edge_dst, "params": params}


def reference(ch_vals, edge_src, edge_dst, params):
    # SumLayer forward of a probabilistic circuit in log-space:
    #   node_mars[n] = log( sum_{e: dst(e)=n} params[e] * exp(ch_mars[src(e)]) )
    # computed with the numerically-stable per-segment max trick, exactly as
    # the grouped (nids, cids, pids) gather + reduce in the torch SumLayer
    # (single group, flat edge list form).
    gathered = ch_vals[edge_src]  # [E, B] gather of child log-values
    m = jax.ops.segment_max(gathered, edge_dst, num_segments=NUM_SUM_NODES)  # [N, B]
    m_safe = jnp.where(jnp.isfinite(m), m, 0.0)
    m_safe = jax.lax.stop_gradient(m_safe)
    weighted = params[:, None] * jnp.exp(gathered - m_safe[edge_dst])  # [E, B]
    s = jax.ops.segment_sum(weighted, edge_dst, num_segments=NUM_SUM_NODES)  # [N, B]
    out = jnp.log(jnp.maximum(s, 1e-30)) + m_safe
    return out

if __name__ == "__main__":
    import jax
    _d = setup_inputs()
    print(jax.jit(kernel)(*tuple(_d.values())))

</pallas_src>

<mosaic_0001>
#map = affine_map<(d0, d1) -> (0, 0)>
#map1 = affine_map<(d0, d1) -> (0, 0, 0)>
module attributes {stable_mosaic.version = 14 : i64} {
  func.func @_sc_body(%arg0: i32, %arg1: i32, %arg2: memref<10000x128xf32, #tpu.memory_space<hbm>>, %arg3: memref<2500x2x128xi32, #tpu.memory_space<hbm>>, %arg4: memref<2500x1x128xf32, #tpu.memory_space<hbm>>, %arg5: memref<10000x128xf32, #tpu.memory_space<hbm>>, %arg6: memref<2x10000x128xf32, #tpu.memory_space<hbm>>, %arg7: memref<2x128xi32, #tpu.memory_space<vmem>>, %arg8: memref<1x128xf32, #tpu.memory_space<vmem>>, %arg9: memref<128x128xf32, #tpu.memory_space<vmem>>, %arg10: memref<2x128xi32, #tpu.memory_space<vmem>>, %arg11: memref<1x128xf32, #tpu.memory_space<vmem>>, %arg12: memref<128x128xf32, #tpu.memory_space<vmem>>, %arg13: memref<10000x128xf32, #tpu.memory_space<vmem_shared>>, %arg14: memref<!tpu.dma_semaphore, #tpu.memory_space<semaphore_mem>>, %arg15: memref<!tpu.dma_semaphore, #tpu.memory_space<semaphore_mem>>) attributes {dimension_semantics = [#tpu.dimension_semantics<core_parallel>, #tpu.dimension_semantics<subcore_parallel>], iteration_bounds = array<i64: 2, 16>, scalar_prefetch = 0 : i64, scratch_operands = 9 : i64, tpu.core_type = #tpu.core_type<sc_vector_subcore>, window_params = [{transform_indices = #map}, {transform_indices = #map1}, {transform_indices = #map1}, {transform_indices = #map}, {transform_indices = #map1}]} {
    %mul3A = arith.constant 16 : i32
    %mul3A_0 = arith.muli %arg0, %mul3A : i32
    %add3A = arith.addi %mul3A_0, %arg1 : i32
    %mul3A_1 = arith.constant 624 : i32
    %mul3A_2 = arith.muli %arg1, %mul3A_1 : i32
    "tpu.region"() ({
      %run_scoped3A = tpu.sem_alloc : memref<!tpu.dma_semaphore, #tpu.memory_space<semaphore_mem>>
      %dma_start3A_37 = arith.constant 0 : i32
      %dma_start3A_38 = arith.constant 0 : i32
      %dma_start3A_39 = tpu.memref_slice %arg3[%add3A, %dma_start3A_37, %dma_start3A_38] : memref<2500x2x128xi32, #tpu.memory_space<hbm>> -> memref<1x2x128xi32, #tpu.memory_space<hbm>>
      %dma_start3A_40 = tpu.memref_squeeze %dma_start3A_39 : memref<1x2x128xi32, #tpu.memory_space<hbm>> -> memref<2x128xi32, #tpu.memory_space<hbm>>
      %dma_start3A_41 = arith.constant 0 : i32
      %dma_start3A_42 = arith.constant 0 : i32
      %dma_start3A_43 = tpu.memref_slice %arg3[%add3A, %dma_start3A_41, %dma_start3A_42] : memref<2500x2x128xi32, #tpu.memory_space<hbm>> -> memref<1x2x128xi32, #tpu.memory_space<hbm>>
      %dma_start3A_44 = tpu.memref_squeeze %dma_start3A_43 : memref<1x2x128xi32, #tpu.memory_space<hbm>> -> memref<2x128xi32, #tpu.memory_space<hbm>>
      tpu.enqueue_dma source(%dma_start3A_44 : memref<2x128xi32, #tpu.memory_space<hbm>>) target(%arg7 : memref<2x128xi32, #tpu.memory_space<vmem>>) target_semaphore(%run_scoped3A : memref<!tpu.dma_semaphore, #tpu.memory_space<semaphore_mem>>)
      %dma_wait3A_45 = arith.constant 0 : i32
      %dma_wait3A_46 = arith.constant 0 : i32
      %dma_wait3A_47 = tpu.memref_slice %arg3[%add3A, %dma_wait3A_45, %dma_wait3A_46] : memref<2500x2x128xi32, #tpu.memory_space<hbm>> -> memref<1x2x128xi32, #tpu.memory_space<hbm>>
      %dma_wait3A_48 = tpu.memref_squeeze %dma_wait3A_47 : memref<1x2x128xi32, #tpu.memory_space<hbm>> -> memref<2x128xi32, #tpu.memory_space<hbm>>
      %dma_wait3A_49 = arith.constant 0 : i32
      %dma_wait3A_50 = arith.constant 0 : i32
      %dma_wait3A_51 = tpu.memref_slice %arg3[%add3A, %dma_wait3A_49, %dma_wait3A_50] : memref<2500x2x128xi32, #tpu.memory_space<hbm>> -> memref<1x2x128xi32, #tpu.memory_space<hbm>>
      %dma_wait3A_52 = tpu.memref_squeeze %dma_wait3A_51 : memref<1x2x128xi32, #tpu.memory_space<hbm>> -> memref<2x128xi32, #tpu.memory_space<hbm>>
      tpu.wait_dma2 semaphore(%run_scoped3A : memref<!tpu.dma_semaphore, #tpu.memory_space<semaphore_mem>>) src(%dma_wait3A_52 : memref<2x128xi32, #tpu.memory_space<hbm>>) dst(%arg7 : memref<2x128xi32, #tpu.memory_space<vmem>>)
      tpu.yield
    }) : () -> ()
    "tpu.region"() ({
      %run_scoped3A = tpu.sem_alloc : memref<!tpu.dma_semaphore, #tpu.memory_space<semaphore_mem>>
      %dma_start3A_37 = arith.constant 0 : i32
      %dma_start3A_38 = arith.constant 0 : i32
      %dma_start3A_39 = tpu.memref_slice %arg4[%add3A, %dma_start3A_37, %dma_start3A_38] : memref<2500x1x128xf32, #tpu.memory_space<hbm>> -> memref<1x1x128xf32, #tpu.memory_space<hbm>>
      %dma_start3A_40 = tpu.memref_squeeze %dma_start3A_39 : memref<1x1x128xf32, #tpu.memory_space<hbm>> -> memref<1x128xf32, #tpu.memory_space<hbm>>
      %dma_start3A_41 = arith.constant 0 : i32
      %dma_start3A_42 = arith.constant 0 : i32
      %dma_start3A_43 = tpu.memref_slice %arg4[%add3A, %dma_start3A_41, %dma_start3A_42] : memref<2500x1x128xf32, #tpu.memory_space<hbm>> -> memref<1x1x128xf32, #tpu.memory_space<hbm>>
      %dma_start3A_44 = tpu.memref_squeeze %dma_start3A_43 : memref<1x1x128xf32, #tpu.memory_space<hbm>> -> memref<1x128xf32, #tpu.memory_space<hbm>>
      tpu.enqueue_dma source(%dma_start3A_44 : memref<1x128xf32, #tpu.memory_space<hbm>>) target(%arg8 : memref<1x128xf32, #tpu.memory_space<vmem>>) target_semaphore(%run_scoped3A : memref<!tpu.dma_semaphore, #tpu.memory_space<semaphore_mem>>)
      %dma_wait3A_45 = arith.constant 0 : i32
      %dma_wait3A_46 = arith.constant 0 : i32
      %dma_wait3A_47 = tpu.memref_slice %arg4[%add3A, %dma_wait3A_45, %dma_wait3A_46] : memref<2500x1x128xf32, #tpu.memory_space<hbm>> -> memref<1x1x128xf32, #tpu.memory_space<hbm>>
      %dma_wait3A_48 = tpu.memref_squeeze %dma_wait3A_47 : memref<1x1x128xf32, #tpu.memory_space<hbm>> -> memref<1x128xf32, #tpu.memory_space<hbm>>
      %dma_wait3A_49 = arith.constant 0 : i32
      %dma_wait3A_50 = arith.constant 0 : i32
      %dma_wait3A_51 = tpu.memref_slice %arg4[%add3A, %dma_wait3A_49, %dma_wait3A_50] : memref<2500x1x128xf32, #tpu.memory_space<hbm>> -> memref<1x1x128xf32, #tpu.memory_space<hbm>>
      %dma_wait3A_52 = tpu.memref_squeeze %dma_wait3A_51 : memref<1x1x128xf32, #tpu.memory_space<hbm>> -> memref<1x128xf32, #tpu.memory_space<hbm>>
      tpu.wait_dma2 semaphore(%run_scoped3A : memref<!tpu.dma_semaphore, #tpu.memory_space<semaphore_mem>>) src(%dma_wait3A_52 : memref<1x128xf32, #tpu.memory_space<hbm>>) dst(%arg8 : memref<1x128xf32, #tpu.memory_space<vmem>>)
      tpu.yield
    }) : () -> ()
    %dma_start3A = arith.constant 0 : i32
    %dma_start3A_3 = arith.constant 0 : i32
    %dma_start3A_4 = tpu.memref_slice %arg7[%dma_start3A, %dma_start3A_3] : memref<2x128xi32, #tpu.memory_space<vmem>> -> memref<1x128xi32, #tpu.memory_space<vmem>>
    %dma_start3A_5 = tpu.memref_squeeze %dma_start3A_4 : memref<1x128xi32, #tpu.memory_space<vmem>> -> memref<128xi32, #tpu.memory_space<vmem>>
    %dma_start3A_6 = arith.constant 0 : i32
    %dma_start3A_7 = arith.constant 0 : i32
    %dma_start3A_8 = tpu.memref_slice %arg2[%dma_start3A_6, %dma_start3A_7] : memref<10000x128xf32, #tpu.memory_space<hbm>> -> memref<10000x128xf32, #tpu.memory_space<hbm>>
    tpu.enqueue_indirect_dma source(%dma_start3A_8 : memref<10000x128xf32, #tpu.memory_space<hbm>>) target(%arg9 : memref<128x128xf32, #tpu.memory_space<vmem>>) offsets(%dma_start3A_5 : memref<128xi32, #tpu.memory_space<vmem>>) semaphore(%arg14 : memref<!tpu.dma_semaphore, #tpu.memory_space<semaphore_mem>>)
    %lt3A = arith.constant 15 : i32
    %lt3A_9 = arith.cmpi slt, %arg1, %lt3A : i32
    %convert_element_type3A = arith.extui %lt3A_9 : i1 to i32
    %cond3A = arith.constant 0 : i32
    %cond3A_10 = arith.cmpi ne, %convert_element_type3A, %cond3A : i32
    scf.if %cond3A_10 {
      "tpu.region"() ({
        %run_scoped3A = tpu.sem_alloc : memref<!tpu.dma_semaphore, #tpu.memory_space<semaphore_mem>>
        %dma_start3A_37 = arith.constant 0 : i32
        %dma_start3A_38 = tpu.memref_slice %arg13[%mul3A_2, %dma_start3A_37] : memref<10000x128xf32, #tpu.memory_space<vmem_shared>> -> memref<624x128xf32, #tpu.memory_space<vmem_shared>>
        %dma_start3A_39 = arith.constant 0 : i32
        %dma_start3A_40 = tpu.memref_slice %arg5[%mul3A_2, %dma_start3A_39] : memref<10000x128xf32, #tpu.memory_space<hbm>> -> memref<624x128xf32, #tpu.memory_space<hbm>>
        tpu.enqueue_dma source(%dma_start3A_40 : memref<624x128xf32, #tpu.memory_space<hbm>>) target(%dma_start3A_38 : memref<624x128xf32, #tpu.memory_space<vmem_shared>>) target_semaphore(%run_scoped3A : memref<!tpu.dma_semaphore, #tpu.memory_space<semaphore_mem>>)
        %dma_wait3A_41 = arith.constant 0 : i32
        %dma_wait3A_42 = tpu.memref_slice %arg13[%mul3A_2, %dma_wait3A_41] : memref<10000x128xf32, #tpu.memory_space<vmem_shared>> -> memref<624x128xf32, #tpu.memory_space<vmem_shared>>
        %dma_wait3A_43 = arith.constant 0 : i32
        %dma_wait3A_44 = tpu.memref_slice %arg5[%mul3A_2, %dma_wait3A_43] : memref<10000x128xf32, #tpu.memory_space<hbm>> -> memref<624x128xf32, #tpu.memory_space<hbm>>
        tpu.wait_dma2 semaphore(%run_scoped3A : memref<!tpu.dma_semaphore, #tpu.memory_space<semaphore_mem>>) src(%dma_wait3A_44 : memref<624x128xf32, #tpu.memory_space<hbm>>) dst(%dma_wait3A_42 : memref<624x128xf32, #tpu.memory_space<vmem_shared>>)
        tpu.yield
      }) : () -> ()
    } else {
    }
    %eq3A = arith.constant 15 : i32
    %eq3A_11 = arith.cmpi eq, %arg1, %eq3A : i32
    %convert_element_type3A_12 = arith.extui %eq3A_11 : i1 to i32
    %cond3A_13 = arith.constant 0 : i32
    %cond3A_14 = arith.cmpi ne, %convert_element_type3A_12, %cond3A_13 : i32
    scf.if %cond3A_14 {
      "tpu.region"() ({
        %run_scoped3A = tpu.sem_alloc : memref<!tpu.dma_semaphore, #tpu.memory_space<semaphore_mem>>
        %dma_start3A_37 = arith.constant 0 : i32
        %dma_start3A_38 = tpu.memref_slice %arg13[%mul3A_2, %dma_start3A_37] : memref<10000x128xf32, #tpu.memory_space<vmem_shared>> -> memref<640x128xf32, #tpu.memory_space<vmem_shared>>
        %dma_start3A_39 = arith.constant 0 : i32
        %dma_start3A_40 = tpu.memref_slice %arg5[%mul3A_2, %dma_start3A_39] : memref<10000x128xf32, #tpu.memory_space<hbm>> -> memref<640x128xf32, #tpu.memory_space<hbm>>
        tpu.enqueue_dma source(%dma_start3A_40 : memref<640x128xf32, #tpu.memory_space<hbm>>) target(%dma_start3A_38 : memref<640x128xf32, #tpu.memory_space<vmem_shared>>) target_semaphore(%run_scoped3A : memref<!tpu.dma_semaphore, #tpu.memory_space<semaphore_mem>>)
        %dma_wait3A_41 = arith.constant 0 : i32
        %dma_wait3A_42 = tpu.memref_slice %arg13[%mul3A_2, %dma_wait3A_41] : memref<10000x128xf32, #tpu.memory_space<vmem_shared>> -> memref<640x128xf32, #tpu.memory_space<vmem_shared>>
        %dma_wait3A_43 = arith.constant 0 : i32
        %dma_wait3A_44 = tpu.memref_slice %arg5[%mul3A_2, %dma_wait3A_43] : memref<10000x128xf32, #tpu.memory_space<hbm>> -> memref<640x128xf32, #tpu.memory_space<hbm>>
        tpu.wait_dma2 semaphore(%run_scoped3A : memref<!tpu.dma_semaphore, #tpu.memory_space<semaphore_mem>>) src(%dma_wait3A_44 : memref<640x128xf32, #tpu.memory_space<hbm>>) dst(%dma_wait3A_42 : memref<640x128xf32, #tpu.memory_space<vmem_shared>>)
        tpu.yield
      }) : () -> ()
    } else {
    }
    %barrier3A = arith.constant 0 : index
    tpu.barrier barrier_id(%barrier3A)
    %scan3A = arith.constant 0 : i32
    %scan3A_15 = arith.constant 0 : i32
    %scan3A_16 = arith.constant 40 : i32
    %scan3A_17 = arith.addi %scan3A_15, %scan3A_16 : i32
    %scan3A_18 = arith.constant 1 : i32
    scf.for %scan3A_37 = %scan3A_15 to %scan3A_17 step %scan3A_18  : i32 {
      %mul3A_38 = arith.constant 2 : i32
      %mul3A_39 = arith.muli %mul3A_38, %scan3A_37 : i32
      %add3A_40 = arith.constant 0 : i32
      %add3A_41 = arith.addi %mul3A_39, %add3A_40 : i32
      %mul3A_42 = arith.constant 32 : i32
      %mul3A_43 = arith.muli %add3A_41, %mul3A_42 : i32
      %add3A_44 = arith.addi %add3A, %mul3A_43 : i32
      %lt3A_45 = arith.constant 2500 : i32
      %lt3A_46 = arith.cmpi slt, %add3A_44, %lt3A_45 : i32
      %convert_element_type3A_47 = arith.extui %lt3A_46 : i1 to i32
      %cond3A_48 = arith.constant 0 : i32
      %cond3A_49 = arith.cmpi ne, %convert_element_type3A_47, %cond3A_48 : i32
      scf.if %cond3A_49 {
        %dma_wait3A_62 = arith.constant 0 : i32
        %dma_wait3A_63 = arith.constant 0 : i32
        %dma_wait3A_64 = tpu.memref_slice %arg7[%dma_wait3A_62, %dma_wait3A_63] : memref<2x128xi32, #tpu.memory_space<vmem>> -> memref<1x128xi32, #tpu.memory_space<vmem>>
        %dma_wait3A_65 = tpu.memref_squeeze %dma_wait3A_64 : memref<1x128xi32, #tpu.memory_space<vmem>> -> memref<128xi32, #tpu.memory_space<vmem>>
        %dma_wait3A_66 = arith.constant 0 : i32
        %dma_wait3A_67 = arith.constant 0 : i32
        %dma_wait3A_68 = tpu.memref_slice %arg2[%dma_wait3A_66, %dma_wait3A_67] : memref<10000x128xf32, #tpu.memory_space<hbm>> -> memref<10000x128xf32, #tpu.memory_space<hbm>>
        tpu.wait_indirect_dma semaphore(%arg14 : memref<!tpu.dma_semaphore, #tpu.memory_space<semaphore_mem>>) src(%dma_wait3A_68 : memref<10000x128xf32, #tpu.memory_space<hbm>>) dst(%arg9 : memref<128x128xf32, #tpu.memory_space<vmem>>)
        %ge3A = arith.constant 1 : i32
        %ge3A_69 = arith.cmpi sge, %scan3A_37, %ge3A : i32
        %convert_element_type3A_70 = arith.extui %ge3A_69 : i1 to i32
        %cond3A_71 = arith.constant 0 : i32
        %cond3A_72 = arith.cmpi ne, %convert_element_type3A_70, %cond3A_71 : i32
        scf.if %cond3A_72 {
          %dma_wait3A_93 = arith.constant 1 : i32
          %dma_wait3A_94 = arith.constant 0 : i32
          %dma_wait3A_95 = tpu.memref_slice %arg10[%dma_wait3A_93, %dma_wait3A_94] : memref<2x128xi32, #tpu.memory_space<vmem>> -> memref<1x128xi32, #tpu.memory_space<vmem>>
          %dma_wait3A_96 = tpu.memref_squeeze %dma_wait3A_95 : memref<1x128xi32, #tpu.memory_space<vmem>> -> memref<128xi32, #tpu.memory_space<vmem>>
          %dma_wait3A_97 = arith.constant 0 : i32
          %dma_wait3A_98 = arith.constant 0 : i32
          %dma_wait3A_99 = tpu.memref_slice %arg13[%dma_wait3A_97, %dma_wait3A_98] : memref<10000x128xf32, #tpu.memory_space<vmem_shared>> -> memref<10000x128xf32, #tpu.memory_space<vmem_shared>>
          tpu.wait_indirect_dma semaphore(%arg15 : memref<!tpu.dma_semaphore, #tpu.memory_space<semaphore_mem>>) src(%arg12 : memref<128x128xf32, #tpu.memory_space<vmem>>) dst(%dma_wait3A_99 : memref<10000x128xf32, #tpu.memory_space<vmem_shared>>)
        } else {
        }
        %add3A_73 = arith.constant 32 : i32
        %add3A_74 = arith.addi %add3A_44, %add3A_73 : i32
        %lt3A_75 = arith.constant 2500 : i32
        %lt3A_76 = arith.cmpi slt, %add3A_74, %lt3A_75 : i32
        %convert_element_type3A_77 = arith.extui %lt3A_76 : i1 to i32
        %cond3A_78 = arith.constant 0 : i32
        %cond3A_79 = arith.cmpi ne, %convert_element_type3A_77, %cond3A_78 : i32
        scf.if %cond3A_79 {
          %add3A_93 = arith.constant 32 : i32
          %add3A_94 = arith.addi %add3A_44, %add3A_93 : i32
          "tpu.region"() ({
            %run_scoped3A = tpu.sem_alloc : memref<!tpu.dma_semaphore, #tpu.memory_space<semaphore_mem>>
            %dma_start3A_104 = arith.constant 0 : i32
            %dma_start3A_105 = arith.constant 0 : i32
            %dma_start3A_106 = tpu.memref_slice %arg3[%add3A_94, %dma_start3A_104, %dma_start3A_105] : memref<2500x2x128xi32, #tpu.memory_space<hbm>> -> memref<1x2x128xi32, #tpu.memory_space<hbm>>
            %dma_start3A_107 = tpu.memref_squeeze %dma_start3A_106 : memref<1x2x128xi32, #tpu.memory_space<hbm>> -> memref<2x128xi32, #tpu.memory_space<hbm>>
            %dma_start3A_108 = arith.constant 0 : i32
            %dma_start3A_109 = arith.constant 0 : i32
            %dma_start3A_110 = tpu.memref_slice %arg3[%add3A_94, %dma_start3A_108, %dma_start3A_109] : memref<2500x2x128xi32, #tpu.memory_space<hbm>> -> memref<1x2x128xi32, #tpu.memory_space<hbm>>
            %dma_start3A_111 = tpu.memref_squeeze %dma_start3A_110 : memref<1x2x128xi32, #tpu.memory_space<hbm>> -> memref<2x128xi32, #tpu.memory_space<hbm>>
            tpu.enqueue_dma source(%dma_start3A_111 : memref<2x128xi32, #tpu.memory_space<hbm>>) target(%arg10 : memref<2x128xi32, #tpu.memory_space<vmem>>) target_semaphore(%run_scoped3A : memref<!tpu.dma_semaphore, #tpu.memory_space<semaphore_mem>>)
            %dma_wait3A_112 = arith.constant 0 : i32
            %dma_wait3A_113 = arith.constant 0 : i32
            %dma_wait3A_114 = tpu.memref_slice %arg3[%add3A_94, %dma_wait3A_112, %dma_wait3A_113] : memref<2500x2x128xi32, #tpu.memory_space<hbm>> -> memref<1x2x128xi32, #tpu.memory_space<hbm>>
            %dma_wait3A_115 = tpu.memref_squeeze %dma_wait3A_114 : memref<1x2x128xi32, #tpu.memory_space<hbm>> -> memref<2x128xi32, #tpu.memory_space<hbm>>
            %dma_wait3A_116 = arith.constant 0 : i32
            %dma_wait3A_117 = arith.constant 0 : i32
            %dma_wait3A_118 = tpu.memref_slice %arg3[%add3A_94, %dma_wait3A_116, %dma_wait3A_117] : memref<2500x2x128xi32, #tpu.memory_space<hbm>> -> memref<1x2x128xi32, #tpu.memory_space<hbm>>
            %dma_wait3A_119 = tpu.memref_squeeze %dma_wait3A_118 : memref<1x2x128xi32, #tpu.memory_space<hbm>> -> memref<2x128xi32, #tpu.memory_space<hbm>>
            tpu.wait_dma2 semaphore(%run_scoped3A : memref<!tpu.dma_semaphore, #tpu.memory_space<semaphore_mem>>) src(%dma_wait3A_119 : memref<2x128xi32, #tpu.memory_space<hbm>>) dst(%arg10 : memref<2x128xi32, #tpu.memory_space<vmem>>)
            tpu.yield
          }) : () -> ()
          %add3A_95 = arith.constant 32 : i32
          %add3A_96 = arith.addi %add3A_44, %add3A_95 : i32
          "tpu.region"() ({
            %run_scoped3A = tpu.sem_alloc : memref<!tpu.dma_semaphore, #tpu.memory_space<semaphore_mem>>
            %dma_start3A_104 = arith.constant 0 : i32
            %dma_start3A_105 = arith.constant 0 : i32
            %dma_start3A_106 = tpu.memref_slice %arg4[%add3A_96, %dma_start3A_104, %dma_start3A_105] : memref<2500x1x128xf32, #tpu.memory_space<hbm>> -> memref<1x1x128xf32, #tpu.memory_space<hbm>>
            %dma_start3A_107 = tpu.memref_squeeze %dma_start3A_106 : memref<1x1x128xf32, #tpu.memory_space<hbm>> -> memref<1x128xf32, #tpu.memory_space<hbm>>
            %dma_start3A_108 = arith.constant 0 : i32
            %dma_start3A_109 = arith.constant 0 : i32
            %dma_start3A_110 = tpu.memref_slice %arg4[%add3A_96, %dma_start3A_108, %dma_start3A_109] : memref<2500x1x128xf32, #tpu.memory_space<hbm>> -> memref<1x1x128xf32, #tpu.memory_space<hbm>>
            %dma_start3A_111 = tpu.memref_squeeze %dma_start3A_110 : memref<1x1x128xf32, #tpu.memory_space<hbm>> -> memref<1x128xf32, #tpu.memory_space<hbm>>
            tpu.enqueue_dma source(%dma_start3A_111 : memref<1x128xf32, #tpu.memory_space<hbm>>) target(%arg11 : memref<1x128xf32, #tpu.memory_space<vmem>>) target_semaphore(%run_scoped3A : memref<!tpu.dma_semaphore, #tpu.memory_space<semaphore_mem>>)
            %dma_wait3A_112 = arith.constant 0 : i32
            %dma_wait3A_113 = arith.constant 0 : i32
            %dma_wait3A_114 = tpu.memref_slice %arg4[%add3A_96, %dma_wait3A_112, %dma_wait3A_113] : memref<2500x1x128xf32, #tpu.memory_space<hbm>> -> memref<1x1x128xf32, #tpu.memory_space<hbm>>
            %dma_wait3A_115 = tpu.memref_squeeze %dma_wait3A_114 : memref<1x1x128xf32, #tpu.memory_space<hbm>> -> memref<1x128xf32, #tpu.memory_space<hbm>>
            %dma_wait3A_116 = arith.constant 0 : i32
            %dma_wait3A_117 = arith.constant 0 : i32
            %dma_wait3A_118 = tpu.memref_slice %arg4[%add3A_96, %dma_wait3A_116, %dma_wait3A_117] : memref<2500x1x128xf32, #tpu.memory_space<hbm>> -> memref<1x1x128xf32, #tpu.memory_space<hbm>>
            %dma_wait3A_119 = tpu.memref_squeeze %dma_wait3A_118 : memref<1x1x128xf32, #tpu.memory_space<hbm>> -> memref<1x128xf32, #tpu.memory_space<hbm>>
            tpu.wait_dma2 semaphore(%run_scoped3A : memref<!tpu.dma_semaphore, #tpu.memory_space<semaphore_mem>>) src(%dma_wait3A_119 : memref<1x128xf32, #tpu.memory_space<hbm>>) dst(%arg11 : memref<1x128xf32, #tpu.memory_space<vmem>>)
            tpu.yield
          }) : () -> ()
          %dma_start3A_97 = arith.constant 0 : i32
          %dma_start3A_98 = arith.constant 0 : i32
          %dma_start3A_99 = tpu.memref_slice %arg10[%dma_start3A_97, %dma_start3A_98] : memref<2x128xi32, #tpu.memory_space<vmem>> -> memref<1x128xi32, #tpu.memory_space<vmem>>
          %dma_start3A_100 = tpu.memref_squeeze %dma_start3A_99 : memref<1x128xi32, #tpu.memory_space<vmem>> -> memref<128xi32, #tpu.memory_space<vmem>>
          %dma_start3A_101 = arith.constant 0 : i32
          %dma_start3A_102 = arith.constant 0 : i32
          %dma_start3A_103 = tpu.memref_slice %arg2[%dma_start3A_101, %dma_start3A_102] : memref<10000x128xf32, #tpu.memory_space<hbm>> -> memref<10000x128xf32, #tpu.memory_space<hbm>>
          tpu.enqueue_indirect_dma source(%dma_start3A_103 : memref<10000x128xf32, #tpu.memory_space<hbm>>) target(%arg12 : memref<128x128xf32, #tpu.memory_space<vmem>>) offsets(%dma_start3A_100 : memref<128xi32, #tpu.memory_space<vmem>>) semaphore(%arg14 : memref<!tpu.dma_semaphore, #tpu.memory_space<semaphore_mem>>)
        } else {
        }
        %scan3A_80 = arith.constant 0 : i32
        %scan3A_81 = arith.constant 0 : i32
        %scan3A_82 = arith.constant 8 : i32
        %scan3A_83 = arith.addi %scan3A_81, %scan3A_82 : i32
        %scan3A_84 = arith.constant 1 : i32
        scf.for %scan3A_93 = %scan3A_81 to %scan3A_83 step %scan3A_84  : i32 {
          %mul3A_94 = arith.constant 16 : i32
          %mul3A_95 = arith.muli %scan3A_93, %mul3A_94 : i32
          %get3A = arith.constant 0 : i32
          %get3A_96 = arith.index_cast %get3A : i32 to index
          %get3A_97 = arith.index_cast %mul3A_95 : i32 to index
          %get3A_98 = tpu.vector_load %arg8[%get3A_96, %get3A_97] {strides = array<i32>} : memref<1x128xf32, #tpu.memory_space<vmem>>, vector<1x16xf32>,
          %get3A_99 = vector.shape_cast %get3A_98 : vector<1x16xf32> to vector<16xf32>
          %slice3A = vector.extract_strided_slice %get3A_99 {offsets = [0], sizes = [1], strides = [1]} : vector<16xf32> to vector<1xf32>
          %squeeze3A = vector.extract %slice3A[0] : f32 from vector<1xf32>
          %broadcast_in_dim3A = vector.broadcast %squeeze3A : f32 to vector<16xf32>
          %mul3A_100 = arith.constant 16 : i32
          %mul3A_101 = arith.muli %scan3A_93, %mul3A_100 : i32
          %add3A_102 = arith.constant 0 : i32
          %add3A_103 = arith.addi %mul3A_101, %add3A_102 : i32
          %get3A_104 = arith.index_cast %add3A_103 : i32 to index
          %get3A_105 = arith.constant 0 : index
          %get3A_106 = tpu.vector_load %arg9[%get3A_104, %get3A_105] {strides = array<i32>} : memref<128x128xf32, #tpu.memory_space<vmem>>, vector<1x16xf32>,
          %get3A_107 = vector.shape_cast %get3A_106 : vector<1x16xf32> to vector<16xf32>
          %mul3A_108 = arith.mulf %get3A_107, %broadcast_in_dim3A : vector<16xf32>
          %swap3A = arith.index_cast %add3A_103 : i32 to index
          %swap3A_109 = arith.constant 0 : index
          %swap3A_110 = tpu.vector_load %arg9[%swap3A, %swap3A_109] {strides = array<i32>} : memref<128x128xf32, #tpu.memory_space<vmem>>, vector<1x16xf32>,
          %swap3A_111 = vector.shape_cast %swap3A_110 : vector<1x16xf32> to vector<16xf32>
          %swap3A_112 = vector.shape_cast %mul3A_108 : vector<16xf32> to vector<1x16xf32>
          tpu.vector_store %arg9[%swap3A, %swap3A_109], %swap3A_112 {strides = array<i32>} : memref<128x128xf32, #tpu.memory_space<vmem>>, vector<1x16xf32>,
          %get3A_113 = arith.index_cast %add3A_103 : i32 to index
          %get3A_114 = arith.constant 16 : index
          %get3A_115 = tpu.vector_load %arg9[%get3A_113, %get3A_114] {strides = array<i32>} : memref<128x128xf32, #tpu.memory_space<vmem>>, vector<1x16xf32>,
          %get3A_116 = vector.shape_cast %get3A_115 : vector<1x16xf32> to vector<16xf32>
          %mul3A_117 = arith.mulf %get3A_116, %broadcast_in_dim3A : vector<16xf32>
          %swap3A_118 = arith.index_cast %add3A_103 : i32 to index
          %swap3A_119 = arith.constant 16 : index
          %swap3A_120 = tpu.vector_load %arg9[%swap3A_118, %swap3A_119] {strides = array<i32>} : memref<128x128xf32, #tpu.memory_space<vmem>>, vector<1x16xf32>,
          %swap3A_121 = vector.shape_cast %swap3A_120 : vector<1x16xf32> to vector<16xf32>
          %swap3A_122 = vector.shape_cast %mul3A_117 : vector<16xf32> to vector<1x16xf32>
          tpu.vector_store %arg9[%swap3A_118, %swap3A_119], %swap3A_122 {strides = array<i32>} : memref<128x128xf32, #tpu.memory_space<vmem>>, vector<1x16xf32>,
          %get3A_123 = arith.index_cast %add3A_103 : i32 to index
          %get3A_124 = arith.constant 32 : index
          %get3A_125 = tpu.vector_load %arg9[%get3A_123, %get3A_124] {strides = array<i32>} : memref<128x128xf32, #tpu.memory_space<vmem>>, vector<1x16xf32>,
          %get3A_126 = vector.shape_cast %get3A_125 : vector<1x16xf32> to vector<16xf32>
          %mul3A_127 = arith.mulf %get3A_126, %broadcast_in_dim3A : vector<16xf32>
          %swap3A_128 = arith.index_cast %add3A_103 : i32 to index
          %swap3A_129 = arith.constant 32 : index
          %swap3A_130 = tpu.vector_load %arg9[%swap3A_128, %swap3A_129] {strides = array<i32>} : memref<128x128xf32, #tpu.memory_space<vmem>>, vector<1x16xf32>,
          %swap3A_131 = vector.shape_cast %swap3A_130 : vector<1x16xf32> to vector<16xf32>
          %swap3A_132 = vector.shape_cast %mul3A_127 : vector<16xf32> to vector<1x16xf32>
          tpu.vector_store %arg9[%swap3A_128, %swap3A_129], %swap3A_132 {strides = array<i32>} : memref<128x128xf32, #tpu.memory_space<vmem>>, vector<1x16xf32>,
          %get3A_133 = arith.index_cast %add3A_103 : i32 to index
          %get3A_134 = arith.constant 48 : index
          %get3A_135 = tpu.vector_load %arg9[%get3A_133, %get3A_134] {strides = array<i32>} : memref<128x128xf32, #tpu.memory_space<vmem>>, vector<1x16xf32>,
          %get3A_136 = vector.shape_cast %get3A_135 : vector<1x16xf32> to vector<16xf32>
          %mul3A_137 = arith.mulf %get3A_136, %broadcast_in_dim3A : vector<16xf32>
          %swap3A_138 = arith.index_cast %add3A_103 : i32 to index
          %swap3A_139 = arith.constant 48 : index
          %swap3A_140 = tpu.vector_load %arg9[%swap3A_138, %swap3A_139] {strides = array<i32>} : memref<128x128xf32, #tpu.memory_space<vmem>>, vector<1x16xf32>,
          %swap3A_141 = vector.shape_cast %swap3A_140 : vector<1x16xf32> to vector<16xf32>
          %swap3A_142 = vector.shape_cast %mul3A_137 : vector<16xf32> to vector<1x16xf32>
          tpu.vector_store %arg9[%swap3A_138, %swap3A_139], %swap3A_142 {strides = array<i32>} : memref<128x128xf32, #tpu.memory_space<vmem>>, vector<1x16xf32>,
          %get3A_143 = arith.index_cast %add3A_103 : i32 to index
          %get3A_144 = arith.constant 64 : index
          %get3A_145 = tpu.vector_load %arg9[%get3A_143, %get3A_144] {strides = array<i32>} : memref<128x128xf32, #tpu.memory_space<vmem>>, vector<1x16xf32>,
          %get3A_146 = vector.shape_cast %get3A_145 : vector<1x16xf32> to vector<16xf32>
          %mul3A_147 = arith.mulf %get3A_146, %broadcast_in_dim3A : vector<16xf32>
          %swap3A_148 = arith.index_cast %add3A_103 : i32 to index
          %swap3A_149 = arith.constant 64 : index
          %swap3A_150 = tpu.vector_load %arg9[%swap3A_148, %swap3A_149] {strides = array<i32>} : memref<128x128xf32, #tpu.memory_space<vmem>>, vector<1x16xf32>,
          %swap3A_151 = vector.shape_cast %swap3A_150 : vector<1x16xf32> to vector<16xf32>
          %swap3A_152 = vector.shape_cast %mul3A_147 : vector<16xf32> to vector<1x16xf32>
          tpu.vector_store %arg9[%swap3A_148, %swap3A_149], %swap3A_152 {strides = array<i32>} : memref<128x128xf32, #tpu.memory_space<vmem>>, vector<1x16xf32>,
          %get3A_153 = arith.index_cast %add3A_103 : i32 to index
          %get3A_154 = arith.constant 80 : index
          %get3A_155 = tpu.vector_load %arg9[%get3A_153, %get3A_154] {strides = array<i32>} : memref<128x128xf32, #tpu.memory_space<vmem>>, vector<1x16xf32>,
          %get3A_156 = vector.shape_cast %get3A_155 : vector<1x16xf32> to vector<16xf32>
          %mul3A_157 = arith.mulf %get3A_156, %broadcast_in_dim3A : vector<16xf32>
          %swap3A_158 = arith.index_cast %add3A_103 : i32 to index
          %swap3A_159 = arith.constant 80 : index
          %swap3A_160 = tpu.vector_load %arg9[%swap3A_158, %swap3A_159] {strides = array<i32>} : memref<128x128xf32, #tpu.memory_space<vmem>>, vector<1x16xf32>,
          %swap3A_161 = vector.shape_cast %swap3A_160 : vector<1x16xf32> to vector<16xf32>
          %swap3A_162 = vector.shape_cast %mul3A_157 : vector<16xf32> to vector<1x16xf32>
          tpu.vector_store %arg9[%swap3A_158, %swap3A_159], %swap3A_162 {strides = array<i32>} : memref<128x128xf32, #tpu.memory_space<vmem>>, vector<1x16xf32>,
          %get3A_163 = arith.index_cast %add3A_103 : i32 to index
          %get3A_164 = arith.constant 96 : index
          %get3A_165 = tpu.vector_load %arg9[%get3A_163, %get3A_164] {strides = array<i32>} : memref<128x128xf32, #tpu.memory_space<vmem>>, vector<1x16xf32>,
          %get3A_166 = vector.shape_cast %get3A_165 : vector<1x16xf32> to vector<16xf32>
          %mul3A_167 = arith.mulf %get3A_166, %broadcast_in_dim3A : vector<16xf32>
          %swap3A_168 = arith.index_cast %add3A_103 : i32 to index
          %swap3A_169 = arith.constant 96 : index
          %swap3A_170 = tpu.vector_load %arg9[%swap3A_168, %swap3A_169] {strides = array<i32>} : memref<128x128xf32, #tpu.memory_space<vmem>>, vector<1x16xf32>,
          %swap3A_171 = vector.shape_cast %swap3A_170 : vector<1x16xf32> to vector<16xf32>
          %swap3A_172 = vector.shape_cast %mul3A_167 : vector<16xf32> to vector<1x16xf32>
          tpu.vector_store %arg9[%swap3A_168, %swap3A_169], %swap3A_172 {strides = array<i32>} : memref<128x128xf32, #tpu.memory_space<vmem>>, vector<1x16xf32>,
          %get3A_173 = arith.index_cast %add3A_103 : i32 to index
          %get3A_174 = arith.constant 112 : index
          %get3A_175 = tpu.vector_load %arg9[%get3A_173, %get3A_174] {strides = array<i32>} : memref<128x128xf32, #tpu.memory_space<vmem>>, vector<1x16xf32>,
          %get3A_176 = vector.shape_cast %get3A_175 : vector<1x16xf32> to vector<16xf32>
          %mul3A_177 = arith.mulf %get3A_176, %broadcast_in_dim3A : vector<16xf32>
          %swap3A_178 = arith.index_cast %add3A_103 : i32 to index
          %swap3A_179 = arith.constant 112 : index
          %swap3A_180 = tpu.vector_load %arg9[%swap3A_178, %swap3A_179] {strides = array<i32>} : memref<128x128xf32, #tpu.memory_space<vmem>>, vector<1x16xf32>,
          %swap3A_181 = vector.shape_cast %swap3A_180 : vector<1x16xf32> to vector<16xf32>
          %swap3A_182 = vector.shape_cast %mul3A_177 : vector<16xf32> to vector<1x16xf32>
          tpu.vector_store %arg9[%swap3A_178, %swap3A_179], %swap3A_182 {strides = array<i32>} : memref<128x128xf32, #tpu.memory_space<vmem>>, vector<1x16xf32>,
          %slice3A_183 = vector.extract_strided_slice %get3A_99 {offsets = [1], sizes = [1], strides = [1]} : vector<16xf32> to vector<1xf32>
          %squeeze3A_184 = vector.extract %slice3A_183[0] : f32 from vector<1xf32>
          %broadcast_in_dim3A_185 = vector.broadcast %squeeze3A_184 : f32 to vector<16xf32>
          %mul3A_186 = arith.constant 16 : i32
          %mul3A_187 = arith.muli %scan3A_93, %mul3A_186 : i32
          %add3A_188 = arith.constant 1 : i32
          %add3A_189 = arith.addi %mul3A_187, %add3A_188 : i32
          %get3A_190 = arith.index_cast %add3A_189 : i32 to index
          %get3A_191 = arith.constant 0 : index
          %get3A_192 = tpu.vector_load %arg9[%get3A_190, %get3A_191] {strides = array<i32>} : memref<128x128xf32, #tpu.memory_space<vmem>>, vector<1x16xf32>,
          %get3A_193 = vector.shape_cast %get3A_192 : vector<1x16xf32> to vector<16xf32>
          %mul3A_194 = arith.mulf %get3A_193, %broadcast_in_dim3A_185 : vector<16xf32>
          %swap3A_195 = arith.index_cast %add3A_189 : i32 to index
          %swap3A_196 = arith.constant 0 : index
          %swap3A_197 = tpu.vector_load %arg9[%swap3A_195, %swap3A_196] {strides = array<i32>} : memref<128x128xf32, #tpu.memory_space<vmem>>, vector<1x16xf32>,
          %swap3A_198 = vector.shape_cast %swap3A_197 : vector<1x16xf32> to vector<16xf32>
          %swap3A_199 = vector.shape_cast %mul3A_194 : vector<16xf32> to vector<1x16xf32>
          tpu.vector_store %arg9[%swap3A_195, %swap3A_196], %swap3A_199 {strides = array<i32>} : memref<128x128xf32, #tpu.memory_space<vmem>>, vector<1x16xf32>,
          %get3A_200 = arith.index_cast %add3A_189 : i32 to index
          %get3A_201 = arith.constant 16 : index
          %get3A_202 = tpu.vector_load %arg9[%get3A_200, %get3A_201] {strides = array<i32>} : memref<128x128xf32, #tpu.memory_space<vmem>>, vector<1x16xf32>,
          %get3A_203 = vector.shape_cast %get3A_202 : vector<1x16xf32> to vector<16xf32>
          %mul3A_204 = arith.mulf %get3A_203, %broadcast_in_dim3A_185 : vector<16xf32>
          %swap3A_205 = arith.index_cast %add3A_189 : i32 to index
          %swap3A_206 = arith.constant 16 : index
          %swap3A_207 = tpu.vector_load %arg9[%swap3A_205, %swap3A_206] {strides = array<i32>} : memref<128x128xf32, #tpu.memory_space<vmem>>, vector<1x16xf32>,
          %swap3A_208 = vector.shape_cast %swap3A_207 : vector<1x16xf32> to vector<16xf32>
          %swap3A_209 = vector.shape_cast %mul3A_204 : vector<16xf32> to vector<1x16xf32>
          tpu.vector_store %arg9[%swap3A_205, %swap3A_206], %swap3A_209 {strides = array<i32>} : memref<128x128xf32, #tpu.memory_space<vmem>>, vector<1x16xf32>,
          %get3A_210 = arith.index_cast %add3A_189 : i32 to index
          %get3A_211 = arith.constant 32 : index
          %get3A_212 = tpu.vector_load %arg9[%get3A_210, %get3A_211] {strides = array<i32>} : memref<128x128xf32, #tpu.memory_space<vmem>>, vector<1x16xf32>,
          %get3A_213 = vector.shape_cast %get3A_212 : vector<1x16xf32> to vector<16xf32>
          %mul3A_214 = arith.mulf %get3A_213, %broadcast_in_dim3A_185 : vector<16xf32>
          %swap3A_215 = arith.index_cast %add3A_189 : i32 to index
          %swap3A_216 = arith.constant 32 : index
          %swap3A_217 = tpu.vector_load %arg9[%swap3A_215, %swap3A_216] {strides = array<i32>} : memref<128x128xf32, #tpu.memory_space<vmem>>, vector<1x16xf32>,
          %swap3A_218 = vector.shape_cast %swap3A_217 : vector<1x16xf32> to vector<16xf32>
          %swap3A_219 = vector.shape_cast %mul3A_214 : vector<16xf32> to vector<1x16xf32>
          tpu.vector_store %arg9[%swap3A_215, %swap3A_216], %swap3A_219 {strides = array<i32>} : memref<128x128xf32, #tpu.memory_space<vmem>>, vector<1x16xf32>,
          %get3A_220 = arith.index_cast %add3A_189 : i32 to index
          %get3A_221 = arith.constant 48 : index
          %get3A_222 = tpu.vector_load %arg9[%get3A_220, %get3A_221] {strides = array<i32>} : memref<128x128xf32, #tpu.memory_space<vmem>>, vector<1x16xf32>,
          %get3A_223 = vector.shape_cast %get3A_222 : vector<1x16xf32> to vector<16xf32>
          %mul3A_224 = arith.mulf %get3A_223, %broadcast_in_dim3A_185 : vector<16xf32>
          %swap3A_225 = arith.index_cast %add3A_189 : i32 to index
          %swap3A_226 = arith.constant 48 : index
          %swap3A_227 = tpu.vector_load %arg9[%swap3A_225, %swap3A_226] {strides = array<i32>} : memref<128x128xf32, #tpu.memory_space<vmem>>, vector<1x16xf32>,
          %swap3A_228 = vector.shape_cast %swap3A_227 : vector<1x16xf32> to vector<16xf32>
          %swap3A_229 = vector.shape_cast %mul3A_224 : vector<16xf32> to vector<1x16xf32>
          tpu.vector_store %arg9[%swap3A_225, %swap3A_226], %swap3A_229 {strides = array<i32>} : memref<128x128xf32, #tpu.memory_space<vmem>>, vector<1x16xf32>,
          %get3A_230 = arith.index_cast %add3A_189 : i32 to index
          %get3A_231 = arith.constant 64 : index
          %get3A_232 = tpu.vector_load %arg9[%get3A_230, %get3A_231] {strides = array<i32>} : memref<128x128xf32, #tpu.memory_space<vmem>>, vector<1x16xf32>,
          %get3A_233 = vector.shape_cast %get3A_232 : vector<1x16xf32> to vector<16xf32>
          %mul3A_234 = arith.mulf %get3A_233, %broadcast_in_dim3A_185 : vector<16xf32>
          %swap3A_235 = arith.index_cast %add3A_189 : i32 to index
          %swap3A_236 = arith.constant 64 : index
          %swap3A_237 = tpu.vector_load %arg9[%swap3A_235, %swap3A_236] {strides = array<i32>} : memref<128x128xf32, #tpu.memory_space<vmem>>, vector<1x16xf32>,
          %swap3A_238 = vector.shape_cast %swap3A_237 : vector<1x16xf32> to vector<16xf32>
          %swap3A_239 = vector.shape_cast %mul3A_234 : vector<16xf32> to vector<1x16xf32>
          tpu.vector_store %arg9[%swap3A_235, %swap3A_236], %swap3A_239 {strides = array<i32>} : memref<128x128xf32, #tpu.memory_space<vmem>>, vector<1x16xf32>,
          %get3A_240 = arith.index_cast %add3A_189 : i32 to index
          %get3A_241 = arith.constant 80 : index
          %get3A_242 = tpu.vector_load %arg9[%get3A_240, %get3A_241] {strides = array<i32>} : memref<128x128xf32, #tpu.memory_space<vmem>>, vector<1x16xf32>,
          %get3A_243 = vector.shape_cast %get3A_242 : vector<1x16xf32> to vector<16xf32>
          %mul3A_244 = arith.mulf %get3A_243, %broadcast_in_dim3A_185 : vector<16xf32>
          %swap3A_245 = arith.index_cast %add3A_189 : i32 to index
          %swap3A_246 = arith.constant 80 : index
          %swap3A_247 = tpu.vector_load %arg9[%swap3A_245, %swap3A_246] {strides = array<i32>} : memref<128x128xf32, #tpu.memory_space<vmem>>, vector<1x16xf32>,
          %swap3A_248 = vector.shape_cast %swap3A_247 : vector<1x16xf32> to vector<16xf32>
          %swap3A_249 = vector.shape_cast %mul3A_244 : vector<16xf32> to vector<1x16xf32>
          tpu.vector_store %arg9[%swap3A_245, %swap3A_246], %swap3A_249 {strides = array<i32>} : memref<128x128xf32, #tpu.memory_space<vmem>>, vector<1x16xf32>,
          %get3A_250 = arith.index_cast %add3A_189 : i32 to index
          %get3A_251 = arith.constant 96 : index
          %get3A_252 = tpu.vector_load %arg9[%get3A_250, %get3A_251] {strides = array<i32>} : memref<128x128xf32, #tpu.memory_space<vmem>>, vector<1x16xf32>,
          %get3A_253 = vector.shape_cast %get3A_252 : vector<1x16xf32> to vector<16xf32>
          %mul3A_254 = arith.mulf %get3A_253, %broadcast_in_dim3A_185 : vector<16xf32>
          %swap3A_255 = arith.index_cast %add3A_189 : i32 to index
          %swap3A_256 = arith.constant 96 : index
          %swap3A_257 = tpu.vector_load %arg9[%swap3A_255, %swap3A_256] {strides = array<i32>} : memref<128x128xf32, #tpu.memory_space<vmem>>, vector<1x16xf32>,
          %swap3A_258 = vector.shape_cast %swap3A_257 : vector<1x16xf32> to vector<16xf32>
          %swap3A_259 = vector.shape_cast %mul3A_254 : vector<16xf32> to vector<1x16xf32>
          tpu.vector_store %arg9[%swap3A_255, %swap3A_256], %swap3A_259 {strides = array<i32>} : memref<128x128xf32, #tpu.memory_space<vmem>>, vector<1x16xf32>,
          %get3A_260 = arith.index_cast %add3A_189 : i32 to index
          %get3A_261 = arith.constant 112 : index
          %get3A_262 = tpu.vector_load %arg9[%get3A_260, %get3A_261] {strides = array<i32>} : memref<128x128xf32, #tpu.memory_space<vmem>>, vector<1x16xf32>,
          %get3A_263 = vector.shape_cast %get3A_262 : vector<1x16xf32> to vector<16xf32>
          %mul3A_264 = arith.mulf %get3A_263, %broadcast_in_dim3A_185 : vector<16xf32>
          %swap3A_265 = arith.index_cast %add3A_189 : i32 to index
          %swap3A_266 = arith.constant 112 : index
          %swap3A_267 = tpu.vector_load %arg9[%swap3A_265, %swap3A_266] {strides = array<i32>} : memref<128x128xf32, #tpu.memory_space<vmem>>, vector<1x16xf32>,
          %swap3A_268 = vector.shape_cast %swap3A_267 : vector<1x16xf32> to vector<16xf32>
          %swap3A_269 = vector.shape_cast %mul3A_264 : vector<16xf32> to vector<1x16xf32>
          tpu.vector_store %arg9[%swap3A_265, %swap3A_266], %swap3A_269 {strides = array<i32>} : memref<128x128xf32, #tpu.memory_space<vmem>>, vector<1x16xf32>,
          %slice3A_270 = vector.extract_strided_slice %get3A_99 {offsets = [2], sizes = [1], strides = [1]} : vector<16xf32> to vector<1xf32>
          %squeeze3A_271 = vector.extract %slice3A_270[0] : f32 from vector<1xf32>
          %broadcast_in_dim3A_272 = vector.broadcast %squeeze3A_271 : f32 to vector<16xf32>
          %mul3A_273 = arith.constant 16 : i32
          %mul3A_274 = arith.muli %scan3A_93, %mul3A_273 : i32
          %add3A_275 = arith.constant 2 : i32
          %add3A_276 = arith.addi %mul3A_274, %add3A_275 : i32
          %get3A_277 = arith.index_cast %add3A_276 : i32 to index
          %get3A_278 = arith.constant 0 : index
          %get3A_279 = tpu.vector_load %arg9[%get3A_277, %get3A_278] {strides = array<i32>} : memref<128x128xf32, #tpu.memory_space<vmem>>, vector<1x16xf32>,
          %get3A_280 = vector.shape_cast %get3A_279 : vector<1x16xf32> to vector<16xf32>
          %mul3A_281 = arith.mulf %get3A_280, %broadcast_in_dim3A_272 : vector<16xf32>
          %swap3A_282 = arith.index_cast %add3A_276 : i32 to index
          %swap3A_283 = arith.constant 0 : index
          %swap3A_284 = tpu.vector_load %arg9[%swap3A_282, %swap3A_283] {strides = array<i32>} : memref<128x128xf32, #tpu.memory_space<vmem>>, vector<1x16xf32>,
          %swap3A_285 = vector.shape_cast %swap3A_284 : vector<1x16xf32> to vector<16xf32>
          %swap3A_286 = vector.shape_cast %mul3A_281 : vector<16xf32> to vector<1x16xf32>
          tpu.vector_store %arg9[%swap3A_282, %swap3A_283], %swap3A_286 {strides = array<i32>} : memref<128x128xf32, #tpu.memory_space<vmem>>, vector<1x16xf32>,
          %get3A_287 = arith.index_cast %add3A_276 : i32 to index
          %get3A_288 = arith.constant 16 : index
          %get3A_289 = tpu.vector_load %arg9[%get3A_287, %get3A_288] {strides = array<i32>} : memref<128x128xf32, #tpu.memory_space<vmem>>, vector<1x16xf32>,
          %get3A_290 = vector.shape_cast %get3A_289 : vector<1x16xf32> to vector<16xf32>
          %mul3A_291 = arith.mulf %get3A_290, %broadcast_in_dim3A_272 : vector<16xf32>
          %swap3A_292 = arith.index_cast %add3A_276 : i32 to index
          %swap3A_293 = arith.constant 16 : index
          %swap3A_294 = tpu.vector_load %arg9[%swap3A_292, %swap3A_293] {strides = array<i32>} : memref<128x128xf32, #tpu.memory_space<vmem>>, vector<1x16xf32>,
          %swap3A_295 = vector.shape_cast %swap3A_294 : vector<1x16xf32> to vector<16xf32>
          %swap3A_296 = vector.shape_cast %mul3A_291 : vector<16xf32> to vector<1x16xf32>
          tpu.vector_store %arg9[%swap3A_292, %swap3A_293], %swap3A_296 {strides = array<i32>} : memref<128x128xf32, #tpu.memory_space<vmem>>, vector<1x16xf32>,
          %get3A_297 = arith.index_cast %add3A_276 : i32 to index
          %get3A_298 = arith.constant 32 : index
          %get3A_299 = tpu.vector_load %arg9[%get3A_297, %get3A_298] {strides = array<i32>} : memref<128x128xf32, #tpu.memory_space<vmem>>, vector<1x16xf32>,
          %get3A_300 = vector.shape_cast %get3A_299 : vector<1x16xf32> to vector<16xf32>
          %mul3A_301 = arith.mulf %get3A_300, %broadcast_in_dim3A_272 : vector<16xf32>
          %swap3A_302 = arith.index_cast %add3A_276 : i32 to index
          %swap3A_303 = arith.constant 32 : index
          %swap3A_304 = tpu.vector_load %arg9[%swap3A_302, %swap3A_303] {strides = array<i32>} : memref<128x128xf32, #tpu.memory_space<vmem>>, vector<1x16xf32>,
          %swap3A_305 = vector.shape_cast %swap3A_304 : vector<1x16xf32> to vector<16xf32>
          %swap3A_306 = vector.shape_cast %mul3A_301 : vector<16xf32> to vector<1x16xf32>
          tpu.vector_store %arg9[%swap3A_302, %swap3A_303], %swap3A_306 {strides = array<i32>} : memref<128x128xf32, #tpu.memory_space<vmem>>, vector<1x16xf32>,
          %get3A_307 = arith.index_cast %add3A_276 : i32 to index
          %get3A_308 = arith.constant 48 : index
          %get3A_309 = tpu.vector_load %arg9[%get3A_307, %get3A_308] {strides = array<i32>} : memref<128x128xf32, #tpu.memory_space<vmem>>, vector<1x16xf32>,
          %get3A_310 = vector.shape_cast %get3A_309 : vector<1x16xf32> to vector<16xf32>
          %mul3A_311 = arith.mulf %get3A_310, %broadcast_in_dim3A_272 : vector<16xf32>
          %swap3A_312 = arith.index_cast %add3A_276 : i32 to index
          %swap3A_313 = arith.constant 48 : index
          %swap3A_314 = tpu.vector_load %arg9[%swap3A_312, %swap3A_313] {strides = array<i32>} : memref<128x128xf32, #tpu.memory_space<vmem>>, vector<1x16xf32>,
          %swap3A_315 = vector.shape_cast %swap3A_314 : vector<1x16xf32> to vector<16xf32>
          %swap3A_316 = vector.shape_cast %mul3A_311 : vector<16xf32> to vector<1x16xf32>
          tpu.vector_store %arg9[%swap3A_312, %swap3A_313], %swap3A_316 {strides = array<i32>} : memref<128x128xf32, #tpu.memory_space<vmem>>, vector<1x16xf32>,
          %get3A_317 = arith.index_cast %add3A_276 : i32 to index
          %get3A_318 = arith.constant 64 : index
          %get3A_319 = tpu.vector_load %arg9[%get3A_317, %get3A_318] {strides = array<i32>} : memref<128x128xf32, #tpu.memory_space<vmem>>, vector<1x16xf32>,
          %get3A_320 = vector.shape_cast %get3A_319 : vector<1x16xf32> to vector<16xf32>
          %mul3A_321 = arith.mulf %get3A_320, %broadcast_in_dim3A_272 : vector<16xf32>
          %swap3A_322 = arith.index_cast %add3A_276 : i32 to index
          %swap3A_323 = arith.constant 64 : index
          %swap3A_324 = tpu.vector_load %arg9[%swap3A_322, %swap3A_323] {strides = array<i32>} : memref<128x128xf32, #tpu.memory_space<vmem>>, vector<1x16xf32>,
          %swap3A_325 = vector.shape_cast %swap3A_324 : vector<1x16xf32> to vector<16xf32>
          %swap3A_326 = vector.shape_cast %mul3A_321 : vector<16xf32> to vector<1x16xf32>
          tpu.vector_store %arg9[%swap3A_322, %swap3A_323], %swap3A_326 {strides = array<i32>} : memref<128x128xf32, #tpu.memory_space<vmem>>, vector<1x16xf32>,
          %get3A_327 = arith.index_cast %add3A_276 : i32 to index
          %get3A_328 = arith.constant 80 : index
          %get3A_329 = tpu.vector_load %arg9[%get3A_327, %get3A_328] {strides = array<i32>} : memref<128x128xf32, #tpu.memory_space<vmem>>, vector<1x16xf32>,
          %get3A_330 = vector.shape_cast %get3A_329 : vector<1x16xf32> to vector<16xf32>
          %mul3A_331 = arith.mulf %get3A_330, %broadcast_in_dim3A_272 : vector<16xf32>
          %swap3A_332 = arith.index_cast %add3A_276 : i32 to index
          %swap3A_333 = arith.constant 80 : index
          %swap3A_334 = tpu.vector_load %arg9[%swap3A_332, %swap3A_333] {strides = array<i32>} : memref<128x128xf32, #tpu.memory_space<vmem>>, vector<1x16xf32>,
          %swap3A_335 = vector.shape_cast %swap3A_334 : vector<1x16xf32> to vector<16xf32>
          %swap3A_336 = vector.shape_cast %mul3A_331 : vector<16xf32> to vector<1x16xf32>
          tpu.vector_store %arg9[%swap3A_332, %swap3A_333], %swap3A_336 {strides = array<i32>} : memref<128x128xf32, #tpu.memory_space<vmem>>, vector<1x16xf32>,
          %get3A_337 = arith.index_cast %add3A_276 : i32 to index
          %get3A_338 = arith.constant 96 : index
          %get3A_339 = tpu.vector_load %arg9[%get3A_337, %get3A_338] {strides = array<i32>} : memref<128x128xf32, #tpu.memory_space<vmem>>, vector<1x16xf32>,
          %get3A_340 = vector.shape_cast %get3A_339 : vector<1x16xf32> to vector<16xf32>
          %mul3A_341 = arith.mulf %get3A_340, %broadcast_in_dim3A_272 : vector<16xf32>
          %swap3A_342 = arith.index_cast %add3A_276 : i32 to index
          %swap3A_343 = arith.constant 96 : index
          %swap3A_344 = tpu.vector_load %arg9[%swap3A_342, %swap3A_343] {strides = array<i32>} : memref<128x128xf32, #tpu.memory_space<vmem>>, vector<1x16xf32>,
          %swap3A_345 = vector.shape_cast %swap3A_344 : vector<1x16xf32> to vector<16xf32>
          %swap3A_346 = vector.shape_cast %mul3A_341 : vector<16xf32> to vector<1x16xf32>
          tpu.vector_store %arg9[%swap3A_342, %swap3A_343], %swap3A_346 {strides = array<i32>} : memref<128x128xf32, #tpu.memory_space<vmem>>, vector<1x16xf32>,
          %get3A_347 = arith.index_cast %add3A_276 : i32 to index
          %get3A_348 = arith.constant 112 : index
          %get3A_349 = tpu.vector_load %arg9[%get3A_347, %get3A_348] {strides = array<i32>} : memref<128x128xf32, #tpu.memory_space<vmem>>, vector<1x16xf32>,
          %get3A_350 = vector.shape_cast %get3A_349 : vector<1x16xf32> to vector<16xf32>
          %mul3A_351 = arith.mulf %get3A_350, %broadcast_in_dim3A_272 : vector<16xf32>
          %swap3A_352 = arith.index_cast %add3A_276 : i32 to index
          %swap3A_353 = arith.constant 112 : index
          %swap3A_354 = tpu.vector_load %arg9[%swap3A_352, %swap3A_353] {strides = array<i32>} : memref<128x128xf32, #tpu.memory_space<vmem>>, vector<1x16xf32>,
          %swap3A_355 = vector.shape_cast %swap3A_354 : vector<1x16xf32> to vector<16xf32>
          %swap3A_356 = vector.shape_cast %mul3A_351 : vector<16xf32> to vector<1x16xf32>
          tpu.vector_store %arg9[%swap3A_352, %swap3A_353], %swap3A_356 {strides = array<i32>} : memref<128x128xf32, #tpu.memory_space<vmem>>, vector<1x16xf32>,
          %slice3A_357 = vector.extract_strided_slice %get3A_99 {offsets = [3], sizes = [1], strides = [1]} : vector<16xf32> to vector<1xf32>
          %squeeze3A_358 = vector.extract %slice3A_357[0] : f32 from vector<1xf32>
          %broadcast_in_dim3A_359 = vector.broadcast %squeeze3A_358 : f32 to vector<16xf32>
          %mul3A_360 = arith.constant 16 : i32
          %mul3A_361 = arith.muli %scan3A_93, %mul3A_360 : i32
          %add3A_362 = arith.constant 3 : i32
          %add3A_363 = arith.addi %mul3A_361, %add3A_362 : i32
          %get3A_364 = arith.index_cast %add3A_363 : i32 to index
          %get3A_365 = arith.constant 0 : index
          %get3A_366 = tpu.vector_load %arg9[%get3A_364, %get3A_365] {strides = array<i32>} : memref<128x128xf32, #tpu.memory_space<vmem>>, vector<1x16xf32>,
          %get3A_367 = vector.shape_cast %get3A_366 : vector<1x16xf32> to vector<16xf32>
          %mul3A_368 = arith.mulf %get3A_367, %broadcast_in_dim3A_359 : vector<16xf32>
          %swap3A_369 = arith.index_cast %add3A_363 : i32 to index
          %swap3A_370 = arith.constant 0 : index
          %swap3A_371 = tpu.vector_load %arg9[%swap3A_369, %swap3A_370] {strides = array<i32>} : memref<128x128xf32, #tpu.memory_space<vmem>>, vector<1x16xf32>,
          %swap3A_372 = vector.shape_cast %swap3A_371 : vector<1x16xf32> to vector<16xf32>
          %swap3A_373 = vector.shape_cast %mul3A_368 : vector<16xf32> to vector<1x16xf32>
          tpu.vector_store %arg9[%swap3A_369, %swap3A_370], %swap3A_373 {strides = array<i32>} : memref<128x128xf32, #tpu.memory_space<vmem>>, vector<1x16xf32>,
          %get3A_374 = arith.index_cast %add3A_363 : i32 to index
          %get3A_375 = arith.constant 16 : index
          %get3A_376 = tpu.vector_load %arg9[%get3A_374, %get3A_375] {strides = array<i32>} : memref<128x128xf32, #tpu.memory_space<vmem>>, vector<1x16xf32>,
          %get3A_377 = vector.shape_cast %get3A_376 : vector<1x16xf32> to vector<16xf32>
          %mul3A_378 = arith.mulf %get3A_377, %broadcast_in_dim3A_359 : vector<16xf32>
          %swap3A_379 = arith.index_cast %add3A_363 : i32 to index
          %swap3A_380 = arith.constant 16 : index
          %swap3A_381 = tpu.vector_load %arg9[%swap3A_379, %swap3A_380] {strides = array<i32>} : memref<128x128xf32, #tpu.memory_space<vmem>>, vector<1x16xf32>,
          %swap3A_382 = vector.shape_cast %swap3A_381 : vector<1x16xf32> to vector<16xf32>
          %swap3A_383 = vector.shape_cast %mul3A_378 : vector<16xf32> to vector<1x16xf32>
          tpu.vector_store %arg9[%swap3A_379, %swap3A_380], %swap3A_383 {strides = array<i32>} : memref<128x128xf32, #tpu.memory_space<vmem>>, vector<1x16xf32>,
          %get3A_384 = arith.index_cast %add3A_363 : i32 to index
          %get3A_385 = arith.constant 32 : index
          %get3A_386 = tpu.vector_load %arg9[%get3A_384, %get3A_385] {strides = array<i32>} : memref<128x128xf32, #tpu.memory_space<vmem>>, vector<1x16xf32>,
          %get3A_387 = vector.shape_cast %get3A_386 : vector<1x16xf32> to vector<16xf32>
          %mul3A_388 = arith.mulf %get3A_387, %broadcast_in_dim3A_359 : vector<16xf32>
          %swap3A_389 = arith.index_cast %add3A_363 : i32 to index
          %swap3A_390 = arith.constant 32 : index
          %swap3A_391 = tpu.vector_load %arg9[%swap3A_389, %swap3A_390] {strides = array<i32>} : memref<128x128xf32, #tpu.memory_space<vmem>>, vector<1x16xf32>,
          %swap3A_392 = vector.shape_cast %swap3A_391 : vector<1x16xf32> to vector<16xf32>
          %swap3A_393 = vector.shape_cast %mul3A_388 : vector<16xf32> to vector<1x16xf32>
          tpu.vector_store %arg9[%swap3A_389, %swap3A_390], %swap3A_393 {strides = array<i32>} : memref<128x128xf32, #tpu.memory_space<vmem>>, vector<1x16xf32>,
          %get3A_394 = arith.index_cast %add3A_363 : i32 to index
          %get3A_395 = arith.constant 48 : index
          %get3A_396 = tpu.vector_load %arg9[%get3A_394, %get3A_395] {strides = array<i32>} : memref<128x128xf32, #tpu.memory_space<vmem>>, vector<1x16xf32>,
          %get3A_397 = vector.shape_cast %get3A_396 : vector<1x16xf32> to vector<16xf32>
          %mul3A_398 = arith.mulf %get3A_397, %broadcast_in_dim3A_359 : vector<16xf32>
          %swap3A_399 = arith.index_cast %add3A_363 : i32 to index
          %swap3A_400 = arith.constant 48 : index
          %swap3A_401 = tpu.vector_load %arg9[%swap3A_399, %swap3A_400] {strides = array<i32>} : memref<128x128xf32, #tpu.memory_space<vmem>>, vector<1x16xf32>,
          %swap3A_402 = vector.shape_cast %swap3A_401 : vector<1x16xf32> to vector<16xf32>
          %swap3A_403 = vector.shape_cast %mul3A_398 : vector<16xf32> to vector<1x16xf32>
          tpu.vector_store %arg9[%swap3A_399, %swap3A_400], %swap3A_403 {strides = array<i32>} : memref<128x128xf32, #tpu.memory_space<vmem>>, vector<1x16xf32>,
          %get3A_404 = arith.index_cast %add3A_363 : i32 to index
          %get3A_405 = arith.constant 64 : index
          %get3A_406 = tpu.vector_load %arg9[%get3A_404, %get3A_405] {strides = array<i32>} : memref<128x128xf32, #tpu.memory_space<vmem>>, vector<1x16xf32>,
          %get3A_407 = vector.shape_cast %get3A_406 : vector<1x16xf32> to vector<16xf32>
          %mul3A_408 = arith.mulf %get3A_407, %broadcast_in_dim3A_359 : vector<16xf32>
          %swap3A_409 = arith.index_cast %add3A_363 : i32 to index
          %swap3A_410 = arith.constant 64 : index
          %swap3A_411 = tpu.vector_load %arg9[%swap3A_409, %swap3A_410] {strides = array<i32>} : memref<128x128xf32, #tpu.memory_space<vmem>>, vector<1x16xf32>,
          %swap3A_412 = vector.shape_cast %swap3A_411 : vector<1x16xf32> to vector<16xf32>
          %swap3A_413 = vector.shape_cast %mul3A_408 : vector<16xf32> to vector<1x16xf32>
          tpu.vector_store %arg9[%swap3A_409, %swap3A_410], %swap3A_413 {strides = array<i32>} : memref<128x128xf32, #tpu.memory_space<vmem>>, vector<1x16xf32>,
          %get3A_414 = arith.index_cast %add3A_363 : i32 to index
          %get3A_415 = arith.constant 80 : index
          %get3A_416 = tpu.vector_load %arg9[%get3A_414, %get3A_415] {strides = array<i32>} : memref<128x128xf32, #tpu.memory_space<vmem>>, vector<1x16xf32>,
          %get3A_417 = vector.shape_cast %get3A_416 : vector<1x16xf32> to vector<16xf32>
          %mul3A_418 = arith.mulf %get3A_417, %broadcast_in_dim3A_359 : vector<16xf32>
          %swap3A_419 = arith.index_cast %add3A_363 : i32 to index
          %swap3A_420 = arith.constant 80 : index
          %swap3A_421 = tpu.vector_load %arg9[%swap3A_419, %swap3A_420] {strides = array<i32>} : memref<128x128xf32, #tpu.memory_space<vmem>>, vector<1x16xf32>,
          %swap3A_422 = vector.shape_cast %swap3A_421 : vector<1x16xf32> to vector<16xf32>
          %swap3A_423 = vector.shape_cast %mul3A_418 : vector<16xf32> to vector<1x16xf32>
          tpu.vector_store %arg9[%swap3A_419, %swap3A_420], %swap3A_423 {strides = array<i32>} : memref<128x128xf32, #tpu.memory_space<vmem>>, vector<1x16xf32>,
          %get3A_424 = arith.index_cast %add3A_363 : i32 to index
          %get3A_425 = arith.constant 96 : index
          %get3A_426 = tpu.vector_load %arg9[%get3A_424, %get3A_425] {strides = array<i32>} : memref<128x128xf32, #tpu.memory_space<vmem>>, vector<1x16xf32>,
          %get3A_427 = vector.shape_cast %get3A_426 : vector<1x16xf32> to vector<16xf32>
          %mul3A_428 = arith.mulf %get3A_427, %broadcast_in_dim3A_359 : vector<16xf32>
          %swap3A_429 = arith.index_cast %add3A_363 : i32 to index
          %swap3A_430 = arith.constant 96 : index
          %swap3A_431 = tpu.vector_load %arg9[%swap3A_429, %swap3A_430] {strides = array<i32>} : memref<128x128xf32, #tpu.memory_space<vmem>>, vector<1x16xf32>,
          %swap3A_432 = vector.shape_cast %swap3A_431 : vector<1x16xf32> to vector<16xf32>
          %swap3A_433 = vector.shape_cast %mul3A_428 : vector<16xf32> to vector<1x16xf32>
          tpu.vector_store %arg9[%swap3A_429, %swap3A_430], %swap3A_433 {strides = array<i32>} : memref<128x128xf32, #tpu.memory_space<vmem>>, vector<1x16xf32>,
          %get3A_434 = arith.index_cast %add3A_363 : i32 to index
          %get3A_435 = arith.constant 112 : index
          %get3A_436 = tpu.vector_load %arg9[%get3A_434, %get3A_435] {strides = array<i32>} : memref<128x128xf32, #tpu.memory_space<vmem>>, vector<1x16xf32>,
          %get3A_437 = vector.shape_cast %get3A_436 : vector<1x16xf32> to vector<16xf32>
          %mul3A_438 = arith.mulf %get3A_437, %broadcast_in_dim3A_359 : vector<16xf32>
          %swap3A_439 = arith.index_cast %add3A_363 : i32 to index
          %swap3A_440 = arith.constant 112 : index
          %swap3A_441 = tpu.vector_load %arg9[%swap3A_439, %swap3A_440] {strides = array<i32>} : memref<128x128xf32, #tpu.memory_space<vmem>>, vector<1x16xf32>,
          %swap3A_442 = vector.shape_cast %swap3A_441 : vector<1x16xf32> to vector<16xf32>
          %swap3A_443 = vector.shape_cast %mul3A_438 : vector<16xf32> to vector<1x16xf32>
          tpu.vector_store %arg9[%swap3A_439, %swap3A_440], %swap3A_443 {strides = array<i32>} : memref<128x128xf32, #tpu.memory_space<vmem>>, vector<1x16xf32>,
          %slice3A_444 = vector.extract_strided_slice %get3A_99 {offsets = [4], sizes = [1], strides = [1]} : vector<16xf32> to vector<1xf32>
          %squeeze3A_445 = vector.extract %slice3A_444[0] : f32 from vector<1xf32>
          %broadcast_in_dim3A_446 = vector.broadcast %squeeze3A_445 : f32 to vector<16xf32>
          %mul3A_447 = arith.constant 16 : i32
          %mul3A_448 = arith.muli %scan3A_93, %mul3A_447 : i32
          %add3A_449 = arith.constant 4 : i32
          %add3A_450 = arith.addi %mul3A_448, %add3A_449 : i32
          %get3A_451 = arith.index_cast %add3A_450 : i32 to index
          %get3A_452 = arith.constant 0 : index
          %get3A_453 = tpu.vector_load %arg9[%get3A_451, %get3A_452] {strides = array<i32>} : memref<128x128xf32, #tpu.memory_space<vmem>>, vector<1x16xf32>,
          %get3A_454 = vector.shape_cast %get3A_453 : vector<1x16xf32> to vector<16xf32>
          %mul3A_455 = arith.mulf %get3A_454, %broadcast_in_dim3A_446 : vector<16xf32>
          %swap3A_456 = arith.index_cast %add3A_450 : i32 to index
          %swap3A_457 = arith.constant 0 : index
          %swap3A_458 = tpu.vector_load %arg9[%swap3A_456, %swap3A_457] {strides = array<i32>} : memref<128x128xf32, #tpu.memory_space<vmem>>, vector<1x16xf32>,
          %swap3A_459 = vector.shape_cast %swap3A_458 : vector<1x16xf32> to vector<16xf32>
          %swap3A_460 = vector.shape_cast %mul3A_455 : vector<16xf32> to vector<1x16xf32>
          tpu.vector_store %arg9[%swap3A_456, %swap3A_457], %swap3A_460 {strides = array<i32>} : memref<128x128xf32, #tpu.memory_space<vmem>>, vector<1x16xf32>,
          %get3A_461 = arith.index_cast %add3A_450 : i32 to index
          %get3A_462 = arith.constant 16 : index
          %get3A_463 = tpu.vector_load %arg9[%get3A_461, %get3A_462] {strides = array<i32>} : memref<128x128xf32, #tpu.memory_space<vmem>>, vector<1x16xf32>,
          %get3A_464 = vector.shape_cast %get3A_463 : vector<1x16xf32> to vector<16xf32>
          %mul3A_465 = arith.mulf %get3A_464, %broadcast_in_dim3A_446 : vector<16xf32>
          %swap3A_466 = arith.index_cast %add3A_450 : i32 to index
          %swap3A_467 = arith.constant 16 : index
          %swap3A_468 = tpu.vector_load %arg9[%swap3A_466, %swap3A_467] {strides = array<i32>} : memref<128x128xf32, #tpu.memory_space<vmem>>, vector<1x16xf32>,
          %swap3A_469 = vector.shape_cast %swap3A_468 : vector<1x16xf32> to vector<16xf32>
          %swap3A_470 = vector.shape_cast %mul3A_465 : vector<16xf32> to vector<1x16xf32>
          tpu.vector_store %arg9[%swap3A_466, %swap3A_467], %swap3A_470 {strides = array<i32>} : memref<128x128xf32, #tpu.memory_space<vmem>>, vector<1x16xf32>,
          %get3A_471 = arith.index_cast %add3A_450 : i32 to index
          %get3A_472 = arith.constant 32 : index
          %get3A_473 = tpu.vector_load %arg9[%get3A_471, %get3A_472] {strides = array<i32>} : memref<128x128xf32, #tpu.memory_space<vmem>>, vector<1x16xf32>,
          %get3A_474 = vector.shape_cast %get3A_473 : vector<1x16xf32> to vector<16xf32>
          %mul3A_475 = arith.mulf %get3A_474, %broadcast_in_dim3A_446 : vector<16xf32>
          %swap3A_476 = arith.index_cast %add3A_450 : i32 to index
          %swap3A_477 = arith.constant 32 : index
          %swap3A_478 = tpu.vector_load %arg9[%swap3A_476, %swap3A_477] {strides = array<i32>} : memref<128x128xf32, #tpu.memory_space<vmem>>, vector<1x16xf32>,
          %swap3A_479 = vector.shape_cast %swap3A_478 : vector<1x16xf32> to vector<16xf32>
          %swap3A_480 = vector.shape_cast %mul3A_475 : vector<16xf32> to vector<1x16xf32>
          tpu.vector_store %arg9[%swap3A_476, %swap3A_477], %swap3A_480 {strides = array<i32>} : memref<128x128xf32, #tpu.memory_space<vmem>>, vector<1x16xf32>,
          %get3A_481 = arith.index_cast %add3A_450 : i32 to index
          %get3A_482 = arith.constant 48 : index
          %get3A_483 = tpu.vector_load %arg9[%get3A_481, %get3A_482] {strides = array<i32>} : memref<128x128xf32, #tpu.memory_space<vmem>>, vector<1x16xf32>,
          %get3A_484 = vector.shape_cast %get3A_483 : vector<1x16xf32> to vector<16xf32>
          %mul3A_485 = arith.mulf %get3A_484, %broadcast_in_dim3A_446 : vector<16xf32>
          %swap3A_486 = arith.index_cast %add3A_450 : i32 to index
          %swap3A_487 = arith.constant 48 : index
          %swap3A_488 = tpu.vector_load %arg9[%swap3A_486, %swap3A_487] {strides = array<i32>} : memref<128x128xf32, #tpu.memory_space<vmem>>, vector<1x16xf32>,
          %swap3A_489 = vector.shape_cast %swap3A_488 : vector<1x16xf32> to vector<16xf32>
          %swap3A_490 = vector.shape_cast %mul3A_485 : vector<16xf32> to vector<1x16xf32>
          tpu.vector_store %arg9[%swap3A_486, %swap3A_487], %swap3A_490 {strides = array<i32>} : memref<128x128xf32, #tpu.memory_space<vmem>>, vector<1x16xf32>,
          %get3A_491 = arith.index_cast %add3A_450 : i32 to index
          %get3A_492 = arith.constant 64 : index
          %get3A_493 = tpu.vector_load %arg9[%get3A_491, %get3A_492] {strides = array<i32>} : memref<128x128xf32, #tpu.memory_space<vmem>>, vector<1x16xf32>,
          %get3A_494 = vector.shape_cast %get3A_493 : vector<1x16xf32> to vector<16xf32>
          %mul3A_495 = arith.mulf %get3A_494, %broadcast_in_dim3A_446 : vector<16xf32>
          %swap3A_496 = arith.index_cast %add3A_450 : i32 to index
          %swap3A_497 = arith.constant 64 : index
          %swap3A_498 = tpu.vector_load %arg9[%swap3A_496, %swap3A_497] {strides = array<i32>} : memref<128x128xf32, #tpu.memory_space<vmem>>, vector<1x16xf32>,
          %swap3A_499 = vector.shape_cast %swap3A_498 : vector<1x16xf32> to vector<16xf32>
          %swap3A_500 = vector.shape_cast %mul3A_495 : vector<16xf32> to vector<1x16xf32>
          tpu.vector_store %arg9[%swap3A_496, %swap3A_497], %swap3A_500 {strides = array<i32>} : memref<128x128xf32, #tpu.memory_space<vmem>>, vector<1x16xf32>,
          %get3A_501 = arith.index_cast %add3A_450 : i32 to index
          %get3A_502 = arith.constant 80 : index
          %get3A_503 = tpu.vector_load %arg9[%get3A_501, %get3A_502] {strides = array<i32>} : memref<128x128xf32, #tpu.memory_space<vmem>>, vector<1x16xf32>,
          %get3A_504 = vector.shape_cast %get3A_503 : vector<1x16xf32> to vector<16xf32>
          %mul3A_505 = arith.mulf %get3A_504, %broadcast_in_dim3A_446 : vector<16xf32>
          %swap3A_506 = arith.index_cast %add3A_450 : i32 to index
          %swap3A_507 = arith.constant 80 : index
          %swap3A_508 = tpu.vector_load %arg9[%swap3A_506, %swap3A_507] {strides = array<i32>} : memref<128x128xf32, #tpu.memory_space<vmem>>, vector<1x16xf32>,
          %swap3A_509 = vector.shape_cast %swap3A_508 : vector<1x16xf32> to vector<16xf32>
          %swap3A_510 = vector.shape_cast %mul3A_505 : vector<16xf32> to vector<1x16xf32>
          tpu.vector_store %arg9[%swap3A_506, %swap3A_507], %swap3A_510 {strides = array<i32>} : memref<128x128xf32, #tpu.memory_space<vmem>>, vector<1x16xf32>,
          %get3A_511 = arith.index_cast %add3A_450 : i32 to index
          %get3A_512 = arith.constant 96 : index
          %get3A_513 = tpu.vector_load %arg9[%get3A_511, %get3A_512] {strides = array<i32>} : memref<128x128xf32, #tpu.memory_space<vmem>>, vector<1x16xf32>,
          %get3A_514 = vector.shape_cast %get3A_513 : vector<1x16xf32> to vector<16xf32>
          %mul3A_515 = arith.mulf %get3A_514, %broadcast_in_dim3A_446 : vector<16xf32>
          %swap3A_516 = arith.index_cast %add3A_450 : i32 to index
          %swap3A_517 = arith.constant 96 : index
          %swap3A_518 = tpu.vector_load %arg9[%swap3A_516, %swap3A_517] {strides = array<i32>} : memref<128x128xf32, #tpu.memory_space<vmem>>, vector<1x16xf32>,
          %swap3A_519 = vector.shape_cast %swap3A_518 : vector<1x16xf32> to vector<16xf32>
          %swap3A_520 = vector.shape_cast %mul3A_515 : vector<16xf32> to vector<1x16xf32>
          tpu.vector_store %arg9[%swap3A_516, %swap3A_517], %swap3A_520 {strides = array<i32>} : memref<128x128xf32, #tpu.memory_space<vmem>>, vector<1x16xf32>,
          %get3A_521 = arith.index_cast %add3A_450 : i32 to index
          %get3A_522 = arith.constant 112 : index
          %get3A_523 = tpu.vector_load %arg9[%get3A_521, %get3A_522] {strides = array<i32>} : memref<128x128xf32, #tpu.memory_space<vmem>>, vector<1x16xf32>,
          %get3A_524 = vector.shape_cast %get3A_523 : vector<1x16xf32> to vector<16xf32>
          %mul3A_525 = arith.mulf %get3A_524, %broadcast_in_dim3A_446 : vector<16xf32>
          %swap3A_526 = arith.index_cast %add3A_450 : i32 to index
          %swap3A_527 = arith.constant 112 : index
          %swap3A_528 = tpu.vector_load %arg9[%swap3A_526, %swap3A_527] {strides = array<i32>} : memref<128x128xf32, #tpu.memory_space<vmem>>, vector<1x16xf32>,
          %swap3A_529 = vector.shape_cast %swap3A_528 : vector<1x16xf32> to vector<16xf32>
          %swap3A_530 = vector.shape_cast %mul3A_525 : vector<16xf32> to vector<1x16xf32>
          tpu.vector_store %arg9[%swap3A_526, %swap3A_527], %swap3A_530 {strides = array<i32>} : memref<128x128xf32, #tpu.memory_space<vmem>>, vector<1x16xf32>,
          %slice3A_531 = vector.extract_strided_slice %get3A_99 {offsets = [5], sizes = [1], strides = [1]} : vector<16xf32> to vector<1xf32>
          %squeeze3A_532 = vector.extract %slice3A_531[0] : f32 from vector<1xf32>
          %broadcast_in_dim3A_533 = vector.broadcast %squeeze3A_532 : f32 to vector<16xf32>
          %mul3A_534 = arith.constant 16 : i32
          %mul3A_535 = arith.muli %scan3A_93, %mul3A_534 : i32
          %add3A_536 = arith.constant 5 : i32
          %add3A_537 = arith.addi %mul3A_535, %add3A_536 : i32
          %get3A_538 = arith.index_cast %add3A_537 : i32 to index
          %get3A_539 = arith.constant 0 : index
          %get3A_540 = tpu.vector_load %arg9[%get3A_538, %get3A_539] {strides = array<i32>} : memref<128x128xf32, #tpu.memory_space<vmem>>, vector<1x16xf32>,
          %get3A_541 = vector.shape_cast %get3A_540 : vector<1x16xf32> to vector<16xf32>
          %mul3A_542 = arith.mulf %get3A_541, %broadcast_in_dim3A_533 : vector<16xf32>
          %swap3A_543 = arith.index_cast %add3A_537 : i32 to index
          %swap3A_544 = arith.constant 0 : index
          %swap3A_545 = tpu.vector_load %arg9[%swap3A_543, %swap3A_544] {strides = array<i32>} : memref<128x128xf32, #tpu.memory_space<vmem>>, vector<1x16xf32>,
          %swap3A_546 = vector.shape_cast %swap3A_545 : vector<1x16xf32> to vector<16xf32>
          %swap3A_547 = vector.shape_cast %mul3A_542 : vector<16xf32> to vector<1x16xf32>
          tpu.vector_store %arg9[%swap3A_543, %swap3A_544], %swap3A_547 {strides = array<i32>} : memref<128x128xf32, #tpu.memory_space<vmem>>, vector<1x16xf32>,
          %get3A_548 = arith.index_cast %add3A_537 : i32 to index
          %get3A_549 = arith.constant 16 : index
          %get3A_550 = tpu.vector_load %arg9[%get3A_548, %get3A_549] {strides = array<i32>} : memref<128x128xf32, #tpu.memory_space<vmem>>, vector<1x16xf32>,
          %get3A_551 = vector.shape_cast %get3A_550 : vector<1x16xf32> to vector<16xf32>
          %mul3A_552 = arith.mulf %get3A_551, %broadcast_in_dim3A_533 : vector<16xf32>
          %swap3A_553 = arith.index_cast %add3A_537 : i32 to index
          %swap3A_554 = arith.constant 16 : index
          %swap3A_555 = tpu.vector_load %arg9[%swap3A_553, %swap3A_554] {strides = array<i32>} : memref<128x128xf32, #tpu.memory_space<vmem>>, vector<1x16xf32>,
          %swap3A_556 = vector.shape_cast %swap3A_555 : vector<1x16xf32> to vector<16xf32>
          %swap3A_557 = vector.shape_cast %mul3A_552 : vector<16xf32> to vector<1x16xf32>
          tpu.vector_store %arg9[%swap3A_553, %swap3A_554], %swap3A_557 {strides = array<i32>} : memref<128x128xf32, #tpu.memory_space<vmem>>, vector<1x16xf32>,
          %get3A_558 = arith.index_cast %add3A_537 : i32 to index
          %get3A_559 = arith.constant 32 : index
          %get3A_560 = tpu.vector_load %arg9[%get3A_558, %get3A_559] {strides = array<i32>} : memref<128x128xf32, #tpu.memory_space<vmem>>, vector<1x16xf32>,
          %get3A_561 = vector.shape_cast %get3A_560 : vector<1x16xf32> to vector<16xf32>
          %mul3A_562 = arith.mulf %get3A_561, %broadcast_in_dim3A_533 : vector<16xf32>
          %swap3A_563 = arith.index_cast %add3A_537 : i32 to index
          %swap3A_564 = arith.constant 32 : index
          %swap3A_565 = tpu.vector_load %arg9[%swap3A_563, %swap3A_564] {strides = array<i32>} : memref<128x128xf32, #tpu.memory_space<vmem>>, vector<1x16xf32>,
          %swap3A_566 = vector.shape_cast %swap3A_565 : vector<1x16xf32> to vector<16xf32>
          %swap3A_567 = vector.shape_cast %mul3A_562 : vector<16xf32> to vector<1x16xf32>
          tpu.vector_store %arg9[%swap3A_563, %swap3A_564], %swap3A_567 {strides = array<i32>} : memref<128x128xf32, #tpu.memory_space<vmem>>, vector<1x16xf32>,
          %get3A_568 = arith.index_cast %add3A_537 : i32 to index
          %get3A_569 = arith.constant 48 : index
          %get3A_570 = tpu.vector_load %arg9[%get3A_568, %get3A_569] {strides = array<i32>} : memref<128x128xf32, #tpu.memory_space<vmem>>, vector<1x16xf32>,
          %get3A_571 = vector.shape_cast %get3A_570 : vector<1x16xf32> to vector<16xf32>
          %mul3A_572 = arith.mulf %get3A_571, %broadcast_in_dim3A_533 : vector<16xf32>
          %swap3A_573 = arith.index_cast %add3A_537 : i32 to index
          %swap3A_574 = arith.constant 48 : index
          %swap3A_575 = tpu.vector_load %arg9[%swap3A_573, %swap3A_574] {strides = array<i32>} : memref<128x128xf32, #tpu.memory_space<vmem>>, vector<1x16xf32>,
          %swap3A_576 = vector.shape_cast %swap3A_575 : vector<1x16xf32> to vector<16xf32>
          %swap3A_577 = vector.shape_cast %mul3A_572 : vector<16xf32> to vector<1x16xf32>
          tpu.vector_store %arg9[%swap3A_573, %swap3A_574], %swap3A_577 {strides = array<i32>} : memref<128x128xf32, #tpu.memory_space<vmem>>, vector<1x16xf32>,
          %get3A_578 = arith.index_cast %add3A_537 : i32 to index
          %get3A_579 = arith.constant 64 : index
          %get3A_580 = tpu.vector_load %arg9[%get3A_578, %get3A_579] {strides = array<i32>} : memref<128x128xf32, #tpu.memory_space<vmem>>, vector<1x16xf32>,
          %get3A_581 = vector.shape_cast %get3A_580 : vector<1x16xf32> to vector<16xf32>
          %mul3A_582 = arith.mulf %get3A_581, %broadcast_in_dim3A_533 : vector<16xf32>
          %swap3A_583 = arith.index_cast %add3A_537 : i32 to index
          %swap3A_584 = arith.constant 64 : index
          %swap3A_585 = tpu.vector_load %arg9[%swap3A_583, %swap3A_584] {strides = array<i32>} : memref<128x128xf32, #tpu.memory_space<vmem>>, vector<1x16xf32>,
          %swap3A_586 = vector.shape_cast %swap3A_585 : vector<1x16xf32> to vector<16xf32>
          %swap3A_587 = vector.shape_cast %mul3A_582 : vector<16xf32> to vector<1x16xf32>
          tpu.vector_store %arg9[%swap3A_583, %swap3A_584], %swap3A_587 {strides = array<i32>} : memref<128x128xf32, #tpu.memory_space<vmem>>, vector<1x16xf32>,
          %get3A_588 = arith.index_cast %add3A_537 : i32 to index
          %get3A_589 = arith.constant 80 : index
          %get3A_590 = tpu.vector_load %arg9[%get3A_588, %get3A_589] {strides = array<i32>} : memref<128x128xf32, #tpu.memory_space<vmem>>, vector<1x16xf32>,
          %get3A_591 = vector.shape_cast %get3A_590 : vector<1x16xf32> to vector<16xf32>
          %mul3A_592 = arith.mulf %get3A_591, %broadcast_in_dim3A_533 : vector<16xf32>
          %swap3A_593 = arith.index_cast %add3A_537 : i32 to index
          %swap3A_594 = arith.constant 80 : index
          %swap3A_595 = tpu.vector_load %arg9[%swap3A_593, %swap3A_594] {strides = array<i32>} : memref<128x128xf32, #tpu.memory_space<vmem>>, vector<1x16xf32>,
          %swap3A_596 = vector.shape_cast %swap3A_595 : vector<1x16xf32> to vector<16xf32>
          %swap3A_597 = vector.shape_cast %mul3A_592 : vector<16xf32> to vector<1x16xf32>
          tpu.vector_store %arg9[%swap3A_593, %swap3A_594], %swap3A_597 {strides = array<i32>} : memref<128x128xf32, #tpu.memory_space<vmem>>, vector<1x16xf32>,
          %get3A_598 = arith.index_cast %add3A_537 : i32 to index
          %get3A_599 = arith.constant 96 : index
          %get3A_600 = tpu.vector_load %arg9[%get3A_598, %get3A_599] {strides = array<i32>} : memref<128x128xf32, #tpu.memory_space<vmem>>, vector<1x16xf32>,
          %get3A_601 = vector.shape_cast %get3A_600 : vector<1x16xf32> to vector<16xf32>
          %mul3A_602 = arith.mulf %get3A_601, %broadcast_in_dim3A_533 : vector<16xf32>
          %swap3A_603 = arith.index_cast %add3A_537 : i32 to index
          %swap3A_604 = arith.constant 96 : index
          %swap3A_605 = tpu.vector_load %arg9[%swap3A_603, %swap3A_604] {strides = array<i32>} : memref<128x128xf32, #tpu.memory_space<vmem>>, vector<1x16xf32>,
          %swap3A_606 = vector.shape_cast %swap3A_605 : vector<1x16xf32> to vector<16xf32>
          %swap3A_607 = vector.shape_cast %mul3A_602 : vector<16xf32> to vector<1x16xf32>
          tpu.vector_store %arg9[%swap3A_603, %swap3A_604], %swap3A_607 {strides = array<i32>} : memref<128x128xf32, #tpu.memory_space<vmem>>, vector<1x16xf32>,
          %get3A_608 = arith.index_cast %add3A_537 : i32 to index
          %get3A_609 = arith.constant 112 : index
          %get3A_610 = tpu.vector_load %arg9[%get3A_608, %get3A_609] {strides = array<i32>} : memref<128x128xf32, #tpu.memory_space<vmem>>, vector<1x16xf32>,
          %get3A_611 = vector.shape_cast %get3A_610 : vector<1x16xf32> to vector<16xf32>
          %mul3A_612 = arith.mulf %get3A_611, %broadcast_in_dim3A_533 : vector<16xf32>
          %swap3A_613 = arith.index_cast %add3A_537 : i32 to index
          %swap3A_614 = arith.constant 112 : index
          %swap3A_615 = tpu.vector_load %arg9[%swap3A_613, %swap3A_614] {strides = array<i32>} : memref<128x128xf32, #tpu.memory_space<vmem>>, vector<1x16xf32>,
          %swap3A_616 = vector.shape_cast %swap3A_615 : vector<1x16xf32> to vector<16xf32>
          %swap3A_617 = vector.shape_cast %mul3A_612 : vector<16xf32> to vector<1x16xf32>
          tpu.vector_store %arg9[%swap3A_613, %swap3A_614], %swap3A_617 {strides = array<i32>} : memref<128x128xf32, #tpu.memory_space<vmem>>, vector<1x16xf32>,
          %slice3A_618 = vector.extract_strided_slice %get3A_99 {offsets = [6], sizes = [1], strides = [1]} : vector<16xf32> to vector<1xf32>
          %squeeze3A_619 = vector.extract %slice3A_618[0] : f32 from vector<1xf32>
          %broadcast_in_dim3A_620 = vector.broadcast %squeeze3A_619 : f32 to vector<16xf32>
          %mul3A_621 = arith.constant 16 : i32
          %mul3A_622 = arith.muli %scan3A_93, %mul3A_621 : i32
          %add3A_623 = arith.constant 6 : i32
          %add3A_624 = arith.addi %mul3A_622, %add3A_623 : i32
          %get3A_625 = arith.index_cast %add3A_624 : i32 to index
          %get3A_626 = arith.constant 0 : index
          %get3A_627 = tpu.vector_load %arg9[%get3A_625, %get3A_626] {strides = array<i32>} : memref<128x128xf32, #tpu.memory_space<vmem>>, vector<1x16xf32>,
          %get3A_628 = vector.shape_cast %get3A_627 : vector<1x16xf32> to vector<16xf32>
          %mul3A_629 = arith.mulf %get3A_628, %broadcast_in_dim3A_620 : vector<16xf32>
          %swap3A_630 = arith.index_cast %add3A_624 : i32 to index
          %swap3A_631 = arith.constant 0 : index
          %swap3A_632 = tpu.vector_load %arg9[%swap3A_630, %swap3A_631] {strides = array<i32>} : memref<128x128xf32, #tpu.memory_space<vmem>>, vector<1x16xf32>,
          %swap3A_633 = vector.shape_cast %swap3A_632 : vector<1x16xf32> to vector<16xf32>
          %swap3A_634 = vector.shape_cast %mul3A_629 : vector<16xf32> to vector<1x16xf32>
          tpu.vector_store %arg9[%swap3A_630, %swap3A_631], %swap3A_634 {strides = array<i32>} : memref<128x128xf32, #tpu.memory_space<vmem>>, vector<1x16xf32>,
          %get3A_635 = arith.index_cast %add3A_624 : i32 to index
          %get3A_636 = arith.constant 16 : index
          %get3A_637 = tpu.vector_load %arg9[%get3A_635, %get3A_636] {strides = array<i32>} : memref<128x128xf32, #tpu.memory_space<vmem>>, vector<1x16xf32>,
          %get3A_638 = vector.shape_cast %get3A_637 : vector<1x16xf32> to vector<16xf32>
          %mul3A_639 = arith.mulf %get3A_638, %broadcast_in_dim3A_620 : vector<16xf32>
          %swap3A_640 = arith.index_cast %add3A_624 : i32 to index
          %swap3A_641 = arith.constant 16 : index
          %swap3A_642 = tpu.vector_load %arg9[%swap3A_640, %swap3A_641] {strides = array<i32>} : memref<128x128xf32, #tpu.memory_space<vmem>>, vector<1x16xf32>,
          %swap3A_643 = vector.shape_cast %swap3A_642 : vector<1x16xf32> to vector<16xf32>
          %swap3A_644 = vector.shape_cast %mul3A_639 : vector<16xf32> to vector<1x16xf32>
          tpu.vector_store %arg9[%swap3A_640, %swap3A_641], %swap3A_644 {strides = array<i32>} : memref<128x128xf32, #tpu.memory_space<vmem>>, vector<1x16xf32>,
          %get3A_645 = arith.index_cast %add3A_624 : i32 to index
          %get3A_646 = arith.constant 32 : index
          %get3A_647 = tpu.vector_load %arg9[%get3A_645, %get3A_646] {strides = array<i32>} : memref<128x128xf32, #tpu.memory_space<vmem>>, vector<1x16xf32>,
          %get3A_648 = vector.shape_cast %get3A_647 : vector<1x16xf32> to vector<16xf32>
          %mul3A_649 = arith.mulf %get3A_648, %broadcast_in_dim3A_620 : vector<16xf32>
          %swap3A_650 = arith.index_cast %add3A_624 : i32 to index
          %swap3A_651 = arith.constant 32 : index
          %swap3A_652 = tpu.vector_load %arg9[%swap3A_650, %swap3A_651] {strides = array<i32>} : memref<128x128xf32, #tpu.memory_space<vmem>>, vector<1x16xf32>,
          %swap3A_653 = vector.shape_cast %swap3A_652 : vector<1x16xf32> to vector<16xf32>
          %swap3A_654 = vector.shape_cast %mul3A_649 : vector<16xf32> to vector<1x16xf32>
          tpu.vector_store %arg9[%swap3A_650, %swap3A_651], %swap3A_654 {strides = array<i32>} : memref<128x128xf32, #tpu.memory_space<vmem>>, vector<1x16xf32>,
          %get3A_655 = arith.index_cast %add3A_624 : i32 to index
          %get3A_656 = arith.constant 48 : index
          %get3A_657 = tpu.vector_load %arg9[%get3A_655, %get3A_656] {strides = array<i32>} : memref<128x128xf32, #tpu.memory_space<vmem>>, vector<1x16xf32>,
          %get3A_658 = vector.shape_cast %get3A_657 : vector<1x16xf32> to vector<16xf32>
          %mul3A_659 = arith.mulf %get3A_658, %broadcast_in_dim3A_620 : vector<16xf32>
          %swap3A_660 = arith.index_cast %add3A_624 : i32 to index
          %swap3A_661 = arith.constant 48 : index
          %swap3A_662 = tpu.vector_load %arg9[%swap3A_660, %swap3A_661] {strides = array<i32>} : memref<128x128xf32, #tpu.memory_space<vmem>>, vector<1x16xf32>,
          %swap3A_663 = vector.shape_cast %swap3A_662 : vector<1x16xf32> to vector<16xf32>
          %swap3A_664 = vector.shape_cast %mul3A_659 : vector<16xf32> to vector<1x16xf32>
          tpu.vector_store %arg9[%swap3A_660, %swap3A_661], %swap3A_664 {strides = array<i32>} : memref<128x128xf32, #tpu.memory_space<vmem>>, vector<1x16xf32>,
          %get3A_665 = arith.index_cast %add3A_624 : i32 to index
          %get3A_666 = arith.constant 64 : index
          %get3A_667 = tpu.vector_load %arg9[%get3A_665, %get3A_666] {strides = array<i32>} : memref<128x128xf32, #tpu.memory_space<vmem>>, vector<1x16xf32>,
          %get3A_668 = vector.shape_cast %get3A_667 : vector<1x16xf32> to vector<16xf32>
          %mul3A_669 = arith.mulf %get3A_668, %broadcast_in_dim3A_620 : vector<16xf32>
          %swap3A_670 = arith.index_cast %add3A_624 : i32 to index
          %swap3A_671 = arith.constant 64 : index
          %swap3A_672 = tpu.vector_load %arg9[%swap3A_670, %swap3A_671] {strides = array<i32>} : memref<128x128xf32, #tpu.memory_space<vmem>>, vector<1x16xf32>,
          %swap3A_673 = vector.shape_cast %swap3A_672 : vector<1x16xf32> to vector<16xf32>
          %swap3A_674 = vector.shape_cast %mul3A_669 : vector<16xf32> to vector<1x16xf32>
          tpu.vector_store %arg9[%swap3A_670, %swap3A_671], %swap3A_674 {strides = array<i32>} : memref<128x128xf32, #tpu.memory_space<vmem>>, vector<1x16xf32>,
          %get3A_675 = arith.index_cast %add3A_624 : i32 to index
          %get3A_676 = arith.constant 80 : index
          %get3A_677 = tpu.vector_load %arg9[%get3A_675, %get3A_676] {strides = array<i32>} : memref<128x128xf32, #tpu.memory_space<vmem>>, vector<1x16xf32>,
          %get3A_678 = vector.shape_cast %get3A_677 : vector<1x16xf32> to vector<16xf32>
          %mul3A_679 = arith.mulf %get3A_678, %broadcast_in_dim3A_620 : vector<16xf32>
          %swap3A_680 = arith.index_cast %add3A_624 : i32 to index
          %swap3A_681 = arith.constant 80 : index
          %swap3A_682 = tpu.vector_load %arg9[%swap3A_680, %swap3A_681] {strides = array<i32>} : memref<128x128xf32, #tpu.memory_space<vmem>>, vector<1x16xf32>,
          %swap3A_683 = vector.shape_cast %swap3A_682 : vector<1x16xf32> to vector<16xf32>
          %swap3A_684 = vector.shape_cast %mul3A_679 : vector<16xf32> to vector<1x16xf32>
          tpu.vector_store %arg9[%swap3A_680, %swap3A_681], %swap3A_684 {strides = array<i32>} : memref<128x128xf32, #tpu.memory_space<vmem>>, vector<1x16xf32>,
          %get3A_685 = arith.index_cast %add3A_624 : i32 to index
          %get3A_686 = arith.constant 96 : index
          %get3A_687 = tpu.vector_load %arg9[%get3A_685, %get3A_686] {strides = array<i32>} : memref<128x128xf32, #tpu.memory_space<vmem>>, vector<1x16xf32>,
          %get3A_688 = vector.shape_cast %get3A_687 : vector<1x16xf32> to vector<16xf32>
          %mul3A_689 = arith.mulf %get3A_688, %broadcast_in_dim3A_620 : vector<16xf32>
          %swap3A_690 = arith.index_cast %add3A_624 : i32 to index
          %swap3A_691 = arith.constant 96 : index
          %swap3A_692 = tpu.vector_load %arg9[%swap3A_690, %swap3A_691] {strides = array<i32>} : memref<128x128xf32, #tpu.memory_space<vmem>>, vector<1x16xf32>,
          %swap3A_693 = vector.shape_cast %swap3A_692 : vector<1x16xf32> to vector<16xf32>
          %swap3A_694 = vector.shape_cast %mul3A_689 : vector<16xf32> to vector<1x16xf32>
          tpu.vector_store %arg9[%swap3A_690, %swap3A_691], %swap3A_694 {strides = array<i32>} : memref<128x128xf32, #tpu.memory_space<vmem>>, vector<1x16xf32>,
          %get3A_695 = arith.index_cast %add3A_624 : i32 to index
          %get3A_696 = arith.constant 112 : index
          %get3A_697 = tpu.vector_load %arg9[%get3A_695, %get3A_696] {strides = array<i32>} : memref<128x128xf32, #tpu.memory_space<vmem>>, vector<1x16xf32>,
          %get3A_698 = vector.shape_cast %get3A_697 : vector<1x16xf32> to vector<16xf32>
          %mul3A_699 = arith.mulf %get3A_698, %broadcast_in_dim3A_620 : vector<16xf32>
          %swap3A_700 = arith.index_cast %add3A_624 : i32 to index
          %swap3A_701 = arith.constant 112 : index
          %swap3A_702 = tpu.vector_load %arg9[%swap3A_700, %swap3A_701] {strides = array<i32>} : memref<128x128xf32, #tpu.memory_space<vmem>>, vector<1x16xf32>,
          %swap3A_703 = vector.shape_cast %swap3A_702 : vector<1x16xf32> to vector<16xf32>
          %swap3A_704 = vector.shape_cast %mul3A_699 : vector<16xf32> to vector<1x16xf32>
          tpu.vector_store %arg9[%swap3A_700, %swap3A_701], %swap3A_704 {strides = array<i32>} : memref<128x128xf32, #tpu.memory_space<vmem>>, vector<1x16xf32>,
          %slice3A_705 = vector.extract_strided_slice %get3A_99 {offsets = [7], sizes = [1], strides = [1]} : vector<16xf32> to vector<1xf32>
          %squeeze3A_706 = vector.extract %slice3A_705[0] : f32 from vector<1xf32>
          %broadcast_in_dim3A_707 = vector.broadcast %squeeze3A_706 : f32 to vector<16xf32>
          %mul3A_708 = arith.constant 16 : i32
          %mul3A_709 = arith.muli %scan3A_93, %mul3A_708 : i32
          %add3A_710 = arith.constant 7 : i32
          %add3A_711 = arith.addi %mul3A_709, %add3A_710 : i32
          %get3A_712 = arith.index_cast %add3A_711 : i32 to index
          %get3A_713 = arith.constant 0 : index
          %get3A_714 = tpu.vector_load %arg9[%get3A_712, %get3A_713] {strides = array<i32>} : memref<128x128xf32, #tpu.memory_space<vmem>>, vector<1x16xf32>,
          %get3A_715 = vector.shape_cast %get3A_714 : vector<1x16xf32> to vector<16xf32>
          %mul3A_716 = arith.mulf %get3A_715, %broadcast_in_dim3A_707 : vector<16xf32>
          %swap3A_717 = arith.index_cast %add3A_711 : i32 to index
          %swap3A_718 = arith.constant 0 : index
          %swap3A_719 = tpu.vector_load %arg9[%swap3A_717, %swap3A_718] {strides = array<i32>} : memref<128x128xf32, #tpu.memory_space<vmem>>, vector<1x16xf32>,
          %swap3A_720 = vector.shape_cast %swap3A_719 : vector<1x16xf32> to vector<16xf32>
          %swap3A_721 = vector.shape_cast %mul3A_716 : vector<16xf32> to vector<1x16xf32>
          tpu.vector_store %arg9[%swap3A_717, %swap3A_718], %swap3A_721 {strides = array<i32>} : memref<128x128xf32, #tpu.memory_space<vmem>>, vector<1x16xf32>,
          %get3A_722 = arith.index_cast %add3A_711 : i32 to index
          %get3A_723 = arith.constant 16 : index
          %get3A_724 = tpu.vector_load %arg9[%get3A_722, %get3A_723] {strides = array<i32>} : memref<128x128xf32, #tpu.memory_space<vmem>>, vector<1x16xf32>,
          %get3A_725 = vector.shape_cast %get3A_724 : vector<1x16xf32> to vector<16xf32>
          %mul3A_726 = arith.mulf %get3A_725, %broadcast_in_dim3A_707 : vector<16xf32>
          %swap3A_727 = arith.index_cast %add3A_711 : i32 to index
          %swap3A_728 = arith.constant 16 : index
          %swap3A_729 = tpu.vector_load %arg9[%swap3A_727, %swap3A_728] {strides = array<i32>} : memref<128x128xf32, #tpu.memory_space<vmem>>, vector<1x16xf32>,
          %swap3A_730 = vector.shape_cast %swap3A_729 : vector<1x16xf32> to vector<16xf32>
          %swap3A_731 = vector.shape_cast %mul3A_726 : vector<16xf32> to vector<1x16xf32>
          tpu.vector_store %arg9[%swap3A_727, %swap3A_728], %swap3A_731 {strides = array<i32>} : memref<128x128xf32, #tpu.memory_space<vmem>>, vector<1x16xf32>,
          %get3A_732 = arith.index_cast %add3A_711 : i32 to index
          %get3A_733 = arith.constant 32 : index
          %get3A_734 = tpu.vector_load %arg9[%get3A_732, %get3A_733] {strides = array<i32>} : memref<128x128xf32, #tpu.memory_space<vmem>>, vector<1x16xf32>,
          %get3A_735 = vector.shape_cast %get3A_734 : vector<1x16xf32> to vector<16xf32>
          %mul3A_736 = arith.mulf %get3A_735, %broadcast_in_dim3A_707 : vector<16xf32>
          %swap3A_737 = arith.index_cast %add3A_711 : i32 to index
          %swap3A_738 = arith.constant 32 : index
          %swap3A_739 = tpu.vector_load %arg9[%swap3A_737, %swap3A_738] {strides = array<i32>} : memref<128x128xf32, #tpu.memory_space<vmem>>, vector<1x16xf32>,
          %swap3A_740 = vector.shape_cast %swap3A_739 : vector<1x16xf32> to vector<16xf32>
          %swap3A_741 = vector.shape_cast %mul3A_736 : vector<16xf32> to vector<1x16xf32>
          tpu.vector_store %arg9[%swap3A_737, %swap3A_738], %swap3A_741 {strides = array<i32>} : memref<128x128xf32, #tpu.memory_space<vmem>>, vector<1x16xf32>,
          %get3A_742 = arith.index_cast %add3A_711 : i32 to index
          %get3A_743 = arith.constant 48 : index
          %get3A_744 = tpu.vector_load %arg9[%get3A_742, %get3A_743] {strides = array<i32>} : memref<128x128xf32, #tpu.memory_space<vmem>>, vector<1x16xf32>,
          %get3A_745 = vector.shape_cast %get3A_744 : vector<1x16xf32> to vector<16xf32>
          %mul3A_746 = arith.mulf %get3A_745, %broadcast_in_dim3A_707 : vector<16xf32>
          %swap3A_747 = arith.index_cast %add3A_711 : i32 to index
          %swap3A_748 = arith.constant 48 : index
          %swap3A_749 = tpu.vector_load %arg9[%swap3A_747, %swap3A_748] {strides = array<i32>} : memref<128x128xf32, #tpu.memory_space<vmem>>, vector<1x16xf32>,
          %swap3A_750 = vector.shape_cast %swap3A_749 : vector<1x16xf32> to vector<16xf32>
          %swap3A_751 = vector.shape_cast %mul3A_746 : vector<16xf32> to vector<1x16xf32>
          tpu.vector_store %arg9[%swap3A_747, %swap3A_748], %swap3A_751 {strides = array<i32>} : memref<128x128xf32, #tpu.memory_space<vmem>>, vector<1x16xf32>,
          %get3A_752 = arith.index_cast %add3A_711 : i32 to index
          %get3A_753 = arith.constant 64 : index
          %get3A_754 = tpu.vector_load %arg9[%get3A_752, %get3A_753] {strides = array<i32>} : memref<128x128xf32, #tpu.memory_space<vmem>>, vector<1x16xf32>,
          %get3A_755 = vector.shape_cast %get3A_754 : vector<1x16xf32> to vector<16xf32>
          %mul3A_756 = arith.mulf %get3A_755, %broadcast_in_dim3A_707 : vector<16xf32>
          %swap3A_757 = arith.index_cast %add3A_711 : i32 to index
          %swap3A_758 = arith.constant 64 : index
          %swap3A_759 = tpu.vector_load %arg9[%swap3A_757, %swap3A_758] {strides = array<i32>} : memref<128x128xf32, #tpu.memory_space<vmem>>, vector<1x16xf32>,
          %swap3A_760 = vector.shape_cast %swap3A_759 : vector<1x16xf32> to vector<16xf32>
          %swap3A_761 = vector.shape_cast %mul3A_756 : vector<16xf32> to vector<1x16xf32>
          tpu.vector_store %arg9[%swap3A_757, %swap3A_758], %swap3A_761 {strides = array<i32>} : memref<128x128xf32, #tpu.memory_space<vmem>>, vector<1x16xf32>,
          %get3A_762 = arith.index_cast %add3A_711 : i32 to index
          %get3A_763 = arith.constant 80 : index
          %get3A_764 = tpu.vector_load %arg9[%get3A_762, %get3A_763] {strides = array<i32>} : memref<128x128xf32, #tpu.memory_space<vmem>>, vector<1x16xf32>,
          %get3A_765 = vector.shape_cast %get3A_764 : vector<1x16xf32> to vector<16xf32>
          %mul3A_766 = arith.mulf %get3A_765, %broadcast_in_dim3A_707 : vector<16xf32>
          %swap3A_767 = arith.index_cast %add3A_711 : i32 to index
          %swap3A_768 = arith.constant 80 : index
          %swap3A_769 = tpu.vector_load %arg9[%swap3A_767, %swap3A_768] {strides = array<i32>} : memref<128x128xf32, #tpu.memory_space<vmem>>, vector<1x16xf32>,
          %swap3A_770 = vector.shape_cast %swap3A_769 : vector<1x16xf32> to vector<16xf32>
          %swap3A_771 = vector.shape_cast %mul3A_766 : vector<16xf32> to vector<1x16xf32>
          tpu.vector_store %arg9[%swap3A_767, %swap3A_768], %swap3A_771 {strides = array<i32>} : memref<128x128xf32, #tpu.memory_space<vmem>>, vector<1x16xf32>,
          %get3A_772 = arith.index_cast %add3A_711 : i32 to index
          %get3A_773 = arith.constant 96 : index
          %get3A_774 = tpu.vector_load %arg9[%get3A_772, %get3A_773] {strides = array<i32>} : memref<128x128xf32, #tpu.memory_space<vmem>>, vector<1x16xf32>,
          %get3A_775 = vector.shape_cast %get3A_774 : vector<1x16xf32> to vector<16xf32>
          %mul3A_776 = arith.mulf %get3A_775, %broadcast_in_dim3A_707 : vector<16xf32>
          %swap3A_777 = arith.index_cast %add3A_711 : i32 to index
          %swap3A_778 = arith.constant 96 : index
          %swap3A_779 = tpu.vector_load %arg9[%swap3A_777, %swap3A_778] {strides = array<i32>} : memref<128x128xf32, #tpu.memory_space<vmem>>, vector<1x16xf32>,
          %swap3A_780 = vector.shape_cast %swap3A_779 : vector<1x16xf32> to vector<16xf32>
          %swap3A_781 = vector.shape_cast %mul3A_776 : vector<16xf32> to vector<1x16xf32>
          tpu.vector_store %arg9[%swap3A_777, %swap3A_778], %swap3A_781 {strides = array<i32>} : memref<128x128xf32, #tpu.memory_space<vmem>>, vector<1x16xf32>,
          %get3A_782 = arith.index_cast %add3A_711 : i32 to index
          %get3A_783 = arith.constant 112 : index
          %get3A_784 = tpu.vector_load %arg9[%get3A_782, %get3A_783] {strides = array<i32>} : memref<128x128xf32, #tpu.memory_space<vmem>>, vector<1x16xf32>,
          %get3A_785 = vector.shape_cast %get3A_784 : vector<1x16xf32> to vector<16xf32>
          %mul3A_786 = arith.mulf %get3A_785, %broadcast_in_dim3A_707 : vector<16xf32>
          %swap3A_787 = arith.index_cast %add3A_711 : i32 to index
          %swap3A_788 = arith.constant 112 : index
          %swap3A_789 = tpu.vector_load %arg9[%swap3A_787, %swap3A_788] {strides = array<i32>} : memref<128x128xf32, #tpu.memory_space<vmem>>, vector<1x16xf32>,
          %swap3A_790 = vector.shape_cast %swap3A_789 : vector<1x16xf32> to vector<16xf32>
          %swap3A_791 = vector.shape_cast %mul3A_786 : vector<16xf32> to vector<1x16xf32>
          tpu.vector_store %arg9[%swap3A_787, %swap3A_788], %swap3A_791 {strides = array<i32>} : memref<128x128xf32, #tpu.memory_space<vmem>>, vector<1x16xf32>,
          %slice3A_792 = vector.extract_strided_slice %get3A_99 {offsets = [8], sizes = [1], strides = [1]} : vector<16xf32> to vector<1xf32>
          %squeeze3A_793 = vector.extract %slice3A_792[0] : f32 from vector<1xf32>
          %broadcast_in_dim3A_794 = vector.broadcast %squeeze3A_793 : f32 to vector<16xf32>
          %mul3A_795 = arith.constant 16 : i32
          %mul3A_796 = arith.muli %scan3A_93, %mul3A_795 : i32
          %add3A_797 = arith.constant 8 : i32
          %add3A_798 = arith.addi %mul3A_796, %add3A_797 : i32
          %get3A_799 = arith.index_cast %add3A_798 : i32 to index
          %get3A_800 = arith.constant 0 : index
          %get3A_801 = tpu.vector_load %arg9[%get3A_799, %get3A_800] {strides = array<i32>} : memref<128x128xf32, #tpu.memory_space<vmem>>, vector<1x16xf32>,
          %get3A_802 = vector.shape_cast %get3A_801 : vector<1x16xf32> to vector<16xf32>
          %mul3A_803 = arith.mulf %get3A_802, %broadcast_in_dim3A_794 : vector<16xf32>
          %swap3A_804 = arith.index_cast %add3A_798 : i32 to index
          %swap3A_805 = arith.constant 0 : index
          %swap3A_806 = tpu.vector_load %arg9[%swap3A_804, %swap3A_805] {strides = array<i32>} : memref<128x128xf32, #tpu.memory_space<vmem>>, vector<1x16xf32>,
          %swap3A_807 = vector.shape_cast %swap3A_806 : vector<1x16xf32> to vector<16xf32>
          %swap3A_808 = vector.shape_cast %mul3A_803 : vector<16xf32> to vector<1x16xf32>
          tpu.vector_store %arg9[%swap3A_804, %swap3A_805], %swap3A_808 {strides = array<i32>} : memref<128x128xf32, #tpu.memory_space<vmem>>, vector<1x16xf32>,
          %get3A_809 = arith.index_cast %add3A_798 : i32 to index
          %get3A_810 = arith.constant 16 : index
          %get3A_811 = tpu.vector_load %arg9[%get3A_809, %get3A_810] {strides = array<i32>} : memref<128x128xf32, #tpu.memory_space<vmem>>, vector<1x16xf32>,
          %get3A_812 = vector.shape_cast %get3A_811 : vector<1x16xf32> to vector<16xf32>
          %mul3A_813 = arith.mulf %get3A_812, %broadcast_in_dim3A_794 : vector<16xf32>
          %swap3A_814 = arith.index_cast %add3A_798 : i32 to index
          %swap3A_815 = arith.constant 16 : index
          %swap3A_816 = tpu.vector_load %arg9[%swap3A_814, %swap3A_815] {strides = array<i32>} : memref<128x128xf32, #tpu.memory_space<vmem>>, vector<1x16xf32>,
          %swap3A_817 = vector.shape_cast %swap3A_816 : vector<1x16xf32> to vector<16xf32>
          %swap3A_818 = vector.shape_cast %mul3A_813 : vector<16xf32> to vector<1x16xf32>
          tpu.vector_store %arg9[%swap3A_814, %swap3A_815], %swap3A_818 {strides = array<i32>} : memref<128x128xf32, #tpu.memory_space<vmem>>, vector<1x16xf32>,
          %get3A_819 = arith.index_cast %add3A_798 : i32 to index
          %get3A_820 = arith.constant 32 : index
          %get3A_821 = tpu.vector_load %arg9[%get3A_819, %get3A_820] {strides = array<i32>} : memref<128x128xf32, #tpu.memory_space<vmem>>, vector<1x16xf32>,
          %get3A_822 = vector.shape_cast %get3A_821 : vector<1x16xf32> to vector<16xf32>
          %mul3A_823 = arith.mulf %get3A_822, %broadcast_in_dim3A_794 : vector<16xf32>
          %swap3A_824 = arith.index_cast %add3A_798 : i32 to index
          %swap3A_825 = arith.constant 32 : index
          %swap3A_826 = tpu.vector_load %arg9[%swap3A_824, %swap3A_825] {strides = array<i32>} : memref<128x128xf32, #tpu.memory_space<vmem>>, vector<1x16xf32>,
          %swap3A_827 = vector.shape_cast %swap3A_826 : vector<1x16xf32> to vector<16xf32>
          %swap3A_828 = vector.shape_cast %mul3A_823 : vector<16xf32> to vector<1x16xf32>
          tpu.vector_store %arg9[%swap3A_824, %swap3A_825], %swap3A_828 {strides = array<i32>} : memref<128x128xf32, #tpu.memory_space<vmem>>, vector<1x16xf32>,
          %get3A_829 = arith.index_cast %add3A_798 : i32 to index
          %get3A_830 = arith.constant 48 : index
          %get3A_831 = tpu.vector_load %arg9[%get3A_829, %get3A_830] {strides = array<i32>} : memref<128x128xf32, #tpu.memory_space<vmem>>, vector<1x16xf32>,
          %get3A_832 = vector.shape_cast %get3A_831 : vector<1x16xf32> to vector<16xf32>
          %mul3A_833 = arith.mulf %get3A_832, %broadcast_in_dim3A_794 : vector<16xf32>
          %swap3A_834 = arith.index_cast %add3A_798 : i32 to index
          %swap3A_835 = arith.constant 48 : index
          %swap3A_836 = tpu.vector_load %arg9[%swap3A_834, %swap3A_835] {strides = array<i32>} : memref<128x128xf32, #tpu.memory_space<vmem>>, vector<1x16xf32>,
          %swap3A_837 = vector.shape_cast %swap3A_836 : vector<1x16xf32> to vector<16xf32>
          %swap3A_838 = vector.shape_cast %mul3A_833 : vector<16xf32> to vector<1x16xf32>
          tpu.vector_store %arg9[%swap3A_834, %swap3A_835], %swap3A_838 {strides = array<i32>} : memref<128x128xf32, #tpu.memory_space<vmem>>, vector<1x16xf32>,
          %get3A_839 = arith.index_cast %add3A_798 : i32 to index
          %get3A_840 = arith.constant 64 : index
          %get3A_841 = tpu.vector_load %arg9[%get3A_839, %get3A_840] {strides = array<i32>} : memref<128x128xf32, #tpu.memory_space<vmem>>, vector<1x16xf32>,
          %get3A_842 = vector.shape_cast %get3A_841 : vector<1x16xf32> to vector<16xf32>
          %mul3A_843 = arith.mulf %get3A_842, %broadcast_in_dim3A_794 : vector<16xf32>
          %swap3A_844 = arith.index_cast %add3A_798 : i32 to index
          %swap3A_845 = arith.constant 64 : index
          %swap3A_846 = tpu.vector_load %arg9[%swap3A_844, %swap3A_845] {strides = array<i32>} : memref<128x128xf32, #tpu.memory_space<vmem>>, vector<1x16xf32>,
          %swap3A_847 = vector.shape_cast %swap3A_846 : vector<1x16xf32> to vector<16xf32>
          %swap3A_848 = vector.shape_cast %mul3A_843 : vector<16xf32> to vector<1x16xf32>
          tpu.vector_store %arg9[%swap3A_844, %swap3A_845], %swap3A_848 {strides = array<i32>} : memref<128x128xf32, #tpu.memory_space<vmem>>, vector<1x16xf32>,
          %get3A_849 = arith.index_cast %add3A_798 : i32 to index
          %get3A_850 = arith.constant 80 : index
          %get3A_851 = tpu.vector_load %arg9[%get3A_849, %get3A_850] {strides = array<i32>} : memref<128x128xf32, #tpu.memory_space<vmem>>, vector<1x16xf32>,
          %get3A_852 = vector.shape_cast %get3A_851 : vector<1x16xf32> to vector<16xf32>
          %mul3A_853 = arith.mulf %get3A_852, %broadcast_in_dim3A_794 : vector<16xf32>
          %swap3A_854 = arith.index_cast %add3A_798 : i32 to index
          %swap3A_855 = arith.constant 80 : index
          %swap3A_856 = tpu.vector_load %arg9[%swap3A_854, %swap3A_855] {strides = array<i32>} : memref<128x128xf32, #tpu.memory_space<vmem>>, vector<1x16xf32>,
          %swap3A_857 = vector.shape_cast %swap3A_856 : vector<1x16xf32> to vector<16xf32>
          %swap3A_858 = vector.shape_cast %mul3A_853 : vector<16xf32> to vector<1x16xf32>
          tpu.vector_store %arg9[%swap3A_854, %swap3A_855], %swap3A_858 {strides = array<i32>} : memref<128x128xf32, #tpu.memory_space<vmem>>, vector<1x16xf32>,
          %get3A_859 = arith.index_cast %add3A_798 : i32 to index
          %get3A_860 = arith.constant 96 : index
          %get3A_861 = tpu.vector_load %arg9[%get3A_859, %get3A_860] {strides = array<i32>} : memref<128x128xf32, #tpu.memory_space<vmem>>, vector<1x16xf32>,
          %get3A_862 = vector.shape_cast %get3A_861 : vector<1x16xf32> to vector<16xf32>
          %mul3A_863 = arith.mulf %get3A_862, %broadcast_in_dim3A_794 : vector<16xf32>
          %swap3A_864 = arith.index_cast %add3A_798 : i32 to index
          %swap3A_865 = arith.constant 96 : index
          %swap3A_866 = tpu.vector_load %arg9[%swap3A_864, %swap3A_865] {strides = array<i32>} : memref<128x128xf32, #tpu.memory_space<vmem>>, vector<1x16xf32>,
          %swap3A_867 = vector.shape_cast %swap3A_866 : vector<1x16xf32> to vector<16xf32>
          %swap3A_868 = vector.shape_cast %mul3A_863 : vector<16xf32> to vector<1x16xf32>
          tpu.vector_store %arg9[%swap3A_864, %swap3A_865], %swap3A_868 {strides = array<i32>} : memref<128x128xf32, #tpu.memory_space<vmem>>, vector<1x16xf32>,
          %get3A_869 = arith.index_cast %add3A_798 : i32 to index
          %get3A_870 = arith.constant 112 : index
          %get3A_871 = tpu.vector_load %arg9[%get3A_869, %get3A_870] {strides = array<i32>} : memref<128x128xf32, #tpu.memory_space<vmem>>, vector<1x16xf32>,
          %get3A_872 = vector.shape_cast %get3A_871 : vector<1x16xf32> to vector<16xf32>
          %mul3A_873 = arith.mulf %get3A_872, %broadcast_in_dim3A_794 : vector<16xf32>
          %swap3A_874 = arith.index_cast %add3A_798 : i32 to index
          %swap3A_875 = arith.constant 112 : index
          %swap3A_876 = tpu.vector_load %arg9[%swap3A_874, %swap3A_875] {strides = array<i32>} : memref<128x128xf32, #tpu.memory_space<vmem>>, vector<1x16xf32>,
          %swap3A_877 = vector.shape_cast %swap3A_876 : vector<1x16xf32> to vector<16xf32>
          %swap3A_878 = vector.shape_cast %mul3A_873 : vector<16xf32> to vector<1x16xf32>
          tpu.vector_store %arg9[%swap3A_874, %swap3A_875], %swap3A_878 {strides = array<i32>} : memref<128x128xf32, #tpu.memory_space<vmem>>, vector<1x16xf32>,
          %slice3A_879 = vector.extract_strided_slice %get3A_99 {offsets = [9], sizes = [1], strides = [1]} : vector<16xf32> to vector<1xf32>
          %squeeze3A_880 = vector.extract %slice3A_879[0] : f32 from vector<1xf32>
          %broadcast_in_dim3A_881 = vector.broadcast %squeeze3A_880 : f32 to vector<16xf32>
          %mul3A_882 = arith.constant 16 : i32
          %mul3A_883 = arith.muli %scan3A_93, %mul3A_882 : i32
          %add3A_884 = arith.constant 9 : i32
          %add3A_885 = arith.addi %mul3A_883, %add3A_884 : i32
          %get3A_886 = arith.index_cast %add3A_885 : i32 to index
          %get3A_887 = arith.constant 0 : index
          %get3A_888 = tpu.vector_load %arg9[%get3A_886, %get3A_887] {strides = array<i32>} : memref<128x128xf32, #tpu.memory_space<vmem>>, vector<1x16xf32>,
          %get3A_889 = vector.shape_cast %get3A_888 : vector<1x16xf32> to vector<16xf32>
          %mul3A_890 = arith.mulf %get3A_889, %broadcast_in_dim3A_881 : vector<16xf32>
          %swap3A_891 = arith.index_cast %add3A_885 : i32 to index
          %swap3A_892 = arith.constant 0 : index
          %swap3A_893 = tpu.vector_load %arg9[%swap3A_891, %swap3A_892] {strides = array<i32>} : memref<128x128xf32, #tpu.memory_space<vmem>>, vector<1x16xf32>,
          %swap3A_894 = vector.shape_cast %swap3A_893 : vector<1x16xf32> to vector<16xf32>
          %swap3A_895 = vector.shape_cast %mul3A_890 : vector<16xf32> to vector<1x16xf32>
          tpu.vector_store %arg9[%swap3A_891, %swap3A_892], %swap3A_895 {strides = array<i32>} : memref<128x128xf32, #tpu.memory_space<vmem>>, vector<1x16xf32>,
          %get3A_896 = arith.index_cast %add3A_885 : i32 to index
          %get3A_897 = arith.constant 16 : index
          %get3A_898 = tpu.vector_load %arg9[%get3A_896, %get3A_897] {strides = array<i32>} : memref<128x128xf32, #tpu.memory_space<vmem>>, vector<1x16xf32>,
          %get3A_899 = vector.shape_cast %get3A_898 : vector<1x16xf32> to vector<16xf32>
          %mul3A_900 = arith.mulf %get3A_899, %broadcast_in_dim3A_881 : vector<16xf32>
          %swap3A_901 = arith.index_cast %add3A_885 : i32 to index
          %swap3A_902 = arith.constant 16 : index
          %swap3A_903 = tpu.vector_load %arg9[%swap3A_901, %swap3A_902] {strides = array<i32>} : memref<128x128xf32, #tpu.memory_space<vmem>>, vector<1x16xf32>,
          %swap3A_904 = vector.shape_cast %swap3A_903 : vector<1x16xf32> to vector<16xf32>
          %swap3A_905 = vector.shape_cast %mul3A_900 : vector<16xf32> to vector<1x16xf32>
          tpu.vector_store %arg9[%swap3A_901, %swap3A_902], %swap3A_905 {strides = array<i32>} : memref<128x128xf32, #tpu.memory_space<vmem>>, vector<1x16xf32>,
          %get3A_906 = arith.index_cast %add3A_885 : i32 to index
          %get3A_907 = arith.constant 32 : index
          %get3A_908 = tpu.vector_load %arg9[%get3A_906, %get3A_907] {strides = array<i32>} : memref<128x128xf32, #tpu.memory_space<vmem>>, vector<1x16xf32>,
          %get3A_909 = vector.shape_cast %get3A_908 : vector<1x16xf32> to vector<16xf32>
          %mul3A_910 = arith.mulf %get3A_909, %broadcast_in_dim3A_881 : vector<16xf32>
          %swap3A_911 = arith.index_cast %add3A_885 : i32 to index
          %swap3A_912 = arith.constant 32 : index
          %swap3A_913 = tpu.vector_load %arg9[%swap3A_911, %swap3A_912] {strides = array<i32>} : memref<128x128xf32, #tpu.memory_space<vmem>>, vector<1x16xf32>,
          %swap3A_914 = vector.shape_cast %swap3A_913 : vector<1x16xf32> to vector<16xf32>
          %swap3A_915 = vector.shape_cast %mul3A_910 : vector<16xf32> to vector<1x16xf32>
          tpu.vector_store %arg9[%swap3A_911, %swap3A_912], %swap3A_915 {strides = array<i32>} : memref<128x128xf32, #tpu.memory_space<vmem>>, vector<1x16xf32>,
          %get3A_916 = arith.index_cast %add3A_885 : i32 to index
          %get3A_917 = arith.constant 48 : index
          %get3A_918 = tpu.vector_load %arg9[%get3A_916, %get3A_917] {strides = array<i32>} : memref<128x128xf32, #tpu.memory_space<vmem>>, vector<1x16xf32>,
          %get3A_919 = vector.shape_cast %get3A_918 : vector<1x16xf32> to vector<16xf32>
          %mul3A_920 = arith.mulf %get3A_919, %broadcast_in_dim3A_881 : vector<16xf32>
          %swap3A_921 = arith.index_cast %add3A_885 : i32 to index
          %swap3A_922 = arith.constant 48 : index
          %swap3A_923 = tpu.vector_load %arg9[%swap3A_921, %swap3A_922] {strides = array<i32>} : memref<128x128xf32, #tpu.memory_space<vmem>>, vector<1x16xf32>,
          %swap3A_924 = vector.shape_cast %swap3A_923 : vector<1x16xf32> to vector<16xf32>
          %swap3A_925 = vector.shape_cast %mul3A_920 : vector<16xf32> to vector<1x16xf32>
          tpu.vector_store %arg9[%swap3A_921, %swap3A_922], %swap3A_925 {strides = array<i32>} : memref<128x128xf32, #tpu.memory_space<vmem>>, vector<1x16xf32>,
          %get3A_926 = arith.index_cast %add3A_885 : i32 to index
          %get3A_927 = arith.constant 64 : index
          %get3A_928 = tpu.vector_load %arg9[%get3A_926, %get3A_927] {strides = array<i32>} : memref<128x128xf32, #tpu.memory_space<vmem>>, vector<1x16xf32>,
          %get3A_929 = vector.shape_cast %get3A_928 : vector<1x16xf32> to vector<16xf32>
          %mul3A_930 = arith.mulf %get3A_929, %broadcast_in_dim3A_881 : vector<16xf32>
          %swap3A_931 = arith.index_cast %add3A_885 : i32 to index
          %swap3A_932 = arith.constant 64 : index
          %swap3A_933 = tpu.vector_load %arg9[%swap3A_931, %swap3A_932] {strides = array<i32>} : memref<128x128xf32, #tpu.memory_space<vmem>>, vector<1x16xf32>,
          %swap3A_934 = vector.shape_cast %swap3A_933 : vector<1x16xf32> to vector<16xf32>
          %swap3A_935 = vector.shape_cast %mul3A_930 : vector<16xf32> to vector<1x16xf32>
          tpu.vector_store %arg9[%swap3A_931, %swap3A_932], %swap3A_935 {strides = array<i32>} : memref<128x128xf32, #tpu.memory_space<vmem>>, vector<1x16xf32>,
          %get3A_936 = arith.index_cast %add3A_885 : i32 to index
          %get3A_937 = arith.constant 80 : index
          %get3A_938 = tpu.vector_load %arg9[%get3A_936, %get3A_937] {strides = array<i32>} : memref<128x128xf32, #tpu.memory_space<vmem>>, vector<1x16xf32>,
          %get3A_939 = vector.shape_cast %get3A_938 : vector<1x16xf32> to vector<16xf32>
          %mul3A_940 = arith.mulf %get3A_939, %broadcast_in_dim3A_881 : vector<16xf32>
          %swap3A_941 = arith.index_cast %add3A_885 : i32 to index
          %swap3A_942 = arith.constant 80 : index
          %swap3A_943 = tpu.vector_load %arg9[%swap3A_941, %swap3A_942] {strides = array<i32>} : memref<128x128xf32, #tpu.memory_space<vmem>>, vector<1x16xf32>,
          %swap3A_944 = vector.shape_cast %swap3A_943 : vector<1x16xf32> to vector<16xf32>
          %swap3A_945 = vector.shape_cast %mul3A_940 : vector<16xf32> to vector<1x16xf32>
          tpu.vector_store %arg9[%swap3A_941, %swap3A_942], %swap3A_945 {strides = array<i32>} : memref<128x128xf32, #tpu.memory_space<vmem>>, vector<1x16xf32>,
          %get3A_946 = arith.index_cast %add3A_885 : i32 to index
          %get3A_947 = arith.constant 96 : index
          %get3A_948 = tpu.vector_load %arg9[%get3A_946, %get3A_947] {strides = array<i32>} : memref<128x128xf32, #tpu.memory_space<vmem>>, vector<1x16xf32>,
          %get3A_949 = vector.shape_cast %get3A_948 : vector<1x16xf32> to vector<16xf32>
          %mul3A_950 = arith.mulf %get3A_949, %broadcast_in_dim3A_881 : vector<16xf32>
          %swap3A_951 = arith.index_cast %add3A_885 : i32 to index
          %swap3A_952 = arith.constant 96 : index
          %swap3A_953 = tpu.vector_load %arg9[%swap3A_951, %swap3A_952] {strides = array<i32>} : memref<128x128xf32, #tpu.memory_space<vmem>>, vector<1x16xf32>,
          %swap3A_954 = vector.shape_cast %swap3A_953 : vector<1x16xf32> to vector<16xf32>
          %swap3A_955 = vector.shape_cast %mul3A_950 : vector<16xf32> to vector<1x16xf32>
          tpu.vector_store %arg9[%swap3A_951, %swap3A_952], %swap3A_955 {strides = array<i32>} : memref<128x128xf32, #tpu.memory_space<vmem>>, vector<1x16xf32>,
          %get3A_956 = arith.index_cast %add3A_885 : i32 to index
          %get3A_957 = arith.constant 112 : index
          %get3A_958 = tpu.vector_load %arg9[%get3A_956, %get3A_957] {strides = array<i32>} : memref<128x128xf32, #tpu.memory_space<vmem>>, vector<1x16xf32>,
          %get3A_959 = vector.shape_cast %get3A_958 : vector<1x16xf32> to vector<16xf32>
          %mul3A_960 = arith.mulf %get3A_959, %broadcast_in_dim3A_881 : vector<16xf32>
          %swap3A_961 = arith.index_cast %add3A_885 : i32 to index
          %swap3A_962 = arith.constant 112 : index
          %swap3A_963 = tpu.vector_load %arg9[%swap3A_961, %swap3A_962] {strides = array<i32>} : memref<128x128xf32, #tpu.memory_space<vmem>>, vector<1x16xf32>,
          %swap3A_964 = vector.shape_cast %swap3A_963 : vector<1x16xf32> to vector<16xf32>
          %swap3A_965 = vector.shape_cast %mul3A_960 : vector<16xf32> to vector<1x16xf32>
          tpu.vector_store %arg9[%swap3A_961, %swap3A_962], %swap3A_965 {strides = array<i32>} : memref<128x128xf32, #tpu.memory_space<vmem>>, vector<1x16xf32>,
          %slice3A_966 = vector.extract_strided_slice %get3A_99 {offsets = [10], sizes = [1], strides = [1]} : vector<16xf32> to vector<1xf32>
          %squeeze3A_967 = vector.extract %slice3A_966[0] : f32 from vector<1xf32>
          %broadcast_in_dim3A_968 = vector.broadcast %squeeze3A_967 : f32 to vector<16xf32>
          %mul3A_969 = arith.constant 16 : i32
          %mul3A_970 = arith.muli %scan3A_93, %mul3A_969 : i32
          %add3A_971 = arith.constant 10 : i32
          %add3A_972 = arith.addi %mul3A_970, %add3A_971 : i32
          %get3A_973 = arith.index_cast %add3A_972 : i32 to index
          %get3A_974 = arith.constant 0 : index
          %get3A_975 = tpu.vector_load %arg9[%get3A_973, %get3A_974] {strides = array<i32>} : memref<128x128xf32, #tpu.memory_space<vmem>>, vector<1x16xf32>,
          %get3A_976 = vector.shape_cast %get3A_975 : vector<1x16xf32> to vector<16xf32>
          %mul3A_977 = arith.mulf %get3A_976, %broadcast_in_dim3A_968 : vector<16xf32>
          %swap3A_978 = arith.index_cast %add3A_972 : i32 to index
          %swap3A_979 = arith.constant 0 : index
          %swap3A_980 = tpu.vector_load %arg9[%swap3A_978, %swap3A_979] {strides = array<i32>} : memref<128x128xf32, #tpu.memory_space<vmem>>, vector<1x16xf32>,
          %swap3A_981 = vector.shape_cast %swap3A_980 : vector<1x16xf32> to vector<16xf32>
          %swap3A_982 = vector.shape_cast %mul3A_977 : vector<16xf32> to vector<1x16xf32>
          tpu.vector_store %arg9[%swap3A_978, %swap3A_979], %swap3A_982 {strides = array<i32>} : memref<128x128xf32, #tpu.memory_space<vmem>>, vector<1x16xf32>,
          %get3A_983 = arith.index_cast %add3A_972 : i32 to index
          %get3A_984 = arith.constant 16 : index
          %get3A_985 = tpu.vector_load %arg9[%get3A_983, %get3A_984] {strides = array<i32>} : memref<128x128xf32, #tpu.memory_space<vmem>>, vector<1x16xf32>,
          %get3A_986 = vector.shape_cast %get3A_985 : vector<1x16xf32> to vector<16xf32>
          %mul3A_987 = arith.mulf %get3A_986, %broadcast_in_dim3A_968 : vector<16xf32>
          %swap3A_988 = arith.index_cast %add3A_972 : i32 to index
          %swap3A_989 = arith.constant 16 : index
          %swap3A_990 = tpu.vector_load %arg9[%swap3A_988, %swap3A_989] {strides = array<i32>} : memref<128x128xf32, #tpu.memory_space<vmem>>, vector<1x16xf32>,
          %swap3A_991 = vector.shape_cast %swap3A_990 : vector<1x16xf32> to vector<16xf32>
          %swap3A_992 = vector.shape_cast %mul3A_987 : vector<16xf32> to vector<1x16xf32>
          tpu.vector_store %arg9[%swap3A_988, %swap3A_989], %swap3A_992 {strides = array<i32>} : memref<128x128xf32, #tpu.memory_space<vmem>>, vector<1x16xf32>,
          %get3A_993 = arith.index_cast %add3A_972 : i32 to index
          %get3A_994 = arith.constant 32 : index
          %get3A_995 = tpu.vector_load %arg9[%get3A_993, %get3A_994] {strides = array<i32>} : memref<128x128xf32, #tpu.memory_space<vmem>>, vector<1x16xf32>,
          %get3A_996 = vector.shape_cast %get3A_995 : vector<1x16xf32> to vector<16xf32>
          %mul3A_997 = arith.mulf %get3A_996, %broadcast_in_dim3A_968 : vector<16xf32>
          %swap3A_998 = arith.index_cast %add3A_972 : i32 to index
          %swap3A_999 = arith.constant 32 : index
          %swap3A_1000 = tpu.vector_load %arg9[%swap3A_998, %swap3A_999] {strides = array<i32>} : memref<128x128xf32, #tpu.memory_space<vmem>>, vector<1x16xf32>,
          %swap3A_1001 = vector.shape_cast %swap3A_1000 : vector<1x16xf32> to vector<16xf32>
          %swap3A_1002 = vector.shape_cast %mul3A_997 : vector<16xf32> to vector<1x16xf32>
          tpu.vector_store %arg9[%swap3A_998, %swap3A_999], %swap3A_1002 {strides = array<i32>} : memref<128x128xf32, #tpu.memory_space<vmem>>, vector<1x16xf32>,
          %get3A_1003 = arith.index_cast %add3A_972 : i32 to index
          %get3A_1004 = arith.constant 48 : index
          %get3A_1005 = tpu.vector_load %arg9[%get3A_1003, %get3A_1004] {strides = array<i32>} : memref<128x128xf32, #tpu.memory_space<vmem>>, vector<1x16xf32>,
          %get3A_1006 = vector.shape_cast %get3A_1005 : vector<1x16xf32> to vector<16xf32>
          %mul3A_1007 = arith.mulf %get3A_1006, %broadcast_in_dim3A_968 : vector<16xf32>
          %swap3A_1008 = arith.index_cast %add3A_972 : i32 to index
          %swap3A_1009 = arith.constant 48 : index
          %swap3A_1010 = tpu.vector_load %arg9[%swap3A_1008, %swap3A_1009] {strides = array<i32>} : memref<128x128xf32, #tpu.memory_space<vmem>>, vector<1x16xf32>,
          %swap3A_1011 = vector.shape_cast %swap3A_1010 : vector<1x16xf32> to vector<16xf32>
          %swap3A_1012 = vector.shape_cast %mul3A_1007 : vector<16xf32> to vector<1x16xf32>
          tpu.vector_store %arg9[%swap3A_1008, %swap3A_1009], %swap3A_1012 {strides = array<i32>} : memref<128x128xf32, #tpu.memory_space<vmem>>, vector<1x16xf32>,
          %get3A_1013 = arith.index_cast %add3A_972 : i32 to index
          %get3A_1014 = arith.constant 64 : index
          %get3A_1015 = tpu.vector_load %arg9[%get3A_1013, %get3A_1014] {strides = array<i32>} : memref<128x128xf32, #tpu.memory_space<vmem>>, vector<1x16xf32>,
          %get3A_1016 = vector.shape_cast %get3A_1015 : vector<1x16xf32> to vector<16xf32>
          %mul3A_1017 = arith.mulf %get3A_1016, %broadcast_in_dim3A_968 : vector<16xf32>
          %swap3A_1018 = arith.index_cast %add3A_972 : i32 to index
          %swap3A_1019 = arith.constant 64 : index
          %swap3A_1020 = tpu.vector_load %arg9[%swap3A_1018, %swap3A_1019] {strides = array<i32>} : memref<128x128xf32, #tpu.memory_space<vmem>>, vector<1x16xf32>,
          %swap3A_1021 = vector.shape_cast %swap3A_1020 : vector<1x16xf32> to vector<16xf32>
          %swap3A_1022 = vector.shape_cast %mul3A_1017 : vector<16xf32> to vector<1x16xf32>
          tpu.vector_store %arg9[%swap3A_1018, %swap3A_1019], %swap3A_1022 {strides = array<i32>} : memref<128x128xf32, #tpu.memory_space<vmem>>, vector<1x16xf32>,
          %get3A_1023 = arith.index_cast %add3A_972 : i32 to index
          %get3A_1024 = arith.constant 80 : index
          %get3A_1025 = tpu.vector_load %arg9[%get3A_1023, %get3A_1024] {strides = array<i32>} : memref<128x128xf32, #tpu.memory_space<vmem>>, vector<1x16xf32>,
          %get3A_1026 = vector.shape_cast %get3A_1025 : vector<1x16xf32> to vector<16xf32>
          %mul3A_1027 = arith.mulf %get3A_1026, %broadcast_in_dim3A_968 : vector<16xf32>
          %swap3A_1028 = arith.index_cast %add3A_972 : i32 to index
          %swap3A_1029 = arith.constant 80 : index
          %swap3A_1030 = tpu.vector_load %arg9[%swap3A_1028, %swap3A_1029] {strides = array<i32>} : memref<128x128xf32, #tpu.memory_space<vmem>>, vector<1x16xf32>,
          %swap3A_1031 = vector.shape_cast %swap3A_1030 : vector<1x16xf32> to vector<16xf32>
          %swap3A_1032 = vector.shape_cast %mul3A_1027 : vector<16xf32> to vector<1x16xf32>
          tpu.vector_store %arg9[%swap3A_1028, %swap3A_1029], %swap3A_1032 {strides = array<i32>} : memref<128x128xf32, #tpu.memory_space<vmem>>, vector<1x16xf32>,
          %get3A_1033 = arith.index_cast %add3A_972 : i32 to index
          %get3A_1034 = arith.constant 96 : index
          %get3A_1035 = tpu.vector_load %arg9[%get3A_1033, %get3A_1034] {strides = array<i32>} : memref<128x128xf32, #tpu.memory_space<vmem>>, vector<1x16xf32>,
          %get3A_1036 = vector.shape_cast %get3A_1035 : vector<1x16xf32> to vector<16xf32>
          %mul3A_1037 = arith.mulf %get3A_1036, %broadcast_in_dim3A_968 : vector<16xf32>
          %swap3A_1038 = arith.index_cast %add3A_972 : i32 to index
          %swap3A_1039 = arith.constant 96 : index
          %swap3A_1040 = tpu.vector_load %arg9[%swap3A_1038, %swap3A_1039] {strides = array<i32>} : memref<128x128xf32, #tpu.memory_space<vmem>>, vector<1x16xf32>,
          %swap3A_1041 = vector.shape_cast %swap3A_1040 : vector<1x16xf32> to vector<16xf32>
          %swap3A_1042 = vector.shape_cast %mul3A_1037 : vector<16xf32> to vector<1x16xf32>
          tpu.vector_store %arg9[%swap3A_1038, %swap3A_1039], %swap3A_1042 {strides = array<i32>} : memref<128x128xf32, #tpu.memory_space<vmem>>, vector<1x16xf32>,
          %get3A_1043 = arith.index_cast %add3A_972 : i32 to index
          %get3A_1044 = arith.constant 112 : index
          %get3A_1045 = tpu.vector_load %arg9[%get3A_1043, %get3A_1044] {strides = array<i32>} : memref<128x128xf32, #tpu.memory_space<vmem>>, vector<1x16xf32>,
          %get3A_1046 = vector.shape_cast %get3A_1045 : vector<1x16xf32> to vector<16xf32>
          %mul3A_1047 = arith.mulf %get3A_1046, %broadcast_in_dim3A_968 : vector<16xf32>
          %swap3A_1048 = arith.index_cast %add3A_972 : i32 to index
          %swap3A_1049 = arith.constant 112 : index
          %swap3A_1050 = tpu.vector_load %arg9[%swap3A_1048, %swap3A_1049] {strides = array<i32>} : memref<128x128xf32, #tpu.memory_space<vmem>>, vector<1x16xf32>,
          %swap3A_1051 = vector.shape_cast %swap3A_1050 : vector<1x16xf32> to vector<16xf32>
          %swap3A_1052 = vector.shape_cast %mul3A_1047 : vector<16xf32> to vector<1x16xf32>
          tpu.vector_store %arg9[%swap3A_1048, %swap3A_1049], %swap3A_1052 {strides = array<i32>} : memref<128x128xf32, #tpu.memory_space<vmem>>, vector<1x16xf32>,
          %slice3A_1053 = vector.extract_strided_slice %get3A_99 {offsets = [11], sizes = [1], strides = [1]} : vector<16xf32> to vector<1xf32>
          %squeeze3A_1054 = vector.extract %slice3A_1053[0] : f32 from vector<1xf32>
          %broadcast_in_dim3A_1055 = vector.broadcast %squeeze3A_1054 : f32 to vector<16xf32>
          %mul3A_1056 = arith.constant 16 : i32
          %mul3A_1057 = arith.muli %scan3A_93, %mul3A_1056 : i32
          %add3A_1058 = arith.constant 11 : i32
          %add3A_1059 = arith.addi %mul3A_1057, %add3A_1058 : i32
          %get3A_1060 = arith.index_cast %add3A_1059 : i32 to index
          %get3A_1061 = arith.constant 0 : index
          %get3A_1062 = tpu.vector_load %arg9[%get3A_1060, %get3A_1061] {strides = array<i32>} : memref<128x128xf32, #tpu.memory_space<vmem>>, vector<1x16xf32>,
          %get3A_1063 = vector.shape_cast %get3A_1062 : vector<1x16xf32> to vector<16xf32>
          %mul3A_1064 = arith.mulf %get3A_1063, %broadcast_in_dim3A_1055 : vector<16xf32>
          %swap3A_1065 = arith.index_cast %add3A_1059 : i32 to index
          %swap3A_1066 = arith.constant 0 : index
          %swap3A_1067 = tpu.vector_load %arg9[%swap3A_1065, %swap3A_1066] {strides = array<i32>} : memref<128x128xf32, #tpu.memory_space<vmem>>, vector<1x16xf32>,
          %swap3A_1068 = vector.shape_cast %swap3A_1067 : vector<1x16xf32> to vector<16xf32>
          %swap3A_1069 = vector.shape_cast %mul3A_1064 : vector<16xf32> to vector<1x16xf32>
          tpu.vector_store %arg9[%swap3A_1065, %swap3A_1066], %swap3A_1069 {strides = array<i32>} : memref<128x128xf32, #tpu.memory_space<vmem>>, vector<1x16xf32>,
          %get3A_1070 = arith.index_cast %add3A_1059 : i32 to index
          %get3A_1071 = arith.constant 16 : index
          %get3A_1072 = tpu.vector_load %arg9[%get3A_1070, %get3A_1071] {strides = array<i32>} : memref<128x128xf32, #tpu.memory_space<vmem>>, vector<1x16xf32>,
          %get3A_1073 = vector.shape_cast %get3A_1072 : vector<1x16xf32> to vector<16xf32>
          %mul3A_1074 = arith.mulf %get3A_1073, %broadcast_in_dim3A_1055 : vector<16xf32>
          %swap3A_1075 = arith.index_cast %add3A_1059 : i32 to index
          %swap3A_1076 = arith.constant 16 : index
          %swap3A_1077 = tpu.vector_load %arg9[%swap3A_1075, %swap3A_1076] {strides = array<i32>} : memref<128x128xf32, #tpu.memory_space<vmem>>, vector<1x16xf32>,
          %swap3A_1078 = vector.shape_cast %swap3A_1077 : vector<1x16xf32> to vector<16xf32>
          %swap3A_1079 = vector.shape_cast %mul3A_1074 : vector<16xf32> to vector<1x16xf32>
          tpu.vector_store %arg9[%swap3A_1075, %swap3A_1076], %swap3A_1079 {strides = array<i32>} : memref<128x128xf32, #tpu.memory_space<vmem>>, vector<1x16xf32>,
          %get3A_1080 = arith.index_cast %add3A_1059 : i32 to index
          %get3A_1081 = arith.constant 32 : index
          %get3A_1082 = tpu.vector_load %arg9[%get3A_1080, %get3A_1081] {strides = array<i32>} : memref<128x128xf32, #tpu.memory_space<vmem>>, vector<1x16xf32>,
          %get3A_1083 = vector.shape_cast %get3A_1082 : vector<1x16xf32> to vector<16xf32>
          %mul3A_1084 = arith.mulf %get3A_1083, %broadcast_in_dim3A_1055 : vector<16xf32>
          %swap3A_1085 = arith.index_cast %add3A_1059 : i32 to index
          %swap3A_1086 = arith.constant 32 : index
          %swap3A_1087 = tpu.vector_load %arg9[%swap3A_1085, %swap3A_1086] {strides = array<i32>} : memref<128x128xf32, #tpu.memory_space<vmem>>, vector<1x16xf32>,
          %swap3A_1088 = vector.shape_cast %swap3A_1087 : vector<1x16xf32> to vector<16xf32>
          %swap3A_1089 = vector.shape_cast %mul3A_1084 : vector<16xf32> to vector<1x16xf32>
          tpu.vector_store %arg9[%swap3A_1085, %swap3A_1086], %swap3A_1089 {strides = array<i32>} : memref<128x128xf32, #tpu.memory_space<vmem>>, vector<1x16xf32>,
          %get3A_1090 = arith.index_cast %add3A_1059 : i32 to index
          %get3A_1091 = arith.constant 48 : index
          %get3A_1092 = tpu.vector_load %arg9[%get3A_1090, %get3A_1091] {strides = array<i32>} : memref<128x128xf32, #tpu.memory_space<vmem>>, vector<1x16xf32>,
          %get3A_1093 = vector.shape_cast %get3A_1092 : vector<1x16xf32> to vector<16xf32>
          %mul3A_1094 = arith.mulf %get3A_1093, %broadcast_in_dim3A_1055 : vector<16xf32>
          %swap3A_1095 = arith.index_cast %add3A_1059 : i32 to index
          %swap3A_1096 = arith.constant 48 : index
          %swap3A_1097 = tpu.vector_load %arg9[%swap3A_1095, %swap3A_1096] {strides = array<i32>} : memref<128x128xf32, #tpu.memory_space<vmem>>, vector<1x16xf32>,
          %swap3A_1098 = vector.shape_cast %swap3A_1097 : vector<1x16xf32> to vector<16xf32>
          %swap3A_1099 = vector.shape_cast %mul3A_1094 : vector<16xf32> to vector<1x16xf32>
          tpu.vector_store %arg9[%swap3A_1095, %swap3A_1096], %swap3A_1099 {strides = array<i32>} : memref<128x128xf32, #tpu.memory_space<vmem>>, vector<1x16xf32>,
          %get3A_1100 = arith.index_cast %add3A_1059 : i32 to index
          %get3A_1101 = arith.constant 64 : index
          %get3A_1102 = tpu.vector_load %arg9[%get3A_1100, %get3A_1101] {strides = array<i32>} : memref<128x128xf32, #tpu.memory_space<vmem>>, vector<1x16xf32>,
          %get3A_1103 = vector.shape_cast %get3A_1102 : vector<1x16xf32> to vector<16xf32>
          %mul3A_1104 = arith.mulf %get3A_1103, %broadcast_in_dim3A_1055 : vector<16xf32>
          %swap3A_1105 = arith.index_cast %add3A_1059 : i32 to index
          %swap3A_1106 = arith.constant 64 : index
          %swap3A_1107 = tpu.vector_load %arg9[%swap3A_1105, %swap3A_1106] {strides = array<i32>} : memref<128x128xf32, #tpu.memory_space<vmem>>, vector<1x16xf32>,
          %swap3A_1108 = vector.shape_cast %swap3A_1107 : vector<1x16xf32> to vector<16xf32>
          %swap3A_1109 = vector.shape_cast %mul3A_1104 : vector<16xf32> to vector<1x16xf32>
          tpu.vector_store %arg9[%swap3A_1105, %swap3A_1106], %swap3A_1109 {strides = array<i32>} : memref<128x128xf32, #tpu.memory_space<vmem>>, vector<1x16xf32>,
          %get3A_1110 = arith.index_cast %add3A_1059 : i32 to index
          %get3A_1111 = arith.constant 80 : index
          %get3A_1112 = tpu.vector_load %arg9[%get3A_1110, %get3A_1111] {strides = array<i32>} : memref<128x128xf32, #tpu.memory_space<vmem>>, vector<1x16xf32>,
          %get3A_1113 = vector.shape_cast %get3A_1112 : vector<1x16xf32> to vector<16xf32>
          %mul3A_1114 = arith.mulf %get3A_1113, %broadcast_in_dim3A_1055 : vector<16xf32>
          %swap3A_1115 = arith.index_cast %add3A_1059 : i32 to index
          %swap3A_1116 = arith.constant 80 : index
          %swap3A_1117 = tpu.vector_load %arg9[%swap3A_1115, %swap3A_1116] {strides = array<i32>} : memref<128x128xf32, #tpu.memory_space<vmem>>, vector<1x16xf32>,
          %swap3A_1118 = vector.shape_cast %swap3A_1117 : vector<1x16xf32> to vector<16xf32>
          %swap3A_1119 = vector.shape_cast %mul3A_1114 : vector<16xf32> to vector<1x16xf32>
          tpu.vector_store %arg9[%swap3A_1115, %swap3A_1116], %swap3A_1119 {strides = array<i32>} : memref<128x128xf32, #tpu.memory_space<vmem>>, vector<1x16xf32>,
          %get3A_1120 = arith.index_cast %add3A_1059 : i32 to index
          %get3A_1121 = arith.constant 96 : index
          %get3A_1122 = tpu.vector_load %arg9[%get3A_1120, %get3A_1121] {strides = array<i32>} : memref<128x128xf32, #tpu.memory_space<vmem>>, vector<1x16xf32>,
          %get3A_1123 = vector.shape_cast %get3A_1122 : vector<1x16xf32> to vector<16xf32>
          %mul3A_1124 = arith.mulf %get3A_1123, %broadcast_in_dim3A_1055 : vector<16xf32>
          %swap3A_1125 = arith.index_cast %add3A_1059 : i32 to index
          %swap3A_1126 = arith.constant 96 : index
          %swap3A_1127 = tpu.vector_load %arg9[%swap3A_1125, %swap3A_1126] {strides = array<i32>} : memref<128x128xf32, #tpu.memory_space<vmem>>, vector<1x16xf32>,
          %swap3A_1128 = vector.shape_cast %swap3A_1127 : vector<1x16xf32> to vector<16xf32>
          %swap3A_1129 = vector.shape_cast %mul3A_1124 : vector<16xf32> to vector<1x16xf32>
          tpu.vector_store %arg9[%swap3A_1125, %swap3A_1126], %swap3A_1129 {strides = array<i32>} : memref<128x128xf32, #tpu.memory_space<vmem>>, vector<1x16xf32>,
          %get3A_1130 = arith.index_cast %add3A_1059 : i32 to index
          %get3A_1131 = arith.constant 112 : index
          %get3A_1132 = tpu.vector_load %arg9[%get3A_1130, %get3A_1131] {strides = array<i32>} : memref<128x128xf32, #tpu.memory_space<vmem>>, vector<1x16xf32>,
          %get3A_1133 = vector.shape_cast %get3A_1132 : vector<1x16xf32> to vector<16xf32>
          %mul3A_1134 = arith.mulf %get3A_1133, %broadcast_in_dim3A_1055 : vector<16xf32>
          %swap3A_1135 = arith.index_cast %add3A_1059 : i32 to index
          %swap3A_1136 = arith.constant 112 : index
          %swap3A_1137 = tpu.vector_load %arg9[%swap3A_1135, %swap3A_1136] {strides = array<i32>} : memref<128x128xf32, #tpu.memory_space<vmem>>, vector<1x16xf32>,
          %swap3A_1138 = vector.shape_cast %swap3A_1137 : vector<1x16xf32> to vector<16xf32>
          %swap3A_1139 = vector.shape_cast %mul3A_1134 : vector<16xf32> to vector<1x16xf32>
          tpu.vector_store %arg9[%swap3A_1135, %swap3A_1136], %swap3A_1139 {strides = array<i32>} : memref<128x128xf32, #tpu.memory_space<vmem>>, vector<1x16xf32>,
          %slice3A_1140 = vector.extract_strided_slice %get3A_99 {offsets = [12], sizes = [1], strides = [1]} : vector<16xf32> to vector<1xf32>
          %squeeze3A_1141 = vector.extract %slice3A_1140[0] : f32 from vector<1xf32>
          %broadcast_in_dim3A_1142 = vector.broadcast %squeeze3A_1141 : f32 to vector<16xf32>
          %mul3A_1143 = arith.constant 16 : i32
          %mul3A_1144 = arith.muli %scan3A_93, %mul3A_1143 : i32
          %add3A_1145 = arith.constant 12 : i32
          %add3A_1146 = arith.addi %mul3A_1144, %add3A_1145 : i32
          %get3A_1147 = arith.index_cast %add3A_1146 : i32 to index
          %get3A_1148 = arith.constant 0 : index
          %get3A_1149 = tpu.vector_load %arg9[%get3A_1147, %get3A_1148] {strides = array<i32>} : memref<128x128xf32, #tpu.memory_space<vmem>>, vector<1x16xf32>,
          %get3A_1150 = vector.shape_cast %get3A_1149 : vector<1x16xf32> to vector<16xf32>
          %mul3A_1151 = arith.mulf %get3A_1150, %broadcast_in_dim3A_1142 : vector<16xf32>
          %swap3A_1152 = arith.index_cast %add3A_1146 : i32 to index
          %swap3A_1153 = arith.constant 0 : index
          %swap3A_1154 = tpu.vector_load %arg9[%swap3A_1152, %swap3A_1153] {strides = array<i32>} : memref<128x128xf32, #tpu.memory_space<vmem>>, vector<1x16xf32>,
          %swap3A_1155 = vector.shape_cast %swap3A_1154 : vector<1x16xf32> to vector<16xf32>
          %swap3A_1156 = vector.shape_cast %mul3A_1151 : vector<16xf32> to vector<1x16xf32>
          tpu.vector_store %arg9[%swap3A_1152, %swap3A_1153], %swap3A_1156 {strides = array<i32>} : memref<128x128xf32, #tpu.memory_space<vmem>>, vector<1x16xf32>,
          %get3A_1157 = arith.index_cast %add3A_1146 : i32 to index
          %get3A_1158 = arith.constant 16 : index
          %get3A_1159 = tpu.vector_load %arg9[%get3A_1157, %get3A_1158] {strides = array<i32>} : memref<128x128xf32, #tpu.memory_space<vmem>>, vector<1x16xf32>,
          %get3A_1160 = vector.shape_cast %get3A_1159 : vector<1x16xf32> to vector<16xf32>
          %mul3A_1161 = arith.mulf %get3A_1160, %broadcast_in_dim3A_1142 : vector<16xf32>
          %swap3A_1162 = arith.index_cast %add3A_1146 : i32 to index
          %swap3A_1163 = arith.constant 16 : index
          %swap3A_1164 = tpu.vector_load %arg9[%swap3A_1162, %swap3A_1163] {strides = array<i32>} : memref<128x128xf32, #tpu.memory_space<vmem>>, vector<1x16xf32>,
          %swap3A_1165 = vector.shape_cast %swap3A_1164 : vector<1x16xf32> to vector<16xf32>
          %swap3A_1166 = vector.shape_cast %mul3A_1161 : vector<16xf32> to vector<1x16xf32>
          tpu.vector_store %arg9[%swap3A_1162, %swap3A_1163], %swap3A_1166 {strides = array<i32>} : memref<128x128xf32, #tpu.memory_space<vmem>>, vector<1x16xf32>,
          %get3A_1167 = arith.index_cast %add3A_1146 : i32 to index
          %get3A_1168 = arith.constant 32 : index
          %get3A_1169 = tpu.vector_load %arg9[%get3A_1167, %get3A_1168] {strides = array<i32>} : memref<128x128xf32, #tpu.memory_space<vmem>>, vector<1x16xf32>,
          %get3A_1170 = vector.shape_cast %get3A_1169 : vector<1x16xf32> to vector<16xf32>
          %mul3A_1171 = arith.mulf %get3A_1170, %broadcast_in_dim3A_1142 : vector<16xf32>
          %swap3A_1172 = arith.index_cast %add3A_1146 : i32 to index
          %swap3A_1173 = arith.constant 32 : index
          %swap3A_1174 = tpu.vector_load %arg9[%swap3A_1172, %swap3A_1173] {strides = array<i32>} : memref<128x128xf32, #tpu.memory_space<vmem>>, vector<1x16xf32>,
          %swap3A_1175 = vector.shape_cast %swap3A_1174 : vector<1x16xf32> to vector<16xf32>
          %swap3A_1176 = vector.shape_cast %mul3A_1171 : vector<16xf32> to vector<1x16xf32>
          tpu.vector_store %arg9[%swap3A_1172, %swap3A_1173], %swap3A_1176 {strides = array<i32>} : memref<128x128xf32, #tpu.memory_space<vmem>>, vector<1x16xf32>,
          %get3A_1177 = arith.index_cast %add3A_1146 : i32 to index
          %get3A_1178 = arith.constant 48 : index
          %get3A_1179 = tpu.vector_load %arg9[%get3A_1177, %get3A_1178] {strides = array<i32>} : memref<128x128xf32, #tpu.memory_space<vmem>>, vector<1x16xf32>,
          %get3A_1180 = vector.shape_cast %get3A_1179 : vector<1x16xf32> to vector<16xf32>
          %mul3A_1181 = arith.mulf %get3A_1180, %broadcast_in_dim3A_1142 : vector<16xf32>
          %swap3A_1182 = arith.index_cast %add3A_1146 : i32 to index
          %swap3A_1183 = arith.constant 48 : index
          %swap3A_1184 = tpu.vector_load %arg9[%swap3A_1182, %swap3A_1183] {strides = array<i32>} : memref<128x128xf32, #tpu.memory_space<vmem>>, vector<1x16xf32>,
          %swap3A_1185 = vector.shape_cast %swap3A_1184 : vector<1x16xf32> to vector<16xf32>
          %swap3A_1186 = vector.shape_cast %mul3A_1181 : vector<16xf32> to vector<1x16xf32>
          tpu.vector_store %arg9[%swap3A_1182, %swap3A_1183], %swap3A_1186 {strides = array<i32>} : memref<128x128xf32, #tpu.memory_space<vmem>>, vector<1x16xf32>,
          %get3A_1187 = arith.index_cast %add3A_1146 : i32 to index
          %get3A_1188 = arith.constant 64 : index
          %get3A_1189 = tpu.vector_load %arg9[%get3A_1187, %get3A_1188] {strides = array<i32>} : memref<128x128xf32, #tpu.memory_space<vmem>>, vector<1x16xf32>,
          %get3A_1190 = vector.shape_cast %get3A_1189 : vector<1x16xf32> to vector<16xf32>
          %mul3A_1191 = arith.mulf %get3A_1190, %broadcast_in_dim3A_1142 : vector<16xf32>
          %swap3A_1192 = arith.index_cast %add3A_1146 : i32 to index
          %swap3A_1193 = arith.constant 64 : index
          %swap3A_1194 = tpu.vector_load %arg9[%swap3A_1192, %swap3A_1193] {strides = array<i32>} : memref<128x128xf32, #tpu.memory_space<vmem>>, vector<1x16xf32>,
          %swap3A_1195 = vector.shape_cast %swap3A_1194 : vector<1x16xf32> to vector<16xf32>
          %swap3A_1196 = vector.shape_cast %mul3A_1191 : vector<16xf32> to vector<1x16xf32>
          tpu.vector_store %arg9[%swap3A_1192, %swap3A_1193], %swap3A_1196 {strides = array<i32>} : memref<128x128xf32, #tpu.memory_space<vmem>>, vector<1x16xf32>,
          %get3A_1197 = arith.index_cast %add3A_1146 : i32 to index
          %get3A_1198 = arith.constant 80 : index
          %get3A_1199 = tpu.vector_load %arg9[%get3A_1197, %get3A_1198] {strides = array<i32>} : memref<128x128xf32, #tpu.memory_space<vmem>>, vector<1x16xf32>,
          %get3A_1200 = vector.shape_cast %get3A_1199 : vector<1x16xf32> to vector<16xf32>
          %mul3A_1201 = arith.mulf %get3A_1200, %broadcast_in_dim3A_1142 : vector<16xf32>
          %swap3A_1202 = arith.index_cast %add3A_1146 : i32 to index
          %swap3A_1203 = arith.constant 80 : index
          %swap3A_1204 = tpu.vector_load %arg9[%swap3A_1202, %swap3A_1203] {strides = array<i32>} : memref<128x128xf32, #tpu.memory_space<vmem>>, vector<1x16xf32>,
          %swap3A_1205 = vector.shape_cast %swap3A_1204 : vector<1x16xf32> to vector<16xf32>
          %swap3A_1206 = vector.shape_cast %mul3A_1201 : vector<16xf32> to vector<1x16xf32>
          tpu.vector_store %arg9[%swap3A_1202, %swap3A_1203], %swap3A_1206 {strides = array<i32>} : memref<128x128xf32, #tpu.memory_space<vmem>>, vector<1x16xf32>,
          %get3A_1207 = arith.index_cast %add3A_1146 : i32 to index
          %get3A_1208 = arith.constant 96 : index
          %get3A_1209 = tpu.vector_load %arg9[%get3A_1207, %get3A_1208] {strides = array<i32>} : memref<128x128xf32, #tpu.memory_space<vmem>>, vector<1x16xf32>,
          %get3A_1210 = vector.shape_cast %get3A_1209 : vector<1x16xf32> to vector<16xf32>
          %mul3A_1211 = arith.mulf %get3A_1210, %broadcast_in_dim3A_1142 : vector<16xf32>
          %swap3A_1212 = arith.index_cast %add3A_1146 : i32 to index
          %swap3A_1213 = arith.constant 96 : index
          %swap3A_1214 = tpu.vector_load %arg9[%swap3A_1212, %swap3A_1213] {strides = array<i32>} : memref<128x128xf32, #tpu.memory_space<vmem>>, vector<1x16xf32>,
          %swap3A_1215 = vector.shape_cast %swap3A_1214 : vector<1x16xf32> to vector<16xf32>
          %swap3A_1216 = vector.shape_cast %mul3A_1211 : vector<16xf32> to vector<1x16xf32>
          tpu.vector_store %arg9[%swap3A_1212, %swap3A_1213], %swap3A_1216 {strides = array<i32>} : memref<128x128xf32, #tpu.memory_space<vmem>>, vector<1x16xf32>,
          %get3A_1217 = arith.index_cast %add3A_1146 : i32 to index
          %get3A_1218 = arith.constant 112 : index
          %get3A_1219 = tpu.vector_load %arg9[%get3A_1217, %get3A_1218] {strides = array<i32>} : memref<128x128xf32, #tpu.memory_space<vmem>>, vector<1x16xf32>,
          %get3A_1220 = vector.shape_cast %get3A_1219 : vector<1x16xf32> to vector<16xf32>
          %mul3A_1221 = arith.mulf %get3A_1220, %broadcast_in_dim3A_1142 : vector<16xf32>
          %swap3A_1222 = arith.index_cast %add3A_1146 : i32 to index
          %swap3A_1223 = arith.constant 112 : index
          %swap3A_1224 = tpu.vector_load %arg9[%swap3A_1222, %swap3A_1223] {strides = array<i32>} : memref<128x128xf32, #tpu.memory_space<vmem>>, vector<1x16xf32>,
          %swap3A_1225 = vector.shape_cast %swap3A_1224 : vector<1x16xf32> to vector<16xf32>
          %swap3A_1226 = vector.shape_cast %mul3A_1221 : vector<16xf32> to vector<1x16xf32>
          tpu.vector_store %arg9[%swap3A_1222, %swap3A_1223], %swap3A_1226 {strides = array<i32>} : memref<128x128xf32, #tpu.memory_space<vmem>>, vector<1x16xf32>,
          %slice3A_1227 = vector.extract_strided_slice %get3A_99 {offsets = [13], sizes = [1], strides = [1]} : vector<16xf32> to vector<1xf32>
          %squeeze3A_1228 = vector.extract %slice3A_1227[0] : f32 from vector<1xf32>
          %broadcast_in_dim3A_1229 = vector.broadcast %squeeze3A_1228 : f32 to vector<16xf32>
          %mul3A_1230 = arith.constant 16 : i32
          %mul3A_1231 = arith.muli %scan3A_93, %mul3A_1230 : i32
          %add3A_1232 = arith.constant 13 : i32
          %add3A_1233 = arith.addi %mul3A_1231, %add3A_1232 : i32
          %get3A_1234 = arith.index_cast %add3A_1233 : i32 to index
          %get3A_1235 = arith.constant 0 : index
          %get3A_1236 = tpu.vector_load %arg9[%get3A_1234, %get3A_1235] {strides = array<i32>} : memref<128x128xf32, #tpu.memory_space<vmem>>, vector<1x16xf32>,
          %get3A_1237 = vector.shape_cast %get3A_1236 : vector<1x16xf32> to vector<16xf32>
          %mul3A_1238 = arith.mulf %get3A_1237, %broadcast_in_dim3A_1229 : vector<16xf32>
          %swap3A_1239 = arith.index_cast %add3A_1233 : i32 to index
          %swap3A_1240 = arith.constant 0 : index
          %swap3A_1241 = tpu.vector_load %arg9[%swap3A_1239, %swap3A_1240] {strides = array<i32>} : memref<128x128xf32, #tpu.memory_space<vmem>>, vector<1x16xf32>,
          %swap3A_1242 = vector.shape_cast %swap3A_1241 : vector<1x16xf32> to vector<16xf32>
          %swap3A_1243 = vector.shape_cast %mul3A_1238 : vector<16xf32> to vector<1x16xf32>
          tpu.vector_store %arg9[%swap3A_1239, %swap3A_1240], %swap3A_1243 {strides = array<i32>} : memref<128x128xf32, #tpu.memory_space<vmem>>, vector<1x16xf32>,
          %get3A_1244 = arith.index_cast %add3A_1233 : i32 to index
          %get3A_1245 = arith.constant 16 : index
          %get3A_1246 = tpu.vector_load %arg9[%get3A_1244, %get3A_1245] {strides = array<i32>} : memref<128x128xf32, #tpu.memory_space<vmem>>, vector<1x16xf32>,
          %get3A_1247 = vector.shape_cast %get3A_1246 : vector<1x16xf32> to vector<16xf32>
          %mul3A_1248 = arith.mulf %get3A_1247, %broadcast_in_dim3A_1229 : vector<16xf32>
          %swap3A_1249 = arith.index_cast %add3A_1233 : i32 to index
          %swap3A_1250 = arith.constant 16 : index
          %swap3A_1251 = tpu.vector_load %arg9[%swap3A_1249, %swap3A_1250] {strides = array<i32>} : memref<128x128xf32, #tpu.memory_space<vmem>>, vector<1x16xf32>,
          %swap3A_1252 = vector.shape_cast %swap3A_1251 : vector<1x16xf32> to vector<16xf32>
          %swap3A_1253 = vector.shape_cast %mul3A_1248 : vector<16xf32> to vector<1x16xf32>
          tpu.vector_store %arg9[%swap3A_1249, %swap3A_1250], %swap3A_1253 {strides = array<i32>} : memref<128x128xf32, #tpu.memory_space<vmem>>, vector<1x16xf32>,
          %get3A_1254 = arith.index_cast %add3A_1233 : i32 to index
          %get3A_1255 = arith.constant 32 : index
          %get3A_1256 = tpu.vector_load %arg9[%get3A_1254, %get3A_1255] {strides = array<i32>} : memref<128x128xf32, #tpu.memory_space<vmem>>, vector<1x16xf32>,
          %get3A_1257 = vector.shape_cast %get3A_1256 : vector<1x16xf32> to vector<16xf32>
          %mul3A_1258 = arith.mulf %get3A_1257, %broadcast_in_dim3A_1229 : vector<16xf32>
          %swap3A_1259 = arith.index_cast %add3A_1233 : i32 to index
          %swap3A_1260 = arith.constant 32 : index
          %swap3A_1261 = tpu.vector_load %arg9[%swap3A_1259, %swap3A_1260] {strides = array<i32>} : memref<128x128xf32, #tpu.memory_space<vmem>>, vector<1x16xf32>,
          %swap3A_1262 = vector.shape_cast %swap3A_1261 : vector<1x16xf32> to vector<16xf32>
          %swap3A_1263 = vector.shape_cast %mul3A_1258 : vector<16xf32> to vector<1x16xf32>
          tpu.vector_store %arg9[%swap3A_1259, %swap3A_1260], %swap3A_1263 {strides = array<i32>} : memref<128x128xf32, #tpu.memory_space<vmem>>, vector<1x16xf32>,
          %get3A_1264 = arith.index_cast %add3A_1233 : i32 to index
          %get3A_1265 = arith.constant 48 : index
          %get3A_1266 = tpu.vector_load %arg9[%get3A_1264, %get3A_1265] {strides = array<i32>} : memref<128x128xf32, #tpu.memory_space<vmem>>, vector<1x16xf32>,
          %get3A_1267 = vector.shape_cast %get3A_1266 : vector<1x16xf32> to vector<16xf32>
          %mul3A_1268 = arith.mulf %get3A_1267, %broadcast_in_dim3A_1229 : vector<16xf32>
          %swap3A_1269 = arith.index_cast %add3A_1233 : i32 to index
          %swap3A_1270 = arith.constant 48 : index
          %swap3A_1271 = tpu.vector_load %arg9[%swap3A_1269, %swap3A_1270] {strides = array<i32>} : memref<128x128xf32, #tpu.memory_space<vmem>>, vector<1x16xf32>,
          %swap3A_1272 = vector.shape_cast %swap3A_1271 : vector<1x16xf32> to vector<16xf32>
          %swap3A_1273 = vector.shape_cast %mul3A_1268 : vector<16xf32> to vector<1x16xf32>
          tpu.vector_store %arg9[%swap3A_1269, %swap3A_1270], %swap3A_1273 {strides = array<i32>} : memref<128x128xf32, #tpu.memory_space<vmem>>, vector<1x16xf32>,
          %get3A_1274 = arith.index_cast %add3A_1233 : i32 to index
          %get3A_1275 = arith.constant 64 : index
          %get3A_1276 = tpu.vector_load %arg9[%get3A_1274, %get3A_1275] {strides = array<i32>} : memref<128x128xf32, #tpu.memory_space<vmem>>, vector<1x16xf32>,
          %get3A_1277 = vector.shape_cast %get3A_1276 : vector<1x16xf32> to vector<16xf32>
          %mul3A_1278 = arith.mulf %get3A_1277, %broadcast_in_dim3A_1229 : vector<16xf32>
          %swap3A_1279 = arith.index_cast %add3A_1233 : i32 to index
          %swap3A_1280 = arith.constant 64 : index
          %swap3A_1281 = tpu.vector_load %arg9[%swap3A_1279, %swap3A_1280] {strides = array<i32>} : memref<128x128xf32, #tpu.memory_space<vmem>>, vector<1x16xf32>,
          %swap3A_1282 = vector.shape_cast %swap3A_1281 : vector<1x16xf32> to vector<16xf32>
          %swap3A_1283 = vector.shape_cast %mul3A_1278 : vector<16xf32> to vector<1x16xf32>
          tpu.vector_store %arg9[%swap3A_1279, %swap3A_1280], %swap3A_1283 {strides = array<i32>} : memref<128x128xf32, #tpu.memory_space<vmem>>, vector<1x16xf32>,
          %get3A_1284 = arith.index_cast %add3A_1233 : i32 to index
          %get3A_1285 = arith.constant 80 : index
          %get3A_1286 = tpu.vector_load %arg9[%get3A_1284, %get3A_1285] {strides = array<i32>} : memref<128x128xf32, #tpu.memory_space<vmem>>, vector<1x16xf32>,
          %get3A_1287 = vector.shape_cast %get3A_1286 : vector<1x16xf32> to vector<16xf32>
          %mul3A_1288 = arith.mulf %get3A_1287, %broadcast_in_dim3A_1229 : vector<16xf32>
          %swap3A_1289 = arith.index_cast %add3A_1233 : i32 to index
          %swap3A_1290 = arith.constant 80 : index
          %swap3A_1291 = tpu.vector_load %arg9[%swap3A_1289, %swap3A_1290] {strides = array<i32>} : memref<128x128xf32, #tpu.memory_space<vmem>>, vector<1x16xf32>,
          %swap3A_1292 = vector.shape_cast %swap3A_1291 : vector<1x16xf32> to vector<16xf32>
          %swap3A_1293 = vector.shape_cast %mul3A_1288 : vector<16xf32> to vector<1x16xf32>
          tpu.vector_store %arg9[%swap3A_1289, %swap3A_1290], %swap3A_1293 {strides = array<i32>} : memref<128x128xf32, #tpu.memory_space<vmem>>, vector<1x16xf32>,
          %get3A_1294 = arith.index_cast %add3A_1233 : i32 to index
          %get3A_1295 = arith.constant 96 : index
          %get3A_1296 = tpu.vector_load %arg9[%get3A_1294, %get3A_1295] {strides = array<i32>} : memref<128x128xf32, #tpu.memory_space<vmem>>, vector<1x16xf32>,
          %get3A_1297 = vector.shape_cast %get3A_1296 : vector<1x16xf32> to vector<16xf32>
          %mul3A_1298 = arith.mulf %get3A_1297, %broadcast_in_dim3A_1229 : vector<16xf32>
          %swap3A_1299 = arith.index_cast %add3A_1233 : i32 to index
          %swap3A_1300 = arith.constant 96 : index
          %swap3A_1301 = tpu.vector_load %arg9[%swap3A_1299, %swap3A_1300] {strides = array<i32>} : memref<128x128xf32, #tpu.memory_space<vmem>>, vector<1x16xf32>,
          %swap3A_1302 = vector.shape_cast %swap3A_1301 : vector<1x16xf32> to vector<16xf32>
          %swap3A_1303 = vector.shape_cast %mul3A_1298 : vector<16xf32> to vector<1x16xf32>
          tpu.vector_store %arg9[%swap3A_1299, %swap3A_1300], %swap3A_1303 {strides = array<i32>} : memref<128x128xf32, #tpu.memory_space<vmem>>, vector<1x16xf32>,
          %get3A_1304 = arith.index_cast %add3A_1233 : i32 to index
          %get3A_1305 = arith.constant 112 : index
          %get3A_1306 = tpu.vector_load %arg9[%get3A_1304, %get3A_1305] {strides = array<i32>} : memref<128x128xf32, #tpu.memory_space<vmem>>, vector<1x16xf32>,
          %get3A_1307 = vector.shape_cast %get3A_1306 : vector<1x16xf32> to vector<16xf32>
          %mul3A_1308 = arith.mulf %get3A_1307, %broadcast_in_dim3A_1229 : vector<16xf32>
          %swap3A_1309 = arith.index_cast %add3A_1233 : i32 to index
          %swap3A_1310 = arith.constant 112 : index
          %swap3A_1311 = tpu.vector_load %arg9[%swap3A_1309, %swap3A_1310] {strides = array<i32>} : memref<128x128xf32, #tpu.memory_space<vmem>>, vector<1x16xf32>,
          %swap3A_1312 = vector.shape_cast %swap3A_1311 : vector<1x16xf32> to vector<16xf32>
          %swap3A_1313 = vector.shape_cast %mul3A_1308 : vector<16xf32> to vector<1x16xf32>
          tpu.vector_store %arg9[%swap3A_1309, %swap3A_1310], %swap3A_1313 {strides = array<i32>} : memref<128x128xf32, #tpu.memory_space<vmem>>, vector<1x16xf32>,
          %slice3A_1314 = vector.extract_strided_slice %get3A_99 {offsets = [14], sizes = [1], strides = [1]} : vector<16xf32> to vector<1xf32>
          %squeeze3A_1315 = vector.extract %slice3A_1314[0] : f32 from vector<1xf32>
          %broadcast_in_dim3A_1316 = vector.broadcast %squeeze3A_1315 : f32 to vector<16xf32>
          %mul3A_1317 = arith.constant 16 : i32
          %mul3A_1318 = arith.muli %scan3A_93, %mul3A_1317 : i32
          %add3A_1319 = arith.constant 14 : i32
          %add3A_1320 = arith.addi %mul3A_1318, %add3A_1319 : i32
          %get3A_1321 = arith.index_cast %add3A_1320 : i32 to index
          %get3A_1322 = arith.constant 0 : index
          %get3A_1323 = tpu.vector_load %arg9[%get3A_1321, %get3A_1322] {strides = array<i32>} : memref<128x128xf32, #tpu.memory_space<vmem>>, vector<1x16xf32>,
          %get3A_1324 = vector.shape_cast %get3A_1323 : vector<1x16xf32> to vector<16xf32>
          %mul3A_1325 = arith.mulf %get3A_1324, %broadcast_in_dim3A_1316 : vector<16xf32>
          %swap3A_1326 = arith.index_cast %add3A_1320 : i32 to index
          %swap3A_1327 = arith.constant 0 : index
          %swap3A_1328 = tpu.vector_load %arg9[%swap3A_1326, %swap3A_1327] {strides = array<i32>} : memref<128x128xf32, #tpu.memory_space<vmem>>, vector<1x16xf32>,
          %swap3A_1329 = vector.shape_cast %swap3A_1328 : vector<1x16xf32> to vector<16xf32>
          %swap3A_1330 = vector.shape_cast %mul3A_1325 : vector<16xf32> to vector<1x16xf32>
          tpu.vector_store %arg9[%swap3A_1326, %swap3A_1327], %swap3A_1330 {strides = array<i32>} : memref<128x128xf32, #tpu.memory_space<vmem>>, vector<1x16xf32>,
          %get3A_1331 = arith.index_cast %add3A_1320 : i32 to index
          %get3A_1332 = arith.constant 16 : index
          %get3A_1333 = tpu.vector_load %arg9[%get3A_1331, %get3A_1332] {strides = array<i32>} : memref<128x128xf32, #tpu.memory_space<vmem>>, vector<1x16xf32>,
          %get3A_1334 = vector.shape_cast %get3A_1333 : vector<1x16xf32> to vector<16xf32>
          %mul3A_1335 = arith.mulf %get3A_1334, %broadcast_in_dim3A_1316 : vector<16xf32>
          %swap3A_1336 = arith.index_cast %add3A_1320 : i32 to index
          %swap3A_1337 = arith.constant 16 : index
          %swap3A_1338 = tpu.vector_load %arg9[%swap3A_1336, %swap3A_1337] {strides = array<i32>} : memref<128x128xf32, #tpu.memory_space<vmem>>, vector<1x16xf32>,
          %swap3A_1339 = vector.shape_cast %swap3A_1338 : vector<1x16xf32> to vector<16xf32>
          %swap3A_1340 = vector.shape_cast %mul3A_1335 : vector<16xf32> to vector<1x16xf32>
          tpu.vector_store %arg9[%swap3A_1336, %swap3A_1337], %swap3A_1340 {strides = array<i32>} : memref<128x128xf32, #tpu.memory_space<vmem>>, vector<1x16xf32>,
          %get3A_1341 = arith.index_cast %add3A_1320 : i32 to index
          %get3A_1342 = arith.constant 32 : index
          %get3A_1343 = tpu.vector_load %arg9[%get3A_1341, %get3A_1342] {strides = array<i32>} : memref<128x128xf32, #tpu.memory_space<vmem>>, vector<1x16xf32>,
          %get3A_1344 = vector.shape_cast %get3A_1343 : vector<1x16xf32> to vector<16xf32>
          %mul3A_1345 = arith.mulf %get3A_1344, %broadcast_in_dim3A_1316 : vector<16xf32>
          %swap3A_1346 = arith.index_cast %add3A_1320 : i32 to index
          %swap3A_1347 = arith.constant 32 : index
          %swap3A_1348 = tpu.vector_load %arg9[%swap3A_1346, %swap3A_1347] {strides = array<i32>} : memref<128x128xf32, #tpu.memory_space<vmem>>, vector<1x16xf32>,
          %swap3A_1349 = vector.shape_cast %swap3A_1348 : vector<1x16xf32> to vector<16xf32>
          %swap3A_1350 = vector.shape_cast %mul3A_1345 : vector<16xf32> to vector<1x16xf32>
          tpu.vector_store %arg9[%swap3A_1346, %swap3A_1347], %swap3A_1350 {strides = array<i32>} : memref<128x128xf32, #tpu.memory_space<vmem>>, vector<1x16xf32>,
          %get3A_1351 = arith.index_cast %add3A_1320 : i32 to index
          %get3A_1352 = arith.constant 48 : index
          %get3A_1353 = tpu.vector_load %arg9[%get3A_1351, %get3A_1352] {strides = array<i32>} : memref<128x128xf32, #tpu.memory_space<vmem>>, vector<1x16xf32>,
          %get3A_1354 = vector.shape_cast %get3A_1353 : vector<1x16xf32> to vector<16xf32>
          %mul3A_1355 = arith.mulf %get3A_1354, %broadcast_in_dim3A_1316 : vector<16xf32>
          %swap3A_1356 = arith.index_cast %add3A_1320 : i32 to index
          %swap3A_1357 = arith.constant 48 : index
          %swap3A_1358 = tpu.vector_load %arg9[%swap3A_1356, %swap3A_1357] {strides = array<i32>} : memref<128x128xf32, #tpu.memory_space<vmem>>, vector<1x16xf32>,
          %swap3A_1359 = vector.shape_cast %swap3A_1358 : vector<1x16xf32> to vector<16xf32>
          %swap3A_1360 = vector.shape_cast %mul3A_1355 : vector<16xf32> to vector<1x16xf32>
          tpu.vector_store %arg9[%swap3A_1356, %swap3A_1357], %swap3A_1360 {strides = array<i32>} : memref<128x128xf32, #tpu.memory_space<vmem>>, vector<1x16xf32>,
          %get3A_1361 = arith.index_cast %add3A_1320 : i32 to index
          %get3A_1362 = arith.constant 64 : index
          %get3A_1363 = tpu.vector_load %arg9[%get3A_1361, %get3A_1362] {strides = array<i32>} : memref<128x128xf32, #tpu.memory_space<vmem>>, vector<1x16xf32>,
          %get3A_1364 = vector.shape_cast %get3A_1363 : vector<1x16xf32> to vector<16xf32>
          %mul3A_1365 = arith.mulf %get3A_1364, %broadcast_in_dim3A_1316 : vector<16xf32>
          %swap3A_1366 = arith.index_cast %add3A_1320 : i32 to index
          %swap3A_1367 = arith.constant 64 : index
          %swap3A_1368 = tpu.vector_load %arg9[%swap3A_1366, %swap3A_1367] {strides = array<i32>} : memref<128x128xf32, #tpu.memory_space<vmem>>, vector<1x16xf32>,
          %swap3A_1369 = vector.shape_cast %swap3A_1368 : vector<1x16xf32> to vector<16xf32>
          %swap3A_1370 = vector.shape_cast %mul3A_1365 : vector<16xf32> to vector<1x16xf32>
          tpu.vector_store %arg9[%swap3A_1366, %swap3A_1367], %swap3A_1370 {strides = array<i32>} : memref<128x128xf32, #tpu.memory_space<vmem>>, vector<1x16xf32>,
          %get3A_1371 = arith.index_cast %add3A_1320 : i32 to index
          %get3A_1372 = arith.constant 80 : index
          %get3A_1373 = tpu.vector_load %arg9[%get3A_1371, %get3A_1372] {strides = array<i32>} : memref<128x128xf32, #tpu.memory_space<vmem>>, vector<1x16xf32>,
          %get3A_1374 = vector.shape_cast %get3A_1373 : vector<1x16xf32> to vector<16xf32>
          %mul3A_1375 = arith.mulf %get3A_1374, %broadcast_in_dim3A_1316 : vector<16xf32>
          %swap3A_1376 = arith.index_cast %add3A_1320 : i32 to index
          %swap3A_1377 = arith.constant 80 : index
          %swap3A_1378 = tpu.vector_load %arg9[%swap3A_1376, %swap3A_1377] {strides = array<i32>} : memref<128x128xf32, #tpu.memory_space<vmem>>, vector<1x16xf32>,
          %swap3A_1379 = vector.shape_cast %swap3A_1378 : vector<1x16xf32> to vector<16xf32>
          %swap3A_1380 = vector.shape_cast %mul3A_1375 : vector<16xf32> to vector<1x16xf32>
          tpu.vector_store %arg9[%swap3A_1376, %swap3A_1377], %swap3A_1380 {strides = array<i32>} : memref<128x128xf32, #tpu.memory_space<vmem>>, vector<1x16xf32>,
          %get3A_1381 = arith.index_cast %add3A_1320 : i32 to index
          %get3A_1382 = arith.constant 96 : index
          %get3A_1383 = tpu.vector_load %arg9[%get3A_1381, %get3A_1382] {strides = array<i32>} : memref<128x128xf32, #tpu.memory_space<vmem>>, vector<1x16xf32>,
          %get3A_1384 = vector.shape_cast %get3A_1383 : vector<1x16xf32> to vector<16xf32>
          %mul3A_1385 = arith.mulf %get3A_1384, %broadcast_in_dim3A_1316 : vector<16xf32>
          %swap3A_1386 = arith.index_cast %add3A_1320 : i32 to index
          %swap3A_1387 = arith.constant 96 : index
          %swap3A_1388 = tpu.vector_load %arg9[%swap3A_1386, %swap3A_1387] {strides = array<i32>} : memref<128x128xf32, #tpu.memory_space<vmem>>, vector<1x16xf32>,
          %swap3A_1389 = vector.shape_cast %swap3A_1388 : vector<1x16xf32> to vector<16xf32>
          %swap3A_1390 = vector.shape_cast %mul3A_1385 : vector<16xf32> to vector<1x16xf32>
          tpu.vector_store %arg9[%swap3A_1386, %swap3A_1387], %swap3A_1390 {strides = array<i32>} : memref<128x128xf32, #tpu.memory_space<vmem>>, vector<1x16xf32>,
          %get3A_1391 = arith.index_cast %add3A_1320 : i32 to index
          %get3A_1392 = arith.constant 112 : index
          %get3A_1393 = tpu.vector_load %arg9[%get3A_1391, %get3A_1392] {strides = array<i32>} : memref<128x128xf32, #tpu.memory_space<vmem>>, vector<1x16xf32>,
          %get3A_1394 = vector.shape_cast %get3A_1393 : vector<1x16xf32> to vector<16xf32>
          %mul3A_1395 = arith.mulf %get3A_1394, %broadcast_in_dim3A_1316 : vector<16xf32>
          %swap3A_1396 = arith.index_cast %add3A_1320 : i32 to index
          %swap3A_1397 = arith.constant 112 : index
          %swap3A_1398 = tpu.vector_load %arg9[%swap3A_1396, %swap3A_1397] {strides = array<i32>} : memref<128x128xf32, #tpu.memory_space<vmem>>, vector<1x16xf32>,
          %swap3A_1399 = vector.shape_cast %swap3A_1398 : vector<1x16xf32> to vector<16xf32>
          %swap3A_1400 = vector.shape_cast %mul3A_1395 : vector<16xf32> to vector<1x16xf32>
          tpu.vector_store %arg9[%swap3A_1396, %swap3A_1397], %swap3A_1400 {strides = array<i32>} : memref<128x128xf32, #tpu.memory_space<vmem>>, vector<1x16xf32>,
          %slice3A_1401 = vector.extract_strided_slice %get3A_99 {offsets = [15], sizes = [1], strides = [1]} : vector<16xf32> to vector<1xf32>
          %squeeze3A_1402 = vector.extract %slice3A_1401[0] : f32 from vector<1xf32>
          %broadcast_in_dim3A_1403 = vector.broadcast %squeeze3A_1402 : f32 to vector<16xf32>
          %mul3A_1404 = arith.constant 16 : i32
          %mul3A_1405 = arith.muli %scan3A_93, %mul3A_1404 : i32
          %add3A_1406 = arith.constant 15 : i32
          %add3A_1407 = arith.addi %mul3A_1405, %add3A_1406 : i32
          %get3A_1408 = arith.index_cast %add3A_1407 : i32 to index
          %get3A_1409 = arith.constant 0 : index
          %get3A_1410 = tpu.vector_load %arg9[%get3A_1408, %get3A_1409] {strides = array<i32>} : memref<128x128xf32, #tpu.memory_space<vmem>>, vector<1x16xf32>,
          %get3A_1411 = vector.shape_cast %get3A_1410 : vector<1x16xf32> to vector<16xf32>
          %mul3A_1412 = arith.mulf %get3A_1411, %broadcast_in_dim3A_1403 : vector<16xf32>
          %swap3A_1413 = arith.index_cast %add3A_1407 : i32 to index
          %swap3A_1414 = arith.constant 0 : index
          %swap3A_1415 = tpu.vector_load %arg9[%swap3A_1413, %swap3A_1414] {strides = array<i32>} : memref<128x128xf32, #tpu.memory_space<vmem>>, vector<1x16xf32>,
          %swap3A_1416 = vector.shape_cast %swap3A_1415 : vector<1x16xf32> to vector<16xf32>
          %swap3A_1417 = vector.shape_cast %mul3A_1412 : vector<16xf32> to vector<1x16xf32>
          tpu.vector_store %arg9[%swap3A_1413, %swap3A_1414], %swap3A_1417 {strides = array<i32>} : memref<128x128xf32, #tpu.memory_space<vmem>>, vector<1x16xf32>,
          %get3A_1418 = arith.index_cast %add3A_1407 : i32 to index
          %get3A_1419 = arith.constant 16 : index
          %get3A_1420 = tpu.vector_load %arg9[%get3A_1418, %get3A_1419] {strides = array<i32>} : memref<128x128xf32, #tpu.memory_space<vmem>>, vector<1x16xf32>,
          %get3A_1421 = vector.shape_cast %get3A_1420 : vector<1x16xf32> to vector<16xf32>
          %mul3A_1422 = arith.mulf %get3A_1421, %broadcast_in_dim3A_1403 : vector<16xf32>
          %swap3A_1423 = arith.index_cast %add3A_1407 : i32 to index
          %swap3A_1424 = arith.constant 16 : index
          %swap3A_1425 = tpu.vector_load %arg9[%swap3A_1423, %swap3A_1424] {strides = array<i32>} : memref<128x128xf32, #tpu.memory_space<vmem>>, vector<1x16xf32>,
          %swap3A_1426 = vector.shape_cast %swap3A_1425 : vector<1x16xf32> to vector<16xf32>
          %swap3A_1427 = vector.shape_cast %mul3A_1422 : vector<16xf32> to vector<1x16xf32>
          tpu.vector_store %arg9[%swap3A_1423, %swap3A_1424], %swap3A_1427 {strides = array<i32>} : memref<128x128xf32, #tpu.memory_space<vmem>>, vector<1x16xf32>,
          %get3A_1428 = arith.index_cast %add3A_1407 : i32 to index
          %get3A_1429 = arith.constant 32 : index
          %get3A_1430 = tpu.vector_load %arg9[%get3A_1428, %get3A_1429] {strides = array<i32>} : memref<128x128xf32, #tpu.memory_space<vmem>>, vector<1x16xf32>,
          %get3A_1431 = vector.shape_cast %get3A_1430 : vector<1x16xf32> to vector<16xf32>
          %mul3A_1432 = arith.mulf %get3A_1431, %broadcast_in_dim3A_1403 : vector<16xf32>
          %swap3A_1433 = arith.index_cast %add3A_1407 : i32 to index
          %swap3A_1434 = arith.constant 32 : index
          %swap3A_1435 = tpu.vector_load %arg9[%swap3A_1433, %swap3A_1434] {strides = array<i32>} : memref<128x128xf32, #tpu.memory_space<vmem>>, vector<1x16xf32>,
          %swap3A_1436 = vector.shape_cast %swap3A_1435 : vector<1x16xf32> to vector<16xf32>
          %swap3A_1437 = vector.shape_cast %mul3A_1432 : vector<16xf32> to vector<1x16xf32>
          tpu.vector_store %arg9[%swap3A_1433, %swap3A_1434], %swap3A_1437 {strides = array<i32>} : memref<128x128xf32, #tpu.memory_space<vmem>>, vector<1x16xf32>,
          %get3A_1438 = arith.index_cast %add3A_1407 : i32 to index
          %get3A_1439 = arith.constant 48 : index
          %get3A_1440 = tpu.vector_load %arg9[%get3A_1438, %get3A_1439] {strides = array<i32>} : memref<128x128xf32, #tpu.memory_space<vmem>>, vector<1x16xf32>,
          %get3A_1441 = vector.shape_cast %get3A_1440 : vector<1x16xf32> to vector<16xf32>
          %mul3A_1442 = arith.mulf %get3A_1441, %broadcast_in_dim3A_1403 : vector<16xf32>
          %swap3A_1443 = arith.index_cast %add3A_1407 : i32 to index
          %swap3A_1444 = arith.constant 48 : index
          %swap3A_1445 = tpu.vector_load %arg9[%swap3A_1443, %swap3A_1444] {strides = array<i32>} : memref<128x128xf32, #tpu.memory_space<vmem>>, vector<1x16xf32>,
          %swap3A_1446 = vector.shape_cast %swap3A_1445 : vector<1x16xf32> to vector<16xf32>
          %swap3A_1447 = vector.shape_cast %mul3A_1442 : vector<16xf32> to vector<1x16xf32>
          tpu.vector_store %arg9[%swap3A_1443, %swap3A_1444], %swap3A_1447 {strides = array<i32>} : memref<128x128xf32, #tpu.memory_space<vmem>>, vector<1x16xf32>,
          %get3A_1448 = arith.index_cast %add3A_1407 : i32 to index
          %get3A_1449 = arith.constant 64 : index
          %get3A_1450 = tpu.vector_load %arg9[%get3A_1448, %get3A_1449] {strides = array<i32>} : memref<128x128xf32, #tpu.memory_space<vmem>>, vector<1x16xf32>,
          %get3A_1451 = vector.shape_cast %get3A_1450 : vector<1x16xf32> to vector<16xf32>
          %mul3A_1452 = arith.mulf %get3A_1451, %broadcast_in_dim3A_1403 : vector<16xf32>
          %swap3A_1453 = arith.index_cast %add3A_1407 : i32 to index
          %swap3A_1454 = arith.constant 64 : index
          %swap3A_1455 = tpu.vector_load %arg9[%swap3A_1453, %swap3A_1454] {strides = array<i32>} : memref<128x128xf32, #tpu.memory_space<vmem>>, vector<1x16xf32>,
          %swap3A_1456 = vector.shape_cast %swap3A_1455 : vector<1x16xf32> to vector<16xf32>
          %swap3A_1457 = vector.shape_cast %mul3A_1452 : vector<16xf32> to vector<1x16xf32>
          tpu.vector_store %arg9[%swap3A_1453, %swap3A_1454], %swap3A_1457 {strides = array<i32>} : memref<128x128xf32, #tpu.memory_space<vmem>>, vector<1x16xf32>,
          %get3A_1458 = arith.index_cast %add3A_1407 : i32 to index
          %get3A_1459 = arith.constant 80 : index
          %get3A_1460 = tpu.vector_load %arg9[%get3A_1458, %get3A_1459] {strides = array<i32>} : memref<128x128xf32, #tpu.memory_space<vmem>>, vector<1x16xf32>,
          %get3A_1461 = vector.shape_cast %get3A_1460 : vector<1x16xf32> to vector<16xf32>
          %mul3A_1462 = arith.mulf %get3A_1461, %broadcast_in_dim3A_1403 : vector<16xf32>
          %swap3A_1463 = arith.index_cast %add3A_1407 : i32 to index
          %swap3A_1464 = arith.constant 80 : index
          %swap3A_1465 = tpu.vector_load %arg9[%swap3A_1463, %swap3A_1464] {strides = array<i32>} : memref<128x128xf32, #tpu.memory_space<vmem>>, vector<1x16xf32>,
          %swap3A_1466 = vector.shape_cast %swap3A_1465 : vector<1x16xf32> to vector<16xf32>
          %swap3A_1467 = vector.shape_cast %mul3A_1462 : vector<16xf32> to vector<1x16xf32>
          tpu.vector_store %arg9[%swap3A_1463, %swap3A_1464], %swap3A_1467 {strides = array<i32>} : memref<128x128xf32, #tpu.memory_space<vmem>>, vector<1x16xf32>,
          %get3A_1468 = arith.index_cast %add3A_1407 : i32 to index
          %get3A_1469 = arith.constant 96 : index
          %get3A_1470 = tpu.vector_load %arg9[%get3A_1468, %get3A_1469] {strides = array<i32>} : memref<128x128xf32, #tpu.memory_space<vmem>>, vector<1x16xf32>,
          %get3A_1471 = vector.shape_cast %get3A_1470 : vector<1x16xf32> to vector<16xf32>
          %mul3A_1472 = arith.mulf %get3A_1471, %broadcast_in_dim3A_1403 : vector<16xf32>
          %swap3A_1473 = arith.index_cast %add3A_1407 : i32 to index
          %swap3A_1474 = arith.constant 96 : index
          %swap3A_1475 = tpu.vector_load %arg9[%swap3A_1473, %swap3A_1474] {strides = array<i32>} : memref<128x128xf32, #tpu.memory_space<vmem>>, vector<1x16xf32>,
          %swap3A_1476 = vector.shape_cast %swap3A_1475 : vector<1x16xf32> to vector<16xf32>
          %swap3A_1477 = vector.shape_cast %mul3A_1472 : vector<16xf32> to vector<1x16xf32>
          tpu.vector_store %arg9[%swap3A_1473, %swap3A_1474], %swap3A_1477 {strides = array<i32>} : memref<128x128xf32, #tpu.memory_space<vmem>>, vector<1x16xf32>,
          %get3A_1478 = arith.index_cast %add3A_1407 : i32 to index
          %get3A_1479 = arith.constant 112 : index
          %get3A_1480 = tpu.vector_load %arg9[%get3A_1478, %get3A_1479] {strides = array<i32>} : memref<128x128xf32, #tpu.memory_space<vmem>>, vector<1x16xf32>,
          %get3A_1481 = vector.shape_cast %get3A_1480 : vector<1x16xf32> to vector<16xf32>
          %mul3A_1482 = arith.mulf %get3A_1481, %broadcast_in_dim3A_1403 : vector<16xf32>
          %swap3A_1483 = arith.index_cast %add3A_1407 : i32 to index
          %swap3A_1484 = arith.constant 112 : index
          %swap3A_1485 = tpu.vector_load %arg9[%swap3A_1483, %swap3A_1484] {strides = array<i32>} : memref<128x128xf32, #tpu.memory_space<vmem>>, vector<1x16xf32>,
          %swap3A_1486 = vector.shape_cast %swap3A_1485 : vector<1x16xf32> to vector<16xf32>
          %swap3A_1487 = vector.shape_cast %mul3A_1482 : vector<16xf32> to vector<1x16xf32>
          tpu.vector_store %arg9[%swap3A_1483, %swap3A_1484], %swap3A_1487 {strides = array<i32>} : memref<128x128xf32, #tpu.memory_space<vmem>>, vector<1x16xf32>,
        }
        %scan3A_85 = arith.constant 8 : i32
        %dma_start3A_86 = arith.constant 1 : i32
        %dma_start3A_87 = arith.constant 0 : i32
        %dma_start3A_88 = tpu.memref_slice %arg7[%dma_start3A_86, %dma_start3A_87] : memref<2x128xi32, #tpu.memory_space<vmem>> -> memref<1x128xi32, #tpu.memory_space<vmem>>
        %dma_start3A_89 = tpu.memref_squeeze %dma_start3A_88 : memref<1x128xi32, #tpu.memory_space<vmem>> -> memref<128xi32, #tpu.memory_space<vmem>>
        %dma_start3A_90 = arith.constant 0 : i32
        %dma_start3A_91 = arith.constant 0 : i32
        %dma_start3A_92 = tpu.memref_slice %arg13[%dma_start3A_90, %dma_start3A_91] : memref<10000x128xf32, #tpu.memory_space<vmem_shared>> -> memref<10000x128xf32, #tpu.memory_space<vmem_shared>>
        tpu.enqueue_indirect_dma source(%arg9 : memref<128x128xf32, #tpu.memory_space<vmem>>) target(%dma_start3A_92 : memref<10000x128xf32, #tpu.memory_space<vmem_shared>>) offsets(%dma_start3A_89 : memref<128xi32, #tpu.memory_space<vmem>>) semaphore(%arg15 : memref<!tpu.dma_semaphore, #tpu.memory_space<semaphore_mem>>) {add = true}
      } else {
      }
      %mul3A_50 = arith.constant 2 : i32
      %mul3A_51 = arith.muli %mul3A_50, %scan3A_37 : i32
      %add3A_52 = arith.constant 1 : i32
      %add3A_53 = arith.addi %mul3A_51, %add3A_52 : i32
      %mul3A_54 = arith.constant 32 : i32
      %mul3A_55 = arith.muli %add3A_53, %mul3A_54 : i32
      %add3A_56 = arith.addi %add3A, %mul3A_55 : i32
      %lt3A_57 = arith.constant 2500 : i32
      %lt3A_58 = arith.cmpi slt, %add3A_56, %lt3A_57 : i32
      %convert_element_type3A_59 = arith.extui %lt3A_58 : i1 to i32
      %cond3A_60 = arith.constant 0 : i32
      %cond3A_61 = arith.cmpi ne, %convert_element_type3A_59, %cond3A_60 : i32
      scf.if %cond3A_61 {
        %dma_wait3A_62 = arith.constant 0 : i32
        %dma_wait3A_63 = arith.constant 0 : i32
        %dma_wait3A_64 = tpu.memref_slice %arg10[%dma_wait3A_62, %dma_wait3A_63] : memref<2x128xi32, #tpu.memory_space<vmem>> -> memref<1x128xi32, #tpu.memory_space<vmem>>
        %dma_wait3A_65 = tpu.memref_squeeze %dma_wait3A_64 : memref<1x128xi32, #tpu.memory_space<vmem>> -> memref<128xi32, #tpu.memory_space<vmem>>
        %dma_wait3A_66 = arith.constant 0 : i32
        %dma_wait3A_67 = arith.constant 0 : i32
        %dma_wait3A_68 = tpu.memref_slice %arg2[%dma_wait3A_66, %dma_wait3A_67] : memref<10000x128xf32, #tpu.memory_space<hbm>> -> memref<10000x128xf32, #tpu.memory_space<hbm>>
        tpu.wait_indirect_dma semaphore(%arg14 : memref<!tpu.dma_semaphore, #tpu.memory_space<semaphore_mem>>) src(%dma_wait3A_68 : memref<10000x128xf32, #tpu.memory_space<hbm>>) dst(%arg12 : memref<128x128xf32, #tpu.memory_space<vmem>>)
        %dma_wait3A_69 = arith.constant 1 : i32
        %dma_wait3A_70 = arith.constant 0 : i32
        %dma_wait3A_71 = tpu.memref_slice %arg7[%dma_wait3A_69, %dma_wait3A_70] : memref<2x128xi32, #tpu.memory_space<vmem>> -> memref<1x128xi32, #tpu.memory_space<vmem>>
        %dma_wait3A_72 = tpu.memref_squeeze %dma_wait3A_71 : memref<1x128xi32, #tpu.memory_space<vmem>> -> memref<128xi32, #tpu.memory_space<vmem>>
        %dma_wait3A_73 = arith.constant 0 : i32
        %dma_wait3A_74 = arith.constant 0 : i32
        %dma_wait3A_75 = tpu.memref_slice %arg13[%dma_wait3A_73, %dma_wait3A_74] : memref<10000x128xf32, #tpu.memory_space<vmem_shared>> -> memref<10000x128xf32, #tpu.memory_space<vmem_shared>>
        tpu.wait_indirect_dma semaphore(%arg15 : memref<!tpu.dma_semaphore, #tpu.memory_space<semaphore_mem>>) src(%arg9 : memref<128x128xf32, #tpu.memory_space<vmem>>) dst(%dma_wait3A_75 : memref<10000x128xf32, #tpu.memory_space<vmem_shared>>)
        %add3A_76 = arith.constant 32 : i32
        %add3A_77 = arith.addi %add3A_56, %add3A_76 : i32
        %lt3A_78 = arith.constant 2500 : i32
        %lt3A_79 = arith.cmpi slt, %add3A_77, %lt3A_78 : i32
        %convert_element_type3A_80 = arith.extui %lt3A_79 : i1 to i32
        %cond3A_81 = arith.constant 0 : i32
        %cond3A_82 = arith.cmpi ne, %convert_element_type3A_80, %cond3A_81 : i32
        scf.if %cond3A_82 {
          %add3A_96 = arith.constant 32 : i32
          %add3A_97 = arith.addi %add3A_56, %add3A_96 : i32
          "tpu.region"() ({
            %run_scoped3A = tpu.sem_alloc : memref<!tpu.dma_semaphore, #tpu.memory_space<semaphore_mem>>
            %dma_start3A_107 = arith.constant 0 : i32
            %dma_start3A_108 = arith.constant 0 : i32
            %dma_start3A_109 = tpu.memref_slice %arg3[%add3A_97, %dma_start3A_107, %dma_start3A_108] : memref<2500x2x128xi32, #tpu.memory_space<hbm>> -> memref<1x2x128xi32, #tpu.memory_space<hbm>>
            %dma_start3A_110 = tpu.memref_squeeze %dma_start3A_109 : memref<1x2x128xi32, #tpu.memory_space<hbm>> -> memref<2x128xi32, #tpu.memory_space<hbm>>
            %dma_start3A_111 = arith.constant 0 : i32
            %dma_start3A_112 = arith.constant 0 : i32
            %dma_start3A_113 = tpu.memref_slice %arg3[%add3A_97, %dma_start3A_111, %dma_start3A_112] : memref<2500x2x128xi32, #tpu.memory_space<hbm>> -> memref<1x2x128xi32, #tpu.memory_space<hbm>>
            %dma_start3A_114 = tpu.memref_squeeze %dma_start3A_113 : memref<1x2x128xi32, #tpu.memory_space<hbm>> -> memref<2x128xi32, #tpu.memory_space<hbm>>
            tpu.enqueue_dma source(%dma_start3A_114 : memref<2x128xi32, #tpu.memory_space<hbm>>) target(%arg7 : memref<2x128xi32, #tpu.memory_space<vmem>>) target_semaphore(%run_scoped3A : memref<!tpu.dma_semaphore, #tpu.memory_space<semaphore_mem>>)
            %dma_wait3A_115 = arith.constant 0 : i32
            %dma_wait3A_116 = arith.constant 0 : i32
            %dma_wait3A_117 = tpu.memref_slice %arg3[%add3A_97, %dma_wait3A_115, %dma_wait3A_116] : memref<2500x2x128xi32, #tpu.memory_space<hbm>> -> memref<1x2x128xi32, #tpu.memory_space<hbm>>
            %dma_wait3A_118 = tpu.memref_squeeze %dma_wait3A_117 : memref<1x2x128xi32, #tpu.memory_space<hbm>> -> memref<2x128xi32, #tpu.memory_space<hbm>>
            %dma_wait3A_119 = arith.constant 0 : i32
            %dma_wait3A_120 = arith.constant 0 : i32
            %dma_wait3A_121 = tpu.memref_slice %arg3[%add3A_97, %dma_wait3A_119, %dma_wait3A_120] : memref<2500x2x128xi32, #tpu.memory_space<hbm>> -> memref<1x2x128xi32, #tpu.memory_space<hbm>>
            %dma_wait3A_122 = tpu.memref_squeeze %dma_wait3A_121 : memref<1x2x128xi32, #tpu.memory_space<hbm>> -> memref<2x128xi32, #tpu.memory_space<hbm>>
            tpu.wait_dma2 semaphore(%run_scoped3A : memref<!tpu.dma_semaphore, #tpu.memory_space<semaphore_mem>>) src(%dma_wait3A_122 : memref<2x128xi32, #tpu.memory_space<hbm>>) dst(%arg7 : memref<2x128xi32, #tpu.memory_space<vmem>>)
            tpu.yield
          }) : () -> ()
          %add3A_98 = arith.constant 32 : i32
          %add3A_99 = arith.addi %add3A_56, %add3A_98 : i32
          "tpu.region"() ({
            %run_scoped3A = tpu.sem_alloc : memref<!tpu.dma_semaphore, #tpu.memory_space<semaphore_mem>>
            %dma_start3A_107 = arith.constant 0 : i32
            %dma_start3A_108 = arith.constant 0 : i32
            %dma_start3A_109 = tpu.memref_slice %arg4[%add3A_99, %dma_start3A_107, %dma_start3A_108] : memref<2500x1x128xf32, #tpu.memory_space<hbm>> -> memref<1x1x128xf32, #tpu.memory_space<hbm>>
            %dma_start3A_110 = tpu.memref_squeeze %dma_start3A_109 : memref<1x1x128xf32, #tpu.memory_space<hbm>> -> memref<1x128xf32, #tpu.memory_space<hbm>>
            %dma_start3A_111 = arith.constant 0 : i32
            %dma_start3A_112 = arith.constant 0 : i32
            %dma_start3A_113 = tpu.memref_slice %arg4[%add3A_99, %dma_start3A_111, %dma_start3A_112] : memref<2500x1x128xf32, #tpu.memory_space<hbm>> -> memref<1x1x128xf32, #tpu.memory_space<hbm>>
            %dma_start3A_114 = tpu.memref_squeeze %dma_start3A_113 : memref<1x1x128xf32, #tpu.memory_space<hbm>> -> memref<1x128xf32, #tpu.memory_space<hbm>>
            tpu.enqueue_dma source(%dma_start3A_114 : memref<1x128xf32, #tpu.memory_space<hbm>>) target(%arg8 : memref<1x128xf32, #tpu.memory_space<vmem>>) target_semaphore(%run_scoped3A : memref<!tpu.dma_semaphore, #tpu.memory_space<semaphore_mem>>)
            %dma_wait3A_115 = arith.constant 0 : i32
            %dma_wait3A_116 = arith.constant 0 : i32
            %dma_wait3A_117 = tpu.memref_slice %arg4[%add3A_99, %dma_wait3A_115, %dma_wait3A_116] : memref<2500x1x128xf32, #tpu.memory_space<hbm>> -> memref<1x1x128xf32, #tpu.memory_space<hbm>>
            %dma_wait3A_118 = tpu.memref_squeeze %dma_wait3A_117 : memref<1x1x128xf32, #tpu.memory_space<hbm>> -> memref<1x128xf32, #tpu.memory_space<hbm>>
            %dma_wait3A_119 = arith.constant 0 : i32
            %dma_wait3A_120 = arith.constant 0 : i32
            %dma_wait3A_121 = tpu.memref_slice %arg4[%add3A_99, %dma_wait3A_119, %dma_wait3A_120] : memref<2500x1x128xf32, #tpu.memory_space<hbm>> -> memref<1x1x128xf32, #tpu.memory_space<hbm>>
            %dma_wait3A_122 = tpu.memref_squeeze %dma_wait3A_121 : memref<1x1x128xf32, #tpu.memory_space<hbm>> -> memref<1x128xf32, #tpu.memory_space<hbm>>
            tpu.wait_dma2 semaphore(%run_scoped3A : memref<!tpu.dma_semaphore, #tpu.memory_space<semaphore_mem>>) src(%dma_wait3A_122 : memref<1x128xf32, #tpu.memory_space<hbm>>) dst(%arg8 : memref<1x128xf32, #tpu.memory_space<vmem>>)
            tpu.yield
          }) : () -> ()
          %dma_start3A_100 = arith.constant 0 : i32
          %dma_start3A_101 = arith.constant 0 : i32
          %dma_start3A_102 = tpu.memref_slice %arg7[%dma_start3A_100, %dma_start3A_101] : memref<2x128xi32, #tpu.memory_space<vmem>> -> memref<1x128xi32, #tpu.memory_space<vmem>>
          %dma_start3A_103 = tpu.memref_squeeze %dma_start3A_102 : memref<1x128xi32, #tpu.memory_space<vmem>> -> memref<128xi32, #tpu.memory_space<vmem>>
          %dma_start3A_104 = arith.constant 0 : i32
          %dma_start3A_105 = arith.constant 0 : i32
          %dma_start3A_106 = tpu.memref_slice %arg2[%dma_start3A_104, %dma_start3A_105] : memref<10000x128xf32, #tpu.memory_space<hbm>> -> memref<10000x128xf32, #tpu.memory_space<hbm>>
          tpu.enqueue_indirect_dma source(%dma_start3A_106 : memref<10000x128xf32, #tpu.memory_space<hbm>>) target(%arg9 : memref<128x128xf32, #tpu.memory_space<vmem>>) offsets(%dma_start3A_103 : memref<128xi32, #tpu.memory_space<vmem>>) semaphore(%arg14 : memref<!tpu.dma_semaphore, #tpu.memory_space<semaphore_mem>>)
        } else {
        }
        %scan3A_83 = arith.constant 0 : i32
        %scan3A_84 = arith.constant 0 : i32
        %scan3A_85 = arith.constant 8 : i32
        %scan3A_86 = arith.addi %scan3A_84, %scan3A_85 : i32
        %scan3A_87 = arith.constant 1 : i32
        scf.for %scan3A_96 = %scan3A_84 to %scan3A_86 step %scan3A_87  : i32 {
          %mul3A_97 = arith.constant 16 : i32
          %mul3A_98 = arith.muli %scan3A_96, %mul3A_97 : i32
          %get3A = arith.constant 0 : i32
          %get3A_99 = arith.index_cast %get3A : i32 to index
          %get3A_100 = arith.index_cast %mul3A_98 : i32 to index
          %get3A_101 = tpu.vector_load %arg11[%get3A_99, %get3A_100] {strides = array<i32>} : memref<1x128xf32, #tpu.memory_space<vmem>>, vector<1x16xf32>,
          %get3A_102 = vector.shape_cast %get3A_101 : vector<1x16xf32> to vector<16xf32>
          %slice3A = vector.extract_strided_slice %get3A_102 {offsets = [0], sizes = [1], strides = [1]} : vector<16xf32> to vector<1xf32>
          %squeeze3A = vector.extract %slice3A[0] : f32 from vector<1xf32>
          %broadcast_in_dim3A = vector.broadcast %squeeze3A : f32 to vector<16xf32>
          %mul3A_103 = arith.constant 16 : i32
          %mul3A_104 = arith.muli %scan3A_96, %mul3A_103 : i32
          %add3A_105 = arith.constant 0 : i32
          %add3A_106 = arith.addi %mul3A_104, %add3A_105 : i32
          %get3A_107 = arith.index_cast %add3A_106 : i32 to index
          %get3A_108 = arith.constant 0 : index
          %get3A_109 = tpu.vector_load %arg12[%get3A_107, %get3A_108] {strides = array<i32>} : memref<128x128xf32, #tpu.memory_space<vmem>>, vector<1x16xf32>,
          %get3A_110 = vector.shape_cast %get3A_109 : vector<1x16xf32> to vector<16xf32>
          %mul3A_111 = arith.mulf %get3A_110, %broadcast_in_dim3A : vector<16xf32>
          %swap3A = arith.index_cast %add3A_106 : i32 to index
          %swap3A_112 = arith.constant 0 : index
          %swap3A_113 = tpu.vector_load %arg12[%swap3A, %swap3A_112] {strides = array<i32>} : memref<128x128xf32, #tpu.memory_space<vmem>>, vector<1x16xf32>,
          %swap3A_114 = vector.shape_cast %swap3A_113 : vector<1x16xf32> to vector<16xf32>
          %swap3A_115 = vector.shape_cast %mul3A_111 : vector<16xf32> to vector<1x16xf32>
          tpu.vector_store %arg12[%swap3A, %swap3A_112], %swap3A_115 {strides = array<i32>} : memref<128x128xf32, #tpu.memory_space<vmem>>, vector<1x16xf32>,
          %get3A_116 = arith.index_cast %add3A_106 : i32 to index
          %get3A_117 = arith.constant 16 : index
          %get3A_118 = tpu.vector_load %arg12[%get3A_116, %get3A_117] {strides = array<i32>} : memref<128x128xf32, #tpu.memory_space<vmem>>, vector<1x16xf32>,
          %get3A_119 = vector.shape_cast %get3A_118 : vector<1x16xf32> to vector<16xf32>
          %mul3A_120 = arith.mulf %get3A_119, %broadcast_in_dim3A : vector<16xf32>
          %swap3A_121 = arith.index_cast %add3A_106 : i32 to index
          %swap3A_122 = arith.constant 16 : index
          %swap3A_123 = tpu.vector_load %arg12[%swap3A_121, %swap3A_122] {strides = array<i32>} : memref<128x128xf32, #tpu.memory_space<vmem>>, vector<1x16xf32>,
          %swap3A_124 = vector.shape_cast %swap3A_123 : vector<1x16xf32> to vector<16xf32>
          %swap3A_125 = vector.shape_cast %mul3A_120 : vector<16xf32> to vector<1x16xf32>
          tpu.vector_store %arg12[%swap3A_121, %swap3A_122], %swap3A_125 {strides = array<i32>} : memref<128x128xf32, #tpu.memory_space<vmem>>, vector<1x16xf32>,
          %get3A_126 = arith.index_cast %add3A_106 : i32 to index
          %get3A_127 = arith.constant 32 : index
          %get3A_128 = tpu.vector_load %arg12[%get3A_126, %get3A_127] {strides = array<i32>} : memref<128x128xf32, #tpu.memory_space<vmem>>, vector<1x16xf32>,
          %get3A_129 = vector.shape_cast %get3A_128 : vector<1x16xf32> to vector<16xf32>
          %mul3A_130 = arith.mulf %get3A_129, %broadcast_in_dim3A : vector<16xf32>
          %swap3A_131 = arith.index_cast %add3A_106 : i32 to index
          %swap3A_132 = arith.constant 32 : index
          %swap3A_133 = tpu.vector_load %arg12[%swap3A_131, %swap3A_132] {strides = array<i32>} : memref<128x128xf32, #tpu.memory_space<vmem>>, vector<1x16xf32>,
          %swap3A_134 = vector.shape_cast %swap3A_133 : vector<1x16xf32> to vector<16xf32>
          %swap3A_135 = vector.shape_cast %mul3A_130 : vector<16xf32> to vector<1x16xf32>
          tpu.vector_store %arg12[%swap3A_131, %swap3A_132], %swap3A_135 {strides = array<i32>} : memref<128x128xf32, #tpu.memory_space<vmem>>, vector<1x16xf32>,
          %get3A_136 = arith.index_cast %add3A_106 : i32 to index
          %get3A_137 = arith.constant 48 : index
          %get3A_138 = tpu.vector_load %arg12[%get3A_136, %get3A_137] {strides = array<i32>} : memref<128x128xf32, #tpu.memory_space<vmem>>, vector<1x16xf32>,
          %get3A_139 = vector.shape_cast %get3A_138 : vector<1x16xf32> to vector<16xf32>
          %mul3A_140 = arith.mulf %get3A_139, %broadcast_in_dim3A : vector<16xf32>
          %swap3A_141 = arith.index_cast %add3A_106 : i32 to index
          %swap3A_142 = arith.constant 48 : index
          %swap3A_143 = tpu.vector_load %arg12[%swap3A_141, %swap3A_142] {strides = array<i32>} : memref<128x128xf32, #tpu.memory_space<vmem>>, vector<1x16xf32>,
          %swap3A_144 = vector.shape_cast %swap3A_143 : vector<1x16xf32> to vector<16xf32>
          %swap3A_145 = vector.shape_cast %mul3A_140 : vector<16xf32> to vector<1x16xf32>
          tpu.vector_store %arg12[%swap3A_141, %swap3A_142], %swap3A_145 {strides = array<i32>} : memref<128x128xf32, #tpu.memory_space<vmem>>, vector<1x16xf32>,
          %get3A_146 = arith.index_cast %add3A_106 : i32 to index
          %get3A_147 = arith.constant 64 : index
          %get3A_148 = tpu.vector_load %arg12[%get3A_146, %get3A_147] {strides = array<i32>} : memref<128x128xf32, #tpu.memory_space<vmem>>, vector<1x16xf32>,
          %get3A_149 = vector.shape_cast %get3A_148 : vector<1x16xf32> to vector<16xf32>
          %mul3A_150 = arith.mulf %get3A_149, %broadcast_in_dim3A : vector<16xf32>
          %swap3A_151 = arith.index_cast %add3A_106 : i32 to index
          %swap3A_152 = arith.constant 64 : index
          %swap3A_153 = tpu.vector_load %arg12[%swap3A_151, %swap3A_152] {strides = array<i32>} : memref<128x128xf32, #tpu.memory_space<vmem>>, vector<1x16xf32>,
          %swap3A_154 = vector.shape_cast %swap3A_153 : vector<1x16xf32> to vector<16xf32>
          %swap3A_155 = vector.shape_cast %mul3A_150 : vector<16xf32> to vector<1x16xf32>
          tpu.vector_store %arg12[%swap3A_151, %swap3A_152], %swap3A_155 {strides = array<i32>} : memref<128x128xf32, #tpu.memory_space<vmem>>, vector<1x16xf32>,
          %get3A_156 = arith.index_cast %add3A_106 : i32 to index
          %get3A_157 = arith.constant 80 : index
          %get3A_158 = tpu.vector_load %arg12[%get3A_156, %get3A_157] {strides = array<i32>} : memref<128x128xf32, #tpu.memory_space<vmem>>, vector<1x16xf32>,
          %get3A_159 = vector.shape_cast %get3A_158 : vector<1x16xf32> to vector<16xf32>
          %mul3A_160 = arith.mulf %get3A_159, %broadcast_in_dim3A : vector<16xf32>
          %swap3A_161 = arith.index_cast %add3A_106 : i32 to index
          %swap3A_162 = arith.constant 80 : index
          %swap3A_163 = tpu.vector_load %arg12[%swap3A_161, %swap3A_162] {strides = array<i32>} : memref<128x128xf32, #tpu.memory_space<vmem>>, vector<1x16xf32>,
          %swap3A_164 = vector.shape_cast %swap3A_163 : vector<1x16xf32> to vector<16xf32>
          %swap3A_165 = vector.shape_cast %mul3A_160 : vector<16xf32> to vector<1x16xf32>
          tpu.vector_store %arg12[%swap3A_161, %swap3A_162], %swap3A_165 {strides = array<i32>} : memref<128x128xf32, #tpu.memory_space<vmem>>, vector<1x16xf32>,
          %get3A_166 = arith.index_cast %add3A_106 : i32 to index
          %get3A_167 = arith.constant 96 : index
          %get3A_168 = tpu.vector_load %arg12[%get3A_166, %get3A_167] {strides = array<i32>} : memref<128x128xf32, #tpu.memory_space<vmem>>, vector<1x16xf32>,
          %get3A_169 = vector.shape_cast %get3A_168 : vector<1x16xf32> to vector<16xf32>
          %mul3A_170 = arith.mulf %get3A_169, %broadcast_in_dim3A : vector<16xf32>
          %swap3A_171 = arith.index_cast %add3A_106 : i32 to index
          %swap3A_172 = arith.constant 96 : index
          %swap3A_173 = tpu.vector_load %arg12[%swap3A_171, %swap3A_172] {strides = array<i32>} : memref<128x128xf32, #tpu.memory_space<vmem>>, vector<1x16xf32>,
          %swap3A_174 = vector.shape_cast %swap3A_173 : vector<1x16xf32> to vector<16xf32>
          %swap3A_175 = vector.shape_cast %mul3A_170 : vector<16xf32> to vector<1x16xf32>
          tpu.vector_store %arg12[%swap3A_171, %swap3A_172], %swap3A_175 {strides = array<i32>} : memref<128x128xf32, #tpu.memory_space<vmem>>, vector<1x16xf32>,
          %get3A_176 = arith.index_cast %add3A_106 : i32 to index
          %get3A_177 = arith.constant 112 : index
          %get3A_178 = tpu.vector_load %arg12[%get3A_176, %get3A_177] {strides = array<i32>} : memref<128x128xf32, #tpu.memory_space<vmem>>, vector<1x16xf32>,
          %get3A_179 = vector.shape_cast %get3A_178 : vector<1x16xf32> to vector<16xf32>
          %mul3A_180 = arith.mulf %get3A_179, %broadcast_in_dim3A : vector<16xf32>
          %swap3A_181 = arith.index_cast %add3A_106 : i32 to index
          %swap3A_182 = arith.constant 112 : index
          %swap3A_183 = tpu.vector_load %arg12[%swap3A_181, %swap3A_182] {strides = array<i32>} : memref<128x128xf32, #tpu.memory_space<vmem>>, vector<1x16xf32>,
          %swap3A_184 = vector.shape_cast %swap3A_183 : vector<1x16xf32> to vector<16xf32>
          %swap3A_185 = vector.shape_cast %mul3A_180 : vector<16xf32> to vector<1x16xf32>
          tpu.vector_store %arg12[%swap3A_181, %swap3A_182], %swap3A_185 {strides = array<i32>} : memref<128x128xf32, #tpu.memory_space<vmem>>, vector<1x16xf32>,
          %slice3A_186 = vector.extract_strided_slice %get3A_102 {offsets = [1], sizes = [1], strides = [1]} : vector<16xf32> to vector<1xf32>
          %squeeze3A_187 = vector.extract %slice3A_186[0] : f32 from vector<1xf32>
          %broadcast_in_dim3A_188 = vector.broadcast %squeeze3A_187 : f32 to vector<16xf32>
          %mul3A_189 = arith.constant 16 : i32
          %mul3A_190 = arith.muli %scan3A_96, %mul3A_189 : i32
          %add3A_191 = arith.constant 1 : i32
          %add3A_192 = arith.addi %mul3A_190, %add3A_191 : i32
          %get3A_193 = arith.index_cast %add3A_192 : i32 to index
          %get3A_194 = arith.constant 0 : index
          %get3A_195 = tpu.vector_load %arg12[%get3A_193, %get3A_194] {strides = array<i32>} : memref<128x128xf32, #tpu.memory_space<vmem>>, vector<1x16xf32>,
          %get3A_196 = vector.shape_cast %get3A_195 : vector<1x16xf32> to vector<16xf32>
          %mul3A_197 = arith.mulf %get3A_196, %broadcast_in_dim3A_188 : vector<16xf32>
          %swap3A_198 = arith.index_cast %add3A_192 : i32 to index
          %swap3A_199 = arith.constant 0 : index
          %swap3A_200 = tpu.vector_load %arg12[%swap3A_198, %swap3A_199] {strides = array<i32>} : memref<128x128xf32, #tpu.memory_space<vmem>>, vector<1x16xf32>,
          %swap3A_201 = vector.shape_cast %swap3A_200 : vector<1x16xf32> to vector<16xf32>
          %swap3A_202 = vector.shape_cast %mul3A_197 : vector<16xf32> to vector<1x16xf32>
          tpu.vector_store %arg12[%swap3A_198, %swap3A_199], %swap3A_202 {strides = array<i32>} : memref<128x128xf32, #tpu.memory_space<vmem>>, vector<1x16xf32>,
          %get3A_203 = arith.index_cast %add3A_192 : i32 to index
          %get3A_204 = arith.constant 16 : index
          %get3A_205 = tpu.vector_load %arg12[%get3A_203, %get3A_204] {strides = array<i32>} : memref<128x128xf32, #tpu.memory_space<vmem>>, vector<1x16xf32>,
          %get3A_206 = vector.shape_cast %get3A_205 : vector<1x16xf32> to vector<16xf32>
          %mul3A_207 = arith.mulf %get3A_206, %broadcast_in_dim3A_188 : vector<16xf32>
          %swap3A_208 = arith.index_cast %add3A_192 : i32 to index
          %swap3A_209 = arith.constant 16 : index
          %swap3A_210 = tpu.vector_load %arg12[%swap3A_208, %swap3A_209] {strides = array<i32>} : memref<128x128xf32, #tpu.memory_space<vmem>>, vector<1x16xf32>,
          %swap3A_211 = vector.shape_cast %swap3A_210 : vector<1x16xf32> to vector<16xf32>
          %swap3A_212 = vector.shape_cast %mul3A_207 : vector<16xf32> to vector<1x16xf32>
          tpu.vector_store %arg12[%swap3A_208, %swap3A_209], %swap3A_212 {strides = array<i32>} : memref<128x128xf32, #tpu.memory_space<vmem>>, vector<1x16xf32>,
          %get3A_213 = arith.index_cast %add3A_192 : i32 to index
          %get3A_214 = arith.constant 32 : index
          %get3A_215 = tpu.vector_load %arg12[%get3A_213, %get3A_214] {strides = array<i32>} : memref<128x128xf32, #tpu.memory_space<vmem>>, vector<1x16xf32>,
          %get3A_216 = vector.shape_cast %get3A_215 : vector<1x16xf32> to vector<16xf32>
          %mul3A_217 = arith.mulf %get3A_216, %broadcast_in_dim3A_188 : vector<16xf32>
          %swap3A_218 = arith.index_cast %add3A_192 : i32 to index
          %swap3A_219 = arith.constant 32 : index
          %swap3A_220 = tpu.vector_load %arg12[%swap3A_218, %swap3A_219] {strides = array<i32>} : memref<128x128xf32, #tpu.memory_space<vmem>>, vector<1x16xf32>,
          %swap3A_221 = vector.shape_cast %swap3A_220 : vector<1x16xf32> to vector<16xf32>
          %swap3A_222 = vector.shape_cast %mul3A_217 : vector<16xf32> to vector<1x16xf32>
          tpu.vector_store %arg12[%swap3A_218, %swap3A_219], %swap3A_222 {strides = array<i32>} : memref<128x128xf32, #tpu.memory_space<vmem>>, vector<1x16xf32>,
          %get3A_223 = arith.index_cast %add3A_192 : i32 to index
          %get3A_224 = arith.constant 48 : index
          %get3A_225 = tpu.vector_load %arg12[%get3A_223, %get3A_224] {strides = array<i32>} : memref<128x128xf32, #tpu.memory_space<vmem>>, vector<1x16xf32>,
          %get3A_226 = vector.shape_cast %get3A_225 : vector<1x16xf32> to vector<16xf32>
          %mul3A_227 = arith.mulf %get3A_226, %broadcast_in_dim3A_188 : vector<16xf32>
          %swap3A_228 = arith.index_cast %add3A_192 : i32 to index
          %swap3A_229 = arith.constant 48 : index
          %swap3A_230 = tpu.vector_load %arg12[%swap3A_228, %swap3A_229] {strides = array<i32>} : memref<128x128xf32, #tpu.memory_space<vmem>>, vector<1x16xf32>,
          %swap3A_231 = vector.shape_cast %swap3A_230 : vector<1x16xf32> to vector<16xf32>
          %swap3A_232 = vector.shape_cast %mul3A_227 : vector<16xf32> to vector<1x16xf32>
          tpu.vector_store %arg12[%swap3A_228, %swap3A_229], %swap3A_232 {strides = array<i32>} : memref<128x128xf32, #tpu.memory_space<vmem>>, vector<1x16xf32>,
          %get3A_233 = arith.index_cast %add3A_192 : i32 to index
          %get3A_234 = arith.constant 64 : index
          %get3A_235 = tpu.vector_load %arg12[%get3A_233, %get3A_234] {strides = array<i32>} : memref<128x128xf32, #tpu.memory_space<vmem>>, vector<1x16xf32>,
          %get3A_236 = vector.shape_cast %get3A_235 : vector<1x16xf32> to vector<16xf32>
          %mul3A_237 = arith.mulf %get3A_236, %broadcast_in_dim3A_188 : vector<16xf32>
          %swap3A_238 = arith.index_cast %add3A_192 : i32 to index
          %swap3A_239 = arith.constant 64 : index
          %swap3A_240 = tpu.vector_load %arg12[%swap3A_238, %swap3A_239] {strides = array<i32>} : memref<128x128xf32, #tpu.memory_space<vmem>>, vector<1x16xf32>,
          %swap3A_241 = vector.shape_cast %swap3A_240 : vector<1x16xf32> to vector<16xf32>
          %swap3A_242 = vector.shape_cast %mul3A_237 : vector<16xf32> to vector<1x16xf32>
          tpu.vector_store %arg12[%swap3A_238, %swap3A_239], %swap3A_242 {strides = array<i32>} : memref<128x128xf32, #tpu.memory_space<vmem>>, vector<1x16xf32>,
          %get3A_243 = arith.index_cast %add3A_192 : i32 to index
          %get3A_244 = arith.constant 80 : index
          %get3A_245 = tpu.vector_load %arg12[%get3A_243, %get3A_244] {strides = array<i32>} : memref<128x128xf32, #tpu.memory_space<vmem>>, vector<1x16xf32>,
          %get3A_246 = vector.shape_cast %get3A_245 : vector<1x16xf32> to vector<16xf32>
          %mul3A_247 = arith.mulf %get3A_246, %broadcast_in_dim3A_188 : vector<16xf32>
          %swap3A_248 = arith.index_cast %add3A_192 : i32 to index
          %swap3A_249 = arith.constant 80 : index
          %swap3A_250 = tpu.vector_load %arg12[%swap3A_248, %swap3A_249] {strides = array<i32>} : memref<128x128xf32, #tpu.memory_space<vmem>>, vector<1x16xf32>,
          %swap3A_251 = vector.shape_cast %swap3A_250 : vector<1x16xf32> to vector<16xf32>
          %swap3A_252 = vector.shape_cast %mul3A_247 : vector<16xf32> to vector<1x16xf32>
          tpu.vector_store %arg12[%swap3A_248, %swap3A_249], %swap3A_252 {strides = array<i32>} : memref<128x128xf32, #tpu.memory_space<vmem>>, vector<1x16xf32>,
          %get3A_253 = arith.index_cast %add3A_192 : i32 to index
          %get3A_254 = arith.constant 96 : index
          %get3A_255 = tpu.vector_load %arg12[%get3A_253, %get3A_254] {strides = array<i32>} : memref<128x128xf32, #tpu.memory_space<vmem>>, vector<1x16xf32>,
          %get3A_256 = vector.shape_cast %get3A_255 : vector<1x16xf32> to vector<16xf32>
          %mul3A_257 = arith.mulf %get3A_256, %broadcast_in_dim3A_188 : vector<16xf32>
          %swap3A_258 = arith.index_cast %add3A_192 : i32 to index
          %swap3A_259 = arith.constant 96 : index
          %swap3A_260 = tpu.vector_load %arg12[%swap3A_258, %swap3A_259] {strides = array<i32>} : memref<128x128xf32, #tpu.memory_space<vmem>>, vector<1x16xf32>,
          %swap3A_261 = vector.shape_cast %swap3A_260 : vector<1x16xf32> to vector<16xf32>
          %swap3A_262 = vector.shape_cast %mul3A_257 : vector<16xf32> to vector<1x16xf32>
          tpu.vector_store %arg12[%swap3A_258, %swap3A_259], %swap3A_262 {strides = array<i32>} : memref<128x128xf32, #tpu.memory_space<vmem>>, vector<1x16xf32>,
          %get3A_263 = arith.index_cast %add3A_192 : i32 to index
          %get3A_264 = arith.constant 112 : index
          %get3A_265 = tpu.vector_load %arg12[%get3A_263, %get3A_264] {strides = array<i32>} : memref<128x128xf32, #tpu.memory_space<vmem>>, vector<1x16xf32>,
          %get3A_266 = vector.shape_cast %get3A_265 : vector<1x16xf32> to vector<16xf32>
          %mul3A_267 = arith.mulf %get3A_266, %broadcast_in_dim3A_188 : vector<16xf32>
          %swap3A_268 = arith.index_cast %add3A_192 : i32 to index
          %swap3A_269 = arith.constant 112 : index
          %swap3A_270 = tpu.vector_load %arg12[%swap3A_268, %swap3A_269] {strides = array<i32>} : memref<128x128xf32, #tpu.memory_space<vmem>>, vector<1x16xf32>,
          %swap3A_271 = vector.shape_cast %swap3A_270 : vector<1x16xf32> to vector<16xf32>
          %swap3A_272 = vector.shape_cast %mul3A_267 : vector<16xf32> to vector<1x16xf32>
          tpu.vector_store %arg12[%swap3A_268, %swap3A_269], %swap3A_272 {strides = array<i32>} : memref<128x128xf32, #tpu.memory_space<vmem>>, vector<1x16xf32>,
          %slice3A_273 = vector.extract_strided_slice %get3A_102 {offsets = [2], sizes = [1], strides = [1]} : vector<16xf32> to vector<1xf32>
          %squeeze3A_274 = vector.extract %slice3A_273[0] : f32 from vector<1xf32>
          %broadcast_in_dim3A_275 = vector.broadcast %squeeze3A_274 : f32 to vector<16xf32>
          %mul3A_276 = arith.constant 16 : i32
          %mul3A_277 = arith.muli %scan3A_96, %mul3A_276 : i32
          %add3A_278 = arith.constant 2 : i32
          %add3A_279 = arith.addi %mul3A_277, %add3A_278 : i32
          %get3A_280 = arith.index_cast %add3A_279 : i32 to index
          %get3A_281 = arith.constant 0 : index
          %get3A_282 = tpu.vector_load %arg12[%get3A_280, %get3A_281] {strides = array<i32>} : memref<128x128xf32, #tpu.memory_space<vmem>>, vector<1x16xf32>,
          %get3A_283 = vector.shape_cast %get3A_282 : vector<1x16xf32> to vector<16xf32>
          %mul3A_284 = arith.mulf %get3A_283, %broadcast_in_dim3A_275 : vector<16xf32>
          %swap3A_285 = arith.index_cast %add3A_279 : i32 to index
          %swap3A_286 = arith.constant 0 : index
          %swap3A_287 = tpu.vector_load %arg12[%swap3A_285, %swap3A_286] {strides = array<i32>} : memref<128x128xf32, #tpu.memory_space<vmem>>, vector<1x16xf32>,
          %swap3A_288 = vector.shape_cast %swap3A_287 : vector<1x16xf32> to vector<16xf32>
          %swap3A_289 = vector.shape_cast %mul3A_284 : vector<16xf32> to vector<1x16xf32>
          tpu.vector_store %arg12[%swap3A_285, %swap3A_286], %swap3A_289 {strides = array<i32>} : memref<128x128xf32, #tpu.memory_space<vmem>>, vector<1x16xf32>,
          %get3A_290 = arith.index_cast %add3A_279 : i32 to index
          %get3A_291 = arith.constant 16 : index
          %get3A_292 = tpu.vector_load %arg12[%get3A_290, %get3A_291] {strides = array<i32>} : memref<128x128xf32, #tpu.memory_space<vmem>>, vector<1x16xf32>,
          %get3A_293 = vector.shape_cast %get3A_292 : vector<1x16xf32> to vector<16xf32>
          %mul3A_294 = arith.mulf %get3A_293, %broadcast_in_dim3A_275 : vector<16xf32>
          %swap3A_295 = arith.index_cast %add3A_279 : i32 to index
          %swap3A_296 = arith.constant 16 : index
          %swap3A_297 = tpu.vector_load %arg12[%swap3A_295, %swap3A_296] {strides = array<i32>} : memref<128x128xf32, #tpu.memory_space<vmem>>, vector<1x16xf32>,
          %swap3A_298 = vector.shape_cast %swap3A_297 : vector<1x16xf32> to vector<16xf32>
          %swap3A_299 = vector.shape_cast %mul3A_294 : vector<16xf32> to vector<1x16xf32>
          tpu.vector_store %arg12[%swap3A_295, %swap3A_296], %swap3A_299 {strides = array<i32>} : memref<128x128xf32, #tpu.memory_space<vmem>>, vector<1x16xf32>,
          %get3A_300 = arith.index_cast %add3A_279 : i32 to index
          %get3A_301 = arith.constant 32 : index
          %get3A_302 = tpu.vector_load %arg12[%get3A_300, %get3A_301] {strides = array<i32>} : memref<128x128xf32, #tpu.memory_space<vmem>>, vector<1x16xf32>,
          %get3A_303 = vector.shape_cast %get3A_302 : vector<1x16xf32> to vector<16xf32>
          %mul3A_304 = arith.mulf %get3A_303, %broadcast_in_dim3A_275 : vector<16xf32>
          %swap3A_305 = arith.index_cast %add3A_279 : i32 to index
          %swap3A_306 = arith.constant 32 : index
          %swap3A_307 = tpu.vector_load %arg12[%swap3A_305, %swap3A_306] {strides = array<i32>} : memref<128x128xf32, #tpu.memory_space<vmem>>, vector<1x16xf32>,
          %swap3A_308 = vector.shape_cast %swap3A_307 : vector<1x16xf32> to vector<16xf32>
          %swap3A_309 = vector.shape_cast %mul3A_304 : vector<16xf32> to vector<1x16xf32>
          tpu.vector_store %arg12[%swap3A_305, %swap3A_306], %swap3A_309 {strides = array<i32>} : memref<128x128xf32, #tpu.memory_space<vmem>>, vector<1x16xf32>,
          %get3A_310 = arith.index_cast %add3A_279 : i32 to index
          %get3A_311 = arith.constant 48 : index
          %get3A_312 = tpu.vector_load %arg12[%get3A_310, %get3A_311] {strides = array<i32>} : memref<128x128xf32, #tpu.memory_space<vmem>>, vector<1x16xf32>,
          %get3A_313 = vector.shape_cast %get3A_312 : vector<1x16xf32> to vector<16xf32>
          %mul3A_314 = arith.mulf %get3A_313, %broadcast_in_dim3A_275 : vector<16xf32>
          %swap3A_315 = arith.index_cast %add3A_279 : i32 to index
          %swap3A_316 = arith.constant 48 : index
          %swap3A_317 = tpu.vector_load %arg12[%swap3A_315, %swap3A_316] {strides = array<i32>} : memref<128x128xf32, #tpu.memory_space<vmem>>, vector<1x16xf32>,
          %swap3A_318 = vector.shape_cast %swap3A_317 : vector<1x16xf32> to vector<16xf32>
          %swap3A_319 = vector.shape_cast %mul3A_314 : vector<16xf32> to vector<1x16xf32>
          tpu.vector_store %arg12[%swap3A_315, %swap3A_316], %swap3A_319 {strides = array<i32>} : memref<128x128xf32, #tpu.memory_space<vmem>>, vector<1x16xf32>,
          %get3A_320 = arith.index_cast %add3A_279 : i32 to index
          %get3A_321 = arith.constant 64 : index
          %get3A_322 = tpu.vector_load %arg12[%get3A_320, %get3A_321] {strides = array<i32>} : memref<128x128xf32, #tpu.memory_space<vmem>>, vector<1x16xf32>,
          %get3A_323 = vector.shape_cast %get3A_322 : vector<1x16xf32> to vector<16xf32>
          %mul3A_324 = arith.mulf %get3A_323, %broadcast_in_dim3A_275 : vector<16xf32>
          %swap3A_325 = arith.index_cast %add3A_279 : i32 to index
          %swap3A_326 = arith.constant 64 : index
          %swap3A_327 = tpu.vector_load %arg12[%swap3A_325, %swap3A_326] {strides = array<i32>} : memref<128x128xf32, #tpu.memory_space<vmem>>, vector<1x16xf32>,
          %swap3A_328 = vector.shape_cast %swap3A_327 : vector<1x16xf32> to vector<16xf32>
          %swap3A_329 = vector.shape_cast %mul3A_324 : vector<16xf32> to vector<1x16xf32>
          tpu.vector_store %arg12[%swap3A_325, %swap3A_326], %swap3A_329 {strides = array<i32>} : memref<128x128xf32, #tpu.memory_space<vmem>>, vector<1x16xf32>,
          %get3A_330 = arith.index_cast %add3A_279 : i32 to index
          %get3A_331 = arith.constant 80 : index
          %get3A_332 = tpu.vector_load %arg12[%get3A_330, %get3A_331] {strides = array<i32>} : memref<128x128xf32, #tpu.memory_space<vmem>>, vector<1x16xf32>,
          %get3A_333 = vector.shape_cast %get3A_332 : vector<1x16xf32> to vector<16xf32>
          %mul3A_334 = arith.mulf %get3A_333, %broadcast_in_dim3A_275 : vector<16xf32>
          %swap3A_335 = arith.index_cast %add3A_279 : i32 to index
          %swap3A_336 = arith.constant 80 : index
          %swap3A_337 = tpu.vector_load %arg12[%swap3A_335, %swap3A_336] {strides = array<i32>} : memref<128x128xf32, #tpu.memory_space<vmem>>, vector<1x16xf32>,
          %swap3A_338 = vector.shape_cast %swap3A_337 : vector<1x16xf32> to vector<16xf32>
          %swap3A_339 = vector.shape_cast %mul3A_334 : vector<16xf32> to vector<1x16xf32>
          tpu.vector_store %arg12[%swap3A_335, %swap3A_336], %swap3A_339 {strides = array<i32>} : memref<128x128xf32, #tpu.memory_space<vmem>>, vector<1x16xf32>,
          %get3A_340 = arith.index_cast %add3A_279 : i32 to index
          %get3A_341 = arith.constant 96 : index
          %get3A_342 = tpu.vector_load %arg12[%get3A_340, %get3A_341] {strides = array<i32>} : memref<128x128xf32, #tpu.memory_space<vmem>>, vector<1x16xf32>,
          %get3A_343 = vector.shape_cast %get3A_342 : vector<1x16xf32> to vector<16xf32>
          %mul3A_344 = arith.mulf %get3A_343, %broadcast_in_dim3A_275 : vector<16xf32>
          %swap3A_345 = arith.index_cast %add3A_279 : i32 to index
          %swap3A_346 = arith.constant 96 : index
          %swap3A_347 = tpu.vector_load %arg12[%swap3A_345, %swap3A_346] {strides = array<i32>} : memref<128x128xf32, #tpu.memory_space<vmem>>, vector<1x16xf32>,
          %swap3A_348 = vector.shape_cast %swap3A_347 : vector<1x16xf32> to vector<16xf32>
          %swap3A_349 = vector.shape_cast %mul3A_344 : vector<16xf32> to vector<1x16xf32>
          tpu.vector_store %arg12[%swap3A_345, %swap3A_346], %swap3A_349 {strides = array<i32>} : memref<128x128xf32, #tpu.memory_space<vmem>>, vector<1x16xf32>,
          %get3A_350 = arith.index_cast %add3A_279 : i32 to index
          %get3A_351 = arith.constant 112 : index
          %get3A_352 = tpu.vector_load %arg12[%get3A_350, %get3A_351] {strides = array<i32>} : memref<128x128xf32, #tpu.memory_space<vmem>>, vector<1x16xf32>,
          %get3A_353 = vector.shape_cast %get3A_352 : vector<1x16xf32> to vector<16xf32>
          %mul3A_354 = arith.mulf %get3A_353, %broadcast_in_dim3A_275 : vector<16xf32>
          %swap3A_355 = arith.index_cast %add3A_279 : i32 to index
          %swap3A_356 = arith.constant 112 : index
          %swap3A_357 = tpu.vector_load %arg12[%swap3A_355, %swap3A_356] {strides = array<i32>} : memref<128x128xf32, #tpu.memory_space<vmem>>, vector<1x16xf32>,
          %swap3A_358 = vector.shape_cast %swap3A_357 : vector<1x16xf32> to vector<16xf32>
          %swap3A_359 = vector.shape_cast %mul3A_354 : vector<16xf32> to vector<1x16xf32>
          tpu.vector_store %arg12[%swap3A_355, %swap3A_356], %swap3A_359 {strides = array<i32>} : memref<128x128xf32, #tpu.memory_space<vmem>>, vector<1x16xf32>,
          %slice3A_360 = vector.extract_strided_slice %get3A_102 {offsets = [3], sizes = [1], strides = [1]} : vector<16xf32> to vector<1xf32>
          %squeeze3A_361 = vector.extract %slice3A_360[0] : f32 from vector<1xf32>
          %broadcast_in_dim3A_362 = vector.broadcast %squeeze3A_361 : f32 to vector<16xf32>
          %mul3A_363 = arith.constant 16 : i32
          %mul3A_364 = arith.muli %scan3A_96, %mul3A_363 : i32
          %add3A_365 = arith.constant 3 : i32
          %add3A_366 = arith.addi %mul3A_364, %add3A_365 : i32
          %get3A_367 = arith.index_cast %add3A_366 : i32 to index
          %get3A_368 = arith.constant 0 : index
          %get3A_369 = tpu.vector_load %arg12[%get3A_367, %get3A_368] {strides = array<i32>} : memref<128x128xf32, #tpu.memory_space<vmem>>, vector<1x16xf32>,
          %get3A_370 = vector.shape_cast %get3A_369 : vector<1x16xf32> to vector<16xf32>
          %mul3A_371 = arith.mulf %get3A_370, %broadcast_in_dim3A_362 : vector<16xf32>
          %swap3A_372 = arith.index_cast %add3A_366 : i32 to index
          %swap3A_373 = arith.constant 0 : index
          %swap3A_374 = tpu.vector_load %arg12[%swap3A_372, %swap3A_373] {strides = array<i32>} : memref<128x128xf32, #tpu.memory_space<vmem>>, vector<1x16xf32>,
          %swap3A_375 = vector.shape_cast %swap3A_374 : vector<1x16xf32> to vector<16xf32>
          %swap3A_376 = vector.shape_cast %mul3A_371 : vector<16xf32> to vector<1x16xf32>
          tpu.vector_store %arg12[%swap3A_372, %swap3A_373], %swap3A_376 {strides = array<i32>} : memref<128x128xf32, #tpu.memory_space<vmem>>, vector<1x16xf32>,
          %get3A_377 = arith.index_cast %add3A_366 : i32 to index
          %get3A_378 = arith.constant 16 : index
          %get3A_379 = tpu.vector_load %arg12[%get3A_377, %get3A_378] {strides = array<i32>} : memref<128x128xf32, #tpu.memory_space<vmem>>, vector<1x16xf32>,
          %get3A_380 = vector.shape_cast %get3A_379 : vector<1x16xf32> to vector<16xf32>
          %mul3A_381 = arith.mulf %get3A_380, %broadcast_in_dim3A_362 : vector<16xf32>
          %swap3A_382 = arith.index_cast %add3A_366 : i32 to index
          %swap3A_383 = arith.constant 16 : index
          %swap3A_384 = tpu.vector_load %arg12[%swap3A_382, %swap3A_383] {strides = array<i32>} : memref<128x128xf32, #tpu.memory_space<vmem>>, vector<1x16xf32>,
          %swap3A_385 = vector.shape_cast %swap3A_384 : vector<1x16xf32> to vector<16xf32>
          %swap3A_386 = vector.shape_cast %mul3A_381 : vector<16xf32> to vector<1x16xf32>
          tpu.vector_store %arg12[%swap3A_382, %swap3A_383], %swap3A_386 {strides = array<i32>} : memref<128x128xf32, #tpu.memory_space<vmem>>, vector<1x16xf32>,
          %get3A_387 = arith.index_cast %add3A_366 : i32 to index
          %get3A_388 = arith.constant 32 : index
          %get3A_389 = tpu.vector_load %arg12[%get3A_387, %get3A_388] {strides = array<i32>} : memref<128x128xf32, #tpu.memory_space<vmem>>, vector<1x16xf32>,
          %get3A_390 = vector.shape_cast %get3A_389 : vector<1x16xf32> to vector<16xf32>
          %mul3A_391 = arith.mulf %get3A_390, %broadcast_in_dim3A_362 : vector<16xf32>
          %swap3A_392 = arith.index_cast %add3A_366 : i32 to index
          %swap3A_393 = arith.constant 32 : index
          %swap3A_394 = tpu.vector_load %arg12[%swap3A_392, %swap3A_393] {strides = array<i32>} : memref<128x128xf32, #tpu.memory_space<vmem>>, vector<1x16xf32>,
          %swap3A_395 = vector.shape_cast %swap3A_394 : vector<1x16xf32> to vector<16xf32>
          %swap3A_396 = vector.shape_cast %mul3A_391 : vector<16xf32> to vector<1x16xf32>
          tpu.vector_store %arg12[%swap3A_392, %swap3A_393], %swap3A_396 {strides = array<i32>} : memref<128x128xf32, #tpu.memory_space<vmem>>, vector<1x16xf32>,
          %get3A_397 = arith.index_cast %add3A_366 : i32 to index
          %get3A_398 = arith.constant 48 : index
          %get3A_399 = tpu.vector_load %arg12[%get3A_397, %get3A_398] {strides = array<i32>} : memref<128x128xf32, #tpu.memory_space<vmem>>, vector<1x16xf32>,
          %get3A_400 = vector.shape_cast %get3A_399 : vector<1x16xf32> to vector<16xf32>
          %mul3A_401 = arith.mulf %get3A_400, %broadcast_in_dim3A_362 : vector<16xf32>
          %swap3A_402 = arith.index_cast %add3A_366 : i32 to index
          %swap3A_403 = arith.constant 48 : index
          %swap3A_404 = tpu.vector_load %arg12[%swap3A_402, %swap3A_403] {strides = array<i32>} : memref<128x128xf32, #tpu.memory_space<vmem>>, vector<1x16xf32>,
          %swap3A_405 = vector.shape_cast %swap3A_404 : vector<1x16xf32> to vector<16xf32>
          %swap3A_406 = vector.shape_cast %mul3A_401 : vector<16xf32> to vector<1x16xf32>
          tpu.vector_store %arg12[%swap3A_402, %swap3A_403], %swap3A_406 {strides = array<i32>} : memref<128x128xf32, #tpu.memory_space<vmem>>, vector<1x16xf32>,
          %get3A_407 = arith.index_cast %add3A_366 : i32 to index
          %get3A_408 = arith.constant 64 : index
          %get3A_409 = tpu.vector_load %arg12[%get3A_407, %get3A_408] {strides = array<i32>} : memref<128x128xf32, #tpu.memory_space<vmem>>, vector<1x16xf32>,
          %get3A_410 = vector.shape_cast %get3A_409 : vector<1x16xf32> to vector<16xf32>
          %mul3A_411 = arith.mulf %get3A_410, %broadcast_in_dim3A_362 : vector<16xf32>
          %swap3A_412 = arith.index_cast %add3A_366 : i32 to index
          %swap3A_413 = arith.constant 64 : index
          %swap3A_414 = tpu.vector_load %arg12[%swap3A_412, %swap3A_413] {strides = array<i32>} : memref<128x128xf32, #tpu.memory_space<vmem>>, vector<1x16xf32>,
          %swap3A_415 = vector.shape_cast %swap3A_414 : vector<1x16xf32> to vector<16xf32>
          %swap3A_416 = vector.shape_cast %mul3A_411 : vector<16xf32> to vector<1x16xf32>
          tpu.vector_store %arg12[%swap3A_412, %swap3A_413], %swap3A_416 {strides = array<i32>} : memref<128x128xf32, #tpu.memory_space<vmem>>, vector<1x16xf32>,
          %get3A_417 = arith.index_cast %add3A_366 : i32 to index
          %get3A_418 = arith.constant 80 : index
          %get3A_419 = tpu.vector_load %arg12[%get3A_417, %get3A_418] {strides = array<i32>} : memref<128x128xf32, #tpu.memory_space<vmem>>, vector<1x16xf32>,
          %get3A_420 = vector.shape_cast %get3A_419 : vector<1x16xf32> to vector<16xf32>
          %mul3A_421 = arith.mulf %get3A_420, %broadcast_in_dim3A_362 : vector<16xf32>
          %swap3A_422 = arith.index_cast %add3A_366 : i32 to index
          %swap3A_423 = arith.constant 80 : index
          %swap3A_424 = tpu.vector_load %arg12[%swap3A_422, %swap3A_423] {strides = array<i32>} : memref<128x128xf32, #tpu.memory_space<vmem>>, vector<1x16xf32>,
          %swap3A_425 = vector.shape_cast %swap3A_424 : vector<1x16xf32> to vector<16xf32>
          %swap3A_426 = vector.shape_cast %mul3A_421 : vector<16xf32> to vector<1x16xf32>
          tpu.vector_store %arg12[%swap3A_422, %swap3A_423], %swap3A_426 {strides = array<i32>} : memref<128x128xf32, #tpu.memory_space<vmem>>, vector<1x16xf32>,
          %get3A_427 = arith.index_cast %add3A_366 : i32 to index
          %get3A_428 = arith.constant 96 : index
          %get3A_429 = tpu.vector_load %arg12[%get3A_427, %get3A_428] {strides = array<i32>} : memref<128x128xf32, #tpu.memory_space<vmem>>, vector<1x16xf32>,
          %get3A_430 = vector.shape_cast %get3A_429 : vector<1x16xf32> to vector<16xf32>
          %mul3A_431 = arith.mulf %get3A_430, %broadcast_in_dim3A_362 : vector<16xf32>
          %swap3A_432 = arith.index_cast %add3A_366 : i32 to index
          %swap3A_433 = arith.constant 96 : index
          %swap3A_434 = tpu.vector_load %arg12[%swap3A_432, %swap3A_433] {strides = array<i32>} : memref<128x128xf32, #tpu.memory_space<vmem>>, vector<1x16xf32>,
          %swap3A_435 = vector.shape_cast %swap3A_434 : vector<1x16xf32> to vector<16xf32>
          %swap3A_436 = vector.shape_cast %mul3A_431 : vector<16xf32> to vector<1x16xf32>
          tpu.vector_store %arg12[%swap3A_432, %swap3A_433], %swap3A_436 {strides = array<i32>} : memref<128x128xf32, #tpu.memory_space<vmem>>, vector<1x16xf32>,
          %get3A_437 = arith.index_cast %add3A_366 : i32 to index
          %get3A_438 = arith.constant 112 : index
          %get3A_439 = tpu.vector_load %arg12[%get3A_437, %get3A_438] {strides = array<i32>} : memref<128x128xf32, #tpu.memory_space<vmem>>, vector<1x16xf32>,
          %get3A_440 = vector.shape_cast %get3A_439 : vector<1x16xf32> to vector<16xf32>
          %mul3A_441 = arith.mulf %get3A_440, %broadcast_in_dim3A_362 : vector<16xf32>
          %swap3A_442 = arith.index_cast %add3A_366 : i32 to index
          %swap3A_443 = arith.constant 112 : index
          %swap3A_444 = tpu.vector_load %arg12[%swap3A_442, %swap3A_443] {strides = array<i32>} : memref<128x128xf32, #tpu.memory_space<vmem>>, vector<1x16xf32>,
          %swap3A_445 = vector.shape_cast %swap3A_444 : vector<1x16xf32> to vector<16xf32>
          %swap3A_446 = vector.shape_cast %mul3A_441 : vector<16xf32> to vector<1x16xf32>
          tpu.vector_store %arg12[%swap3A_442, %swap3A_443], %swap3A_446 {strides = array<i32>} : memref<128x128xf32, #tpu.memory_space<vmem>>, vector<1x16xf32>,
          %slice3A_447 = vector.extract_strided_slice %get3A_102 {offsets = [4], sizes = [1], strides = [1]} : vector<16xf32> to vector<1xf32>
          %squeeze3A_448 = vector.extract %slice3A_447[0] : f32 from vector<1xf32>
          %broadcast_in_dim3A_449 = vector.broadcast %squeeze3A_448 : f32 to vector<16xf32>
          %mul3A_450 = arith.constant 16 : i32
          %mul3A_451 = arith.muli %scan3A_96, %mul3A_450 : i32
          %add3A_452 = arith.constant 4 : i32
          %add3A_453 = arith.addi %mul3A_451, %add3A_452 : i32
          %get3A_454 = arith.index_cast %add3A_453 : i32 to index
          %get3A_455 = arith.constant 0 : index
          %get3A_456 = tpu.vector_load %arg12[%get3A_454, %get3A_455] {strides = array<i32>} : memref<128x128xf32, #tpu.memory_space<vmem>>, vector<1x16xf32>,
          %get3A_457 = vector.shape_cast %get3A_456 : vector<1x16xf32> to vector<16xf32>
          %mul3A_458 = arith.mulf %get3A_457, %broadcast_in_dim3A_449 : vector<16xf32>
          %swap3A_459 = arith.index_cast %add3A_453 : i32 to index
          %swap3A_460 = arith.constant 0 : index
          %swap3A_461 = tpu.vector_load %arg12[%swap3A_459, %swap3A_460] {strides = array<i32>} : memref<128x128xf32, #tpu.memory_space<vmem>>, vector<1x16xf32>,
          %swap3A_462 = vector.shape_cast %swap3A_461 : vector<1x16xf32> to vector<16xf32>
          %swap3A_463 = vector.shape_cast %mul3A_458 : vector<16xf32> to vector<1x16xf32>
          tpu.vector_store %arg12[%swap3A_459, %swap3A_460], %swap3A_463 {strides = array<i32>} : memref<128x128xf32, #tpu.memory_space<vmem>>, vector<1x16xf32>,
          %get3A_464 = arith.index_cast %add3A_453 : i32 to index
          %get3A_465 = arith.constant 16 : index
          %get3A_466 = tpu.vector_load %arg12[%get3A_464, %get3A_465] {strides = array<i32>} : memref<128x128xf32, #tpu.memory_space<vmem>>, vector<1x16xf32>,
          %get3A_467 = vector.shape_cast %get3A_466 : vector<1x16xf32> to vector<16xf32>
          %mul3A_468 = arith.mulf %get3A_467, %broadcast_in_dim3A_449 : vector<16xf32>
          %swap3A_469 = arith.index_cast %add3A_453 : i32 to index
          %swap3A_470 = arith.constant 16 : index
          %swap3A_471 = tpu.vector_load %arg12[%swap3A_469, %swap3A_470] {strides = array<i32>} : memref<128x128xf32, #tpu.memory_space<vmem>>, vector<1x16xf32>,
          %swap3A_472 = vector.shape_cast %swap3A_471 : vector<1x16xf32> to vector<16xf32>
          %swap3A_473 = vector.shape_cast %mul3A_468 : vector<16xf32> to vector<1x16xf32>
          tpu.vector_store %arg12[%swap3A_469, %swap3A_470], %swap3A_473 {strides = array<i32>} : memref<128x128xf32, #tpu.memory_space<vmem>>, vector<1x16xf32>,
          %get3A_474 = arith.index_cast %add3A_453 : i32 to index
          %get3A_475 = arith.constant 32 : index
          %get3A_476 = tpu.vector_load %arg12[%get3A_474, %get3A_475] {strides = array<i32>} : memref<128x128xf32, #tpu.memory_space<vmem>>, vector<1x16xf32>,
          %get3A_477 = vector.shape_cast %get3A_476 : vector<1x16xf32> to vector<16xf32>
          %mul3A_478 = arith.mulf %get3A_477, %broadcast_in_dim3A_449 : vector<16xf32>
          %swap3A_479 = arith.index_cast %add3A_453 : i32 to index
          %swap3A_480 = arith.constant 32 : index
          %swap3A_481 = tpu.vector_load %arg12[%swap3A_479, %swap3A_480] {strides = array<i32>} : memref<128x128xf32, #tpu.memory_space<vmem>>, vector<1x16xf32>,
          %swap3A_482 = vector.shape_cast %swap3A_481 : vector<1x16xf32> to vector<16xf32>
          %swap3A_483 = vector.shape_cast %mul3A_478 : vector<16xf32> to vector<1x16xf32>
          tpu.vector_store %arg12[%swap3A_479, %swap3A_480], %swap3A_483 {strides = array<i32>} : memref<128x128xf32, #tpu.memory_space<vmem>>, vector<1x16xf32>,
          %get3A_484 = arith.index_cast %add3A_453 : i32 to index
          %get3A_485 = arith.constant 48 : index
          %get3A_486 = tpu.vector_load %arg12[%get3A_484, %get3A_485] {strides = array<i32>} : memref<128x128xf32, #tpu.memory_space<vmem>>, vector<1x16xf32>,
          %get3A_487 = vector.shape_cast %get3A_486 : vector<1x16xf32> to vector<16xf32>
          %mul3A_488 = arith.mulf %get3A_487, %broadcast_in_dim3A_449 : vector<16xf32>
          %swap3A_489 = arith.index_cast %add3A_453 : i32 to index
          %swap3A_490 = arith.constant 48 : index
          %swap3A_491 = tpu.vector_load %arg12[%swap3A_489, %swap3A_490] {strides = array<i32>} : memref<128x128xf32, #tpu.memory_space<vmem>>, vector<1x16xf32>,
          %swap3A_492 = vector.shape_cast %swap3A_491 : vector<1x16xf32> to vector<16xf32>
          %swap3A_493 = vector.shape_cast %mul3A_488 : vector<16xf32> to vector<1x16xf32>
          tpu.vector_store %arg12[%swap3A_489, %swap3A_490], %swap3A_493 {strides = array<i32>} : memref<128x128xf32, #tpu.memory_space<vmem>>, vector<1x16xf32>,
          %get3A_494 = arith.index_cast %add3A_453 : i32 to index
          %get3A_495 = arith.constant 64 : index
          %get3A_496 = tpu.vector_load %arg12[%get3A_494, %get3A_495] {strides = array<i32>} : memref<128x128xf32, #tpu.memory_space<vmem>>, vector<1x16xf32>,
          %get3A_497 = vector.shape_cast %get3A_496 : vector<1x16xf32> to vector<16xf32>
          %mul3A_498 = arith.mulf %get3A_497, %broadcast_in_dim3A_449 : vector<16xf32>
          %swap3A_499 = arith.index_cast %add3A_453 : i32 to index
          %swap3A_500 = arith.constant 64 : index
          %swap3A_501 = tpu.vector_load %arg12[%swap3A_499, %swap3A_500] {strides = array<i32>} : memref<128x128xf32, #tpu.memory_space<vmem>>, vector<1x16xf32>,
          %swap3A_502 = vector.shape_cast %swap3A_501 : vector<1x16xf32> to vector<16xf32>
          %swap3A_503 = vector.shape_cast %mul3A_498 : vector<16xf32> to vector<1x16xf32>
          tpu.vector_store %arg12[%swap3A_499, %swap3A_500], %swap3A_503 {strides = array<i32>} : memref<128x128xf32, #tpu.memory_space<vmem>>, vector<1x16xf32>,
          %get3A_504 = arith.index_cast %add3A_453 : i32 to index
          %get3A_505 = arith.constant 80 : index
          %get3A_506 = tpu.vector_load %arg12[%get3A_504, %get3A_505] {strides = array<i32>} : memref<128x128xf32, #tpu.memory_space<vmem>>, vector<1x16xf32>,
          %get3A_507 = vector.shape_cast %get3A_506 : vector<1x16xf32> to vector<16xf32>
          %mul3A_508 = arith.mulf %get3A_507, %broadcast_in_dim3A_449 : vector<16xf32>
          %swap3A_509 = arith.index_cast %add3A_453 : i32 to index
          %swap3A_510 = arith.constant 80 : index
          %swap3A_511 = tpu.vector_load %arg12[%swap3A_509, %swap3A_510] {strides = array<i32>} : memref<128x128xf32, #tpu.memory_space<vmem>>, vector<1x16xf32>,
          %swap3A_512 = vector.shape_cast %swap3A_511 : vector<1x16xf32> to vector<16xf32>
          %swap3A_513 = vector.shape_cast %mul3A_508 : vector<16xf32> to vector<1x16xf32>
          tpu.vector_store %arg12[%swap3A_509, %swap3A_510], %swap3A_513 {strides = array<i32>} : memref<128x128xf32, #tpu.memory_space<vmem>>, vector<1x16xf32>,
          %get3A_514 = arith.index_cast %add3A_453 : i32 to index
          %get3A_515 = arith.constant 96 : index
          %get3A_516 = tpu.vector_load %arg12[%get3A_514, %get3A_515] {strides = array<i32>} : memref<128x128xf32, #tpu.memory_space<vmem>>, vector<1x16xf32>,
          %get3A_517 = vector.shape_cast %get3A_516 : vector<1x16xf32> to vector<16xf32>
          %mul3A_518 = arith.mulf %get3A_517, %broadcast_in_dim3A_449 : vector<16xf32>
          %swap3A_519 = arith.index_cast %add3A_453 : i32 to index
          %swap3A_520 = arith.constant 96 : index
          %swap3A_521 = tpu.vector_load %arg12[%swap3A_519, %swap3A_520] {strides = array<i32>} : memref<128x128xf32, #tpu.memory_space<vmem>>, vector<1x16xf32>,
          %swap3A_522 = vector.shape_cast %swap3A_521 : vector<1x16xf32> to vector<16xf32>
          %swap3A_523 = vector.shape_cast %mul3A_518 : vector<16xf32> to vector<1x16xf32>
          tpu.vector_store %arg12[%swap3A_519, %swap3A_520], %swap3A_523 {strides = array<i32>} : memref<128x128xf32, #tpu.memory_space<vmem>>, vector<1x16xf32>,
          %get3A_524 = arith.index_cast %add3A_453 : i32 to index
          %get3A_525 = arith.constant 112 : index
          %get3A_526 = tpu.vector_load %arg12[%get3A_524, %get3A_525] {strides = array<i32>} : memref<128x128xf32, #tpu.memory_space<vmem>>, vector<1x16xf32>,
          %get3A_527 = vector.shape_cast %get3A_526 : vector<1x16xf32> to vector<16xf32>
          %mul3A_528 = arith.mulf %get3A_527, %broadcast_in_dim3A_449 : vector<16xf32>
          %swap3A_529 = arith.index_cast %add3A_453 : i32 to index
          %swap3A_530 = arith.constant 112 : index
          %swap3A_531 = tpu.vector_load %arg12[%swap3A_529, %swap3A_530] {strides = array<i32>} : memref<128x128xf32, #tpu.memory_space<vmem>>, vector<1x16xf32>,
          %swap3A_532 = vector.shape_cast %swap3A_531 : vector<1x16xf32> to vector<16xf32>
          %swap3A_533 = vector.shape_cast %mul3A_528 : vector<16xf32> to vector<1x16xf32>
          tpu.vector_store %arg12[%swap3A_529, %swap3A_530], %swap3A_533 {strides = array<i32>} : memref<128x128xf32, #tpu.memory_space<vmem>>, vector<1x16xf32>,
          %slice3A_534 = vector.extract_strided_slice %get3A_102 {offsets = [5], sizes = [1], strides = [1]} : vector<16xf32> to vector<1xf32>
          %squeeze3A_535 = vector.extract %slice3A_534[0] : f32 from vector<1xf32>
          %broadcast_in_dim3A_536 = vector.broadcast %squeeze3A_535 : f32 to vector<16xf32>
          %mul3A_537 = arith.constant 16 : i32
          %mul3A_538 = arith.muli %scan3A_96, %mul3A_537 : i32
          %add3A_539 = arith.constant 5 : i32
          %add3A_540 = arith.addi %mul3A_538, %add3A_539 : i32
          %get3A_541 = arith.index_cast %add3A_540 : i32 to index
          %get3A_542 = arith.constant 0 : index
          %get3A_543 = tpu.vector_load %arg12[%get3A_541, %get3A_542] {strides = array<i32>} : memref<128x128xf32, #tpu.memory_space<vmem>>, vector<1x16xf32>,
          %get3A_544 = vector.shape_cast %get3A_543 : vector<1x16xf32> to vector<16xf32>
          %mul3A_545 = arith.mulf %get3A_544, %broadcast_in_dim3A_536 : vector<16xf32>
          %swap3A_546 = arith.index_cast %add3A_540 : i32 to index
          %swap3A_547 = arith.constant 0 : index
          %swap3A_548 = tpu.vector_load %arg12[%swap3A_546, %swap3A_547] {strides = array<i32>} : memref<128x128xf32, #tpu.memory_space<vmem>>, vector<1x16xf32>,
          %swap3A_549 = vector.shape_cast %swap3A_548 : vector<1x16xf32> to vector<16xf32>
          %swap3A_550 = vector.shape_cast %mul3A_545 : vector<16xf32> to vector<1x16xf32>
          tpu.vector_store %arg12[%swap3A_546, %swap3A_547], %swap3A_550 {strides = array<i32>} : memref<128x128xf32, #tpu.memory_space<vmem>>, vector<1x16xf32>,
          %get3A_551 = arith.index_cast %add3A_540 : i32 to index
          %get3A_552 = arith.constant 16 : index
          %get3A_553 = tpu.vector_load %arg12[%get3A_551, %get3A_552] {strides = array<i32>} : memref<128x128xf32, #tpu.memory_space<vmem>>, vector<1x16xf32>,
          %get3A_554 = vector.shape_cast %get3A_553 : vector<1x16xf32> to vector<16xf32>
          %mul3A_555 = arith.mulf %get3A_554, %broadcast_in_dim3A_536 : vector<16xf32>
          %swap3A_556 = arith.index_cast %add3A_540 : i32 to index
          %swap3A_557 = arith.constant 16 : index
          %swap3A_558 = tpu.vector_load %arg12[%swap3A_556, %swap3A_557] {strides = array<i32>} : memref<128x128xf32, #tpu.memory_space<vmem>>, vector<1x16xf32>,
          %swap3A_559 = vector.shape_cast %swap3A_558 : vector<1x16xf32> to vector<16xf32>
          %swap3A_560 = vector.shape_cast %mul3A_555 : vector<16xf32> to vector<1x16xf32>
          tpu.vector_store %arg12[%swap3A_556, %swap3A_557], %swap3A_560 {strides = array<i32>} : memref<128x128xf32, #tpu.memory_space<vmem>>, vector<1x16xf32>,
          %get3A_561 = arith.index_cast %add3A_540 : i32 to index
          %get3A_562 = arith.constant 32 : index
          %get3A_563 = tpu.vector_load %arg12[%get3A_561, %get3A_562] {strides = array<i32>} : memref<128x128xf32, #tpu.memory_space<vmem>>, vector<1x16xf32>,
          %get3A_564 = vector.shape_cast %get3A_563 : vector<1x16xf32> to vector<16xf32>
          %mul3A_565 = arith.mulf %get3A_564, %broadcast_in_dim3A_536 : vector<16xf32>
          %swap3A_566 = arith.index_cast %add3A_540 : i32 to index
          %swap3A_567 = arith.constant 32 : index
          %swap3A_568 = tpu.vector_load %arg12[%swap3A_566, %swap3A_567] {strides = array<i32>} : memref<128x128xf32, #tpu.memory_space<vmem>>, vector<1x16xf32>,
          %swap3A_569 = vector.shape_cast %swap3A_568 : vector<1x16xf32> to vector<16xf32>
          %swap3A_570 = vector.shape_cast %mul3A_565 : vector<16xf32> to vector<1x16xf32>
          tpu.vector_store %arg12[%swap3A_566, %swap3A_567], %swap3A_570 {strides = array<i32>} : memref<128x128xf32, #tpu.memory_space<vmem>>, vector<1x16xf32>,
          %get3A_571 = arith.index_cast %add3A_540 : i32 to index
          %get3A_572 = arith.constant 48 : index
          %get3A_573 = tpu.vector_load %arg12[%get3A_571, %get3A_572] {strides = array<i32>} : memref<128x128xf32, #tpu.memory_space<vmem>>, vector<1x16xf32>,
          %get3A_574 = vector.shape_cast %get3A_573 : vector<1x16xf32> to vector<16xf32>
          %mul3A_575 = arith.mulf %get3A_574, %broadcast_in_dim3A_536 : vector<16xf32>
          %swap3A_576 = arith.index_cast %add3A_540 : i32 to index
          %swap3A_577 = arith.constant 48 : index
          %swap3A_578 = tpu.vector_load %arg12[%swap3A_576, %swap3A_577] {strides = array<i32>} : memref<128x128xf32, #tpu.memory_space<vmem>>, vector<1x16xf32>,
          %swap3A_579 = vector.shape_cast %swap3A_578 : vector<1x16xf32> to vector<16xf32>
          %swap3A_580 = vector.shape_cast %mul3A_575 : vector<16xf32> to vector<1x16xf32>
          tpu.vector_store %arg12[%swap3A_576, %swap3A_577], %swap3A_580 {strides = array<i32>} : memref<128x128xf32, #tpu.memory_space<vmem>>, vector<1x16xf32>,
          %get3A_581 = arith.index_cast %add3A_540 : i32 to index
          %get3A_582 = arith.constant 64 : index
          %get3A_583 = tpu.vector_load %arg12[%get3A_581, %get3A_582] {strides = array<i32>} : memref<128x128xf32, #tpu.memory_space<vmem>>, vector<1x16xf32>,
          %get3A_584 = vector.shape_cast %get3A_583 : vector<1x16xf32> to vector<16xf32>
          %mul3A_585 = arith.mulf %get3A_584, %broadcast_in_dim3A_536 : vector<16xf32>
          %swap3A_586 = arith.index_cast %add3A_540 : i32 to index
          %swap3A_587 = arith.constant 64 : index
          %swap3A_588 = tpu.vector_load %arg12[%swap3A_586, %swap3A_587] {strides = array<i32>} : memref<128x128xf32, #tpu.memory_space<vmem>>, vector<1x16xf32>,
          %swap3A_589 = vector.shape_cast %swap3A_588 : vector<1x16xf32> to vector<16xf32>
          %swap3A_590 = vector.shape_cast %mul3A_585 : vector<16xf32> to vector<1x16xf32>
          tpu.vector_store %arg12[%swap3A_586, %swap3A_587], %swap3A_590 {strides = array<i32>} : memref<128x128xf32, #tpu.memory_space<vmem>>, vector<1x16xf32>,
          %get3A_591 = arith.index_cast %add3A_540 : i32 to index
          %get3A_592 = arith.constant 80 : index
          %get3A_593 = tpu.vector_load %arg12[%get3A_591, %get3A_592] {strides = array<i32>} : memref<128x128xf32, #tpu.memory_space<vmem>>, vector<1x16xf32>,
          %get3A_594 = vector.shape_cast %get3A_593 : vector<1x16xf32> to vector<16xf32>
          %mul3A_595 = arith.mulf %get3A_594, %broadcast_in_dim3A_536 : vector<16xf32>
          %swap3A_596 = arith.index_cast %add3A_540 : i32 to index
          %swap3A_597 = arith.constant 80 : index
          %swap3A_598 = tpu.vector_load %arg12[%swap3A_596, %swap3A_597] {strides = array<i32>} : memref<128x128xf32, #tpu.memory_space<vmem>>, vector<1x16xf32>,
          %swap3A_599 = vector.shape_cast %swap3A_598 : vector<1x16xf32> to vector<16xf32>
          %swap3A_600 = vector.shape_cast %mul3A_595 : vector<16xf32> to vector<1x16xf32>
          tpu.vector_store %arg12[%swap3A_596, %swap3A_597], %swap3A_600 {strides = array<i32>} : memref<128x128xf32, #tpu.memory_space<vmem>>, vector<1x16xf32>,
          %get3A_601 = arith.index_cast %add3A_540 : i32 to index
          %get3A_602 = arith.constant 96 : index
          %get3A_603 = tpu.vector_load %arg12[%get3A_601, %get3A_602] {strides = array<i32>} : memref<128x128xf32, #tpu.memory_space<vmem>>, vector<1x16xf32>,
          %get3A_604 = vector.shape_cast %get3A_603 : vector<1x16xf32> to vector<16xf32>
          %mul3A_605 = arith.mulf %get3A_604, %broadcast_in_dim3A_536 : vector<16xf32>
          %swap3A_606 = arith.index_cast %add3A_540 : i32 to index
          %swap3A_607 = arith.constant 96 : index
          %swap3A_608 = tpu.vector_load %arg12[%swap3A_606, %swap3A_607] {strides = array<i32>} : memref<128x128xf32, #tpu.memory_space<vmem>>, vector<1x16xf32>,
          %swap3A_609 = vector.shape_cast %swap3A_608 : vector<1x16xf32> to vector<16xf32>
          %swap3A_610 = vector.shape_cast %mul3A_605 : vector<16xf32> to vector<1x16xf32>
          tpu.vector_store %arg12[%swap3A_606, %swap3A_607], %swap3A_610 {strides = array<i32>} : memref<128x128xf32, #tpu.memory_space<vmem>>, vector<1x16xf32>,
          %get3A_611 = arith.index_cast %add3A_540 : i32 to index
          %get3A_612 = arith.constant 112 : index
          %get3A_613 = tpu.vector_load %arg12[%get3A_611, %get3A_612] {strides = array<i32>} : memref<128x128xf32, #tpu.memory_space<vmem>>, vector<1x16xf32>,
          %get3A_614 = vector.shape_cast %get3A_613 : vector<1x16xf32> to vector<16xf32>
          %mul3A_615 = arith.mulf %get3A_614, %broadcast_in_dim3A_536 : vector<16xf32>
          %swap3A_616 = arith.index_cast %add3A_540 : i32 to index
          %swap3A_617 = arith.constant 112 : index
          %swap3A_618 = tpu.vector_load %arg12[%swap3A_616, %swap3A_617] {strides = array<i32>} : memref<128x128xf32, #tpu.memory_space<vmem>>, vector<1x16xf32>,
          %swap3A_619 = vector.shape_cast %swap3A_618 : vector<1x16xf32> to vector<16xf32>
          %swap3A_620 = vector.shape_cast %mul3A_615 : vector<16xf32> to vector<1x16xf32>
          tpu.vector_store %arg12[%swap3A_616, %swap3A_617], %swap3A_620 {strides = array<i32>} : memref<128x128xf32, #tpu.memory_space<vmem>>, vector<1x16xf32>,
          %slice3A_621 = vector.extract_strided_slice %get3A_102 {offsets = [6], sizes = [1], strides = [1]} : vector<16xf32> to vector<1xf32>
          %squeeze3A_622 = vector.extract %slice3A_621[0] : f32 from vector<1xf32>
          %broadcast_in_dim3A_623 = vector.broadcast %squeeze3A_622 : f32 to vector<16xf32>
          %mul3A_624 = arith.constant 16 : i32
          %mul3A_625 = arith.muli %scan3A_96, %mul3A_624 : i32
          %add3A_626 = arith.constant 6 : i32
          %add3A_627 = arith.addi %mul3A_625, %add3A_626 : i32
          %get3A_628 = arith.index_cast %add3A_627 : i32 to index
          %get3A_629 = arith.constant 0 : index
          %get3A_630 = tpu.vector_load %arg12[%get3A_628, %get3A_629] {strides = array<i32>} : memref<128x128xf32, #tpu.memory_space<vmem>>, vector<1x16xf32>,
          %get3A_631 = vector.shape_cast %get3A_630 : vector<1x16xf32> to vector<16xf32>
          %mul3A_632 = arith.mulf %get3A_631, %broadcast_in_dim3A_623 : vector<16xf32>
          %swap3A_633 = arith.index_cast %add3A_627 : i32 to index
          %swap3A_634 = arith.constant 0 : index
          %swap3A_635 = tpu.vector_load %arg12[%swap3A_633, %swap3A_634] {strides = array<i32>} : memref<128x128xf32, #tpu.memory_space<vmem>>, vector<1x16xf32>,
          %swap3A_636 = vector.shape_cast %swap3A_635 : vector<1x16xf32> to vector<16xf32>
          %swap3A_637 = vector.shape_cast %mul3A_632 : vector<16xf32> to vector<1x16xf32>
          tpu.vector_store %arg12[%swap3A_633, %swap3A_634], %swap3A_637 {strides = array<i32>} : memref<128x128xf32, #tpu.memory_space<vmem>>, vector<1x16xf32>,
          %get3A_638 = arith.index_cast %add3A_627 : i32 to index
          %get3A_639 = arith.constant 16 : index
          %get3A_640 = tpu.vector_load %arg12[%get3A_638, %get3A_639] {strides = array<i32>} : memref<128x128xf32, #tpu.memory_space<vmem>>, vector<1x16xf32>,
          %get3A_641 = vector.shape_cast %get3A_640 : vector<1x16xf32> to vector<16xf32>
          %mul3A_642 = arith.mulf %get3A_641, %broadcast_in_dim3A_623 : vector<16xf32>
          %swap3A_643 = arith.index_cast %add3A_627 : i32 to index
          %swap3A_644 = arith.constant 16 : index
          %swap3A_645 = tpu.vector_load %arg12[%swap3A_643, %swap3A_644] {strides = array<i32>} : memref<128x128xf32, #tpu.memory_space<vmem>>, vector<1x16xf32>,
          %swap3A_646 = vector.shape_cast %swap3A_645 : vector<1x16xf32> to vector<16xf32>
          %swap3A_647 = vector.shape_cast %mul3A_642 : vector<16xf32> to vector<1x16xf32>
          tpu.vector_store %arg12[%swap3A_643, %swap3A_644], %swap3A_647 {strides = array<i32>} : memref<128x128xf32, #tpu.memory_space<vmem>>, vector<1x16xf32>,
          %get3A_648 = arith.index_cast %add3A_627 : i32 to index
          %get3A_649 = arith.constant 32 : index
          %get3A_650 = tpu.vector_load %arg12[%get3A_648, %get3A_649] {strides = array<i32>} : memref<128x128xf32, #tpu.memory_space<vmem>>, vector<1x16xf32>,
          %get3A_651 = vector.shape_cast %get3A_650 : vector<1x16xf32> to vector<16xf32>
          %mul3A_652 = arith.mulf %get3A_651, %broadcast_in_dim3A_623 : vector<16xf32>
          %swap3A_653 = arith.index_cast %add3A_627 : i32 to index
          %swap3A_654 = arith.constant 32 : index
          %swap3A_655 = tpu.vector_load %arg12[%swap3A_653, %swap3A_654] {strides = array<i32>} : memref<128x128xf32, #tpu.memory_space<vmem>>, vector<1x16xf32>,
          %swap3A_656 = vector.shape_cast %swap3A_655 : vector<1x16xf32> to vector<16xf32>
          %swap3A_657 = vector.shape_cast %mul3A_652 : vector<16xf32> to vector<1x16xf32>
          tpu.vector_store %arg12[%swap3A_653, %swap3A_654], %swap3A_657 {strides = array<i32>} : memref<128x128xf32, #tpu.memory_space<vmem>>, vector<1x16xf32>,
          %get3A_658 = arith.index_cast %add3A_627 : i32 to index
          %get3A_659 = arith.constant 48 : index
          %get3A_660 = tpu.vector_load %arg12[%get3A_658, %get3A_659] {strides = array<i32>} : memref<128x128xf32, #tpu.memory_space<vmem>>, vector<1x16xf32>,
          %get3A_661 = vector.shape_cast %get3A_660 : vector<1x16xf32> to vector<16xf32>
          %mul3A_662 = arith.mulf %get3A_661, %broadcast_in_dim3A_623 : vector<16xf32>
          %swap3A_663 = arith.index_cast %add3A_627 : i32 to index
          %swap3A_664 = arith.constant 48 : index
          %swap3A_665 = tpu.vector_load %arg12[%swap3A_663, %swap3A_664] {strides = array<i32>} : memref<128x128xf32, #tpu.memory_space<vmem>>, vector<1x16xf32>,
          %swap3A_666 = vector.shape_cast %swap3A_665 : vector<1x16xf32> to vector<16xf32>
          %swap3A_667 = vector.shape_cast %mul3A_662 : vector<16xf32> to vector<1x16xf32>
          tpu.vector_store %arg12[%swap3A_663, %swap3A_664], %swap3A_667 {strides = array<i32>} : memref<128x128xf32, #tpu.memory_space<vmem>>, vector<1x16xf32>,
          %get3A_668 = arith.index_cast %add3A_627 : i32 to index
          %get3A_669 = arith.constant 64 : index
          %get3A_670 = tpu.vector_load %arg12[%get3A_668, %get3A_669] {strides = array<i32>} : memref<128x128xf32, #tpu.memory_space<vmem>>, vector<1x16xf32>,
          %get3A_671 = vector.shape_cast %get3A_670 : vector<1x16xf32> to vector<16xf32>
          %mul3A_672 = arith.mulf %get3A_671, %broadcast_in_dim3A_623 : vector<16xf32>
          %swap3A_673 = arith.index_cast %add3A_627 : i32 to index
          %swap3A_674 = arith.constant 64 : index
          %swap3A_675 = tpu.vector_load %arg12[%swap3A_673, %swap3A_674] {strides = array<i32>} : memref<128x128xf32, #tpu.memory_space<vmem>>, vector<1x16xf32>,
          %swap3A_676 = vector.shape_cast %swap3A_675 : vector<1x16xf32> to vector<16xf32>
          %swap3A_677 = vector.shape_cast %mul3A_672 : vector<16xf32> to vector<1x16xf32>
          tpu.vector_store %arg12[%swap3A_673, %swap3A_674], %swap3A_677 {strides = array<i32>} : memref<128x128xf32, #tpu.memory_space<vmem>>, vector<1x16xf32>,
          %get3A_678 = arith.index_cast %add3A_627 : i32 to index
          %get3A_679 = arith.constant 80 : index
          %get3A_680 = tpu.vector_load %arg12[%get3A_678, %get3A_679] {strides = array<i32>} : memref<128x128xf32, #tpu.memory_space<vmem>>, vector<1x16xf32>,
          %get3A_681 = vector.shape_cast %get3A_680 : vector<1x16xf32> to vector<16xf32>
          %mul3A_682 = arith.mulf %get3A_681, %broadcast_in_dim3A_623 : vector<16xf32>
          %swap3A_683 = arith.index_cast %add3A_627 : i32 to index
          %swap3A_684 = arith.constant 80 : index
          %swap3A_685 = tpu.vector_load %arg12[%swap3A_683, %swap3A_684] {strides = array<i32>} : memref<128x128xf32, #tpu.memory_space<vmem>>, vector<1x16xf32>,
          %swap3A_686 = vector.shape_cast %swap3A_685 : vector<1x16xf32> to vector<16xf32>
          %swap3A_687 = vector.shape_cast %mul3A_682 : vector<16xf32> to vector<1x16xf32>
          tpu.vector_store %arg12[%swap3A_683, %swap3A_684], %swap3A_687 {strides = array<i32>} : memref<128x128xf32, #tpu.memory_space<vmem>>, vector<1x16xf32>,
          %get3A_688 = arith.index_cast %add3A_627 : i32 to index
          %get3A_689 = arith.constant 96 : index
          %get3A_690 = tpu.vector_load %arg12[%get3A_688, %get3A_689] {strides = array<i32>} : memref<128x128xf32, #tpu.memory_space<vmem>>, vector<1x16xf32>,
          %get3A_691 = vector.shape_cast %get3A_690 : vector<1x16xf32> to vector<16xf32>
          %mul3A_692 = arith.mulf %get3A_691, %broadcast_in_dim3A_623 : vector<16xf32>
          %swap3A_693 = arith.index_cast %add3A_627 : i32 to index
          %swap3A_694 = arith.constant 96 : index
          %swap3A_695 = tpu.vector_load %arg12[%swap3A_693, %swap3A_694] {strides = array<i32>} : memref<128x128xf32, #tpu.memory_space<vmem>>, vector<1x16xf32>,
          %swap3A_696 = vector.shape_cast %swap3A_695 : vector<1x16xf32> to vector<16xf32>
          %swap3A_697 = vector.shape_cast %mul3A_692 : vector<16xf32> to vector<1x16xf32>
          tpu.vector_store %arg12[%swap3A_693, %swap3A_694], %swap3A_697 {strides = array<i32>} : memref<128x128xf32, #tpu.memory_space<vmem>>, vector<1x16xf32>,
          %get3A_698 = arith.index_cast %add3A_627 : i32 to index
          %get3A_699 = arith.constant 112 : index
          %get3A_700 = tpu.vector_load %arg12[%get3A_698, %get3A_699] {strides = array<i32>} : memref<128x128xf32, #tpu.memory_space<vmem>>, vector<1x16xf32>,
          %get3A_701 = vector.shape_cast %get3A_700 : vector<1x16xf32> to vector<16xf32>
          %mul3A_702 = arith.mulf %get3A_701, %broadcast_in_dim3A_623 : vector<16xf32>
          %swap3A_703 = arith.index_cast %add3A_627 : i32 to index
          %swap3A_704 = arith.constant 112 : index
          %swap3A_705 = tpu.vector_load %arg12[%swap3A_703, %swap3A_704] {strides = array<i32>} : memref<128x128xf32, #tpu.memory_space<vmem>>, vector<1x16xf32>,
          %swap3A_706 = vector.shape_cast %swap3A_705 : vector<1x16xf32> to vector<16xf32>
          %swap3A_707 = vector.shape_cast %mul3A_702 : vector<16xf32> to vector<1x16xf32>
          tpu.vector_store %arg12[%swap3A_703, %swap3A_704], %swap3A_707 {strides = array<i32>} : memref<128x128xf32, #tpu.memory_space<vmem>>, vector<1x16xf32>,
          %slice3A_708 = vector.extract_strided_slice %get3A_102 {offsets = [7], sizes = [1], strides = [1]} : vector<16xf32> to vector<1xf32>
          %squeeze3A_709 = vector.extract %slice3A_708[0] : f32 from vector<1xf32>
          %broadcast_in_dim3A_710 = vector.broadcast %squeeze3A_709 : f32 to vector<16xf32>
          %mul3A_711 = arith.constant 16 : i32
          %mul3A_712 = arith.muli %scan3A_96, %mul3A_711 : i32
          %add3A_713 = arith.constant 7 : i32
          %add3A_714 = arith.addi %mul3A_712, %add3A_713 : i32
          %get3A_715 = arith.index_cast %add3A_714 : i32 to index
          %get3A_716 = arith.constant 0 : index
          %get3A_717 = tpu.vector_load %arg12[%get3A_715, %get3A_716] {strides = array<i32>} : memref<128x128xf32, #tpu.memory_space<vmem>>, vector<1x16xf32>,
          %get3A_718 = vector.shape_cast %get3A_717 : vector<1x16xf32> to vector<16xf32>
          %mul3A_719 = arith.mulf %get3A_718, %broadcast_in_dim3A_710 : vector<16xf32>
          %swap3A_720 = arith.index_cast %add3A_714 : i32 to index
          %swap3A_721 = arith.constant 0 : index
          %swap3A_722 = tpu.vector_load %arg12[%swap3A_720, %swap3A_721] {strides = array<i32>} : memref<128x128xf32, #tpu.memory_space<vmem>>, vector<1x16xf32>,
          %swap3A_723 = vector.shape_cast %swap3A_722 : vector<1x16xf32> to vector<16xf32>
          %swap3A_724 = vector.shape_cast %mul3A_719 : vector<16xf32> to vector<1x16xf32>
          tpu.vector_store %arg12[%swap3A_720, %swap3A_721], %swap3A_724 {strides = array<i32>} : memref<128x128xf32, #tpu.memory_space<vmem>>, vector<1x16xf32>,
          %get3A_725 = arith.index_cast %add3A_714 : i32 to index
          %get3A_726 = arith.constant 16 : index
          %get3A_727 = tpu.vector_load %arg12[%get3A_725, %get3A_726] {strides = array<i32>} : memref<128x128xf32, #tpu.memory_space<vmem>>, vector<1x16xf32>,
          %get3A_728 = vector.shape_cast %get3A_727 : vector<1x16xf32> to vector<16xf32>
          %mul3A_729 = arith.mulf %get3A_728, %broadcast_in_dim3A_710 : vector<16xf32>
          %swap3A_730 = arith.index_cast %add3A_714 : i32 to index
          %swap3A_731 = arith.constant 16 : index
          %swap3A_732 = tpu.vector_load %arg12[%swap3A_730, %swap3A_731] {strides = array<i32>} : memref<128x128xf32, #tpu.memory_space<vmem>>, vector<1x16xf32>,
          %swap3A_733 = vector.shape_cast %swap3A_732 : vector<1x16xf32> to vector<16xf32>
          %swap3A_734 = vector.shape_cast %mul3A_729 : vector<16xf32> to vector<1x16xf32>
          tpu.vector_store %arg12[%swap3A_730, %swap3A_731], %swap3A_734 {strides = array<i32>} : memref<128x128xf32, #tpu.memory_space<vmem>>, vector<1x16xf32>,
          %get3A_735 = arith.index_cast %add3A_714 : i32 to index
          %get3A_736 = arith.constant 32 : index
          %get3A_737 = tpu.vector_load %arg12[%get3A_735, %get3A_736] {strides = array<i32>} : memref<128x128xf32, #tpu.memory_space<vmem>>, vector<1x16xf32>,
          %get3A_738 = vector.shape_cast %get3A_737 : vector<1x16xf32> to vector<16xf32>
          %mul3A_739 = arith.mulf %get3A_738, %broadcast_in_dim3A_710 : vector<16xf32>
          %swap3A_740 = arith.index_cast %add3A_714 : i32 to index
          %swap3A_741 = arith.constant 32 : index
          %swap3A_742 = tpu.vector_load %arg12[%swap3A_740, %swap3A_741] {strides = array<i32>} : memref<128x128xf32, #tpu.memory_space<vmem>>, vector<1x16xf32>,
          %swap3A_743 = vector.shape_cast %swap3A_742 : vector<1x16xf32> to vector<16xf32>
          %swap3A_744 = vector.shape_cast %mul3A_739 : vector<16xf32> to vector<1x16xf32>
          tpu.vector_store %arg12[%swap3A_740, %swap3A_741], %swap3A_744 {strides = array<i32>} : memref<128x128xf32, #tpu.memory_space<vmem>>, vector<1x16xf32>,
          %get3A_745 = arith.index_cast %add3A_714 : i32 to index
          %get3A_746 = arith.constant 48 : index
          %get3A_747 = tpu.vector_load %arg12[%get3A_745, %get3A_746] {strides = array<i32>} : memref<128x128xf32, #tpu.memory_space<vmem>>, vector<1x16xf32>,
          %get3A_748 = vector.shape_cast %get3A_747 : vector<1x16xf32> to vector<16xf32>
          %mul3A_749 = arith.mulf %get3A_748, %broadcast_in_dim3A_710 : vector<16xf32>
          %swap3A_750 = arith.index_cast %add3A_714 : i32 to index
          %swap3A_751 = arith.constant 48 : index
          %swap3A_752 = tpu.vector_load %arg12[%swap3A_750, %swap3A_751] {strides = array<i32>} : memref<128x128xf32, #tpu.memory_space<vmem>>, vector<1x16xf32>,
          %swap3A_753 = vector.shape_cast %swap3A_752 : vector<1x16xf32> to vector<16xf32>
          %swap3A_754 = vector.shape_cast %mul3A_749 : vector<16xf32> to vector<1x16xf32>
          tpu.vector_store %arg12[%swap3A_750, %swap3A_751], %swap3A_754 {strides = array<i32>} : memref<128x128xf32, #tpu.memory_space<vmem>>, vector<1x16xf32>,
          %get3A_755 = arith.index_cast %add3A_714 : i32 to index
          %get3A_756 = arith.constant 64 : index
          %get3A_757 = tpu.vector_load %arg12[%get3A_755, %get3A_756] {strides = array<i32>} : memref<128x128xf32, #tpu.memory_space<vmem>>, vector<1x16xf32>,
          %get3A_758 = vector.shape_cast %get3A_757 : vector<1x16xf32> to vector<16xf32>
          %mul3A_759 = arith.mulf %get3A_758, %broadcast_in_dim3A_710 : vector<16xf32>
          %swap3A_760 = arith.index_cast %add3A_714 : i32 to index
          %swap3A_761 = arith.constant 64 : index
          %swap3A_762 = tpu.vector_load %arg12[%swap3A_760, %swap3A_761] {strides = array<i32>} : memref<128x128xf32, #tpu.memory_space<vmem>>, vector<1x16xf32>,
          %swap3A_763 = vector.shape_cast %swap3A_762 : vector<1x16xf32> to vector<16xf32>
          %swap3A_764 = vector.shape_cast %mul3A_759 : vector<16xf32> to vector<1x16xf32>
          tpu.vector_store %arg12[%swap3A_760, %swap3A_761], %swap3A_764 {strides = array<i32>} : memref<128x128xf32, #tpu.memory_space<vmem>>, vector<1x16xf32>,
          %get3A_765 = arith.index_cast %add3A_714 : i32 to index
          %get3A_766 = arith.constant 80 : index
          %get3A_767 = tpu.vector_load %arg12[%get3A_765, %get3A_766] {strides = array<i32>} : memref<128x128xf32, #tpu.memory_space<vmem>>, vector<1x16xf32>,
          %get3A_768 = vector.shape_cast %get3A_767 : vector<1x16xf32> to vector<16xf32>
          %mul3A_769 = arith.mulf %get3A_768, %broadcast_in_dim3A_710 : vector<16xf32>
          %swap3A_770 = arith.index_cast %add3A_714 : i32 to index
          %swap3A_771 = arith.constant 80 : index
          %swap3A_772 = tpu.vector_load %arg12[%swap3A_770, %swap3A_771] {strides = array<i32>} : memref<128x128xf32, #tpu.memory_space<vmem>>, vector<1x16xf32>,
          %swap3A_773 = vector.shape_cast %swap3A_772 : vector<1x16xf32> to vector<16xf32>
          %swap3A_774 = vector.shape_cast %mul3A_769 : vector<16xf32> to vector<1x16xf32>
          tpu.vector_store %arg12[%swap3A_770, %swap3A_771], %swap3A_774 {strides = array<i32>} : memref<128x128xf32, #tpu.memory_space<vmem>>, vector<1x16xf32>,
          %get3A_775 = arith.index_cast %add3A_714 : i32 to index
          %get3A_776 = arith.constant 96 : index
          %get3A_777 = tpu.vector_load %arg12[%get3A_775, %get3A_776] {strides = array<i32>} : memref<128x128xf32, #tpu.memory_space<vmem>>, vector<1x16xf32>,
          %get3A_778 = vector.shape_cast %get3A_777 : vector<1x16xf32> to vector<16xf32>
          %mul3A_779 = arith.mulf %get3A_778, %broadcast_in_dim3A_710 : vector<16xf32>
          %swap3A_780 = arith.index_cast %add3A_714 : i32 to index
          %swap3A_781 = arith.constant 96 : index
          %swap3A_782 = tpu.vector_load %arg12[%swap3A_780, %swap3A_781] {strides = array<i32>} : memref<128x128xf32, #tpu.memory_space<vmem>>, vector<1x16xf32>,
          %swap3A_783 = vector.shape_cast %swap3A_782 : vector<1x16xf32> to vector<16xf32>
          %swap3A_784 = vector.shape_cast %mul3A_779 : vector<16xf32> to vector<1x16xf32>
          tpu.vector_store %arg12[%swap3A_780, %swap3A_781], %swap3A_784 {strides = array<i32>} : memref<128x128xf32, #tpu.memory_space<vmem>>, vector<1x16xf32>,
          %get3A_785 = arith.index_cast %add3A_714 : i32 to index
          %get3A_786 = arith.constant 112 : index
          %get3A_787 = tpu.vector_load %arg12[%get3A_785, %get3A_786] {strides = array<i32>} : memref<128x128xf32, #tpu.memory_space<vmem>>, vector<1x16xf32>,
          %get3A_788 = vector.shape_cast %get3A_787 : vector<1x16xf32> to vector<16xf32>
          %mul3A_789 = arith.mulf %get3A_788, %broadcast_in_dim3A_710 : vector<16xf32>
          %swap3A_790 = arith.index_cast %add3A_714 : i32 to index
          %swap3A_791 = arith.constant 112 : index
          %swap3A_792 = tpu.vector_load %arg12[%swap3A_790, %swap3A_791] {strides = array<i32>} : memref<128x128xf32, #tpu.memory_space<vmem>>, vector<1x16xf32>,
          %swap3A_793 = vector.shape_cast %swap3A_792 : vector<1x16xf32> to vector<16xf32>
          %swap3A_794 = vector.shape_cast %mul3A_789 : vector<16xf32> to vector<1x16xf32>
          tpu.vector_store %arg12[%swap3A_790, %swap3A_791], %swap3A_794 {strides = array<i32>} : memref<128x128xf32, #tpu.memory_space<vmem>>, vector<1x16xf32>,
          %slice3A_795 = vector.extract_strided_slice %get3A_102 {offsets = [8], sizes = [1], strides = [1]} : vector<16xf32> to vector<1xf32>
          %squeeze3A_796 = vector.extract %slice3A_795[0] : f32 from vector<1xf32>
          %broadcast_in_dim3A_797 = vector.broadcast %squeeze3A_796 : f32 to vector<16xf32>
          %mul3A_798 = arith.constant 16 : i32
          %mul3A_799 = arith.muli %scan3A_96, %mul3A_798 : i32
          %add3A_800 = arith.constant 8 : i32
          %add3A_801 = arith.addi %mul3A_799, %add3A_800 : i32
          %get3A_802 = arith.index_cast %add3A_801 : i32 to index
          %get3A_803 = arith.constant 0 : index
          %get3A_804 = tpu.vector_load %arg12[%get3A_802, %get3A_803] {strides = array<i32>} : memref<128x128xf32, #tpu.memory_space<vmem>>, vector<1x16xf32>,
          %get3A_805 = vector.shape_cast %get3A_804 : vector<1x16xf32> to vector<16xf32>
          %mul3A_806 = arith.mulf %get3A_805, %broadcast_in_dim3A_797 : vector<16xf32>
          %swap3A_807 = arith.index_cast %add3A_801 : i32 to index
          %swap3A_808 = arith.constant 0 : index
          %swap3A_809 = tpu.vector_load %arg12[%swap3A_807, %swap3A_808] {strides = array<i32>} : memref<128x128xf32, #tpu.memory_space<vmem>>, vector<1x16xf32>,
          %swap3A_810 = vector.shape_cast %swap3A_809 : vector<1x16xf32> to vector<16xf32>
          %swap3A_811 = vector.shape_cast %mul3A_806 : vector<16xf32> to vector<1x16xf32>
          tpu.vector_store %arg12[%swap3A_807, %swap3A_808], %swap3A_811 {strides = array<i32>} : memref<128x128xf32, #tpu.memory_space<vmem>>, vector<1x16xf32>,
          %get3A_812 = arith.index_cast %add3A_801 : i32 to index
          %get3A_813 = arith.constant 16 : index
          %get3A_814 = tpu.vector_load %arg12[%get3A_812, %get3A_813] {strides = array<i32>} : memref<128x128xf32, #tpu.memory_space<vmem>>, vector<1x16xf32>,
          %get3A_815 = vector.shape_cast %get3A_814 : vector<1x16xf32> to vector<16xf32>
          %mul3A_816 = arith.mulf %get3A_815, %broadcast_in_dim3A_797 : vector<16xf32>
          %swap3A_817 = arith.index_cast %add3A_801 : i32 to index
          %swap3A_818 = arith.constant 16 : index
          %swap3A_819 = tpu.vector_load %arg12[%swap3A_817, %swap3A_818] {strides = array<i32>} : memref<128x128xf32, #tpu.memory_space<vmem>>, vector<1x16xf32>,
          %swap3A_820 = vector.shape_cast %swap3A_819 : vector<1x16xf32> to vector<16xf32>
          %swap3A_821 = vector.shape_cast %mul3A_816 : vector<16xf32> to vector<1x16xf32>
          tpu.vector_store %arg12[%swap3A_817, %swap3A_818], %swap3A_821 {strides = array<i32>} : memref<128x128xf32, #tpu.memory_space<vmem>>, vector<1x16xf32>,
          %get3A_822 = arith.index_cast %add3A_801 : i32 to index
          %get3A_823 = arith.constant 32 : index
          %get3A_824 = tpu.vector_load %arg12[%get3A_822, %get3A_823] {strides = array<i32>} : memref<128x128xf32, #tpu.memory_space<vmem>>, vector<1x16xf32>,
          %get3A_825 = vector.shape_cast %get3A_824 : vector<1x16xf32> to vector<16xf32>
          %mul3A_826 = arith.mulf %get3A_825, %broadcast_in_dim3A_797 : vector<16xf32>
          %swap3A_827 = arith.index_cast %add3A_801 : i32 to index
          %swap3A_828 = arith.constant 32 : index
          %swap3A_829 = tpu.vector_load %arg12[%swap3A_827, %swap3A_828] {strides = array<i32>} : memref<128x128xf32, #tpu.memory_space<vmem>>, vector<1x16xf32>,
          %swap3A_830 = vector.shape_cast %swap3A_829 : vector<1x16xf32> to vector<16xf32>
          %swap3A_831 = vector.shape_cast %mul3A_826 : vector<16xf32> to vector<1x16xf32>
          tpu.vector_store %arg12[%swap3A_827, %swap3A_828], %swap3A_831 {strides = array<i32>} : memref<128x128xf32, #tpu.memory_space<vmem>>, vector<1x16xf32>,
          %get3A_832 = arith.index_cast %add3A_801 : i32 to index
          %get3A_833 = arith.constant 48 : index
          %get3A_834 = tpu.vector_load %arg12[%get3A_832, %get3A_833] {strides = array<i32>} : memref<128x128xf32, #tpu.memory_space<vmem>>, vector<1x16xf32>,
          %get3A_835 = vector.shape_cast %get3A_834 : vector<1x16xf32> to vector<16xf32>
          %mul3A_836 = arith.mulf %get3A_835, %broadcast_in_dim3A_797 : vector<16xf32>
          %swap3A_837 = arith.index_cast %add3A_801 : i32 to index
          %swap3A_838 = arith.constant 48 : index
          %swap3A_839 = tpu.vector_load %arg12[%swap3A_837, %swap3A_838] {strides = array<i32>} : memref<128x128xf32, #tpu.memory_space<vmem>>, vector<1x16xf32>,
          %swap3A_840 = vector.shape_cast %swap3A_839 : vector<1x16xf32> to vector<16xf32>
          %swap3A_841 = vector.shape_cast %mul3A_836 : vector<16xf32> to vector<1x16xf32>
          tpu.vector_store %arg12[%swap3A_837, %swap3A_838], %swap3A_841 {strides = array<i32>} : memref<128x128xf32, #tpu.memory_space<vmem>>, vector<1x16xf32>,
          %get3A_842 = arith.index_cast %add3A_801 : i32 to index
          %get3A_843 = arith.constant 64 : index
          %get3A_844 = tpu.vector_load %arg12[%get3A_842, %get3A_843] {strides = array<i32>} : memref<128x128xf32, #tpu.memory_space<vmem>>, vector<1x16xf32>,
          %get3A_845 = vector.shape_cast %get3A_844 : vector<1x16xf32> to vector<16xf32>
          %mul3A_846 = arith.mulf %get3A_845, %broadcast_in_dim3A_797 : vector<16xf32>
          %swap3A_847 = arith.index_cast %add3A_801 : i32 to index
          %swap3A_848 = arith.constant 64 : index
          %swap3A_849 = tpu.vector_load %arg12[%swap3A_847, %swap3A_848] {strides = array<i32>} : memref<128x128xf32, #tpu.memory_space<vmem>>, vector<1x16xf32>,
          %swap3A_850 = vector.shape_cast %swap3A_849 : vector<1x16xf32> to vector<16xf32>
          %swap3A_851 = vector.shape_cast %mul3A_846 : vector<16xf32> to vector<1x16xf32>
          tpu.vector_store %arg12[%swap3A_847, %swap3A_848], %swap3A_851 {strides = array<i32>} : memref<128x128xf32, #tpu.memory_space<vmem>>, vector<1x16xf32>,
          %get3A_852 = arith.index_cast %add3A_801 : i32 to index
          %get3A_853 = arith.constant 80 : index
          %get3A_854 = tpu.vector_load %arg12[%get3A_852, %get3A_853] {strides = array<i32>} : memref<128x128xf32, #tpu.memory_space<vmem>>, vector<1x16xf32>,
          %get3A_855 = vector.shape_cast %get3A_854 : vector<1x16xf32> to vector<16xf32>
          %mul3A_856 = arith.mulf %get3A_855, %broadcast_in_dim3A_797 : vector<16xf32>
          %swap3A_857 = arith.index_cast %add3A_801 : i32 to index
          %swap3A_858 = arith.constant 80 : index
          %swap3A_859 = tpu.vector_load %arg12[%swap3A_857, %swap3A_858] {strides = array<i32>} : memref<128x128xf32, #tpu.memory_space<vmem>>, vector<1x16xf32>,
          %swap3A_860 = vector.shape_cast %swap3A_859 : vector<1x16xf32> to vector<16xf32>
          %swap3A_861 = vector.shape_cast %mul3A_856 : vector<16xf32> to vector<1x16xf32>
          tpu.vector_store %arg12[%swap3A_857, %swap3A_858], %swap3A_861 {strides = array<i32>} : memref<128x128xf32, #tpu.memory_space<vmem>>, vector<1x16xf32>,
          %get3A_862 = arith.index_cast %add3A_801 : i32 to index
          %get3A_863 = arith.constant 96 : index
          %get3A_864 = tpu.vector_load %arg12[%get3A_862, %get3A_863] {strides = array<i32>} : memref<128x128xf32, #tpu.memory_space<vmem>>, vector<1x16xf32>,
          %get3A_865 = vector.shape_cast %get3A_864 : vector<1x16xf32> to vector<16xf32>
          %mul3A_866 = arith.mulf %get3A_865, %broadcast_in_dim3A_797 : vector<16xf32>
          %swap3A_867 = arith.index_cast %add3A_801 : i32 to index
          %swap3A_868 = arith.constant 96 : index
          %swap3A_869 = tpu.vector_load %arg12[%swap3A_867, %swap3A_868] {strides = array<i32>} : memref<128x128xf32, #tpu.memory_space<vmem>>, vector<1x16xf32>,
          %swap3A_870 = vector.shape_cast %swap3A_869 : vector<1x16xf32> to vector<16xf32>
          %swap3A_871 = vector.shape_cast %mul3A_866 : vector<16xf32> to vector<1x16xf32>
          tpu.vector_store %arg12[%swap3A_867, %swap3A_868], %swap3A_871 {strides = array<i32>} : memref<128x128xf32, #tpu.memory_space<vmem>>, vector<1x16xf32>,
          %get3A_872 = arith.index_cast %add3A_801 : i32 to index
          %get3A_873 = arith.constant 112 : index
          %get3A_874 = tpu.vector_load %arg12[%get3A_872, %get3A_873] {strides = array<i32>} : memref<128x128xf32, #tpu.memory_space<vmem>>, vector<1x16xf32>,
          %get3A_875 = vector.shape_cast %get3A_874 : vector<1x16xf32> to vector<16xf32>
          %mul3A_876 = arith.mulf %get3A_875, %broadcast_in_dim3A_797 : vector<16xf32>
          %swap3A_877 = arith.index_cast %add3A_801 : i32 to index
          %swap3A_878 = arith.constant 112 : index
          %swap3A_879 = tpu.vector_load %arg12[%swap3A_877, %swap3A_878] {strides = array<i32>} : memref<128x128xf32, #tpu.memory_space<vmem>>, vector<1x16xf32>,
          %swap3A_880 = vector.shape_cast %swap3A_879 : vector<1x16xf32> to vector<16xf32>
          %swap3A_881 = vector.shape_cast %mul3A_876 : vector<16xf32> to vector<1x16xf32>
          tpu.vector_store %arg12[%swap3A_877, %swap3A_878], %swap3A_881 {strides = array<i32>} : memref<128x128xf32, #tpu.memory_space<vmem>>, vector<1x16xf32>,
          %slice3A_882 = vector.extract_strided_slice %get3A_102 {offsets = [9], sizes = [1], strides = [1]} : vector<16xf32> to vector<1xf32>
          %squeeze3A_883 = vector.extract %slice3A_882[0] : f32 from vector<1xf32>
          %broadcast_in_dim3A_884 = vector.broadcast %squeeze3A_883 : f32 to vector<16xf32>
          %mul3A_885 = arith.constant 16 : i32
          %mul3A_886 = arith.muli %scan3A_96, %mul3A_885 : i32
          %add3A_887 = arith.constant 9 : i32
          %add3A_888 = arith.addi %mul3A_886, %add3A_887 : i32
          %get3A_889 = arith.index_cast %add3A_888 : i32 to index
          %get3A_890 = arith.constant 0 : index
          %get3A_891 = tpu.vector_load %arg12[%get3A_889, %get3A_890] {strides = array<i32>} : memref<128x128xf32, #tpu.memory_space<vmem>>, vector<1x16xf32>,
          %get3A_892 = vector.shape_cast %get3A_891 : vector<1x16xf32> to vector<16xf32>
          %mul3A_893 = arith.mulf %get3A_892, %broadcast_in_dim3A_884 : vector<16xf32>
          %swap3A_894 = arith.index_cast %add3A_888 : i32 to index
          %swap3A_895 = arith.constant 0 : index
          %swap3A_896 = tpu.vector_load %arg12[%swap3A_894, %swap3A_895] {strides = array<i32>} : memref<128x128xf32, #tpu.memory_space<vmem>>, vector<1x16xf32>,
          %swap3A_897 = vector.shape_cast %swap3A_896 : vector<1x16xf32> to vector<16xf32>
          %swap3A_898 = vector.shape_cast %mul3A_893 : vector<16xf32> to vector<1x16xf32>
          tpu.vector_store %arg12[%swap3A_894, %swap3A_895], %swap3A_898 {strides = array<i32>} : memref<128x128xf32, #tpu.memory_space<vmem>>, vector<1x16xf32>,
          %get3A_899 = arith.index_cast %add3A_888 : i32 to index
          %get3A_900 = arith.constant 16 : index
          %get3A_901 = tpu.vector_load %arg12[%get3A_899, %get3A_900] {strides = array<i32>} : memref<128x128xf32, #tpu.memory_space<vmem>>, vector<1x16xf32>,
          %get3A_902 = vector.shape_cast %get3A_901 : vector<1x16xf32> to vector<16xf32>
          %mul3A_903 = arith.mulf %get3A_902, %broadcast_in_dim3A_884 : vector<16xf32>
          %swap3A_904 = arith.index_cast %add3A_888 : i32 to index
          %swap3A_905 = arith.constant 16 : index
          %swap3A_906 = tpu.vector_load %arg12[%swap3A_904, %swap3A_905] {strides = array<i32>} : memref<128x128xf32, #tpu.memory_space<vmem>>, vector<1x16xf32>,
          %swap3A_907 = vector.shape_cast %swap3A_906 : vector<1x16xf32> to vector<16xf32>
          %swap3A_908 = vector.shape_cast %mul3A_903 : vector<16xf32> to vector<1x16xf32>
          tpu.vector_store %arg12[%swap3A_904, %swap3A_905], %swap3A_908 {strides = array<i32>} : memref<128x128xf32, #tpu.memory_space<vmem>>, vector<1x16xf32>,
          %get3A_909 = arith.index_cast %add3A_888 : i32 to index
          %get3A_910 = arith.constant 32 : index
          %get3A_911 = tpu.vector_load %arg12[%get3A_909, %get3A_910] {strides = array<i32>} : memref<128x128xf32, #tpu.memory_space<vmem>>, vector<1x16xf32>,
          %get3A_912 = vector.shape_cast %get3A_911 : vector<1x16xf32> to vector<16xf32>
          %mul3A_913 = arith.mulf %get3A_912, %broadcast_in_dim3A_884 : vector<16xf32>
          %swap3A_914 = arith.index_cast %add3A_888 : i32 to index
          %swap3A_915 = arith.constant 32 : index
          %swap3A_916 = tpu.vector_load %arg12[%swap3A_914, %swap3A_915] {strides = array<i32>} : memref<128x128xf32, #tpu.memory_space<vmem>>, vector<1x16xf32>,
          %swap3A_917 = vector.shape_cast %swap3A_916 : vector<1x16xf32> to vector<16xf32>
          %swap3A_918 = vector.shape_cast %mul3A_913 : vector<16xf32> to vector<1x16xf32>
          tpu.vector_store %arg12[%swap3A_914, %swap3A_915], %swap3A_918 {strides = array<i32>} : memref<128x128xf32, #tpu.memory_space<vmem>>, vector<1x16xf32>,
          %get3A_919 = arith.index_cast %add3A_888 : i32 to index
          %get3A_920 = arith.constant 48 : index
          %get3A_921 = tpu.vector_load %arg12[%get3A_919, %get3A_920] {strides = array<i32>} : memref<128x128xf32, #tpu.memory_space<vmem>>, vector<1x16xf32>,
          %get3A_922 = vector.shape_cast %get3A_921 : vector<1x16xf32> to vector<16xf32>
          %mul3A_923 = arith.mulf %get3A_922, %broadcast_in_dim3A_884 : vector<16xf32>
          %swap3A_924 = arith.index_cast %add3A_888 : i32 to index
          %swap3A_925 = arith.constant 48 : index
          %swap3A_926 = tpu.vector_load %arg12[%swap3A_924, %swap3A_925] {strides = array<i32>} : memref<128x128xf32, #tpu.memory_space<vmem>>, vector<1x16xf32>,
          %swap3A_927 = vector.shape_cast %swap3A_926 : vector<1x16xf32> to vector<16xf32>
          %swap3A_928 = vector.shape_cast %mul3A_923 : vector<16xf32> to vector<1x16xf32>
          tpu.vector_store %arg12[%swap3A_924, %swap3A_925], %swap3A_928 {strides = array<i32>} : memref<128x128xf32, #tpu.memory_space<vmem>>, vector<1x16xf32>,
          %get3A_929 = arith.index_cast %add3A_888 : i32 to index
          %get3A_930 = arith.constant 64 : index
          %get3A_931 = tpu.vector_load %arg12[%get3A_929, %get3A_930] {strides = array<i32>} : memref<128x128xf32, #tpu.memory_space<vmem>>, vector<1x16xf32>,
          %get3A_932 = vector.shape_cast %get3A_931 : vector<1x16xf32> to vector<16xf32>
          %mul3A_933 = arith.mulf %get3A_932, %broadcast_in_dim3A_884 : vector<16xf32>
          %swap3A_934 = arith.index_cast %add3A_888 : i32 to index
          %swap3A_935 = arith.constant 64 : index
          %swap3A_936 = tpu.vector_load %arg12[%swap3A_934, %swap3A_935] {strides = array<i32>} : memref<128x128xf32, #tpu.memory_space<vmem>>, vector<1x16xf32>,
          %swap3A_937 = vector.shape_cast %swap3A_936 : vector<1x16xf32> to vector<16xf32>
          %swap3A_938 = vector.shape_cast %mul3A_933 : vector<16xf32> to vector<1x16xf32>
          tpu.vector_store %arg12[%swap3A_934, %swap3A_935], %swap3A_938 {strides = array<i32>} : memref<128x128xf32, #tpu.memory_space<vmem>>, vector<1x16xf32>,
          %get3A_939 = arith.index_cast %add3A_888 : i32 to index
          %get3A_940 = arith.constant 80 : index
          %get3A_941 = tpu.vector_load %arg12[%get3A_939, %get3A_940] {strides = array<i32>} : memref<128x128xf32, #tpu.memory_space<vmem>>, vector<1x16xf32>,
          %get3A_942 = vector.shape_cast %get3A_941 : vector<1x16xf32> to vector<16xf32>
          %mul3A_943 = arith.mulf %get3A_942, %broadcast_in_dim3A_884 : vector<16xf32>
          %swap3A_944 = arith.index_cast %add3A_888 : i32 to index
          %swap3A_945 = arith.constant 80 : index
          %swap3A_946 = tpu.vector_load %arg12[%swap3A_944, %swap3A_945] {strides = array<i32>} : memref<128x128xf32, #tpu.memory_space<vmem>>, vector<1x16xf32>,
          %swap3A_947 = vector.shape_cast %swap3A_946 : vector<1x16xf32> to vector<16xf32>
          %swap3A_948 = vector.shape_cast %mul3A_943 : vector<16xf32> to vector<1x16xf32>
          tpu.vector_store %arg12[%swap3A_944, %swap3A_945], %swap3A_948 {strides = array<i32>} : memref<128x128xf32, #tpu.memory_space<vmem>>, vector<1x16xf32>,
          %get3A_949 = arith.index_cast %add3A_888 : i32 to index
          %get3A_950 = arith.constant 96 : index
          %get3A_951 = tpu.vector_load %arg12[%get3A_949, %get3A_950] {strides = array<i32>} : memref<128x128xf32, #tpu.memory_space<vmem>>, vector<1x16xf32>,
          %get3A_952 = vector.shape_cast %get3A_951 : vector<1x16xf32> to vector<16xf32>
          %mul3A_953 = arith.mulf %get3A_952, %broadcast_in_dim3A_884 : vector<16xf32>
          %swap3A_954 = arith.index_cast %add3A_888 : i32 to index
          %swap3A_955 = arith.constant 96 : index
          %swap3A_956 = tpu.vector_load %arg12[%swap3A_954, %swap3A_955] {strides = array<i32>} : memref<128x128xf32, #tpu.memory_space<vmem>>, vector<1x16xf32>,
          %swap3A_957 = vector.shape_cast %swap3A_956 : vector<1x16xf32> to vector<16xf32>
          %swap3A_958 = vector.shape_cast %mul3A_953 : vector<16xf32> to vector<1x16xf32>
          tpu.vector_store %arg12[%swap3A_954, %swap3A_955], %swap3A_958 {strides = array<i32>} : memref<128x128xf32, #tpu.memory_space<vmem>>, vector<1x16xf32>,
          %get3A_959 = arith.index_cast %add3A_888 : i32 to index
          %get3A_960 = arith.constant 112 : index
          %get3A_961 = tpu.vector_load %arg12[%get3A_959, %get3A_960] {strides = array<i32>} : memref<128x128xf32, #tpu.memory_space<vmem>>, vector<1x16xf32>,
          %get3A_962 = vector.shape_cast %get3A_961 : vector<1x16xf32> to vector<16xf32>
          %mul3A_963 = arith.mulf %get3A_962, %broadcast_in_dim3A_884 : vector<16xf32>
          %swap3A_964 = arith.index_cast %add3A_888 : i32 to index
          %swap3A_965 = arith.constant 112 : index
          %swap3A_966 = tpu.vector_load %arg12[%swap3A_964, %swap3A_965] {strides = array<i32>} : memref<128x128xf32, #tpu.memory_space<vmem>>, vector<1x16xf32>,
          %swap3A_967 = vector.shape_cast %swap3A_966 : vector<1x16xf32> to vector<16xf32>
          %swap3A_968 = vector.shape_cast %mul3A_963 : vector<16xf32> to vector<1x16xf32>
          tpu.vector_store %arg12[%swap3A_964, %swap3A_965], %swap3A_968 {strides = array<i32>} : memref<128x128xf32, #tpu.memory_space<vmem>>, vector<1x16xf32>,
          %slice3A_969 = vector.extract_strided_slice %get3A_102 {offsets = [10], sizes = [1], strides = [1]} : vector<16xf32> to vector<1xf32>
          %squeeze3A_970 = vector.extract %slice3A_969[0] : f32 from vector<1xf32>
          %broadcast_in_dim3A_971 = vector.broadcast %squeeze3A_970 : f32 to vector<16xf32>
          %mul3A_972 = arith.constant 16 : i32
          %mul3A_973 = arith.muli %scan3A_96, %mul3A_972 : i32
          %add3A_974 = arith.constant 10 : i32
          %add3A_975 = arith.addi %mul3A_973, %add3A_974 : i32
          %get3A_976 = arith.index_cast %add3A_975 : i32 to index
          %get3A_977 = arith.constant 0 : index
          %get3A_978 = tpu.vector_load %arg12[%get3A_976, %get3A_977] {strides = array<i32>} : memref<128x128xf32, #tpu.memory_space<vmem>>, vector<1x16xf32>,
          %get3A_979 = vector.shape_cast %get3A_978 : vector<1x16xf32> to vector<16xf32>
          %mul3A_980 = arith.mulf %get3A_979, %broadcast_in_dim3A_971 : vector<16xf32>
          %swap3A_981 = arith.index_cast %add3A_975 : i32 to index
          %swap3A_982 = arith.constant 0 : index
          %swap3A_983 = tpu.vector_load %arg12[%swap3A_981, %swap3A_982] {strides = array<i32>} : memref<128x128xf32, #tpu.memory_space<vmem>>, vector<1x16xf32>,
          %swap3A_984 = vector.shape_cast %swap3A_983 : vector<1x16xf32> to vector<16xf32>
          %swap3A_985 = vector.shape_cast %mul3A_980 : vector<16xf32> to vector<1x16xf32>
          tpu.vector_store %arg12[%swap3A_981, %swap3A_982], %swap3A_985 {strides = array<i32>} : memref<128x128xf32, #tpu.memory_space<vmem>>, vector<1x16xf32>,
          %get3A_986 = arith.index_cast %add3A_975 : i32 to index
          %get3A_987 = arith.constant 16 : index
          %get3A_988 = tpu.vector_load %arg12[%get3A_986, %get3A_987] {strides = array<i32>} : memref<128x128xf32, #tpu.memory_space<vmem>>, vector<1x16xf32>,
          %get3A_989 = vector.shape_cast %get3A_988 : vector<1x16xf32> to vector<16xf32>
          %mul3A_990 = arith.mulf %get3A_989, %broadcast_in_dim3A_971 : vector<16xf32>
          %swap3A_991 = arith.index_cast %add3A_975 : i32 to index
          %swap3A_992 = arith.constant 16 : index
          %swap3A_993 = tpu.vector_load %arg12[%swap3A_991, %swap3A_992] {strides = array<i32>} : memref<128x128xf32, #tpu.memory_space<vmem>>, vector<1x16xf32>,
          %swap3A_994 = vector.shape_cast %swap3A_993 : vector<1x16xf32> to vector<16xf32>
          %swap3A_995 = vector.shape_cast %mul3A_990 : vector<16xf32> to vector<1x16xf32>
          tpu.vector_store %arg12[%swap3A_991, %swap3A_992], %swap3A_995 {strides = array<i32>} : memref<128x128xf32, #tpu.memory_space<vmem>>, vector<1x16xf32>,
          %get3A_996 = arith.index_cast %add3A_975 : i32 to index
          %get3A_997 = arith.constant 32 : index
          %get3A_998 = tpu.vector_load %arg12[%get3A_996, %get3A_997] {strides = array<i32>} : memref<128x128xf32, #tpu.memory_space<vmem>>, vector<1x16xf32>,
          %get3A_999 = vector.shape_cast %get3A_998 : vector<1x16xf32> to vector<16xf32>
          %mul3A_1000 = arith.mulf %get3A_999, %broadcast_in_dim3A_971 : vector<16xf32>
          %swap3A_1001 = arith.index_cast %add3A_975 : i32 to index
          %swap3A_1002 = arith.constant 32 : index
          %swap3A_1003 = tpu.vector_load %arg12[%swap3A_1001, %swap3A_1002] {strides = array<i32>} : memref<128x128xf32, #tpu.memory_space<vmem>>, vector<1x16xf32>,
          %swap3A_1004 = vector.shape_cast %swap3A_1003 : vector<1x16xf32> to vector<16xf32>
          %swap3A_1005 = vector.shape_cast %mul3A_1000 : vector<16xf32> to vector<1x16xf32>
          tpu.vector_store %arg12[%swap3A_1001, %swap3A_1002], %swap3A_1005 {strides = array<i32>} : memref<128x128xf32, #tpu.memory_space<vmem>>, vector<1x16xf32>,
          %get3A_1006 = arith.index_cast %add3A_975 : i32 to index
          %get3A_1007 = arith.constant 48 : index
          %get3A_1008 = tpu.vector_load %arg12[%get3A_1006, %get3A_1007] {strides = array<i32>} : memref<128x128xf32, #tpu.memory_space<vmem>>, vector<1x16xf32>,
          %get3A_1009 = vector.shape_cast %get3A_1008 : vector<1x16xf32> to vector<16xf32>
          %mul3A_1010 = arith.mulf %get3A_1009, %broadcast_in_dim3A_971 : vector<16xf32>
          %swap3A_1011 = arith.index_cast %add3A_975 : i32 to index
          %swap3A_1012 = arith.constant 48 : index
          %swap3A_1013 = tpu.vector_load %arg12[%swap3A_1011, %swap3A_1012] {strides = array<i32>} : memref<128x128xf32, #tpu.memory_space<vmem>>, vector<1x16xf32>,
          %swap3A_1014 = vector.shape_cast %swap3A_1013 : vector<1x16xf32> to vector<16xf32>
          %swap3A_1015 = vector.shape_cast %mul3A_1010 : vector<16xf32> to vector<1x16xf32>
          tpu.vector_store %arg12[%swap3A_1011, %swap3A_1012], %swap3A_1015 {strides = array<i32>} : memref<128x128xf32, #tpu.memory_space<vmem>>, vector<1x16xf32>,
          %get3A_1016 = arith.index_cast %add3A_975 : i32 to index
          %get3A_1017 = arith.constant 64 : index
          %get3A_1018 = tpu.vector_load %arg12[%get3A_1016, %get3A_1017] {strides = array<i32>} : memref<128x128xf32, #tpu.memory_space<vmem>>, vector<1x16xf32>,
          %get3A_1019 = vector.shape_cast %get3A_1018 : vector<1x16xf32> to vector<16xf32>
          %mul3A_1020 = arith.mulf %get3A_1019, %broadcast_in_dim3A_971 : vector<16xf32>
          %swap3A_1021 = arith.index_cast %add3A_975 : i32 to index
          %swap3A_1022 = arith.constant 64 : index
          %swap3A_1023 = tpu.vector_load %arg12[%swap3A_1021, %swap3A_1022] {strides = array<i32>} : memref<128x128xf32, #tpu.memory_space<vmem>>, vector<1x16xf32>,
          %swap3A_1024 = vector.shape_cast %swap3A_1023 : vector<1x16xf32> to vector<16xf32>
          %swap3A_1025 = vector.shape_cast %mul3A_1020 : vector<16xf32> to vector<1x16xf32>
          tpu.vector_store %arg12[%swap3A_1021, %swap3A_1022], %swap3A_1025 {strides = array<i32>} : memref<128x128xf32, #tpu.memory_space<vmem>>, vector<1x16xf32>,
          %get3A_1026 = arith.index_cast %add3A_975 : i32 to index
          %get3A_1027 = arith.constant 80 : index
          %get3A_1028 = tpu.vector_load %arg12[%get3A_1026, %get3A_1027] {strides = array<i32>} : memref<128x128xf32, #tpu.memory_space<vmem>>, vector<1x16xf32>,
          %get3A_1029 = vector.shape_cast %get3A_1028 : vector<1x16xf32> to vector<16xf32>
          %mul3A_1030 = arith.mulf %get3A_1029, %broadcast_in_dim3A_971 : vector<16xf32>
          %swap3A_1031 = arith.index_cast %add3A_975 : i32 to index
          %swap3A_1032 = arith.constant 80 : index
          %swap3A_1033 = tpu.vector_load %arg12[%swap3A_1031, %swap3A_1032] {strides = array<i32>} : memref<128x128xf32, #tpu.memory_space<vmem>>, vector<1x16xf32>,
          %swap3A_1034 = vector.shape_cast %swap3A_1033 : vector<1x16xf32> to vector<16xf32>
          %swap3A_1035 = vector.shape_cast %mul3A_1030 : vector<16xf32> to vector<1x16xf32>
          tpu.vector_store %arg12[%swap3A_1031, %swap3A_1032], %swap3A_1035 {strides = array<i32>} : memref<128x128xf32, #tpu.memory_space<vmem>>, vector<1x16xf32>,
          %get3A_1036 = arith.index_cast %add3A_975 : i32 to index
          %get3A_1037 = arith.constant 96 : index
          %get3A_1038 = tpu.vector_load %arg12[%get3A_1036, %get3A_1037] {strides = array<i32>} : memref<128x128xf32, #tpu.memory_space<vmem>>, vector<1x16xf32>,
          %get3A_1039 = vector.shape_cast %get3A_1038 : vector<1x16xf32> to vector<16xf32>
          %mul3A_1040 = arith.mulf %get3A_1039, %broadcast_in_dim3A_971 : vector<16xf32>
          %swap3A_1041 = arith.index_cast %add3A_975 : i32 to index
          %swap3A_1042 = arith.constant 96 : index
          %swap3A_1043 = tpu.vector_load %arg12[%swap3A_1041, %swap3A_1042] {strides = array<i32>} : memref<128x128xf32, #tpu.memory_space<vmem>>, vector<1x16xf32>,
          %swap3A_1044 = vector.shape_cast %swap3A_1043 : vector<1x16xf32> to vector<16xf32>
          %swap3A_1045 = vector.shape_cast %mul3A_1040 : vector<16xf32> to vector<1x16xf32>
          tpu.vector_store %arg12[%swap3A_1041, %swap3A_1042], %swap3A_1045 {strides = array<i32>} : memref<128x128xf32, #tpu.memory_space<vmem>>, vector<1x16xf32>,
          %get3A_1046 = arith.index_cast %add3A_975 : i32 to index
          %get3A_1047 = arith.constant 112 : index
          %get3A_1048 = tpu.vector_load %arg12[%get3A_1046, %get3A_1047] {strides = array<i32>} : memref<128x128xf32, #tpu.memory_space<vmem>>, vector<1x16xf32>,
          %get3A_1049 = vector.shape_cast %get3A_1048 : vector<1x16xf32> to vector<16xf32>
          %mul3A_1050 = arith.mulf %get3A_1049, %broadcast_in_dim3A_971 : vector<16xf32>
          %swap3A_1051 = arith.index_cast %add3A_975 : i32 to index
          %swap3A_1052 = arith.constant 112 : index
          %swap3A_1053 = tpu.vector_load %arg12[%swap3A_1051, %swap3A_1052] {strides = array<i32>} : memref<128x128xf32, #tpu.memory_space<vmem>>, vector<1x16xf32>,
          %swap3A_1054 = vector.shape_cast %swap3A_1053 : vector<1x16xf32> to vector<16xf32>
          %swap3A_1055 = vector.shape_cast %mul3A_1050 : vector<16xf32> to vector<1x16xf32>
          tpu.vector_store %arg12[%swap3A_1051, %swap3A_1052], %swap3A_1055 {strides = array<i32>} : memref<128x128xf32, #tpu.memory_space<vmem>>, vector<1x16xf32>,
          %slice3A_1056 = vector.extract_strided_slice %get3A_102 {offsets = [11], sizes = [1], strides = [1]} : vector<16xf32> to vector<1xf32>
          %squeeze3A_1057 = vector.extract %slice3A_1056[0] : f32 from vector<1xf32>
          %broadcast_in_dim3A_1058 = vector.broadcast %squeeze3A_1057 : f32 to vector<16xf32>
          %mul3A_1059 = arith.constant 16 : i32
          %mul3A_1060 = arith.muli %scan3A_96, %mul3A_1059 : i32
          %add3A_1061 = arith.constant 11 : i32
          %add3A_1062 = arith.addi %mul3A_1060, %add3A_1061 : i32
          %get3A_1063 = arith.index_cast %add3A_1062 : i32 to index
          %get3A_1064 = arith.constant 0 : index
          %get3A_1065 = tpu.vector_load %arg12[%get3A_1063, %get3A_1064] {strides = array<i32>} : memref<128x128xf32, #tpu.memory_space<vmem>>, vector<1x16xf32>,
          %get3A_1066 = vector.shape_cast %get3A_1065 : vector<1x16xf32> to vector<16xf32>
          %mul3A_1067 = arith.mulf %get3A_1066, %broadcast_in_dim3A_1058 : vector<16xf32>
          %swap3A_1068 = arith.index_cast %add3A_1062 : i32 to index
          %swap3A_1069 = arith.constant 0 : index
          %swap3A_1070 = tpu.vector_load %arg12[%swap3A_1068, %swap3A_1069] {strides = array<i32>} : memref<128x128xf32, #tpu.memory_space<vmem>>, vector<1x16xf32>,
          %swap3A_1071 = vector.shape_cast %swap3A_1070 : vector<1x16xf32> to vector<16xf32>
          %swap3A_1072 = vector.shape_cast %mul3A_1067 : vector<16xf32> to vector<1x16xf32>
          tpu.vector_store %arg12[%swap3A_1068, %swap3A_1069], %swap3A_1072 {strides = array<i32>} : memref<128x128xf32, #tpu.memory_space<vmem>>, vector<1x16xf32>,
          %get3A_1073 = arith.index_cast %add3A_1062 : i32 to index
          %get3A_1074 = arith.constant 16 : index
          %get3A_1075 = tpu.vector_load %arg12[%get3A_1073, %get3A_1074] {strides = array<i32>} : memref<128x128xf32, #tpu.memory_space<vmem>>, vector<1x16xf32>,
          %get3A_1076 = vector.shape_cast %get3A_1075 : vector<1x16xf32> to vector<16xf32>
          %mul3A_1077 = arith.mulf %get3A_1076, %broadcast_in_dim3A_1058 : vector<16xf32>
          %swap3A_1078 = arith.index_cast %add3A_1062 : i32 to index
          %swap3A_1079 = arith.constant 16 : index
          %swap3A_1080 = tpu.vector_load %arg12[%swap3A_1078, %swap3A_1079] {strides = array<i32>} : memref<128x128xf32, #tpu.memory_space<vmem>>, vector<1x16xf32>,
          %swap3A_1081 = vector.shape_cast %swap3A_1080 : vector<1x16xf32> to vector<16xf32>
          %swap3A_1082 = vector.shape_cast %mul3A_1077 : vector<16xf32> to vector<1x16xf32>
          tpu.vector_store %arg12[%swap3A_1078, %swap3A_1079], %swap3A_1082 {strides = array<i32>} : memref<128x128xf32, #tpu.memory_space<vmem>>, vector<1x16xf32>,
          %get3A_1083 = arith.index_cast %add3A_1062 : i32 to index
          %get3A_1084 = arith.constant 32 : index
          %get3A_1085 = tpu.vector_load %arg12[%get3A_1083, %get3A_1084] {strides = array<i32>} : memref<128x128xf32, #tpu.memory_space<vmem>>, vector<1x16xf32>,
          %get3A_1086 = vector.shape_cast %get3A_1085 : vector<1x16xf32> to vector<16xf32>
          %mul3A_1087 = arith.mulf %get3A_1086, %broadcast_in_dim3A_1058 : vector<16xf32>
          %swap3A_1088 = arith.index_cast %add3A_1062 : i32 to index
          %swap3A_1089 = arith.constant 32 : index
          %swap3A_1090 = tpu.vector_load %arg12[%swap3A_1088, %swap3A_1089] {strides = array<i32>} : memref<128x128xf32, #tpu.memory_space<vmem>>, vector<1x16xf32>,
          %swap3A_1091 = vector.shape_cast %swap3A_1090 : vector<1x16xf32> to vector<16xf32>
          %swap3A_1092 = vector.shape_cast %mul3A_1087 : vector<16xf32> to vector<1x16xf32>
          tpu.vector_store %arg12[%swap3A_1088, %swap3A_1089], %swap3A_1092 {strides = array<i32>} : memref<128x128xf32, #tpu.memory_space<vmem>>, vector<1x16xf32>,
          %get3A_1093 = arith.index_cast %add3A_1062 : i32 to index
          %get3A_1094 = arith.constant 48 : index
          %get3A_1095 = tpu.vector_load %arg12[%get3A_1093, %get3A_1094] {strides = array<i32>} : memref<128x128xf32, #tpu.memory_space<vmem>>, vector<1x16xf32>,
          %get3A_1096 = vector.shape_cast %get3A_1095 : vector<1x16xf32> to vector<16xf32>
          %mul3A_1097 = arith.mulf %get3A_1096, %broadcast_in_dim3A_1058 : vector<16xf32>
          %swap3A_1098 = arith.index_cast %add3A_1062 : i32 to index
          %swap3A_1099 = arith.constant 48 : index
          %swap3A_1100 = tpu.vector_load %arg12[%swap3A_1098, %swap3A_1099] {strides = array<i32>} : memref<128x128xf32, #tpu.memory_space<vmem>>, vector<1x16xf32>,
          %swap3A_1101 = vector.shape_cast %swap3A_1100 : vector<1x16xf32> to vector<16xf32>
          %swap3A_1102 = vector.shape_cast %mul3A_1097 : vector<16xf32> to vector<1x16xf32>
          tpu.vector_store %arg12[%swap3A_1098, %swap3A_1099], %swap3A_1102 {strides = array<i32>} : memref<128x128xf32, #tpu.memory_space<vmem>>, vector<1x16xf32>,
          %get3A_1103 = arith.index_cast %add3A_1062 : i32 to index
          %get3A_1104 = arith.constant 64 : index
          %get3A_1105 = tpu.vector_load %arg12[%get3A_1103, %get3A_1104] {strides = array<i32>} : memref<128x128xf32, #tpu.memory_space<vmem>>, vector<1x16xf32>,
          %get3A_1106 = vector.shape_cast %get3A_1105 : vector<1x16xf32> to vector<16xf32>
          %mul3A_1107 = arith.mulf %get3A_1106, %broadcast_in_dim3A_1058 : vector<16xf32>
          %swap3A_1108 = arith.index_cast %add3A_1062 : i32 to index
          %swap3A_1109 = arith.constant 64 : index
          %swap3A_1110 = tpu.vector_load %arg12[%swap3A_1108, %swap3A_1109] {strides = array<i32>} : memref<128x128xf32, #tpu.memory_space<vmem>>, vector<1x16xf32>,
          %swap3A_1111 = vector.shape_cast %swap3A_1110 : vector<1x16xf32> to vector<16xf32>
          %swap3A_1112 = vector.shape_cast %mul3A_1107 : vector<16xf32> to vector<1x16xf32>
          tpu.vector_store %arg12[%swap3A_1108, %swap3A_1109], %swap3A_1112 {strides = array<i32>} : memref<128x128xf32, #tpu.memory_space<vmem>>, vector<1x16xf32>,
          %get3A_1113 = arith.index_cast %add3A_1062 : i32 to index
          %get3A_1114 = arith.constant 80 : index
          %get3A_1115 = tpu.vector_load %arg12[%get3A_1113, %get3A_1114] {strides = array<i32>} : memref<128x128xf32, #tpu.memory_space<vmem>>, vector<1x16xf32>,
          %get3A_1116 = vector.shape_cast %get3A_1115 : vector<1x16xf32> to vector<16xf32>
          %mul3A_1117 = arith.mulf %get3A_1116, %broadcast_in_dim3A_1058 : vector<16xf32>
          %swap3A_1118 = arith.index_cast %add3A_1062 : i32 to index
          %swap3A_1119 = arith.constant 80 : index
          %swap3A_1120 = tpu.vector_load %arg12[%swap3A_1118, %swap3A_1119] {strides = array<i32>} : memref<128x128xf32, #tpu.memory_space<vmem>>, vector<1x16xf32>,
          %swap3A_1121 = vector.shape_cast %swap3A_1120 : vector<1x16xf32> to vector<16xf32>
          %swap3A_1122 = vector.shape_cast %mul3A_1117 : vector<16xf32> to vector<1x16xf32>
          tpu.vector_store %arg12[%swap3A_1118, %swap3A_1119], %swap3A_1122 {strides = array<i32>} : memref<128x128xf32, #tpu.memory_space<vmem>>, vector<1x16xf32>,
          %get3A_1123 = arith.index_cast %add3A_1062 : i32 to index
          %get3A_1124 = arith.constant 96 : index
          %get3A_1125 = tpu.vector_load %arg12[%get3A_1123, %get3A_1124] {strides = array<i32>} : memref<128x128xf32, #tpu.memory_space<vmem>>, vector<1x16xf32>,
          %get3A_1126 = vector.shape_cast %get3A_1125 : vector<1x16xf32> to vector<16xf32>
          %mul3A_1127 = arith.mulf %get3A_1126, %broadcast_in_dim3A_1058 : vector<16xf32>
          %swap3A_1128 = arith.index_cast %add3A_1062 : i32 to index
          %swap3A_1129 = arith.constant 96 : index
          %swap3A_1130 = tpu.vector_load %arg12[%swap3A_1128, %swap3A_1129] {strides = array<i32>} : memref<128x128xf32, #tpu.memory_space<vmem>>, vector<1x16xf32>,
          %swap3A_1131 = vector.shape_cast %swap3A_1130 : vector<1x16xf32> to vector<16xf32>
          %swap3A_1132 = vector.shape_cast %mul3A_1127 : vector<16xf32> to vector<1x16xf32>
          tpu.vector_store %arg12[%swap3A_1128, %swap3A_1129], %swap3A_1132 {strides = array<i32>} : memref<128x128xf32, #tpu.memory_space<vmem>>, vector<1x16xf32>,
          %get3A_1133 = arith.index_cast %add3A_1062 : i32 to index
          %get3A_1134 = arith.constant 112 : index
          %get3A_1135 = tpu.vector_load %arg12[%get3A_1133, %get3A_1134] {strides = array<i32>} : memref<128x128xf32, #tpu.memory_space<vmem>>, vector<1x16xf32>,
          %get3A_1136 = vector.shape_cast %get3A_1135 : vector<1x16xf32> to vector<16xf32>
          %mul3A_1137 = arith.mulf %get3A_1136, %broadcast_in_dim3A_1058 : vector<16xf32>
          %swap3A_1138 = arith.index_cast %add3A_1062 : i32 to index
          %swap3A_1139 = arith.constant 112 : index
          %swap3A_1140 = tpu.vector_load %arg12[%swap3A_1138, %swap3A_1139] {strides = array<i32>} : memref<128x128xf32, #tpu.memory_space<vmem>>, vector<1x16xf32>,
          %swap3A_1141 = vector.shape_cast %swap3A_1140 : vector<1x16xf32> to vector<16xf32>
          %swap3A_1142 = vector.shape_cast %mul3A_1137 : vector<16xf32> to vector<1x16xf32>
          tpu.vector_store %arg12[%swap3A_1138, %swap3A_1139], %swap3A_1142 {strides = array<i32>} : memref<128x128xf32, #tpu.memory_space<vmem>>, vector<1x16xf32>,
          %slice3A_1143 = vector.extract_strided_slice %get3A_102 {offsets = [12], sizes = [1], strides = [1]} : vector<16xf32> to vector<1xf32>
          %squeeze3A_1144 = vector.extract %slice3A_1143[0] : f32 from vector<1xf32>
          %broadcast_in_dim3A_1145 = vector.broadcast %squeeze3A_1144 : f32 to vector<16xf32>
          %mul3A_1146 = arith.constant 16 : i32
          %mul3A_1147 = arith.muli %scan3A_96, %mul3A_1146 : i32
          %add3A_1148 = arith.constant 12 : i32
          %add3A_1149 = arith.addi %mul3A_1147, %add3A_1148 : i32
          %get3A_1150 = arith.index_cast %add3A_1149 : i32 to index
          %get3A_1151 = arith.constant 0 : index
          %get3A_1152 = tpu.vector_load %arg12[%get3A_1150, %get3A_1151] {strides = array<i32>} : memref<128x128xf32, #tpu.memory_space<vmem>>, vector<1x16xf32>,
          %get3A_1153 = vector.shape_cast %get3A_1152 : vector<1x16xf32> to vector<16xf32>
          %mul3A_1154 = arith.mulf %get3A_1153, %broadcast_in_dim3A_1145 : vector<16xf32>
          %swap3A_1155 = arith.index_cast %add3A_1149 : i32 to index
          %swap3A_1156 = arith.constant 0 : index
          %swap3A_1157 = tpu.vector_load %arg12[%swap3A_1155, %swap3A_1156] {strides = array<i32>} : memref<128x128xf32, #tpu.memory_space<vmem>>, vector<1x16xf32>,
          %swap3A_1158 = vector.shape_cast %swap3A_1157 : vector<1x16xf32> to vector<16xf32>
          %swap3A_1159 = vector.shape_cast %mul3A_1154 : vector<16xf32> to vector<1x16xf32>
          tpu.vector_store %arg12[%swap3A_1155, %swap3A_1156], %swap3A_1159 {strides = array<i32>} : memref<128x128xf32, #tpu.memory_space<vmem>>, vector<1x16xf32>,
          %get3A_1160 = arith.index_cast %add3A_1149 : i32 to index
          %get3A_1161 = arith.constant 16 : index
          %get3A_1162 = tpu.vector_load %arg12[%get3A_1160, %get3A_1161] {strides = array<i32>} : memref<128x128xf32, #tpu.memory_space<vmem>>, vector<1x16xf32>,
          %get3A_1163 = vector.shape_cast %get3A_1162 : vector<1x16xf32> to vector<16xf32>
          %mul3A_1164 = arith.mulf %get3A_1163, %broadcast_in_dim3A_1145 : vector<16xf32>
          %swap3A_1165 = arith.index_cast %add3A_1149 : i32 to index
          %swap3A_1166 = arith.constant 16 : index
          %swap3A_1167 = tpu.vector_load %arg12[%swap3A_1165, %swap3A_1166] {strides = array<i32>} : memref<128x128xf32, #tpu.memory_space<vmem>>, vector<1x16xf32>,
          %swap3A_1168 = vector.shape_cast %swap3A_1167 : vector<1x16xf32> to vector<16xf32>
          %swap3A_1169 = vector.shape_cast %mul3A_1164 : vector<16xf32> to vector<1x16xf32>
          tpu.vector_store %arg12[%swap3A_1165, %swap3A_1166], %swap3A_1169 {strides = array<i32>} : memref<128x128xf32, #tpu.memory_space<vmem>>, vector<1x16xf32>,
          %get3A_1170 = arith.index_cast %add3A_1149 : i32 to index
          %get3A_1171 = arith.constant 32 : index
          %get3A_1172 = tpu.vector_load %arg12[%get3A_1170, %get3A_1171] {strides = array<i32>} : memref<128x128xf32, #tpu.memory_space<vmem>>, vector<1x16xf32>,
          %get3A_1173 = vector.shape_cast %get3A_1172 : vector<1x16xf32> to vector<16xf32>
          %mul3A_1174 = arith.mulf %get3A_1173, %broadcast_in_dim3A_1145 : vector<16xf32>
          %swap3A_1175 = arith.index_cast %add3A_1149 : i32 to index
          %swap3A_1176 = arith.constant 32 : index
          %swap3A_1177 = tpu.vector_load %arg12[%swap3A_1175, %swap3A_1176] {strides = array<i32>} : memref<128x128xf32, #tpu.memory_space<vmem>>, vector<1x16xf32>,
          %swap3A_1178 = vector.shape_cast %swap3A_1177 : vector<1x16xf32> to vector<16xf32>
          %swap3A_1179 = vector.shape_cast %mul3A_1174 : vector<16xf32> to vector<1x16xf32>
          tpu.vector_store %arg12[%swap3A_1175, %swap3A_1176], %swap3A_1179 {strides = array<i32>} : memref<128x128xf32, #tpu.memory_space<vmem>>, vector<1x16xf32>,
          %get3A_1180 = arith.index_cast %add3A_1149 : i32 to index
          %get3A_1181 = arith.constant 48 : index
          %get3A_1182 = tpu.vector_load %arg12[%get3A_1180, %get3A_1181] {strides = array<i32>} : memref<128x128xf32, #tpu.memory_space<vmem>>, vector<1x16xf32>,
          %get3A_1183 = vector.shape_cast %get3A_1182 : vector<1x16xf32> to vector<16xf32>
          %mul3A_1184 = arith.mulf %get3A_1183, %broadcast_in_dim3A_1145 : vector<16xf32>
          %swap3A_1185 = arith.index_cast %add3A_1149 : i32 to index
          %swap3A_1186 = arith.constant 48 : index
          %swap3A_1187 = tpu.vector_load %arg12[%swap3A_1185, %swap3A_1186] {strides = array<i32>} : memref<128x128xf32, #tpu.memory_space<vmem>>, vector<1x16xf32>,
          %swap3A_1188 = vector.shape_cast %swap3A_1187 : vector<1x16xf32> to vector<16xf32>
          %swap3A_1189 = vector.shape_cast %mul3A_1184 : vector<16xf32> to vector<1x16xf32>
          tpu.vector_store %arg12[%swap3A_1185, %swap3A_1186], %swap3A_1189 {strides = array<i32>} : memref<128x128xf32, #tpu.memory_space<vmem>>, vector<1x16xf32>,
          %get3A_1190 = arith.index_cast %add3A_1149 : i32 to index
          %get3A_1191 = arith.constant 64 : index
          %get3A_1192 = tpu.vector_load %arg12[%get3A_1190, %get3A_1191] {strides = array<i32>} : memref<128x128xf32, #tpu.memory_space<vmem>>, vector<1x16xf32>,
          %get3A_1193 = vector.shape_cast %get3A_1192 : vector<1x16xf32> to vector<16xf32>
          %mul3A_1194 = arith.mulf %get3A_1193, %broadcast_in_dim3A_1145 : vector<16xf32>
          %swap3A_1195 = arith.index_cast %add3A_1149 : i32 to index
          %swap3A_1196 = arith.constant 64 : index
          %swap3A_1197 = tpu.vector_load %arg12[%swap3A_1195, %swap3A_1196] {strides = array<i32>} : memref<128x128xf32, #tpu.memory_space<vmem>>, vector<1x16xf32>,
          %swap3A_1198 = vector.shape_cast %swap3A_1197 : vector<1x16xf32> to vector<16xf32>
          %swap3A_1199 = vector.shape_cast %mul3A_1194 : vector<16xf32> to vector<1x16xf32>
          tpu.vector_store %arg12[%swap3A_1195, %swap3A_1196], %swap3A_1199 {strides = array<i32>} : memref<128x128xf32, #tpu.memory_space<vmem>>, vector<1x16xf32>,
          %get3A_1200 = arith.index_cast %add3A_1149 : i32 to index
          %get3A_1201 = arith.constant 80 : index
          %get3A_1202 = tpu.vector_load %arg12[%get3A_1200, %get3A_1201] {strides = array<i32>} : memref<128x128xf32, #tpu.memory_space<vmem>>, vector<1x16xf32>,
          %get3A_1203 = vector.shape_cast %get3A_1202 : vector<1x16xf32> to vector<16xf32>
          %mul3A_1204 = arith.mulf %get3A_1203, %broadcast_in_dim3A_1145 : vector<16xf32>
          %swap3A_1205 = arith.index_cast %add3A_1149 : i32 to index
          %swap3A_1206 = arith.constant 80 : index
          %swap3A_1207 = tpu.vector_load %arg12[%swap3A_1205, %swap3A_1206] {strides = array<i32>} : memref<128x128xf32, #tpu.memory_space<vmem>>, vector<1x16xf32>,
          %swap3A_1208 = vector.shape_cast %swap3A_1207 : vector<1x16xf32> to vector<16xf32>
          %swap3A_1209 = vector.shape_cast %mul3A_1204 : vector<16xf32> to vector<1x16xf32>
          tpu.vector_store %arg12[%swap3A_1205, %swap3A_1206], %swap3A_1209 {strides = array<i32>} : memref<128x128xf32, #tpu.memory_space<vmem>>, vector<1x16xf32>,
          %get3A_1210 = arith.index_cast %add3A_1149 : i32 to index
          %get3A_1211 = arith.constant 96 : index
          %get3A_1212 = tpu.vector_load %arg12[%get3A_1210, %get3A_1211] {strides = array<i32>} : memref<128x128xf32, #tpu.memory_space<vmem>>, vector<1x16xf32>,
          %get3A_1213 = vector.shape_cast %get3A_1212 : vector<1x16xf32> to vector<16xf32>
          %mul3A_1214 = arith.mulf %get3A_1213, %broadcast_in_dim3A_1145 : vector<16xf32>
          %swap3A_1215 = arith.index_cast %add3A_1149 : i32 to index
          %swap3A_1216 = arith.constant 96 : index
          %swap3A_1217 = tpu.vector_load %arg12[%swap3A_1215, %swap3A_1216] {strides = array<i32>} : memref<128x128xf32, #tpu.memory_space<vmem>>, vector<1x16xf32>,
          %swap3A_1218 = vector.shape_cast %swap3A_1217 : vector<1x16xf32> to vector<16xf32>
          %swap3A_1219 = vector.shape_cast %mul3A_1214 : vector<16xf32> to vector<1x16xf32>
          tpu.vector_store %arg12[%swap3A_1215, %swap3A_1216], %swap3A_1219 {strides = array<i32>} : memref<128x128xf32, #tpu.memory_space<vmem>>, vector<1x16xf32>,
          %get3A_1220 = arith.index_cast %add3A_1149 : i32 to index
          %get3A_1221 = arith.constant 112 : index
          %get3A_1222 = tpu.vector_load %arg12[%get3A_1220, %get3A_1221] {strides = array<i32>} : memref<128x128xf32, #tpu.memory_space<vmem>>, vector<1x16xf32>,
          %get3A_1223 = vector.shape_cast %get3A_1222 : vector<1x16xf32> to vector<16xf32>
          %mul3A_1224 = arith.mulf %get3A_1223, %broadcast_in_dim3A_1145 : vector<16xf32>
          %swap3A_1225 = arith.index_cast %add3A_1149 : i32 to index
          %swap3A_1226 = arith.constant 112 : index
          %swap3A_1227 = tpu.vector_load %arg12[%swap3A_1225, %swap3A_1226] {strides = array<i32>} : memref<128x128xf32, #tpu.memory_space<vmem>>, vector<1x16xf32>,
          %swap3A_1228 = vector.shape_cast %swap3A_1227 : vector<1x16xf32> to vector<16xf32>
          %swap3A_1229 = vector.shape_cast %mul3A_1224 : vector<16xf32> to vector<1x16xf32>
          tpu.vector_store %arg12[%swap3A_1225, %swap3A_1226], %swap3A_1229 {strides = array<i32>} : memref<128x128xf32, #tpu.memory_space<vmem>>, vector<1x16xf32>,
          %slice3A_1230 = vector.extract_strided_slice %get3A_102 {offsets = [13], sizes = [1], strides = [1]} : vector<16xf32> to vector<1xf32>
          %squeeze3A_1231 = vector.extract %slice3A_1230[0] : f32 from vector<1xf32>
          %broadcast_in_dim3A_1232 = vector.broadcast %squeeze3A_1231 : f32 to vector<16xf32>
          %mul3A_1233 = arith.constant 16 : i32
          %mul3A_1234 = arith.muli %scan3A_96, %mul3A_1233 : i32
          %add3A_1235 = arith.constant 13 : i32
          %add3A_1236 = arith.addi %mul3A_1234, %add3A_1235 : i32
          %get3A_1237 = arith.index_cast %add3A_1236 : i32 to index
          %get3A_1238 = arith.constant 0 : index
          %get3A_1239 = tpu.vector_load %arg12[%get3A_1237, %get3A_1238] {strides = array<i32>} : memref<128x128xf32, #tpu.memory_space<vmem>>, vector<1x16xf32>,
          %get3A_1240 = vector.shape_cast %get3A_1239 : vector<1x16xf32> to vector<16xf32>
          %mul3A_1241 = arith.mulf %get3A_1240, %broadcast_in_dim3A_1232 : vector<16xf32>
          %swap3A_1242 = arith.index_cast %add3A_1236 : i32 to index
          %swap3A_1243 = arith.constant 0 : index
          %swap3A_1244 = tpu.vector_load %arg12[%swap3A_1242, %swap3A_1243] {strides = array<i32>} : memref<128x128xf32, #tpu.memory_space<vmem>>, vector<1x16xf32>,
          %swap3A_1245 = vector.shape_cast %swap3A_1244 : vector<1x16xf32> to vector<16xf32>
          %swap3A_1246 = vector.shape_cast %mul3A_1241 : vector<16xf32> to vector<1x16xf32>
          tpu.vector_store %arg12[%swap3A_1242, %swap3A_1243], %swap3A_1246 {strides = array<i32>} : memref<128x128xf32, #tpu.memory_space<vmem>>, vector<1x16xf32>,
          %get3A_1247 = arith.index_cast %add3A_1236 : i32 to index
          %get3A_1248 = arith.constant 16 : index
          %get3A_1249 = tpu.vector_load %arg12[%get3A_1247, %get3A_1248] {strides = array<i32>} : memref<128x128xf32, #tpu.memory_space<vmem>>, vector<1x16xf32>,
          %get3A_1250 = vector.shape_cast %get3A_1249 : vector<1x16xf32> to vector<16xf32>
          %mul3A_1251 = arith.mulf %get3A_1250, %broadcast_in_dim3A_1232 : vector<16xf32>
          %swap3A_1252 = arith.index_cast %add3A_1236 : i32 to index
          %swap3A_1253 = arith.constant 16 : index
          %swap3A_1254 = tpu.vector_load %arg12[%swap3A_1252, %swap3A_1253] {strides = array<i32>} : memref<128x128xf32, #tpu.memory_space<vmem>>, vector<1x16xf32>,
          %swap3A_1255 = vector.shape_cast %swap3A_1254 : vector<1x16xf32> to vector<16xf32>
          %swap3A_1256 = vector.shape_cast %mul3A_1251 : vector<16xf32> to vector<1x16xf32>
          tpu.vector_store %arg12[%swap3A_1252, %swap3A_1253], %swap3A_1256 {strides = array<i32>} : memref<128x128xf32, #tpu.memory_space<vmem>>, vector<1x16xf32>,
          %get3A_1257 = arith.index_cast %add3A_1236 : i32 to index
          %get3A_1258 = arith.constant 32 : index
          %get3A_1259 = tpu.vector_load %arg12[%get3A_1257, %get3A_1258] {strides = array<i32>} : memref<128x128xf32, #tpu.memory_space<vmem>>, vector<1x16xf32>,
          %get3A_1260 = vector.shape_cast %get3A_1259 : vector<1x16xf32> to vector<16xf32>
          %mul3A_1261 = arith.mulf %get3A_1260, %broadcast_in_dim3A_1232 : vector<16xf32>
          %swap3A_1262 = arith.index_cast %add3A_1236 : i32 to index
          %swap3A_1263 = arith.constant 32 : index
          %swap3A_1264 = tpu.vector_load %arg12[%swap3A_1262, %swap3A_1263] {strides = array<i32>} : memref<128x128xf32, #tpu.memory_space<vmem>>, vector<1x16xf32>,
          %swap3A_1265 = vector.shape_cast %swap3A_1264 : vector<1x16xf32> to vector<16xf32>
          %swap3A_1266 = vector.shape_cast %mul3A_1261 : vector<16xf32> to vector<1x16xf32>
          tpu.vector_store %arg12[%swap3A_1262, %swap3A_1263], %swap3A_1266 {strides = array<i32>} : memref<128x128xf32, #tpu.memory_space<vmem>>, vector<1x16xf32>,
          %get3A_1267 = arith.index_cast %add3A_1236 : i32 to index
          %get3A_1268 = arith.constant 48 : index
          %get3A_1269 = tpu.vector_load %arg12[%get3A_1267, %get3A_1268] {strides = array<i32>} : memref<128x128xf32, #tpu.memory_space<vmem>>, vector<1x16xf32>,
          %get3A_1270 = vector.shape_cast %get3A_1269 : vector<1x16xf32> to vector<16xf32>
          %mul3A_1271 = arith.mulf %get3A_1270, %broadcast_in_dim3A_1232 : vector<16xf32>
          %swap3A_1272 = arith.index_cast %add3A_1236 : i32 to index
          %swap3A_1273 = arith.constant 48 : index
          %swap3A_1274 = tpu.vector_load %arg12[%swap3A_1272, %swap3A_1273] {strides = array<i32>} : memref<128x128xf32, #tpu.memory_space<vmem>>, vector<1x16xf32>,
          %swap3A_1275 = vector.shape_cast %swap3A_1274 : vector<1x16xf32> to vector<16xf32>
          %swap3A_1276 = vector.shape_cast %mul3A_1271 : vector<16xf32> to vector<1x16xf32>
          tpu.vector_store %arg12[%swap3A_1272, %swap3A_1273], %swap3A_1276 {strides = array<i32>} : memref<128x128xf32, #tpu.memory_space<vmem>>, vector<1x16xf32>,
          %get3A_1277 = arith.index_cast %add3A_1236 : i32 to index
          %get3A_1278 = arith.constant 64 : index
          %get3A_1279 = tpu.vector_load %arg12[%get3A_1277, %get3A_1278] {strides = array<i32>} : memref<128x128xf32, #tpu.memory_space<vmem>>, vector<1x16xf32>,
          %get3A_1280 = vector.shape_cast %get3A_1279 : vector<1x16xf32> to vector<16xf32>
          %mul3A_1281 = arith.mulf %get3A_1280, %broadcast_in_dim3A_1232 : vector<16xf32>
          %swap3A_1282 = arith.index_cast %add3A_1236 : i32 to index
          %swap3A_1283 = arith.constant 64 : index
          %swap3A_1284 = tpu.vector_load %arg12[%swap3A_1282, %swap3A_1283] {strides = array<i32>} : memref<128x128xf32, #tpu.memory_space<vmem>>, vector<1x16xf32>,
          %swap3A_1285 = vector.shape_cast %swap3A_1284 : vector<1x16xf32> to vector<16xf32>
          %swap3A_1286 = vector.shape_cast %mul3A_1281 : vector<16xf32> to vector<1x16xf32>
          tpu.vector_store %arg12[%swap3A_1282, %swap3A_1283], %swap3A_1286 {strides = array<i32>} : memref<128x128xf32, #tpu.memory_space<vmem>>, vector<1x16xf32>,
          %get3A_1287 = arith.index_cast %add3A_1236 : i32 to index
          %get3A_1288 = arith.constant 80 : index
          %get3A_1289 = tpu.vector_load %arg12[%get3A_1287, %get3A_1288] {strides = array<i32>} : memref<128x128xf32, #tpu.memory_space<vmem>>, vector<1x16xf32>,
          %get3A_1290 = vector.shape_cast %get3A_1289 : vector<1x16xf32> to vector<16xf32>
          %mul3A_1291 = arith.mulf %get3A_1290, %broadcast_in_dim3A_1232 : vector<16xf32>
          %swap3A_1292 = arith.index_cast %add3A_1236 : i32 to index
          %swap3A_1293 = arith.constant 80 : index
          %swap3A_1294 = tpu.vector_load %arg12[%swap3A_1292, %swap3A_1293] {strides = array<i32>} : memref<128x128xf32, #tpu.memory_space<vmem>>, vector<1x16xf32>,
          %swap3A_1295 = vector.shape_cast %swap3A_1294 : vector<1x16xf32> to vector<16xf32>
          %swap3A_1296 = vector.shape_cast %mul3A_1291 : vector<16xf32> to vector<1x16xf32>
          tpu.vector_store %arg12[%swap3A_1292, %swap3A_1293], %swap3A_1296 {strides = array<i32>} : memref<128x128xf32, #tpu.memory_space<vmem>>, vector<1x16xf32>,
          %get3A_1297 = arith.index_cast %add3A_1236 : i32 to index
          %get3A_1298 = arith.constant 96 : index
          %get3A_1299 = tpu.vector_load %arg12[%get3A_1297, %get3A_1298] {strides = array<i32>} : memref<128x128xf32, #tpu.memory_space<vmem>>, vector<1x16xf32>,
          %get3A_1300 = vector.shape_cast %get3A_1299 : vector<1x16xf32> to vector<16xf32>
          %mul3A_1301 = arith.mulf %get3A_1300, %broadcast_in_dim3A_1232 : vector<16xf32>
          %swap3A_1302 = arith.index_cast %add3A_1236 : i32 to index
          %swap3A_1303 = arith.constant 96 : index
          %swap3A_1304 = tpu.vector_load %arg12[%swap3A_1302, %swap3A_1303] {strides = array<i32>} : memref<128x128xf32, #tpu.memory_space<vmem>>, vector<1x16xf32>,
          %swap3A_1305 = vector.shape_cast %swap3A_1304 : vector<1x16xf32> to vector<16xf32>
          %swap3A_1306 = vector.shape_cast %mul3A_1301 : vector<16xf32> to vector<1x16xf32>
          tpu.vector_store %arg12[%swap3A_1302, %swap3A_1303], %swap3A_1306 {strides = array<i32>} : memref<128x128xf32, #tpu.memory_space<vmem>>, vector<1x16xf32>,
          %get3A_1307 = arith.index_cast %add3A_1236 : i32 to index
          %get3A_1308 = arith.constant 112 : index
          %get3A_1309 = tpu.vector_load %arg12[%get3A_1307, %get3A_1308] {strides = array<i32>} : memref<128x128xf32, #tpu.memory_space<vmem>>, vector<1x16xf32>,
          %get3A_1310 = vector.shape_cast %get3A_1309 : vector<1x16xf32> to vector<16xf32>
          %mul3A_1311 = arith.mulf %get3A_1310, %broadcast_in_dim3A_1232 : vector<16xf32>
          %swap3A_1312 = arith.index_cast %add3A_1236 : i32 to index
          %swap3A_1313 = arith.constant 112 : index
          %swap3A_1314 = tpu.vector_load %arg12[%swap3A_1312, %swap3A_1313] {strides = array<i32>} : memref<128x128xf32, #tpu.memory_space<vmem>>, vector<1x16xf32>,
          %swap3A_1315 = vector.shape_cast %swap3A_1314 : vector<1x16xf32> to vector<16xf32>
          %swap3A_1316 = vector.shape_cast %mul3A_1311 : vector<16xf32> to vector<1x16xf32>
          tpu.vector_store %arg12[%swap3A_1312, %swap3A_1313], %swap3A_1316 {strides = array<i32>} : memref<128x128xf32, #tpu.memory_space<vmem>>, vector<1x16xf32>,
          %slice3A_1317 = vector.extract_strided_slice %get3A_102 {offsets = [14], sizes = [1], strides = [1]} : vector<16xf32> to vector<1xf32>
          %squeeze3A_1318 = vector.extract %slice3A_1317[0] : f32 from vector<1xf32>
          %broadcast_in_dim3A_1319 = vector.broadcast %squeeze3A_1318 : f32 to vector<16xf32>
          %mul3A_1320 = arith.constant 16 : i32
          %mul3A_1321 = arith.muli %scan3A_96, %mul3A_1320 : i32
          %add3A_1322 = arith.constant 14 : i32
          %add3A_1323 = arith.addi %mul3A_1321, %add3A_1322 : i32
          %get3A_1324 = arith.index_cast %add3A_1323 : i32 to index
          %get3A_1325 = arith.constant 0 : index
          %get3A_1326 = tpu.vector_load %arg12[%get3A_1324, %get3A_1325] {strides = array<i32>} : memref<128x128xf32, #tpu.memory_space<vmem>>, vector<1x16xf32>,
          %get3A_1327 = vector.shape_cast %get3A_1326 : vector<1x16xf32> to vector<16xf32>
          %mul3A_1328 = arith.mulf %get3A_1327, %broadcast_in_dim3A_1319 : vector<16xf32>
          %swap3A_1329 = arith.index_cast %add3A_1323 : i32 to index
          %swap3A_1330 = arith.constant 0 : index
          %swap3A_1331 = tpu.vector_load %arg12[%swap3A_1329, %swap3A_1330] {strides = array<i32>} : memref<128x128xf32, #tpu.memory_space<vmem>>, vector<1x16xf32>,
          %swap3A_1332 = vector.shape_cast %swap3A_1331 : vector<1x16xf32> to vector<16xf32>
          %swap3A_1333 = vector.shape_cast %mul3A_1328 : vector<16xf32> to vector<1x16xf32>
          tpu.vector_store %arg12[%swap3A_1329, %swap3A_1330], %swap3A_1333 {strides = array<i32>} : memref<128x128xf32, #tpu.memory_space<vmem>>, vector<1x16xf32>,
          %get3A_1334 = arith.index_cast %add3A_1323 : i32 to index
          %get3A_1335 = arith.constant 16 : index
          %get3A_1336 = tpu.vector_load %arg12[%get3A_1334, %get3A_1335] {strides = array<i32>} : memref<128x128xf32, #tpu.memory_space<vmem>>, vector<1x16xf32>,
          %get3A_1337 = vector.shape_cast %get3A_1336 : vector<1x16xf32> to vector<16xf32>
          %mul3A_1338 = arith.mulf %get3A_1337, %broadcast_in_dim3A_1319 : vector<16xf32>
          %swap3A_1339 = arith.index_cast %add3A_1323 : i32 to index
          %swap3A_1340 = arith.constant 16 : index
          %swap3A_1341 = tpu.vector_load %arg12[%swap3A_1339, %swap3A_1340] {strides = array<i32>} : memref<128x128xf32, #tpu.memory_space<vmem>>, vector<1x16xf32>,
          %swap3A_1342 = vector.shape_cast %swap3A_1341 : vector<1x16xf32> to vector<16xf32>
          %swap3A_1343 = vector.shape_cast %mul3A_1338 : vector<16xf32> to vector<1x16xf32>
          tpu.vector_store %arg12[%swap3A_1339, %swap3A_1340], %swap3A_1343 {strides = array<i32>} : memref<128x128xf32, #tpu.memory_space<vmem>>, vector<1x16xf32>,
          %get3A_1344 = arith.index_cast %add3A_1323 : i32 to index
          %get3A_1345 = arith.constant 32 : index
          %get3A_1346 = tpu.vector_load %arg12[%get3A_1344, %get3A_1345] {strides = array<i32>} : memref<128x128xf32, #tpu.memory_space<vmem>>, vector<1x16xf32>,
          %get3A_1347 = vector.shape_cast %get3A_1346 : vector<1x16xf32> to vector<16xf32>
          %mul3A_1348 = arith.mulf %get3A_1347, %broadcast_in_dim3A_1319 : vector<16xf32>
          %swap3A_1349 = arith.index_cast %add3A_1323 : i32 to index
          %swap3A_1350 = arith.constant 32 : index
          %swap3A_1351 = tpu.vector_load %arg12[%swap3A_1349, %swap3A_1350] {strides = array<i32>} : memref<128x128xf32, #tpu.memory_space<vmem>>, vector<1x16xf32>,
          %swap3A_1352 = vector.shape_cast %swap3A_1351 : vector<1x16xf32> to vector<16xf32>
          %swap3A_1353 = vector.shape_cast %mul3A_1348 : vector<16xf32> to vector<1x16xf32>
          tpu.vector_store %arg12[%swap3A_1349, %swap3A_1350], %swap3A_1353 {strides = array<i32>} : memref<128x128xf32, #tpu.memory_space<vmem>>, vector<1x16xf32>,
          %get3A_1354 = arith.index_cast %add3A_1323 : i32 to index
          %get3A_1355 = arith.constant 48 : index
          %get3A_1356 = tpu.vector_load %arg12[%get3A_1354, %get3A_1355] {strides = array<i32>} : memref<128x128xf32, #tpu.memory_space<vmem>>, vector<1x16xf32>,
          %get3A_1357 = vector.shape_cast %get3A_1356 : vector<1x16xf32> to vector<16xf32>
          %mul3A_1358 = arith.mulf %get3A_1357, %broadcast_in_dim3A_1319 : vector<16xf32>
          %swap3A_1359 = arith.index_cast %add3A_1323 : i32 to index
          %swap3A_1360 = arith.constant 48 : index
          %swap3A_1361 = tpu.vector_load %arg12[%swap3A_1359, %swap3A_1360] {strides = array<i32>} : memref<128x128xf32, #tpu.memory_space<vmem>>, vector<1x16xf32>,
          %swap3A_1362 = vector.shape_cast %swap3A_1361 : vector<1x16xf32> to vector<16xf32>
          %swap3A_1363 = vector.shape_cast %mul3A_1358 : vector<16xf32> to vector<1x16xf32>
          tpu.vector_store %arg12[%swap3A_1359, %swap3A_1360], %swap3A_1363 {strides = array<i32>} : memref<128x128xf32, #tpu.memory_space<vmem>>, vector<1x16xf32>,
          %get3A_1364 = arith.index_cast %add3A_1323 : i32 to index
          %get3A_1365 = arith.constant 64 : index
          %get3A_1366 = tpu.vector_load %arg12[%get3A_1364, %get3A_1365] {strides = array<i32>} : memref<128x128xf32, #tpu.memory_space<vmem>>, vector<1x16xf32>,
          %get3A_1367 = vector.shape_cast %get3A_1366 : vector<1x16xf32> to vector<16xf32>
          %mul3A_1368 = arith.mulf %get3A_1367, %broadcast_in_dim3A_1319 : vector<16xf32>
          %swap3A_1369 = arith.index_cast %add3A_1323 : i32 to index
          %swap3A_1370 = arith.constant 64 : index
          %swap3A_1371 = tpu.vector_load %arg12[%swap3A_1369, %swap3A_1370] {strides = array<i32>} : memref<128x128xf32, #tpu.memory_space<vmem>>, vector<1x16xf32>,
          %swap3A_1372 = vector.shape_cast %swap3A_1371 : vector<1x16xf32> to vector<16xf32>
          %swap3A_1373 = vector.shape_cast %mul3A_1368 : vector<16xf32> to vector<1x16xf32>
          tpu.vector_store %arg12[%swap3A_1369, %swap3A_1370], %swap3A_1373 {strides = array<i32>} : memref<128x128xf32, #tpu.memory_space<vmem>>, vector<1x16xf32>,
          %get3A_1374 = arith.index_cast %add3A_1323 : i32 to index
          %get3A_1375 = arith.constant 80 : index
          %get3A_1376 = tpu.vector_load %arg12[%get3A_1374, %get3A_1375] {strides = array<i32>} : memref<128x128xf32, #tpu.memory_space<vmem>>, vector<1x16xf32>,
          %get3A_1377 = vector.shape_cast %get3A_1376 : vector<1x16xf32> to vector<16xf32>
          %mul3A_1378 = arith.mulf %get3A_1377, %broadcast_in_dim3A_1319 : vector<16xf32>
          %swap3A_1379 = arith.index_cast %add3A_1323 : i32 to index
          %swap3A_1380 = arith.constant 80 : index
          %swap3A_1381 = tpu.vector_load %arg12[%swap3A_1379, %swap3A_1380] {strides = array<i32>} : memref<128x128xf32, #tpu.memory_space<vmem>>, vector<1x16xf32>,
          %swap3A_1382 = vector.shape_cast %swap3A_1381 : vector<1x16xf32> to vector<16xf32>
          %swap3A_1383 = vector.shape_cast %mul3A_1378 : vector<16xf32> to vector<1x16xf32>
          tpu.vector_store %arg12[%swap3A_1379, %swap3A_1380], %swap3A_1383 {strides = array<i32>} : memref<128x128xf32, #tpu.memory_space<vmem>>, vector<1x16xf32>,
          %get3A_1384 = arith.index_cast %add3A_1323 : i32 to index
          %get3A_1385 = arith.constant 96 : index
          %get3A_1386 = tpu.vector_load %arg12[%get3A_1384, %get3A_1385] {strides = array<i32>} : memref<128x128xf32, #tpu.memory_space<vmem>>, vector<1x16xf32>,
          %get3A_1387 = vector.shape_cast %get3A_1386 : vector<1x16xf32> to vector<16xf32>
          %mul3A_1388 = arith.mulf %get3A_1387, %broadcast_in_dim3A_1319 : vector<16xf32>
          %swap3A_1389 = arith.index_cast %add3A_1323 : i32 to index
          %swap3A_1390 = arith.constant 96 : index
          %swap3A_1391 = tpu.vector_load %arg12[%swap3A_1389, %swap3A_1390] {strides = array<i32>} : memref<128x128xf32, #tpu.memory_space<vmem>>, vector<1x16xf32>,
          %swap3A_1392 = vector.shape_cast %swap3A_1391 : vector<1x16xf32> to vector<16xf32>
          %swap3A_1393 = vector.shape_cast %mul3A_1388 : vector<16xf32> to vector<1x16xf32>
          tpu.vector_store %arg12[%swap3A_1389, %swap3A_1390], %swap3A_1393 {strides = array<i32>} : memref<128x128xf32, #tpu.memory_space<vmem>>, vector<1x16xf32>,
          %get3A_1394 = arith.index_cast %add3A_1323 : i32 to index
          %get3A_1395 = arith.constant 112 : index
          %get3A_1396 = tpu.vector_load %arg12[%get3A_1394, %get3A_1395] {strides = array<i32>} : memref<128x128xf32, #tpu.memory_space<vmem>>, vector<1x16xf32>,
          %get3A_1397 = vector.shape_cast %get3A_1396 : vector<1x16xf32> to vector<16xf32>
          %mul3A_1398 = arith.mulf %get3A_1397, %broadcast_in_dim3A_1319 : vector<16xf32>
          %swap3A_1399 = arith.index_cast %add3A_1323 : i32 to index
          %swap3A_1400 = arith.constant 112 : index
          %swap3A_1401 = tpu.vector_load %arg12[%swap3A_1399, %swap3A_1400] {strides = array<i32>} : memref<128x128xf32, #tpu.memory_space<vmem>>, vector<1x16xf32>,
          %swap3A_1402 = vector.shape_cast %swap3A_1401 : vector<1x16xf32> to vector<16xf32>
          %swap3A_1403 = vector.shape_cast %mul3A_1398 : vector<16xf32> to vector<1x16xf32>
          tpu.vector_store %arg12[%swap3A_1399, %swap3A_1400], %swap3A_1403 {strides = array<i32>} : memref<128x128xf32, #tpu.memory_space<vmem>>, vector<1x16xf32>,
          %slice3A_1404 = vector.extract_strided_slice %get3A_102 {offsets = [15], sizes = [1], strides = [1]} : vector<16xf32> to vector<1xf32>
          %squeeze3A_1405 = vector.extract %slice3A_1404[0] : f32 from vector<1xf32>
          %broadcast_in_dim3A_1406 = vector.broadcast %squeeze3A_1405 : f32 to vector<16xf32>
          %mul3A_1407 = arith.constant 16 : i32
          %mul3A_1408 = arith.muli %scan3A_96, %mul3A_1407 : i32
          %add3A_1409 = arith.constant 15 : i32
          %add3A_1410 = arith.addi %mul3A_1408, %add3A_1409 : i32
          %get3A_1411 = arith.index_cast %add3A_1410 : i32 to index
          %get3A_1412 = arith.constant 0 : index
          %get3A_1413 = tpu.vector_load %arg12[%get3A_1411, %get3A_1412] {strides = array<i32>} : memref<128x128xf32, #tpu.memory_space<vmem>>, vector<1x16xf32>,
          %get3A_1414 = vector.shape_cast %get3A_1413 : vector<1x16xf32> to vector<16xf32>
          %mul3A_1415 = arith.mulf %get3A_1414, %broadcast_in_dim3A_1406 : vector<16xf32>
          %swap3A_1416 = arith.index_cast %add3A_1410 : i32 to index
          %swap3A_1417 = arith.constant 0 : index
          %swap3A_1418 = tpu.vector_load %arg12[%swap3A_1416, %swap3A_1417] {strides = array<i32>} : memref<128x128xf32, #tpu.memory_space<vmem>>, vector<1x16xf32>,
          %swap3A_1419 = vector.shape_cast %swap3A_1418 : vector<1x16xf32> to vector<16xf32>
          %swap3A_1420 = vector.shape_cast %mul3A_1415 : vector<16xf32> to vector<1x16xf32>
          tpu.vector_store %arg12[%swap3A_1416, %swap3A_1417], %swap3A_1420 {strides = array<i32>} : memref<128x128xf32, #tpu.memory_space<vmem>>, vector<1x16xf32>,
          %get3A_1421 = arith.index_cast %add3A_1410 : i32 to index
          %get3A_1422 = arith.constant 16 : index
          %get3A_1423 = tpu.vector_load %arg12[%get3A_1421, %get3A_1422] {strides = array<i32>} : memref<128x128xf32, #tpu.memory_space<vmem>>, vector<1x16xf32>,
          %get3A_1424 = vector.shape_cast %get3A_1423 : vector<1x16xf32> to vector<16xf32>
          %mul3A_1425 = arith.mulf %get3A_1424, %broadcast_in_dim3A_1406 : vector<16xf32>
          %swap3A_1426 = arith.index_cast %add3A_1410 : i32 to index
          %swap3A_1427 = arith.constant 16 : index
          %swap3A_1428 = tpu.vector_load %arg12[%swap3A_1426, %swap3A_1427] {strides = array<i32>} : memref<128x128xf32, #tpu.memory_space<vmem>>, vector<1x16xf32>,
          %swap3A_1429 = vector.shape_cast %swap3A_1428 : vector<1x16xf32> to vector<16xf32>
          %swap3A_1430 = vector.shape_cast %mul3A_1425 : vector<16xf32> to vector<1x16xf32>
          tpu.vector_store %arg12[%swap3A_1426, %swap3A_1427], %swap3A_1430 {strides = array<i32>} : memref<128x128xf32, #tpu.memory_space<vmem>>, vector<1x16xf32>,
          %get3A_1431 = arith.index_cast %add3A_1410 : i32 to index
          %get3A_1432 = arith.constant 32 : index
          %get3A_1433 = tpu.vector_load %arg12[%get3A_1431, %get3A_1432] {strides = array<i32>} : memref<128x128xf32, #tpu.memory_space<vmem>>, vector<1x16xf32>,
          %get3A_1434 = vector.shape_cast %get3A_1433 : vector<1x16xf32> to vector<16xf32>
          %mul3A_1435 = arith.mulf %get3A_1434, %broadcast_in_dim3A_1406 : vector<16xf32>
          %swap3A_1436 = arith.index_cast %add3A_1410 : i32 to index
          %swap3A_1437 = arith.constant 32 : index
          %swap3A_1438 = tpu.vector_load %arg12[%swap3A_1436, %swap3A_1437] {strides = array<i32>} : memref<128x128xf32, #tpu.memory_space<vmem>>, vector<1x16xf32>,
          %swap3A_1439 = vector.shape_cast %swap3A_1438 : vector<1x16xf32> to vector<16xf32>
          %swap3A_1440 = vector.shape_cast %mul3A_1435 : vector<16xf32> to vector<1x16xf32>
          tpu.vector_store %arg12[%swap3A_1436, %swap3A_1437], %swap3A_1440 {strides = array<i32>} : memref<128x128xf32, #tpu.memory_space<vmem>>, vector<1x16xf32>,
          %get3A_1441 = arith.index_cast %add3A_1410 : i32 to index
          %get3A_1442 = arith.constant 48 : index
          %get3A_1443 = tpu.vector_load %arg12[%get3A_1441, %get3A_1442] {strides = array<i32>} : memref<128x128xf32, #tpu.memory_space<vmem>>, vector<1x16xf32>,
          %get3A_1444 = vector.shape_cast %get3A_1443 : vector<1x16xf32> to vector<16xf32>
          %mul3A_1445 = arith.mulf %get3A_1444, %broadcast_in_dim3A_1406 : vector<16xf32>
          %swap3A_1446 = arith.index_cast %add3A_1410 : i32 to index
          %swap3A_1447 = arith.constant 48 : index
          %swap3A_1448 = tpu.vector_load %arg12[%swap3A_1446, %swap3A_1447] {strides = array<i32>} : memref<128x128xf32, #tpu.memory_space<vmem>>, vector<1x16xf32>,
          %swap3A_1449 = vector.shape_cast %swap3A_1448 : vector<1x16xf32> to vector<16xf32>
          %swap3A_1450 = vector.shape_cast %mul3A_1445 : vector<16xf32> to vector<1x16xf32>
          tpu.vector_store %arg12[%swap3A_1446, %swap3A_1447], %swap3A_1450 {strides = array<i32>} : memref<128x128xf32, #tpu.memory_space<vmem>>, vector<1x16xf32>,
          %get3A_1451 = arith.index_cast %add3A_1410 : i32 to index
          %get3A_1452 = arith.constant 64 : index
          %get3A_1453 = tpu.vector_load %arg12[%get3A_1451, %get3A_1452] {strides = array<i32>} : memref<128x128xf32, #tpu.memory_space<vmem>>, vector<1x16xf32>,
          %get3A_1454 = vector.shape_cast %get3A_1453 : vector<1x16xf32> to vector<16xf32>
          %mul3A_1455 = arith.mulf %get3A_1454, %broadcast_in_dim3A_1406 : vector<16xf32>
          %swap3A_1456 = arith.index_cast %add3A_1410 : i32 to index
          %swap3A_1457 = arith.constant 64 : index
          %swap3A_1458 = tpu.vector_load %arg12[%swap3A_1456, %swap3A_1457] {strides = array<i32>} : memref<128x128xf32, #tpu.memory_space<vmem>>, vector<1x16xf32>,
          %swap3A_1459 = vector.shape_cast %swap3A_1458 : vector<1x16xf32> to vector<16xf32>
          %swap3A_1460 = vector.shape_cast %mul3A_1455 : vector<16xf32> to vector<1x16xf32>
          tpu.vector_store %arg12[%swap3A_1456, %swap3A_1457], %swap3A_1460 {strides = array<i32>} : memref<128x128xf32, #tpu.memory_space<vmem>>, vector<1x16xf32>,
          %get3A_1461 = arith.index_cast %add3A_1410 : i32 to index
          %get3A_1462 = arith.constant 80 : index
          %get3A_1463 = tpu.vector_load %arg12[%get3A_1461, %get3A_1462] {strides = array<i32>} : memref<128x128xf32, #tpu.memory_space<vmem>>, vector<1x16xf32>,
          %get3A_1464 = vector.shape_cast %get3A_1463 : vector<1x16xf32> to vector<16xf32>
          %mul3A_1465 = arith.mulf %get3A_1464, %broadcast_in_dim3A_1406 : vector<16xf32>
          %swap3A_1466 = arith.index_cast %add3A_1410 : i32 to index
          %swap3A_1467 = arith.constant 80 : index
          %swap3A_1468 = tpu.vector_load %arg12[%swap3A_1466, %swap3A_1467] {strides = array<i32>} : memref<128x128xf32, #tpu.memory_space<vmem>>, vector<1x16xf32>,
          %swap3A_1469 = vector.shape_cast %swap3A_1468 : vector<1x16xf32> to vector<16xf32>
          %swap3A_1470 = vector.shape_cast %mul3A_1465 : vector<16xf32> to vector<1x16xf32>
          tpu.vector_store %arg12[%swap3A_1466, %swap3A_1467], %swap3A_1470 {strides = array<i32>} : memref<128x128xf32, #tpu.memory_space<vmem>>, vector<1x16xf32>,
          %get3A_1471 = arith.index_cast %add3A_1410 : i32 to index
          %get3A_1472 = arith.constant 96 : index
          %get3A_1473 = tpu.vector_load %arg12[%get3A_1471, %get3A_1472] {strides = array<i32>} : memref<128x128xf32, #tpu.memory_space<vmem>>, vector<1x16xf32>,
          %get3A_1474 = vector.shape_cast %get3A_1473 : vector<1x16xf32> to vector<16xf32>
          %mul3A_1475 = arith.mulf %get3A_1474, %broadcast_in_dim3A_1406 : vector<16xf32>
          %swap3A_1476 = arith.index_cast %add3A_1410 : i32 to index
          %swap3A_1477 = arith.constant 96 : index
          %swap3A_1478 = tpu.vector_load %arg12[%swap3A_1476, %swap3A_1477] {strides = array<i32>} : memref<128x128xf32, #tpu.memory_space<vmem>>, vector<1x16xf32>,
          %swap3A_1479 = vector.shape_cast %swap3A_1478 : vector<1x16xf32> to vector<16xf32>
          %swap3A_1480 = vector.shape_cast %mul3A_1475 : vector<16xf32> to vector<1x16xf32>
          tpu.vector_store %arg12[%swap3A_1476, %swap3A_1477], %swap3A_1480 {strides = array<i32>} : memref<128x128xf32, #tpu.memory_space<vmem>>, vector<1x16xf32>,
          %get3A_1481 = arith.index_cast %add3A_1410 : i32 to index
          %get3A_1482 = arith.constant 112 : index
          %get3A_1483 = tpu.vector_load %arg12[%get3A_1481, %get3A_1482] {strides = array<i32>} : memref<128x128xf32, #tpu.memory_space<vmem>>, vector<1x16xf32>,
          %get3A_1484 = vector.shape_cast %get3A_1483 : vector<1x16xf32> to vector<16xf32>
          %mul3A_1485 = arith.mulf %get3A_1484, %broadcast_in_dim3A_1406 : vector<16xf32>
          %swap3A_1486 = arith.index_cast %add3A_1410 : i32 to index
          %swap3A_1487 = arith.constant 112 : index
          %swap3A_1488 = tpu.vector_load %arg12[%swap3A_1486, %swap3A_1487] {strides = array<i32>} : memref<128x128xf32, #tpu.memory_space<vmem>>, vector<1x16xf32>,
          %swap3A_1489 = vector.shape_cast %swap3A_1488 : vector<1x16xf32> to vector<16xf32>
          %swap3A_1490 = vector.shape_cast %mul3A_1485 : vector<16xf32> to vector<1x16xf32>
          tpu.vector_store %arg12[%swap3A_1486, %swap3A_1487], %swap3A_1490 {strides = array<i32>} : memref<128x128xf32, #tpu.memory_space<vmem>>, vector<1x16xf32>,
        }
        %scan3A_88 = arith.constant 8 : i32
        %dma_start3A_89 = arith.constant 1 : i32
        %dma_start3A_90 = arith.constant 0 : i32
        %dma_start3A_91 = tpu.memref_slice %arg10[%dma_start3A_89, %dma_start3A_90] : memref<2x128xi32, #tpu.memory_space<vmem>> -> memref<1x128xi32, #tpu.memory_space<vmem>>
        %dma_start3A_92 = tpu.memref_squeeze %dma_start3A_91 : memref<1x128xi32, #tpu.memory_space<vmem>> -> memref<128xi32, #tpu.memory_space<vmem>>
        %dma_start3A_93 = arith.constant 0 : i32
        %dma_start3A_94 = arith.constant 0 : i32
        %dma_start3A_95 = tpu.memref_slice %arg13[%dma_start3A_93, %dma_start3A_94] : memref<10000x128xf32, #tpu.memory_space<vmem_shared>> -> memref<10000x128xf32, #tpu.memory_space<vmem_shared>>
        tpu.enqueue_indirect_dma source(%arg12 : memref<128x128xf32, #tpu.memory_space<vmem>>) target(%dma_start3A_95 : memref<10000x128xf32, #tpu.memory_space<vmem_shared>>) offsets(%dma_start3A_92 : memref<128xi32, #tpu.memory_space<vmem>>) semaphore(%arg15 : memref<!tpu.dma_semaphore, #tpu.memory_space<semaphore_mem>>) {add = true}
      } else {
      }
    }
    %scan3A_19 = arith.constant 40 : i32
    %dma_wait3A = arith.constant 1 : i32
    %dma_wait3A_20 = arith.constant 0 : i32
    %dma_wait3A_21 = tpu.memref_slice %arg7[%dma_wait3A, %dma_wait3A_20] : memref<2x128xi32, #tpu.memory_space<vmem>> -> memref<1x128xi32, #tpu.memory_space<vmem>>
    %dma_wait3A_22 = tpu.memref_squeeze %dma_wait3A_21 : memref<1x128xi32, #tpu.memory_space<vmem>> -> memref<128xi32, #tpu.memory_space<vmem>>
    %dma_wait3A_23 = arith.constant 0 : i32
    %dma_wait3A_24 = arith.constant 0 : i32
    %dma_wait3A_25 = tpu.memref_slice %arg13[%dma_wait3A_23, %dma_wait3A_24] : memref<10000x128xf32, #tpu.memory_space<vmem_shared>> -> memref<10000x128xf32, #tpu.memory_space<vmem_shared>>
    tpu.wait_indirect_dma semaphore(%arg15 : memref<!tpu.dma_semaphore, #tpu.memory_space<semaphore_mem>>) src(%arg9 : memref<128x128xf32, #tpu.memory_space<vmem>>) dst(%dma_wait3A_25 : memref<10000x128xf32, #tpu.memory_space<vmem_shared>>)
    %barrier3A_26 = arith.constant 0 : index
    tpu.barrier barrier_id(%barrier3A_26)
    %lt3A_27 = arith.constant 15 : i32
    %lt3A_28 = arith.cmpi slt, %arg1, %lt3A_27 : i32
    %convert_element_type3A_29 = arith.extui %lt3A_28 : i1 to i32
    %cond3A_30 = arith.constant 0 : i32
    %cond3A_31 = arith.cmpi ne, %convert_element_type3A_29, %cond3A_30 : i32
    scf.if %cond3A_31 {
      "tpu.region"() ({
        %run_scoped3A = tpu.sem_alloc : memref<!tpu.dma_semaphore, #tpu.memory_space<semaphore_mem>>
        %dma_start3A_37 = arith.constant 0 : i32
        %dma_start3A_38 = tpu.memref_slice %arg6[%arg0, %mul3A_2, %dma_start3A_37] : memref<2x10000x128xf32, #tpu.memory_space<hbm>> -> memref<1x624x128xf32, #tpu.memory_space<hbm>>
        %dma_start3A_39 = tpu.memref_squeeze %dma_start3A_38 : memref<1x624x128xf32, #tpu.memory_space<hbm>> -> memref<624x128xf32, #tpu.memory_space<hbm>>
        %dma_start3A_40 = arith.constant 0 : i32
        %dma_start3A_41 = tpu.memref_slice %arg13[%mul3A_2, %dma_start3A_40] : memref<10000x128xf32, #tpu.memory_space<vmem_shared>> -> memref<624x128xf32, #tpu.memory_space<vmem_shared>>
        tpu.enqueue_dma source(%dma_start3A_41 : memref<624x128xf32, #tpu.memory_space<vmem_shared>>) target(%dma_start3A_39 : memref<624x128xf32, #tpu.memory_space<hbm>>) target_semaphore(%run_scoped3A : memref<!tpu.dma_semaphore, #tpu.memory_space<semaphore_mem>>)
        %dma_wait3A_42 = arith.constant 0 : i32
        %dma_wait3A_43 = tpu.memref_slice %arg6[%arg0, %mul3A_2, %dma_wait3A_42] : memref<2x10000x128xf32, #tpu.memory_space<hbm>> -> memref<1x624x128xf32, #tpu.memory_space<hbm>>
        %dma_wait3A_44 = tpu.memref_squeeze %dma_wait3A_43 : memref<1x624x128xf32, #tpu.memory_space<hbm>> -> memref<624x128xf32, #tpu.memory_space<hbm>>
        %dma_wait3A_45 = arith.constant 0 : i32
        %dma_wait3A_46 = tpu.memref_slice %arg13[%mul3A_2, %dma_wait3A_45] : memref<10000x128xf32, #tpu.memory_space<vmem_shared>> -> memref<624x128xf32, #tpu.memory_space<vmem_shared>>
        tpu.wait_dma2 semaphore(%run_scoped3A : memref<!tpu.dma_semaphore, #tpu.memory_space<semaphore_mem>>) src(%dma_wait3A_46 : memref<624x128xf32, #tpu.memory_space<vmem_shared>>) dst(%dma_wait3A_44 : memref<624x128xf32, #tpu.memory_space<hbm>>)
        tpu.yield
      }) : () -> ()
    } else {
    }
    %eq3A_32 = arith.constant 15 : i32
    %eq3A_33 = arith.cmpi eq, %arg1, %eq3A_32 : i32
    %convert_element_type3A_34 = arith.extui %eq3A_33 : i1 to i32
    %cond3A_35 = arith.constant 0 : i32
    %cond3A_36 = arith.cmpi ne, %convert_element_type3A_34, %cond3A_35 : i32
    scf.if %cond3A_36 {
      "tpu.region"() ({
        %run_scoped3A = tpu.sem_alloc : memref<!tpu.dma_semaphore, #tpu.memory_space<semaphore_mem>>
        %dma_start3A_37 = arith.constant 0 : i32
        %dma_start3A_38 = tpu.memref_slice %arg6[%arg0, %mul3A_2, %dma_start3A_37] : memref<2x10000x128xf32, #tpu.memory_space<hbm>> -> memref<1x640x128xf32, #tpu.memory_space<hbm>>
        %dma_start3A_39 = tpu.memref_squeeze %dma_start3A_38 : memref<1x640x128xf32, #tpu.memory_space<hbm>> -> memref<640x128xf32, #tpu.memory_space<hbm>>
        %dma_start3A_40 = arith.constant 0 : i32
        %dma_start3A_41 = tpu.memref_slice %arg13[%mul3A_2, %dma_start3A_40] : memref<10000x128xf32, #tpu.memory_space<vmem_shared>> -> memref<640x128xf32, #tpu.memory_space<vmem_shared>>
        tpu.enqueue_dma source(%dma_start3A_41 : memref<640x128xf32, #tpu.memory_space<vmem_shared>>) target(%dma_start3A_39 : memref<640x128xf32, #tpu.memory_space<hbm>>) target_semaphore(%run_scoped3A : memref<!tpu.dma_semaphore, #tpu.memory_space<semaphore_mem>>)
        %dma_wait3A_42 = arith.constant 0 : i32
        %dma_wait3A_43 = tpu.memref_slice %arg6[%arg0, %mul3A_2, %dma_wait3A_42] : memref<2x10000x128xf32, #tpu.memory_space<hbm>> -> memref<1x640x128xf32, #tpu.memory_space<hbm>>
        %dma_wait3A_44 = tpu.memref_squeeze %dma_wait3A_43 : memref<1x640x128xf32, #tpu.memory_space<hbm>> -> memref<640x128xf32, #tpu.memory_space<hbm>>
        %dma_wait3A_45 = arith.constant 0 : i32
        %dma_wait3A_46 = tpu.memref_slice %arg13[%mul3A_2, %dma_wait3A_45] : memref<10000x128xf32, #tpu.memory_space<vmem_shared>> -> memref<640x128xf32, #tpu.memory_space<vmem_shared>>
        tpu.wait_dma2 semaphore(%run_scoped3A : memref<!tpu.dma_semaphore, #tpu.memory_space<semaphore_mem>>) src(%dma_wait3A_46 : memref<640x128xf32, #tpu.memory_space<vmem_shared>>) dst(%dma_wait3A_44 : memref<640x128xf32, #tpu.memory_space<hbm>>)
        tpu.yield
      }) : () -> ()
    } else {
    }
    return
  }
}

module attributes {stable_mosaic.version = 14 : i64} {
  func.func @_exp_body(%arg0: i32, %arg1: memref<1000x128xf32, #tpu.memory_space<vmem>>, %arg2: memref<1000x128xf32, #tpu.memory_space<vmem>>) attributes {dimension_semantics = [#tpu.dimension_semantics<arbitrary>], iteration_bounds = array<i64: 10>, scalar_prefetch = 0 : i64, scratch_operands = 0 : i64, tpu.core_type = #tpu.core_type<tc>, window_params = [{transform_indices = @transform_0, window_bounds = array<i64: 1000, 128>}, {transform_indices = @transform_1, window_bounds = array<i64: 1000, 128>}]} {
    %get3A = arith.constant 0 : index
    %get3A_0 = arith.constant 0 : index
    %get3A_1 = vector.load %arg1[%get3A, %get3A_0] : memref<1000x128xf32, #tpu.memory_space<vmem>>, vector<1000x128xf32>
    %exp3A = math.exp %get3A_1 : vector<1000x128xf32>
    %swap3A = arith.constant 0 : index
    %swap3A_2 = arith.constant 0 : index
    %swap3A_3 = vector.load %arg2[%swap3A, %swap3A_2] : memref<1000x128xf32, #tpu.memory_space<vmem>>, vector<1000x128xf32>
    tpu.vector_store %arg2[%swap3A, %swap3A_2], %exp3A {strides = array<i32>} : memref<1000x128xf32, #tpu.memory_space<vmem>>, vector<1000x128xf32>,
    return
  }
  func.func @transform_0(%arg0: i32) -> (i32, i32) {
    %c0_i32 = arith.constant 0 : i32
    %c0_i32_0 = arith.constant 0 : i32
    return %arg0, %c0_i32 : i32, i32
  }
  func.func @transform_1(%arg0: i32) -> (i32, i32) {
    %c0_i32 = arith.constant 0 : i32
    %c0_i32_0 = arith.constant 0 : i32
    return %arg0, %c0_i32 : i32, i32
  }
}

module attributes {stable_mosaic.version = 14 : i64} {
  func.func @_log_body(%arg0: i32, %arg1: memref<2x1000x128xf32, #tpu.memory_space<vmem>>, %arg2: memref<1000x128xf32, #tpu.memory_space<vmem>>) attributes {dimension_semantics = [#tpu.dimension_semantics<arbitrary>], iteration_bounds = array<i64: 10>, scalar_prefetch = 0 : i64, scratch_operands = 0 : i64, tpu.core_type = #tpu.core_type<tc>, window_params = [{transform_indices = @transform_0, window_bounds = array<i64: 2, 1000, 128>}, {transform_indices = @transform_1, window_bounds = array<i64: 1000, 128>}]} {
    %get3A = arith.constant 0 : index
    %get3A_0 = arith.constant 0 : index
    %get3A_1 = arith.constant 0 : index
    %get3A_2 = vector.load %arg1[%get3A, %get3A_0, %get3A_1] : memref<2x1000x128xf32, #tpu.memory_space<vmem>>, vector<1x1000x128xf32>
    %get3A_3 = vector.shape_cast %get3A_2 : vector<1x1000x128xf32> to vector<1000x128xf32>
    %get3A_4 = arith.constant 1 : index
    %get3A_5 = arith.constant 0 : index
    %get3A_6 = arith.constant 0 : index
    %get3A_7 = vector.load %arg1[%get3A_4, %get3A_5, %get3A_6] : memref<2x1000x128xf32, #tpu.memory_space<vmem>>, vector<1x1000x128xf32>
    %get3A_8 = vector.shape_cast %get3A_7 : vector<1x1000x128xf32> to vector<1000x128xf32>
    %add3A = arith.addf %get3A_3, %get3A_8 : vector<1000x128xf32>
    %max3A = arith.constant 1.000000e-30 : f32
    %max3A_9 = vector.broadcast %max3A : f32 to vector<1000x128xf32>
    %max3A_10 = arith.maximumf %add3A, %max3A_9 : vector<1000x128xf32>
    %log3A = math.log %max3A_10 : vector<1000x128xf32>
    %swap3A = arith.constant 0 : index
    %swap3A_11 = arith.constant 0 : index
    %swap3A_12 = vector.load %arg2[%swap3A, %swap3A_11] : memref<1000x128xf32, #tpu.memory_space<vmem>>, vector<1000x128xf32>
    tpu.vector_store %arg2[%swap3A, %swap3A_11], %log3A {strides = array<i32>} : memref<1000x128xf32, #tpu.memory_space<vmem>>, vector<1000x128xf32>,
    return
  }
  func.func @transform_0(%arg0: i32) -> (i32, i32, i32) {
    %c0_i32 = arith.constant 0 : i32
    %c0_i32_0 = arith.constant 0 : i32
    %c0_i32_1 = arith.constant 0 : i32
    return %c0_i32, %arg0, %c0_i32_0 : i32, i32, i32
  }
  func.func @transform_1(%arg0: i32) -> (i32, i32) {
    %c0_i32 = arith.constant 0 : i32
    %c0_i32_0 = arith.constant 0 : i32
    return %arg0, %c0_i32 : i32, i32
  }
}

</mosaic_0001>

<sc_bundles>
// kernel: kernel.5.cloned.1.call-start
scs
__scs_entry_jumppad:
0x0: {  	(pc) =	sbr.rel $0x88, $3  }
0x1: {  	(tag) =	ssettag $0x0;
	lr =	simm.s32 $0x1  }
0x2: {  	[smem:$0x3F9D] =	sst lr;
	_ =	strace $0xD0000000  }
0x3: {  	_ = 	snop  }
0x4: {  	_ = 	snop  }
0x5: {  	_ = 	snop  }
0x6: {  	_ = 	snop  }
0x7: {  	_ = 	snop  }
__scs_overlays_trampoline_lowered:
0x8: {  	[smem:$0x3FAC] =	sst s0  }
0x9: {  	[smem:$0x3FAD] =	sst s1  }
0xa: {  	[smem:$0x3FAE] =	sst s2  }
0xb: {  	[smem:$0x3FAF] =	sst s3  }
0xc: {  	[smem:$0x3FB0] =	sst s4  }
0xd: {  	[smem:$0x3FB1] =	sst s5  }
0xe: {  	[smem:$0x3FB2] =	sst s6  }
0xf: {  	[smem:$0x3FB3] =	sst s7  }
0x10: {  	[smem:$0x3FB4] =	sst s8  }
0x11: {  	[smem:$0x3FB5] =	sst s9;
	s0 =	simm.s32 @!p0 $0x0  }
0x12: {  	s1 =	sld [smem:$0x3F9B];
	s0 =	simm.s32 @p0 $0x1  }
0x13: {  	[smem:$0x3FB6] =	sst s0;
	s0 =	simm.s32 @!p1 $0x0  }
0x14: {  	s2 =	sld [smem:$0x3F9A];
	s0 =	simm.s32 @p1 $0x1  }
0x15: {  	[smem:$0x3FB7] =	sst s0;
	s0 =	simm.s32 @!p2 $0x0  }
0x16: {  	s3 =	sld [smem:$0x3FDB];
	s0 =	simm.s32 @p2 $0x1  }
0x17: {  	s4 =	simm.s32 $0x1BF5;
	[smem:$0x3FB9] =	sst s0  }
0x18: {  	s0 =	sld [smem:$0x3F9C];
	_ =	swait.ge [sflag:s4], $0x0  }
0x19: {  	s7 =	sld [smem:$0x3F9D]  }
0x1a: {  	s8 =	sadd.s32 $0xFFFFE003, lr  }
0x1b: {  	s9 =	sadd.s32 $0xFFFFFEF7, lr;
	s5 =	simm.s32 $0xFFFFFFFF;
	p2 =	slt.u32 s8, $0xFFFFF086  }
0x1c: {  	p1 =	slt.u32 s9, $0xF7A;
	s5 =	simm.s32 @!p2 $0x0  }
0x1d: {  	s5 =	simm.s32 @p1 $0x1;
	p0 =	seq.s32 s7, s2  }
0x1e: {  	s7 =	smul.u32 @!p0 $0xF7A, s2;
	p2 =	seq.s32 @!p0 s5, $0x0  }
0x1f: {  	s9 =	smul.u32 $0xF7A, s1;
	s8 =	simm.s32 @!p0 $0x1BF5;
	p2 =	por !p2, p0  }
0x20: {  	[sflag:s8] =	ssyncset.s32 @!p0 $0xFFFFF086;
	s6 =	sadd.s32 @!p0 s3, s7;
	s7 =	simm.s32 @!p0 $0x108  }
0x21: {  	s3 =	sadd.s32 s3, s9;
	s6 =	sadd.s32 @!p0 $0x88, s6;
	s7 =	simm.s32 @p2 $0x1082  }
0x22: {  	[simem:s7], [sflag:s8] =	dma.local @!p0 [hbm:s6], $0xF7A  }
0x23: {  	s9 =	sor.u32 $0xD0000000, s2;
	s6 =	simm.s32 $0x108;
	_ =	swait.ge @!p0 [sflag:s8], $0x0  }
0x24: {  	s3 =	sadd.s32 $0x88, s3;
	s6 =	simm.s32 @!p1 $0x1082;
	[sflag:s4] =	ssyncset.s32 $0xFFFFF086  }
0x25: {  	[simem:s6], [sflag:s4] =	dma.local [hbm:s3], $0xF7A  }
0x26: {  	[smem:$0x3F9D] =	sst s1;
	(tag) =	ssettag s2;
	_ =	strace s9  }
0x27: {  	s1 =	sld [smem:$0x3FAD]  }
0x28: {  	s2 =	sld [smem:$0x3FAE]  }
0x29: {  	s4 =	sld [smem:$0x3FB0]  }
0x2a: {  	p0 =	seq.s32 s5, $0x0;
	s5 =	sld [smem:$0x3FB1]  }
0x2b: {  	s6 =	sld [smem:$0x3FB2]  }
0x2c: {  	s7 =	sld [smem:$0x3FB3]  }
0x2d: {  	s3 =	simm.s32 $0x108;
	s8 =	sld [smem:$0x3FB4]  }
0x2e: {  	s3 =	simm.s32 @!p0 $0x1082;
	s9 =	sld [smem:$0x3FB5]  }
0x2f: {  	lr =	sadd.s32 s0, s3;
	s0 =	sld [smem:$0x3FAC]  }
0x30: {  	s3 =	sld [smem:$0x3FAF]  }
0x31: {  	[smem:$0x3FB8] =	sst s10  }
0x32: {  	s10 =	sld [smem:$0x3FB6];
	_ =	sdelay $0x3  }
0x33: {  	p0 =	seq.s32 s10, $0x1;
	s10 =	sld [smem:$0x3FB8];
	_ =	sdelay $0x3  }
0x34: {  	[smem:$0x3FB8] =	sst s10  }
0x35: {  	s10 =	sld [smem:$0x3FB7];
	_ =	sdelay $0x3  }
0x36: {  	p1 =	seq.s32 s10, $0x1;
	s10 =	sld [smem:$0x3FB8];
	_ =	sdelay $0x3  }
0x37: {  	[smem:$0x3FB8] =	sst s10  }
0x38: {  	s10 =	sld [smem:$0x3FB9]  }
0x39: {  	_ = 	snop;
	(pc) =	sbr.ind lr, $3  }
0x3a: {  	_ = 	snop  }
0x3b: {  	_ = 	snop  }
0x3c: {  	p2 =	seq.s32 s10, $0x1;
	s10 =	sld [smem:$0x3FB8]  }
0x3d: {  	_ =	shalt  }
0x3e: {  	_ =	shalt  }
0x3f: {  	_ =	shalt  }
0x40: {  	_ =	shalt  }
0x41: {  	_ =	shalt  }
0x42: {  	_ =	shalt  }
0x43: {  	_ =	shalt  }
0x44: {  	_ =	shalt  }
0x45: {  	_ =	shalt  }
0x46: {  	_ =	shalt  }
0x47: {  	_ =	shalt  }
0x48: {  	_ =	shalt  }
0x49: {  	_ =	shalt  }
0x4a: {  	_ =	shalt  }
0x4b: {  	_ =	shalt  }
0x4c: {  	_ =	shalt  }
0x4d: {  	_ =	shalt  }
0x4e: {  	_ =	shalt  }
0x4f: {  	_ =	shalt  }
0x50: {  	_ =	shalt  }
0x51: {  	_ =	shalt  }
0x52: {  	_ =	shalt  }
0x53: {  	_ =	shalt  }
0x54: {  	_ =	shalt  }
0x55: {  	_ =	shalt  }
0x56: {  	_ =	shalt  }
0x57: {  	_ =	shalt  }
0x58: {  	_ =	shalt  }
0x59: {  	_ =	shalt  }
0x5a: {  	_ =	shalt  }
0x5b: {  	_ =	shalt  }
0x5c: {  	_ =	shalt  }
0x5d: {  	_ =	shalt  }
0x5e: {  	_ =	shalt  }
0x5f: {  	_ =	shalt  }
0x60: {  	_ =	shalt  }
0x61: {  	_ =	shalt  }
0x62: {  	_ =	shalt  }
0x63: {  	_ =	shalt  }
0x64: {  	_ =	shalt  }
0x65: {  	_ =	shalt  }
0x66: {  	_ =	shalt  }
0x67: {  	_ =	shalt  }
0x68: {  	_ =	shalt  }
0x69: {  	_ =	shalt  }
0x6a: {  	_ =	shalt  }
0x6b: {  	_ =	shalt  }
0x6c: {  	_ =	shalt  }
0x6d: {  	_ =	shalt  }
0x6e: {  	_ =	shalt  }
0x6f: {  	_ =	shalt  }
0x70: {  	_ =	shalt  }
0x71: {  	_ =	shalt  }
0x72: {  	_ =	shalt  }
0x73: {  	_ =	shalt  }
0x74: {  	_ =	shalt  }
0x75: {  	_ =	shalt  }
0x76: {  	_ =	shalt  }
0x77: {  	_ =	shalt  }
0x78: {  	_ =	shalt  }
0x79: {  	_ =	shalt  }
0x7a: {  	_ =	shalt  }
0x7b: {  	_ =	shalt  }
0x7c: {  	_ =	shalt  }
0x7d: {  	_ =	shalt  }
0x7e: {  	_ =	shalt  }
0x7f: {  	_ =	shalt  }
0x80: {  	_ =	shalt  }
0x81: {  	_ =	shalt  }
0x82: {  	_ =	shalt  }
0x83: {  	_ =	shalt  }
0x84: {  	_ =	shalt  }
0x85: {  	_ =	shalt  }
0x86: {  	_ =	shalt  }
0x87: {  	_ =	shalt  }
.Lfunc_end0:
.L_simem_size_0:
called_computation_lowered:
.L_overlay_start_0:
0x88: {  	s2 =	sld [smem:$0x3FD9]  }
0x89: {  	s3 =	sld [smem:$0x3FFE];
	_ =	sdelay $0x1  }
0x8a: {  	s1 =	srdreg.scid  }
0x8b: {  	s0 =	sand.u32 $0x1, s1  }
0x8c: {  	s17 =	sshll.u32 s0, $0xA;
	s2 =	sadd.s32 s3, s2  }
0x8d: {  	s2 =	sadd.s32 s2, s17  }
0x8e: {  	[smem:$0x3FC4] =	sst s2  }
0x8f: {  	_ = 	snop  }
0x90: {  	s2 =	sld [smem:$0x3FD0];
	(tm) =	ssettm $0x1  }
0x91: {  	s18 =	sld [smem:$0x3FFB];
	_ =	sdelay $0x3  }
0x92: {  	_ =	strace s18  }
0x93: {  	s3 =	sld [smem:$0x3FFC];
	_ =	sdelay $0x3  }
0x94: {  	_ =	strace s3  }
0x95: {  	s3 =	sld [smem:$0x3FFD];
	_ =	sdelay $0x3  }
0x96: {  	_ =	strace s3  }
0x97: {  	_ =	strace $0x8FFFFFFF  }
0x98: {  	s19 =	sld [smem:$0x3FDB];
	_ =	sdelay $0x1  }
0x99: {  	s4 =	simm.s32 $_scs_section_size  }
0x9a: {  	s5 =	simm.s32 $_size__tile_overlayer_lowered;
	s6 =	simm.s32 $_tile_overlayer_lowered  }
0x9b: {  	s22 =	simm.s32 $0x1BFF;
	s21 =	sshll.u32 s6, $0x1;
	s3 =	sadd.s32 s4, s19  }
0x9c: {  	s7 =	simm.s32 $0x0;
	s20 =	sshll.u32 s5, $0x1;
	s5 =	sadd.s32 s21, s3  }
0x9d: {  	[timem:s7], [sflag:s22] =	dma.local [hbm:s5], s20  }
0x9e: {  	_ =	swait.ge [sflag:s22], s20  }
0x9f: {  	s4 =	ssub.s32 $0x0, s20;
	[sflag:s22] =	ssyncset.done $0x0  }
0xa0: {  	[sflag:s22] =	ssyncadd.s32 s4;
	_ =	sdelay $0x1  }
0xa1: {  	s23 =	simm.s32 $0x1B8B  }
0xa2: {  	_ =	swait.ge [sflag:s23], $0x1  }
0xa3: {  	[sflag:s23] =	ssyncset.done $0x0  }
0xa4: {  	s25 =	simm.s32 $0x1B8E;
	s24 =	sld [smem:$0x3FFE];
	[sflag:s23] =	ssyncadd.s32 $0xFFFFFFFF  }
0xa5: {  	s26 =	simm.s32 $execute0_lowered;
	[smem:$0x3FD2] =	sst s25  }
0xa6: {  	s5 =	sshll.u32 s26, $0x1;
	_ =	strace $0x80000046;
	[dreg:$0x1] =	wrdreg $0xFFFFFFFF  }
0xa7: {  	s28 =	simm.s32 $_size_execute0_lowered;
	s3 =	sadd.s32 s3, s5;
	[dreg:$0x0] =	wrdreg $0x0  }
0xa8: {  	s5 =	sshll.u32 s28, $0x1;
	[dreg:$0x2] =	wrdreg s3  }
0xa9: {  	[dreg:$0x3] =	wrdreg s5  }
0xaa: {  	[dreg:$0x4] =	wrdreg $0xC0  }
0xab: {  	_ =	task [dreg:s7], $0x5FFFF  }
0xac: {  	[dreg:$0x1] =	wrdreg $0xFFFFFFFF  }
0xad: {  	[dreg:$0x0] =	wrdreg $0x60  }
0xae: {  	[dreg:$0x2] =	wrdreg s2  }
0xaf: {  	[dreg:$0x3] =	wrdreg s24  }
0xb0: {  	[dreg:$0x4] =	wrdreg $0x83000  }
0xb1: {  	[dreg:$0x5] =	wrdreg $0x9  }
0xb2: {  	_ =	task.clear_ibuf [dreg:s7], $0x6FFFF;
	_ =	strace $0x90000046  }
0xb3: {  	s29 =	simm.s32 $0x9;
	_ =	strace $0x80000048  }
0xb4: {  	_ =	swait.ge [sflag:s29], $0x1  }
0xb5: {  	[sflag:s29] =	ssyncadd.s32 $0xFFFFFFFF  }
0xb6: {  	_ =	strace $0x90000048  }
0xb7: {  	_ =	sfence  }
0xb8: {  	s30 =	sld [smem:$0x0];
	_ =	sdelay $0x2  }
0xb9: {  	s31 =	sshll.u32 s1, $0xD;
	s1 =	sshrl.u32 s1, $0x2  }
0xba: {  	s3 =	sand.u32 $0x4000, s31;
	s1 =	sadd.s32 s1, s30  }
0xbb: {  	s0 =	sor.u32 s3, s0;
	s1 =	sshll.u32 s1, $0x11  }
0xbc: {  	s0 =	sor.u32 s1, s0  }
0xbd: {  	s0 =	sadd.s32 $0x8F2B, s0  }
0xbe: {  	[sflag:s0] =	ssyncadd.remote.s32 $0x1  }
0xbf: {  	_ =	sfence.sel $0xFFFF  }
0xc0: {  	[dreg:$0x0] =	wrdreg $0xFFFFFFFF;
	(pc) =	sbr.abs _section_cstart, $3  }
0xc1: {  	[dreg:$0x1] =	wrdreg $0xFFFFFFFF  }
0xc2: {  	_ =	task.clear_ibuf [dreg:s7], $0x2FFFF;
	_ =	strace $0x9FFFFFFF  }
0xc3: {  	(tm) =	ssettm $0x7FFFFFFF  }
tec
execute0_lowered:
.L_overlay_start_1:
0x0: {  	(tag) =	ssettag $0x1  }
0x1: {  	s1 =	rddreg [dreg:$0x0]  }
0x2: {  	s0 =	rddreg [dreg:$0x1]  }
0x3: {  	s3 =	rddreg [dreg:$0x2];
	s4 =	simm.s32 $0x0;
	s2 =	stileid.u32  }
0x4: {  	s8 =	srdreg.scid;
	s17 =	simm.s32 $0x80;
	s18 =	simm.s32 $0x180  }
0x5: {  	s22 =	simm.s32 $0x1;
	s23 =	simm.s32 $0x2;
	s24 =	simm.s32 $0x4200  }
0x6: {  	[smem:$0x7FF] =	sst s4;
	s7 =	smul.u32 $0x2700, s2;
	s5 =	sadd.s32 $0xAC00, s0  }
0x7: {  	s6 =	sadd.s32 $0xE00, s0;
	s8 =	sand.u32 $0x1, s8;
	s13 =	smul.u32 $0x4E000, s2  }
0x8: {  	s12 =	sadd.s32 $0x45800, s0;
	s16 =	smul.u32 $0x13800, s2;
	s19 =	sadd.s32 $0x124800, s3  }
0x9: {  	p0 =	seq.s32 s2, $0xF;
	_ =	strace $0x80000047;
	s9 =	ssub.s32 $0x2, s8  }
0xa: {  	s25 =	sshll.u32 s8, $0x4;
	s28 =	smul.u32 $0x138800, s8;
	s19 =	sshrl.u32 @p0 s19, $0x3  }
0xb: {  	s10 =	sadd.s32 s7, s0;
	s11 =	sshrl.u32 s9, $0x1;
	s7 =	sor.u32 s2, s25  }
0xc: {  	s13 =	sshrl.u32 s13, $0x2;
	s25 =	simm.s32 $0x4300;
	s14 =	ssub.s32 s9, s11  }
0xd: {  	s26 =	sshll.u32 s7, $0x5;
	s15 =	sshll.u32 s7, $0x4;
	s21 =	sadd.s32 s13, s3  }
0xe: {  	s10 =	sadd.s32 $0x1E600, s10;
	s30 =	sadd.s32 s16, s28;
	s11 =	sshrl.u32 s28, $0x3  }
.Ltmp0:
0xf: {  	s29 =	sadd.s32 s5, s26;
	s9 =	sadd.s32 s6, s15;
	(pc) =	sbr.rel .LBB2_1-.Ltmp0, $4  }
0x10: {  	s13 =	sshrl.u32 s30, $0x3;
	s31 =	sadd.s32 s12, s11;
	s11 =	sadd.s32 $0x42F00, s0  }
0x11: {  	s14 =	smax.u32 s14, $0x1;
	s15 =	simm.s32 $0x3;
	s0 =	sshll.u32 @!p0 s2, $0x6  }
0x12: {  	s21 =	sshrl.u32 @!p0 s21, $0x3;
	s26 =	simm.s32 $0x0;
	[dreg:$0x4] =	wrdreg s29  }
0x13: {  	s12 =	sadd.s32 s12, s13;
	s13 =	sadd.s32 $0x24900, s31;
	s20 =	sor.u32 @!p0 $0x1C03, s0  }
.LBB2_10:
0x14: {  	_ =	swait.ge [sflag:s23], $0x4000  }
0x15: {  	[sflag:s23] =	ssyncset.done $0x0  }
0x16: {  	[sflag:s23] =	ssyncadd.s32 $0xFFFFC000  }
0x17: {  	s0 =	simm.s32 @p0 $0x1FC3;
	[bflag:$0x0] =	sbarrier.arrive $0xFFFF  }
0x18: {  	[hbm:s13], [sflag:s0] =	dma.local @p0 [spmem:s19], $0x2800  }
0x19: {  	s0 =	simm.s32 @p0 $0x3  }
0x1a: {  	s26 =	sadd.s32 $0x1, s26;
	_ =	swait.ge @p0 [sflag:s0], $0x2800  }
0x1b: {  	p1 =	sne.s32 s26, s14;
	[sflag:s0] =	ssyncset.done @p0 $0x0  }
.Ltmp1:
0x1c: {  	[sflag:s0] =	ssyncadd.s32 @p0 $0xFFFFD800;
	s0 =	simm.s32 @!p0 $0x3;
	(pc) =	sbr.rel @!p1 .LBB2_11-.Ltmp1, $4  }
0x1d: {  	[hbm:s12], [sflag:s20] =	dma.local @!p0 [spmem:s21], $0x2700  }
0x1e: {  	_ =	swait.ge @!p0 [sflag:s0], $0x2700  }
0x1f: {  	[sflag:s0] =	ssyncset.done @!p0 $0x0  }
0x20: {  	[sflag:s0] =	ssyncadd.s32 @!p0 $0xFFFFD900  }
.LBB2_1:
0x21: {  	s0 =	rddreg [dreg:$0x4]  }
0x22: {  	[tilespmem:s4], [sflag:$0x3] =	stream.linear.gather [hbm4b:s0+s4], $0x100, $0x38;
	[tilespmem:$0x1BB80] =	vst v63  }
0x23: {  	_ =	swait.ge [sflag:s15], $0x100  }
0x24: {  	[sflag:s15] =	ssyncset.done $0x0  }
0x25: {  	s31 =	simm.s32 $0x100;
	[sflag:s15] =	ssyncadd.s32 $0xFFFFFF00  }
0x26: {  	[tilespmem:s31], [sflag:$0x3] =	stream.linear.gather [hbm4b:s9+s4], $0x80, $0x38;
	[tilespmem:$0x1BB80] =	vst v63  }
0x27: {  	_ =	swait.ge [sflag:s15], $0x80  }
0x28: {  	[sflag:s15] =	ssyncset.done $0x0  }
0x29: {  	s0 =	simm.s32 @p0 $0x1FC3;
	[sflag:s15] =	ssyncadd.s32 $0xFFFFFF80  }
0x2a: {  	[tilespmem:s18], [sflag:$0x1] =	stream.indirect.gather [hbm4b:s1+s17], $0x80, s4, s17, $0xb8;
	[tilespmem:$0x1BB80] =	vst v63  }
0x2b: {  	[spmem:s19], [sflag:s0] =	dma.local @p0 [hbm:s11], $0x2800  }
0x2c: {  	s0 =	simm.s32 @p0 $0x3  }
0x2d: {  	_ =	swait.ge @p0 [sflag:s0], $0x2800  }
0x2e: {  	[sflag:s0] =	ssyncset.done @p0 $0x0  }
0x2f: {  	[sflag:s0] =	ssyncadd.s32 @p0 $0xFFFFD800;
	s0 =	simm.s32 @!p0 $0x3  }
0x30: {  	[spmem:s21], [sflag:s20] =	dma.local @!p0 [hbm:s10], $0x2700  }
.Ltmp2:
0x31: {  	_ =	swait.ge @!p0 [sflag:s0], $0x2700;
	(pc) =	sbr.rel .LBB2_2-.Ltmp2, $4  }
0x32: {  	[sflag:s0] =	ssyncset.done @!p0 $0x0  }
0x33: {  	[sflag:s0] =	ssyncadd.s32 @!p0 $0xFFFFD900  }
0x34: {  	[bflag:$0x0] =	sbarrier.arrive $0xFFFF  }
0x35: {  	s28 =	simm.s32 $0x0  }
.LBB2_9:
0x36: {  	s28 =	sadd.s32 $0x1, s28  }
0x37: {  	p1 =	sne.s32 s28, $0x28  }
.Ltmp3:
0x38: {  	_ = 	snop;
	(pc) =	sbr.rel @!p1 .LBB2_10-.Ltmp3, $1  }
0x39: {  	_ =	sdelay $0x3  }
.LBB2_2:
0x3a: {  	s0 =	sshll.u32 s28, $0x6  }
0x3b: {  	s29 =	sor.u32 s7, s0  }
0x3c: {  	p1 =	sgt.u32 s29, $0x9C3  }
.Ltmp4:
0x3d: {  	_ = 	snop;
	(pc) =	sbr.rel @p1 .LBB2_9-.Ltmp4, $1  }
0x3e: {  	_ =	sdelay $0x3  }
0x3f: {  	_ =	swait.ge [sflag:s22], $0x4000  }
0x40: {  	p2 =	seq.s32 s28, $0x0;
	[sflag:s22] =	ssyncset.done $0x0  }
0x41: {  	s0 =	simm.s32 @!p2 $0x2;
	[sflag:s22] =	ssyncadd.s32 $0xFFFFC000  }
0x42: {  	s30 =	sor.u32 $0x20, s29;
	_ =	swait.ge @!p2 [sflag:s0], $0x4000  }
0x43: {  	p1 =	sgt.u32 s30, $0x9C3;
	[sflag:s0] =	ssyncset.done @!p2 $0x0  }
0x44: {  	[sflag:s0] =	ssyncadd.s32 @!p2 $0xFFFFC000;
	s0 =	sshll.u32 @!p1 s30, $0x5  }
0x45: {  	s31 =	simm.s32 @!p1 $0x0;
	s2 =	simm.s32 @!p1 $0x4180;
	s0 =	sadd.s32 @!p1 s5, s0  }
0x46: {  	[tilespmem:s2], [sflag:$0x3] =	stream.linear.gather @!p1 [hbm4b:s0+s31], $0x100, $0x38;
	[tilespmem:$0x1BB80] =	vst v63  }
0x47: {  	s0 =	simm.s32 @!p1 $0x3  }
0x48: {  	_ =	swait.ge @!p1 [sflag:s0], $0x100  }
0x49: {  	s16 =	sshll.u32 @!p1 s30, $0x4;
	[sflag:s0] =	ssyncset.done @!p1 $0x0  }
0x4a: {  	s8 =	simm.s32 @!p1 $0x4280;
	s16 =	sadd.s32 @!p1 s6, s16;
	[sflag:s0] =	ssyncadd.s32 @!p1 $0xFFFFFF00  }
0x4b: {  	[tilespmem:s8], [sflag:$0x3] =	stream.linear.gather @!p1 [hbm4b:s16+s31], $0x80, $0x38;
	[tilespmem:$0x1BB80] =	vst v63  }
0x4c: {  	_ =	swait.ge @!p1 [sflag:s0], $0x80  }
0x4d: {  	s8 =	simm.s32 @!p1 $0x4300;
	[sflag:s0] =	ssyncset.done @!p1 $0x0  }
0x4e: {  	s31 =	simm.s32 $0x0;
	[sflag:s0] =	ssyncadd.s32 @!p1 $0xFFFFFF80;
	s0 =	simm.s32 @!p1 $0x80  }
0x4f: {  	[tilespmem:s8], [sflag:$0x1] =	stream.indirect.gather @!p1 [hbm4b:s1+s0], $0x80, s2, s0, $0xb8;
	[tilespmem:$0x1BB80] =	vst v63  }
.LBB2_4:
0x50: {  	s0 =	sshll.u32 s31, $0x4  }
0x51: {  	s0 =	sand.u32 $0x3FFFFFF0, s0  }
0x52: {  	s16 =	sshll.u32 s31, $0xB;
	v0 =	vld [tilespmem:s0+$0x100]  }
0x53: {  	s0 =	sand.u32 $0x3FFFF800, s16  }
0x54: {  	v1 =	vld [tilespmem:s0+$0x180]  }
0x55: {  	v2 =	vld [tilespmem:s0+$0x190]  }
0x56: {  	v3 =	vld [tilespmem:s0+$0x1A0]  }
0x57: {  	v5 =	vld [tilespmem:s0+$0x1B0];
	v4 =	vbroadcast v0, $0x0  }
0x58: {  	v6 =	vld [tilespmem:s0+$0x1C0]  }
0x59: {  	v7 =	vld [tilespmem:s0+$0x1D0];
	v1 =	vmul.f32 v4, v1  }
0x5a: {  	v8 =	vld [tilespmem:s0+$0x1E0];
	v2 =	vmul.f32 v2, v4  }
0x5b: {  	v14 =	vld [tilespmem:s0+$0x1F0];
	v13 =	vmul.f32 v3, v4;
	[tilespmem:s0+$0x180] =	vst v1  }
0x5c: {  	v16 =	vld [tilespmem:s0+$0x200];
	v15 =	vmul.f32 v5, v4;
	[tilespmem:s0+$0x190] =	vst v2  }
0x5d: {  	v18 =	vld [tilespmem:s0+$0x210];
	v17 =	vmul.f32 v6, v4;
	[tilespmem:s0+$0x1A0] =	vst v13  }
0x5e: {  	v20 =	vld [tilespmem:s0+$0x220];
	v19 =	vmul.f32 v7, v4;
	[tilespmem:s0+$0x1B0] =	vst v15  }
0x5f: {  	v9 =	vld [tilespmem:s0+$0x230];
	v22 =	vbroadcast v0, $0x1;
	v21 =	vmul.f32 v8, v4;
	[tilespmem:s0+$0x1C0] =	vst v17  }
0x60: {  	v24 =	vld [tilespmem:s0+$0x240];
	v23 =	vmul.f32 v14, v4;
	[tilespmem:s0+$0x1D0] =	vst v19  }
0x61: {  	v26 =	vld [tilespmem:s0+$0x250];
	v25 =	vmul.f32 v16, v22;
	[tilespmem:s0+$0x1E0] =	vst v21  }
0x62: {  	v28 =	vld [tilespmem:s0+$0x260];
	v27 =	vmul.f32 v18, v22;
	[tilespmem:s0+$0x1F0] =	vst v23  }
0x63: {  	v30 =	vld [tilespmem:s0+$0x270];
	v29 =	vmul.f32 v20, v22;
	[tilespmem:s0+$0x200] =	vst v25  }
0x64: {  	v32 =	vld [tilespmem:s0+$0x280];
	v31 =	vmul.f32 v9, v22;
	[tilespmem:s0+$0x210] =	vst v27  }
0x65: {  	v34 =	vld [tilespmem:s0+$0x290];
	v33 =	vmul.f32 v24, v22;
	[tilespmem:s0+$0x220] =	vst v29  }
0x66: {  	v36 =	vld [tilespmem:s0+$0x2A0];
	v35 =	vmul.f32 v26, v22;
	[tilespmem:s0+$0x230] =	vst v31  }
0x67: {  	v39 =	vld [tilespmem:s0+$0x2B0];
	v38 =	vbroadcast v0, $0x2;
	v37 =	vmul.f32 v28, v22;
	[tilespmem:s0+$0x240] =	vst v33  }
0x68: {  	v41 =	vld [tilespmem:s0+$0x2C0];
	v40 =	vmul.f32 v30, v22;
	[tilespmem:s0+$0x250] =	vst v35  }
0x69: {  	v43 =	vld [tilespmem:s0+$0x2D0];
	v42 =	vmul.f32 v32, v38;
	[tilespmem:s0+$0x260] =	vst v37  }
0x6a: {  	v45 =	vld [tilespmem:s0+$0x2E0];
	v44 =	vmul.f32 v34, v38;
	[tilespmem:s0+$0x270] =	vst v40  }
0x6b: {  	v47 =	vld [tilespmem:s0+$0x2F0];
	v46 =	vmul.f32 v36, v38;
	[tilespmem:s0+$0x280] =	vst v42  }
0x6c: {  	v49 =	vld [tilespmem:s0+$0x300];
	v48 =	vmul.f32 v39, v38;
	[tilespmem:s0+$0x290] =	vst v44  }
0x6d: {  	v51 =	vld [tilespmem:s0+$0x310];
	v50 =	vmul.f32 v41, v38;
	[tilespmem:s0+$0x2A0] =	vst v46  }
0x6e: {  	v53 =	vld [tilespmem:s0+$0x320];
	v52 =	vmul.f32 v43, v38;
	[tilespmem:s0+$0x2B0] =	vst v48  }
0x6f: {  	v12 =	vld [tilespmem:s0+$0x370];
	v55 =	vbroadcast v0, $0x3;
	v54 =	vmul.f32 v45, v38;
	[tilespmem:s0+$0x2C0] =	vst v50  }
0x70: {  	v56 =	vld [tilespmem:s0+$0x330];
	v57 =	vmul.f32 v47, v38;
	[tilespmem:s0+$0x2D0] =	vst v52  }
0x71: {  	v58 =	vld [tilespmem:s0+$0x340];
	v59 =	vmul.f32 v49, v55;
	[tilespmem:s0+$0x2E0] =	vst v54  }
0x72: {  	v60 =	vld [tilespmem:s0+$0x350];
	v61 =	vmul.f32 v51, v55;
	[tilespmem:s0+$0x2F0] =	vst v57  }
0x73: {  	v62 =	vld [tilespmem:s0+$0x360];
	v63 =	vmul.f32 v53, v55;
	[tilespmem:s0+$0x300] =	vst v59  }
0x74: {  	v14 =	vld [tilespmem:s0+$0x380];
	v22 =	vmul.f32 v12, v55;
	[tilespmem:s0+$0x310] =	vst v61  }
0x75: {  	v16 =	vld [tilespmem:s0+$0x390];
	v13 =	vmul.f32 v56, v55;
	[tilespmem:s0+$0x320] =	vst v63  }
0x76: {  	v18 =	vld [tilespmem:s0+$0x3A0];
	v15 =	vmul.f32 v58, v55;
	[tilespmem:s0+$0x370] =	vst v22  }
0x77: {  	v20 =	vbroadcast v0, $0x4;
	v38 =	vld [tilespmem:s0+$0x430];
	v17 =	vmul.f32 v60, v55;
	[tilespmem:s0+$0x330] =	vst v13  }
0x78: {  	v19 =	vmul.f32 v62, v55;
	v21 =	vld [tilespmem:s0+$0x3B0];
	[tilespmem:s0+$0x340] =	vst v15  }
0x79: {  	v23 =	vld [tilespmem:s0+$0x3C0];
	[tilespmem:s0+$0x350] =	vst v17;
	v24 =	vmul.f32 v14, v20  }
0x7a: {  	v25 =	vld [tilespmem:s0+$0x3D0];
	v37 =	vbroadcast v0, $0x5;
	[tilespmem:s0+$0x360] =	vst v19;
	v26 =	vmul.f32 v16, v20  }
0x7b: {  	v27 =	vld [tilespmem:s0+$0x3E0];
	v28 =	vmul.f32 v18, v20;
	[tilespmem:s0+$0x380] =	vst v24  }
0x7c: {  	v29 =	vld [tilespmem:s0+$0x3F0];
	v47 =	vmul.f32 v38, v37;
	[tilespmem:s0+$0x390] =	vst v26  }
0x7d: {  	v31 =	vld [tilespmem:s0+$0x400];
	v30 =	vmul.f32 v21, v20;
	[tilespmem:s0+$0x3A0] =	vst v28  }
0x7e: {  	v33 =	vld [tilespmem:s0+$0x410];
	v32 =	vmul.f32 v23, v20;
	[tilespmem:s0+$0x430] =	vst v47  }
0x7f: {  	v35 =	vld [tilespmem:s0+$0x420];
	v34 =	vmul.f32 v25, v20;
	[tilespmem:s0+$0x3B0] =	vst v30  }
0x80: {  	v40 =	vld [tilespmem:s0+$0x440];
	v36 =	vmul.f32 v27, v20;
	[tilespmem:s0+$0x3C0] =	vst v32  }
0x81: {  	v42 =	vld [tilespmem:s0+$0x450];
	v39 =	vmul.f32 v29, v20;
	[tilespmem:s0+$0x3D0] =	vst v34  }
0x82: {  	v44 =	vld [tilespmem:s0+$0x460];
	v41 =	vmul.f32 v31, v37;
	[tilespmem:s0+$0x3E0] =	vst v36  }
0x83: {  	v46 =	vld [tilespmem:s0+$0x470];
	v43 =	vmul.f32 v33, v37;
	[tilespmem:s0+$0x3F0] =	vst v39  }
0x84: {  	v48 =	vld [tilespmem:s0+$0x480];
	v45 =	vmul.f32 v35, v37;
	[tilespmem:s0+$0x400] =	vst v41  }
0x85: {  	v50 =	vld [tilespmem:s0+$0x490];
	v49 =	vmul.f32 v40, v37;
	[tilespmem:s0+$0x410] =	vst v43  }
0x86: {  	v52 =	vld [tilespmem:s0+$0x4A0];
	v51 =	vmul.f32 v42, v37;
	[tilespmem:s0+$0x420] =	vst v45  }
0x87: {  	v54 =	vbroadcast v0, $0x6;
	v55 =	vld [tilespmem:s0+$0x4B0];
	v53 =	vmul.f32 v44, v37;
	[tilespmem:s0+$0x440] =	vst v49  }
0x88: {  	v57 =	vld [tilespmem:s0+$0x4C0];
	v56 =	vmul.f32 v46, v37;
	[tilespmem:s0+$0x450] =	vst v51  }
0x89: {  	v59 =	vld [tilespmem:s0+$0x4D0];
	v58 =	vmul.f32 v48, v54;
	[tilespmem:s0+$0x460] =	vst v53  }
0x8a: {  	v61 =	vld [tilespmem:s0+$0x4E0];
	v60 =	vmul.f32 v50, v54;
	[tilespmem:s0+$0x470] =	vst v56  }
0x8b: {  	v63 =	vld [tilespmem:s0+$0x4F0];
	v62 =	vmul.f32 v52, v54;
	[tilespmem:s0+$0x480] =	vst v58  }
0x8c: {  	v22 =	vld [tilespmem:s0+$0x540];
	v12 =	vmul.f32 v55, v54;
	[tilespmem:s0+$0x490] =	vst v60  }
0x8d: {  	v13 =	vld [tilespmem:s0+$0x500];
	v14 =	vmul.f32 v57, v54;
	[tilespmem:s0+$0x4A0] =	vst v62  }
0x8e: {  	v15 =	vld [tilespmem:s0+$0x510];
	v16 =	vmul.f32 v59, v54;
	[tilespmem:s0+$0x4B0] =	vst v12  }
0x8f: {  	v17 =	vld [tilespmem:s0+$0x520];
	v19 =	vbroadcast v0, $0x7;
	v18 =	vmul.f32 v61, v54;
	[tilespmem:s0+$0x4C0] =	vst v14  }
0x90: {  	v20 =	vld [tilespmem:s0+$0x530];
	v21 =	vmul.f32 v63, v54;
	[tilespmem:s0+$0x4D0] =	vst v16  }
0x91: {  	v24 =	vld [tilespmem:s0+$0x550];
	v31 =	vmul.f32 v22, v19;
	[tilespmem:s0+$0x4E0] =	vst v18  }
0x92: {  	v26 =	vld [tilespmem:s0+$0x560];
	v23 =	vmul.f32 v13, v19;
	[tilespmem:s0+$0x4F0] =	vst v21  }
0x93: {  	v28 =	vld [tilespmem:s0+$0x570];
	v25 =	vmul.f32 v15, v19;
	[tilespmem:s0+$0x540] =	vst v31  }
0x94: {  	v37 =	vld [tilespmem:s0+$0x5B0];
	v27 =	vmul.f32 v17, v19;
	[tilespmem:s0+$0x500] =	vst v23  }
0x95: {  	v47 =	vld [tilespmem:s0+$0x600];
	[tilespmem:s0+$0x510] =	vst v25;
	v29 =	vmul.f32 v20, v19  }
0x96: {  	v54 =	vld [tilespmem:s0+$0x630];
	[tilespmem:s0+$0x520] =	vst v27;
	v33 =	vmul.f32 v24, v19  }
0x97: {  	v30 =	vld [tilespmem:s0+$0x580];
	v36 =	vbroadcast v0, $0x8;
	v35 =	vmul.f32 v26, v19;
	[tilespmem:s0+$0x530] =	vst v29  }
0x98: {  	v32 =	vld [tilespmem:s0+$0x590];
	v53 =	vbroadcast v0, $0x9;
	v38 =	vmul.f32 v28, v19;
	[tilespmem:s0+$0x550] =	vst v33  }
0x99: {  	v34 =	vld [tilespmem:s0+$0x5A0];
	v46 =	vmul.f32 v37, v36;
	[tilespmem:s0+$0x560] =	vst v35  }
0x9a: {  	v39 =	vld [tilespmem:s0+$0x5C0];
	v57 =	vmul.f32 v47, v53;
	[tilespmem:s0+$0x570] =	vst v38  }
0x9b: {  	v41 =	vld [tilespmem:s0+$0x5D0];
	v63 =	vmul.f32 v54, v53;
	[tilespmem:s0+$0x5B0] =	vst v46  }
0x9c: {  	v43 =	vld [tilespmem:s0+$0x5E0];
	v40 =	vmul.f32 v30, v36;
	[tilespmem:s0+$0x600] =	vst v57  }
0x9d: {  	v45 =	vld [tilespmem:s0+$0x5F0];
	v42 =	vmul.f32 v32, v36;
	[tilespmem:s0+$0x630] =	vst v63  }
0x9e: {  	v49 =	vld [tilespmem:s0+$0x610];
	v44 =	vmul.f32 v34, v36;
	[tilespmem:s0+$0x580] =	vst v40  }
0x9f: {  	v51 =	vld [tilespmem:s0+$0x620];
	v48 =	vmul.f32 v39, v36;
	[tilespmem:s0+$0x590] =	vst v42  }
0xa0: {  	v56 =	vld [tilespmem:s0+$0x640];
	v50 =	vmul.f32 v41, v36;
	[tilespmem:s0+$0x5A0] =	vst v44  }
0xa1: {  	v58 =	vld [tilespmem:s0+$0x650];
	v52 =	vmul.f32 v43, v36;
	[tilespmem:s0+$0x5C0] =	vst v48  }
0xa2: {  	v60 =	vld [tilespmem:s0+$0x660];
	v55 =	vmul.f32 v45, v36;
	[tilespmem:s0+$0x5D0] =	vst v50  }
0xa3: {  	v62 =	vld [tilespmem:s0+$0x670];
	v59 =	vmul.f32 v49, v53;
	[tilespmem:s0+$0x5E0] =	vst v52  }
0xa4: {  	v12 =	vld [tilespmem:s0+$0x680];
	v61 =	vmul.f32 v51, v53;
	[tilespmem:s0+$0x5F0] =	vst v55  }
0xa5: {  	v14 =	vld [tilespmem:s0+$0x690];
	v13 =	vmul.f32 v56, v53;
	[tilespmem:s0+$0x610] =	vst v59  }
0xa6: {  	v16 =	vld [tilespmem:s0+$0x6A0];
	v15 =	vmul.f32 v58, v53;
	[tilespmem:s0+$0x620] =	vst v61  }
0xa7: {  	v18 =	vbroadcast v0, $0xA;
	v21 =	vld [tilespmem:s0+$0x6C0];
	v17 =	vmul.f32 v60, v53;
	[tilespmem:s0+$0x640] =	vst v13  }
0xa8: {  	v23 =	vld [tilespmem:s0+$0x6D0];
	v20 =	vmul.f32 v62, v53;
	[tilespmem:s0+$0x650] =	vst v15  }
0xa9: {  	v25 =	vld [tilespmem:s0+$0x6E0];
	v22 =	vmul.f32 v12, v18;
	[tilespmem:s0+$0x660] =	vst v17  }
0xaa: {  	v27 =	vld [tilespmem:s0+$0x6F0];
	v24 =	vmul.f32 v14, v18;
	[tilespmem:s0+$0x670] =	vst v20  }
0xab: {  	v31 =	vld [tilespmem:s0+$0x710];
	v26 =	vmul.f32 v16, v18;
	[tilespmem:s0+$0x680] =	vst v22  }
0xac: {  	v19 =	vld [tilespmem:s0+$0x6B0];
	v30 =	vmul.f32 v21, v18;
	[tilespmem:s0+$0x690] =	vst v24  }
0xad: {  	v29 =	vld [tilespmem:s0+$0x700];
	[tilespmem:s0+$0x6A0] =	vst v26;
	v32 =	vmul.f32 v23, v18  }
0xae: {  	v33 =	vld [tilespmem:s0+$0x720];
	v35 =	vbroadcast v0, $0xB;
	[tilespmem:s0+$0x6C0] =	vst v30;
	v34 =	vmul.f32 v25, v18  }
0xaf: {  	v36 =	vld [tilespmem:s0+$0x730];
	v37 =	vmul.f32 v27, v18;
	[tilespmem:s0+$0x6D0] =	vst v32  }
0xb0: {  	v38 =	vld [tilespmem:s0+$0x740];
	v41 =	vmul.f32 v31, v35;
	[tilespmem:s0+$0x6E0] =	vst v34  }
0xb1: {  	v46 =	vld [tilespmem:s0+$0x780];
	v28 =	vmul.f32 v19, v18;
	[tilespmem:s0+$0x6F0] =	vst v37  }
0xb2: {  	v53 =	vld [tilespmem:s0+$0x7B0];
	[tilespmem:s0+$0x710] =	vst v41;
	v39 =	vmul.f32 v29, v35  }
0xb3: {  	v57 =	vld [tilespmem:s0+$0x7D0];
	[tilespmem:s0+$0x6B0] =	vst v28;
	v43 =	vmul.f32 v33, v35  }
0xb4: {  	v63 =	vld [tilespmem:s0+$0x800];
	v52 =	vbroadcast v0, $0xC;
	v45 =	vmul.f32 v36, v35;
	[tilespmem:s0+$0x700] =	vst v39  }
0xb5: {  	v40 =	vld [tilespmem:s0+$0x750];
	v47 =	vmul.f32 v38, v35;
	[tilespmem:s0+$0x720] =	vst v43  }
0xb6: {  	v42 =	vld [tilespmem:s0+$0x760];
	v56 =	vmul.f32 v46, v52;
	[tilespmem:s0+$0x730] =	vst v45  }
0xb7: {  	v44 =	vld [tilespmem:s0+$0x770];
	v17 =	vbroadcast v0, $0xD;
	v62 =	vmul.f32 v53, v52;
	[tilespmem:s0+$0x740] =	vst v47  }
0xb8: {  	v48 =	vld [tilespmem:s0+$0x790];
	v14 =	vmul.f32 v57, v52;
	[tilespmem:s0+$0x780] =	vst v56  }
0xb9: {  	v50 =	vld [tilespmem:s0+$0x7A0];
	v21 =	vmul.f32 v63, v17;
	[tilespmem:s0+$0x7B0] =	vst v62  }
0xba: {  	v55 =	vld [tilespmem:s0+$0x7C0];
	v49 =	vmul.f32 v40, v35;
	[tilespmem:s0+$0x7D0] =	vst v14  }
0xbb: {  	v59 =	vld [tilespmem:s0+$0x7E0];
	v51 =	vmul.f32 v42, v35;
	[tilespmem:s0+$0x800] =	vst v21  }
0xbc: {  	v61 =	vld [tilespmem:s0+$0x7F0];
	v54 =	vmul.f32 v44, v35;
	[tilespmem:s0+$0x750] =	vst v49  }
0xbd: {  	v13 =	vld [tilespmem:s0+$0x810];
	v58 =	vmul.f32 v48, v52;
	[tilespmem:s0+$0x760] =	vst v51  }
0xbe: {  	v15 =	vld [tilespmem:s0+$0x820];
	v60 =	vmul.f32 v50, v52;
	[tilespmem:s0+$0x770] =	vst v54  }
0xbf: {  	v20 =	vld [tilespmem:s0+$0x840];
	v12 =	vmul.f32 v55, v52;
	[tilespmem:s0+$0x790] =	vst v58  }
0xc0: {  	v22 =	vld [tilespmem:s0+$0x850];
	v16 =	vmul.f32 v59, v52;
	[tilespmem:s0+$0x7A0] =	vst v60  }
0xc1: {  	v24 =	vld [tilespmem:s0+$0x860];
	v19 =	vmul.f32 v61, v52;
	[tilespmem:s0+$0x7C0] =	vst v12  }
0xc2: {  	v26 =	vld [tilespmem:s0+$0x870];
	v23 =	vmul.f32 v13, v17;
	[tilespmem:s0+$0x7E0] =	vst v16  }
0xc3: {  	v30 =	vld [tilespmem:s0+$0x890];
	v25 =	vmul.f32 v15, v17;
	[tilespmem:s0+$0x7F0] =	vst v19  }
0xc4: {  	v18 =	vld [tilespmem:s0+$0x830];
	v29 =	vmul.f32 v20, v17;
	[tilespmem:s0+$0x810] =	vst v23  }
0xc5: {  	v32 =	vld [tilespmem:s0+$0x8A0];
	v31 =	vmul.f32 v22, v17;
	[tilespmem:s0+$0x820] =	vst v25  }
0xc6: {  	v34 =	vbroadcast v0, $0xE;
	v37 =	vld [tilespmem:s0+$0x8C0];
	v33 =	vmul.f32 v24, v17;
	[tilespmem:s0+$0x840] =	vst v29  }
0xc7: {  	v41 =	vld [tilespmem:s0+$0x8E0];
	v36 =	vmul.f32 v26, v17;
	[tilespmem:s0+$0x850] =	vst v31  }
0xc8: {  	v28 =	vld [tilespmem:s0+$0x880];
	v40 =	vmul.f32 v30, v34;
	[tilespmem:s0+$0x860] =	vst v33  }
0xc9: {  	v53 =	vld [tilespmem:s0+$0x940];
	v27 =	vmul.f32 v18, v17;
	[tilespmem:s0+$0x870] =	vst v36  }
0xca: {  	v57 =	vld [tilespmem:s0+$0x960];
	v42 =	vmul.f32 v32, v34;
	[tilespmem:s0+$0x890] =	vst v40  }
0xcb: {  	v35 =	vld [tilespmem:s0+$0x8B0];
	v46 =	vmul.f32 v37, v34;
	[tilespmem:s0+$0x830] =	vst v27  }
0xcc: {  	v0 =	vbroadcast v0, $0xF;
	v39 =	vld [tilespmem:s0+$0x8D0];
	v50 =	vmul.f32 v41, v34;
	[tilespmem:s0+$0x8A0] =	vst v42  }
0xcd: {  	v43 =	vld [tilespmem:s0+$0x8F0];
	v38 =	vmul.f32 v28, v34;
	[tilespmem:s0+$0x8C0] =	vst v46  }
0xce: {  	v45 =	vld [tilespmem:s0+$0x900];
	v61 =	vmul.f32 v53, v0;
	[tilespmem:s0+$0x8E0] =	vst v50  }
0xcf: {  	v47 =	vld [tilespmem:s0+$0x910];
	v63 =	vmul.f32 v57, v0;
	[tilespmem:s0+$0x880] =	vst v38  }
0xd0: {  	v55 =	vld [tilespmem:s0+$0x950];
	v44 =	vmul.f32 v35, v34;
	[tilespmem:s0+$0x940] =	vst v61  }
0xd1: {  	v49 =	vld [tilespmem:s0+$0x920];
	v48 =	vmul.f32 v39, v34;
	[tilespmem:s0+$0x960] =	vst v63  }
0xd2: {  	v51 =	vld [tilespmem:s0+$0x930];
	v52 =	vmul.f32 v43, v34;
	[tilespmem:s0+$0x8B0] =	vst v44  }
0xd3: {  	v59 =	vld [tilespmem:s0+$0x970];
	v54 =	vmul.f32 v45, v0;
	[tilespmem:s0+$0x8D0] =	vst v48  }
0xd4: {  	v56 =	vmul.f32 v47, v0;
	[tilespmem:s0+$0x8F0] =	vst v52  }
0xd5: {  	p2 =	sne.s32 s31, $0x7;
	v62 =	vmul.f32 v55, v0;
	[tilespmem:s0+$0x900] =	vst v54  }
.Ltmp5:
0xd6: {  	v58 =	vmul.f32 v49, v0;
	[tilespmem:s0+$0x910] =	vst v56;
	(pc) =	sbr.rel @p2 .LBB2_4-.Ltmp5, $4  }
0xd7: {  	v60 =	vmul.f32 v51, v0;
	[tilespmem:s0+$0x950] =	vst v62  }
0xd8: {  	v0 =	vmul.f32 v59, v0;
	[tilespmem:s0+$0x920] =	vst v58  }
0xd9: {  	[tilespmem:s0+$0x930] =	vst v60  }
0xda: {  	s31 =	sadd.s32 $0x1, s31;
	[tilespmem:s0+$0x970] =	vst v0  }
.Ltmp6:
0xdb: {  	(pc) =	sbr.rel @p1 .LBB2_9-.Ltmp6, $2  }
0xdc: {  	_ =	sdelay $0x2  }
0xdd: {  	[spmem:s3] =	stream.indirect.scatter.add.f32 [tilespmem:s18], [sflag:$0x2], $0x80, s17, s17, $0xb8;
	[tilespmem:$0x1BB80] =	vst v63  }
0xde: {  	_ =	swait.ge [sflag:s22], $0x4000  }
0xdf: {  	[sflag:s22] =	ssyncset.done $0x0  }
0xe0: {  	p1 =	sgt.u32 s30, $0x9A3;
	[sflag:s22] =	ssyncadd.s32 $0xFFFFC000  }
0xe1: {  	s0 =	sadd.s32 @!p1 $0x40, s29;
	_ =	swait.ge [sflag:s23], $0x4000  }
0xe2: {  	s2 =	sshll.u32 @!p1 s0, $0x5;
	[sflag:s23] =	ssyncset.done $0x0  }
0xe3: {  	s8 =	simm.s32 @!p1 $0x0;
	s2 =	sadd.s32 @!p1 s5, s2;
	[sflag:s23] =	ssyncadd.s32 $0xFFFFC000  }
0xe4: {  	[tilespmem:s8], [sflag:$0x3] =	stream.linear.gather @!p1 [hbm4b:s2+s8], $0x100, $0x38;
	[tilespmem:$0x1BB80] =	vst v63  }
0xe5: {  	s2 =	simm.s32 @!p1 $0x3  }
0xe6: {  	_ =	swait.ge @!p1 [sflag:s2], $0x100  }
0xe7: {  	s0 =	sshll.u32 @!p1 s0, $0x4;
	[sflag:s2] =	ssyncset.done @!p1 $0x0  }
0xe8: {  	s16 =	simm.s32 @!p1 $0x100;
	s0 =	sadd.s32 @!p1 s6, s0;
	[sflag:s2] =	ssyncadd.s32 @!p1 $0xFFFFFF00  }
0xe9: {  	[tilespmem:s16], [sflag:$0x3] =	stream.linear.gather @!p1 [hbm4b:s0+s8], $0x80, $0x38;
	[tilespmem:$0x1BB80] =	vst v63  }
0xea: {  	_ =	swait.ge @!p1 [sflag:s2], $0x80  }
0xeb: {  	s29 =	simm.s32 $0x0;
	[sflag:s2] =	ssyncset.done @!p1 $0x0  }
0xec: {  	s0 =	simm.s32 @!p1 $0x80;
	[sflag:s2] =	ssyncadd.s32 @!p1 $0xFFFFFF80;
	s2 =	simm.s32 @!p1 $0x180  }
0xed: {  	[tilespmem:s2], [sflag:$0x1] =	stream.indirect.gather @!p1 [hbm4b:s1+s0], $0x80, s8, s0, $0xb8;
	[tilespmem:$0x1BB80] =	vst v63  }
.LBB2_7:
0xee: {  	s0 =	sshll.u32 s29, $0x4  }
0xef: {  	s0 =	sand.u32 $0x3FFFFFF0, s0  }
0xf0: {  	s31 =	sshll.u32 s29, $0xB;
	v0 =	vld [tilespmem:s0+$0x4280]  }
0xf1: {  	s0 =	sand.u32 $0x3FFFF800, s31  }
0xf2: {  	v1 =	vld [tilespmem:s0+$0x4300]  }
0xf3: {  	v2 =	vld [tilespmem:s0+$0x4310]  }
0xf4: {  	v3 =	vld [tilespmem:s0+$0x4320]  }
0xf5: {  	v5 =	vld [tilespmem:s0+$0x4330];
	v4 =	vbroadcast v0, $0x0  }
0xf6: {  	v6 =	vld [tilespmem:s0+$0x4340]  }
0xf7: {  	v7 =	vld [tilespmem:s0+$0x4350];
	v1 =	vmul.f32 v4, v1  }
0xf8: {  	v8 =	vld [tilespmem:s0+$0x4360];
	v2 =	vmul.f32 v2, v4  }
0xf9: {  	v14 =	vld [tilespmem:s0+$0x4370];
	v13 =	vmul.f32 v3, v4;
	[tilespmem:s0+$0x4300] =	vst v1  }
0xfa: {  	v16 =	vld [tilespmem:s0+$0x4380];
	v15 =	vmul.f32 v5, v4;
	[tilespmem:s0+$0x4310] =	vst v2  }
0xfb: {  	v18 =	vld [tilespmem:s0+$0x4390];
	v17 =	vmul.f32 v6, v4;
	[tilespmem:s0+$0x4320] =	vst v13  }
0xfc: {  	v20 =	vld [tilespmem:s0+$0x43A0];
	v19 =	vmul.f32 v7, v4;
	[tilespmem:s0+$0x4330] =	vst v15  }
0xfd: {  	v9 =	vld [tilespmem:s0+$0x43B0];
	v22 =	vbroadcast v0, $0x1;
	v21 =	vmul.f32 v8, v4;
	[tilespmem:s0+$0x4340] =	vst v17  }
0xfe: {  	v24 =	vld [tilespmem:s0+$0x43C0];
	v23 =	vmul.f32 v14, v4;
	[tilespmem:s0+$0x4350] =	vst v19  }
0xff: {  	v26 =	vld [tilespmem:s0+$0x43D0];
	v25 =	vmul.f32 v16, v22;
	[tilespmem:s0+$0x4360] =	vst v21  }
0x100: {  	v28 =	vld [tilespmem:s0+$0x43E0];
	v27 =	vmul.f32 v18, v22;
	[tilespmem:s0+$0x4370] =	vst v23  }
0x101: {  	v30 =	vld [tilespmem:s0+$0x43F0];
	v29 =	vmul.f32 v20, v22;
	[tilespmem:s0+$0x4380] =	vst v25  }
0x102: {  	v32 =	vld [tilespmem:s0+$0x4400];
	v31 =	vmul.f32 v9, v22;
	[tilespmem:s0+$0x4390] =	vst v27  }
0x103: {  	v34 =	vld [tilespmem:s0+$0x4410];
	v33 =	vmul.f32 v24, v22;
	[tilespmem:s0+$0x43A0] =	vst v29  }
0x104: {  	v36 =	vld [tilespmem:s0+$0x4420];
	v35 =	vmul.f32 v26, v22;
	[tilespmem:s0+$0x43B0] =	vst v31  }
0x105: {  	v39 =	vld [tilespmem:s0+$0x4430];
	v38 =	vbroadcast v0, $0x2;
	v37 =	vmul.f32 v28, v22;
	[tilespmem:s0+$0x43C0] =	vst v33  }
0x106: {  	v41 =	vld [tilespmem:s0+$0x4440];
	v40 =	vmul.f32 v30, v22;
	[tilespmem:s0+$0x43D0] =	vst v35  }
0x107: {  	v43 =	vld [tilespmem:s0+$0x4450];
	v42 =	vmul.f32 v32, v38;
	[tilespmem:s0+$0x43E0] =	vst v37  }
0x108: {  	v45 =	vld [tilespmem:s0+$0x4460];
	v44 =	vmul.f32 v34, v38;
	[tilespmem:s0+$0x43F0] =	vst v40  }
0x109: {  	v47 =	vld [tilespmem:s0+$0x4470];
	v46 =	vmul.f32 v36, v38;
	[tilespmem:s0+$0x4400] =	vst v42  }
0x10a: {  	v49 =	vld [tilespmem:s0+$0x4480];
	v48 =	vmul.f32 v39, v38;
	[tilespmem:s0+$0x4410] =	vst v44  }
0x10b: {  	v51 =	vld [tilespmem:s0+$0x4490];
	v50 =	vmul.f32 v41, v38;
	[tilespmem:s0+$0x4420] =	vst v46  }
0x10c: {  	v53 =	vld [tilespmem:s0+$0x44A0];
	v52 =	vmul.f32 v43, v38;
	[tilespmem:s0+$0x4430] =	vst v48  }
0x10d: {  	v12 =	vld [tilespmem:s0+$0x44F0];
	v55 =	vbroadcast v0, $0x3;
	v54 =	vmul.f32 v45, v38;
	[tilespmem:s0+$0x4440] =	vst v50  }
0x10e: {  	v56 =	vld [tilespmem:s0+$0x44B0];
	v57 =	vmul.f32 v47, v38;
	[tilespmem:s0+$0x4450] =	vst v52  }
0x10f: {  	v58 =	vld [tilespmem:s0+$0x44C0];
	v59 =	vmul.f32 v49, v55;
	[tilespmem:s0+$0x4460] =	vst v54  }
0x110: {  	v60 =	vld [tilespmem:s0+$0x44D0];
	v61 =	vmul.f32 v51, v55;
	[tilespmem:s0+$0x4470] =	vst v57  }
0x111: {  	v62 =	vld [tilespmem:s0+$0x44E0];
	v63 =	vmul.f32 v53, v55;
	[tilespmem:s0+$0x4480] =	vst v59  }
0x112: {  	v14 =	vld [tilespmem:s0+$0x4500];
	v22 =	vmul.f32 v12, v55;
	[tilespmem:s0+$0x4490] =	vst v61  }
0x113: {  	v16 =	vld [tilespmem:s0+$0x4510];
	v13 =	vmul.f32 v56, v55;
	[tilespmem:s0+$0x44A0] =	vst v63  }
0x114: {  	v18 =	vld [tilespmem:s0+$0x4520];
	v15 =	vmul.f32 v58, v55;
	[tilespmem:s0+$0x44F0] =	vst v22  }
0x115: {  	v20 =	vbroadcast v0, $0x4;
	v38 =	vld [tilespmem:s0+$0x45B0];
	v17 =	vmul.f32 v60, v55;
	[tilespmem:s0+$0x44B0] =	vst v13  }
0x116: {  	v19 =	vmul.f32 v62, v55;
	v21 =	vld [tilespmem:s0+$0x4530];
	[tilespmem:s0+$0x44C0] =	vst v15  }
0x117: {  	v23 =	vld [tilespmem:s0+$0x4540];
	[tilespmem:s0+$0x44D0] =	vst v17;
	v24 =	vmul.f32 v14, v20  }
0x118: {  	v25 =	vld [tilespmem:s0+$0x4550];
	v37 =	vbroadcast v0, $0x5;
	[tilespmem:s0+$0x44E0] =	vst v19;
	v26 =	vmul.f32 v16, v20  }
0x119: {  	v27 =	vld [tilespmem:s0+$0x4560];
	v28 =	vmul.f32 v18, v20;
	[tilespmem:s0+$0x4500] =	vst v24  }
0x11a: {  	v29 =	vld [tilespmem:s0+$0x4570];
	v47 =	vmul.f32 v38, v37;
	[tilespmem:s0+$0x4510] =	vst v26  }
0x11b: {  	v31 =	vld [tilespmem:s0+$0x4580];
	v30 =	vmul.f32 v21, v20;
	[tilespmem:s0+$0x4520] =	vst v28  }
0x11c: {  	v33 =	vld [tilespmem:s0+$0x4590];
	v32 =	vmul.f32 v23, v20;
	[tilespmem:s0+$0x45B0] =	vst v47  }
0x11d: {  	v35 =	vld [tilespmem:s0+$0x45A0];
	v34 =	vmul.f32 v25, v20;
	[tilespmem:s0+$0x4530] =	vst v30  }
0x11e: {  	v40 =	vld [tilespmem:s0+$0x45C0];
	v36 =	vmul.f32 v27, v20;
	[tilespmem:s0+$0x4540] =	vst v32  }
0x11f: {  	v42 =	vld [tilespmem:s0+$0x45D0];
	v39 =	vmul.f32 v29, v20;
	[tilespmem:s0+$0x4550] =	vst v34  }
0x120: {  	v44 =	vld [tilespmem:s0+$0x45E0];
	v41 =	vmul.f32 v31, v37;
	[tilespmem:s0+$0x4560] =	vst v36  }
0x121: {  	v46 =	vld [tilespmem:s0+$0x45F0];
	v43 =	vmul.f32 v33, v37;
	[tilespmem:s0+$0x4570] =	vst v39  }
0x122: {  	v48 =	vld [tilespmem:s0+$0x4600];
	v45 =	vmul.f32 v35, v37;
	[tilespmem:s0+$0x4580] =	vst v41  }
0x123: {  	v50 =	vld [tilespmem:s0+$0x4610];
	v49 =	vmul.f32 v40, v37;
	[tilespmem:s0+$0x4590] =	vst v43  }
0x124: {  	v52 =	vld [tilespmem:s0+$0x4620];
	v51 =	vmul.f32 v42, v37;
	[tilespmem:s0+$0x45A0] =	vst v45  }
0x125: {  	v54 =	vbroadcast v0, $0x6;
	v55 =	vld [tilespmem:s0+$0x4630];
	v53 =	vmul.f32 v44, v37;
	[tilespmem:s0+$0x45C0] =	vst v49  }
0x126: {  	v57 =	vld [tilespmem:s0+$0x4640];
	v56 =	vmul.f32 v46, v37;
	[tilespmem:s0+$0x45D0] =	vst v51  }
0x127: {  	v59 =	vld [tilespmem:s0+$0x4650];
	v58 =	vmul.f32 v48, v54;
	[tilespmem:s0+$0x45E0] =	vst v53  }
0x128: {  	v61 =	vld [tilespmem:s0+$0x4660];
	v60 =	vmul.f32 v50, v54;
	[tilespmem:s0+$0x45F0] =	vst v56  }
0x129: {  	v63 =	vld [tilespmem:s0+$0x4670];
	v62 =	vmul.f32 v52, v54;
	[tilespmem:s0+$0x4600] =	vst v58  }
0x12a: {  	v22 =	vld [tilespmem:s0+$0x46C0];
	v12 =	vmul.f32 v55, v54;
	[tilespmem:s0+$0x4610] =	vst v60  }
0x12b: {  	v13 =	vld [tilespmem:s0+$0x4680];
	v14 =	vmul.f32 v57, v54;
	[tilespmem:s0+$0x4620] =	vst v62  }
0x12c: {  	v15 =	vld [tilespmem:s0+$0x4690];
	v16 =	vmul.f32 v59, v54;
	[tilespmem:s0+$0x4630] =	vst v12  }
0x12d: {  	v17 =	vld [tilespmem:s0+$0x46A0];
	v19 =	vbroadcast v0, $0x7;
	v18 =	vmul.f32 v61, v54;
	[tilespmem:s0+$0x4640] =	vst v14  }
0x12e: {  	v20 =	vld [tilespmem:s0+$0x46B0];
	v21 =	vmul.f32 v63, v54;
	[tilespmem:s0+$0x4650] =	vst v16  }
0x12f: {  	v24 =	vld [tilespmem:s0+$0x46D0];
	v31 =	vmul.f32 v22, v19;
	[tilespmem:s0+$0x4660] =	vst v18  }
0x130: {  	v26 =	vld [tilespmem:s0+$0x46E0];
	v23 =	vmul.f32 v13, v19;
	[tilespmem:s0+$0x4670] =	vst v21  }
0x131: {  	v28 =	vld [tilespmem:s0+$0x46F0];
	v25 =	vmul.f32 v15, v19;
	[tilespmem:s0+$0x46C0] =	vst v31  }
0x132: {  	v37 =	vld [tilespmem:s0+$0x4730];
	v27 =	vmul.f32 v17, v19;
	[tilespmem:s0+$0x4680] =	vst v23  }
0x133: {  	v47 =	vld [tilespmem:s0+$0x4780];
	[tilespmem:s0+$0x4690] =	vst v25;
	v29 =	vmul.f32 v20, v19  }
0x134: {  	v54 =	vld [tilespmem:s0+$0x47B0];
	[tilespmem:s0+$0x46A0] =	vst v27;
	v33 =	vmul.f32 v24, v19  }
0x135: {  	v30 =	vld [tilespmem:s0+$0x4700];
	v36 =	vbroadcast v0, $0x8;
	v35 =	vmul.f32 v26, v19;
	[tilespmem:s0+$0x46B0] =	vst v29  }
0x136: {  	v32 =	vld [tilespmem:s0+$0x4710];
	v53 =	vbroadcast v0, $0x9;
	v38 =	vmul.f32 v28, v19;
	[tilespmem:s0+$0x46D0] =	vst v33  }
0x137: {  	v34 =	vld [tilespmem:s0+$0x4720];
	v46 =	vmul.f32 v37, v36;
	[tilespmem:s0+$0x46E0] =	vst v35  }
0x138: {  	v39 =	vld [tilespmem:s0+$0x4740];
	v57 =	vmul.f32 v47, v53;
	[tilespmem:s0+$0x46F0] =	vst v38  }
0x139: {  	v41 =	vld [tilespmem:s0+$0x4750];
	v63 =	vmul.f32 v54, v53;
	[tilespmem:s0+$0x4730] =	vst v46  }
0x13a: {  	v43 =	vld [tilespmem:s0+$0x4760];
	v40 =	vmul.f32 v30, v36;
	[tilespmem:s0+$0x4780] =	vst v57  }
0x13b: {  	v45 =	vld [tilespmem:s0+$0x4770];
	v42 =	vmul.f32 v32, v36;
	[tilespmem:s0+$0x47B0] =	vst v63  }
0x13c: {  	v49 =	vld [tilespmem:s0+$0x4790];
	v44 =	vmul.f32 v34, v36;
	[tilespmem:s0+$0x4700] =	vst v40  }
0x13d: {  	v51 =	vld [tilespmem:s0+$0x47A0];
	v48 =	vmul.f32 v39, v36;
	[tilespmem:s0+$0x4710] =	vst v42  }
0x13e: {  	v56 =	vld [tilespmem:s0+$0x47C0];
	v50 =	vmul.f32 v41, v36;
	[tilespmem:s0+$0x4720] =	vst v44  }
0x13f: {  	v58 =	vld [tilespmem:s0+$0x47D0];
	v52 =	vmul.f32 v43, v36;
	[tilespmem:s0+$0x4740] =	vst v48  }
0x140: {  	v60 =	vld [tilespmem:s0+$0x47E0];
	v55 =	vmul.f32 v45, v36;
	[tilespmem:s0+$0x4750] =	vst v50  }
0x141: {  	v62 =	vld [tilespmem:s0+$0x47F0];
	v59 =	vmul.f32 v49, v53;
	[tilespmem:s0+$0x4760] =	vst v52  }
0x142: {  	v12 =	vld [tilespmem:s0+$0x4800];
	v61 =	vmul.f32 v51, v53;
	[tilespmem:s0+$0x4770] =	vst v55  }
0x143: {  	v14 =	vld [tilespmem:s0+$0x4810];
	v13 =	vmul.f32 v56, v53;
	[tilespmem:s0+$0x4790] =	vst v59  }
0x144: {  	v16 =	vld [tilespmem:s0+$0x4820];
	v15 =	vmul.f32 v58, v53;
	[tilespmem:s0+$0x47A0] =	vst v61  }
0x145: {  	v18 =	vbroadcast v0, $0xA;
	v21 =	vld [tilespmem:s0+$0x4840];
	v17 =	vmul.f32 v60, v53;
	[tilespmem:s0+$0x47C0] =	vst v13  }
0x146: {  	v23 =	vld [tilespmem:s0+$0x4850];
	v20 =	vmul.f32 v62, v53;
	[tilespmem:s0+$0x47D0] =	vst v15  }
0x147: {  	v25 =	vld [tilespmem:s0+$0x4860];
	v22 =	vmul.f32 v12, v18;
	[tilespmem:s0+$0x47E0] =	vst v17  }
0x148: {  	v27 =	vld [tilespmem:s0+$0x4870];
	v24 =	vmul.f32 v14, v18;
	[tilespmem:s0+$0x47F0] =	vst v20  }
0x149: {  	v31 =	vld [tilespmem:s0+$0x4890];
	v26 =	vmul.f32 v16, v18;
	[tilespmem:s0+$0x4800] =	vst v22  }
0x14a: {  	v19 =	vld [tilespmem:s0+$0x4830];
	v30 =	vmul.f32 v21, v18;
	[tilespmem:s0+$0x4810] =	vst v24  }
0x14b: {  	v29 =	vld [tilespmem:s0+$0x4880];
	[tilespmem:s0+$0x4820] =	vst v26;
	v32 =	vmul.f32 v23, v18  }
0x14c: {  	v33 =	vld [tilespmem:s0+$0x48A0];
	v35 =	vbroadcast v0, $0xB;
	[tilespmem:s0+$0x4840] =	vst v30;
	v34 =	vmul.f32 v25, v18  }
0x14d: {  	v36 =	vld [tilespmem:s0+$0x48B0];
	v37 =	vmul.f32 v27, v18;
	[tilespmem:s0+$0x4850] =	vst v32  }
0x14e: {  	v38 =	vld [tilespmem:s0+$0x48C0];
	v41 =	vmul.f32 v31, v35;
	[tilespmem:s0+$0x4860] =	vst v34  }
0x14f: {  	v46 =	vld [tilespmem:s0+$0x4900];
	v28 =	vmul.f32 v19, v18;
	[tilespmem:s0+$0x4870] =	vst v37  }
0x150: {  	v53 =	vld [tilespmem:s0+$0x4930];
	[tilespmem:s0+$0x4890] =	vst v41;
	v39 =	vmul.f32 v29, v35  }
0x151: {  	v57 =	vld [tilespmem:s0+$0x4950];
	[tilespmem:s0+$0x4830] =	vst v28;
	v43 =	vmul.f32 v33, v35  }
0x152: {  	v63 =	vld [tilespmem:s0+$0x4980];
	v52 =	vbroadcast v0, $0xC;
	v45 =	vmul.f32 v36, v35;
	[tilespmem:s0+$0x4880] =	vst v39  }
0x153: {  	v40 =	vld [tilespmem:s0+$0x48D0];
	v47 =	vmul.f32 v38, v35;
	[tilespmem:s0+$0x48A0] =	vst v43  }
0x154: {  	v42 =	vld [tilespmem:s0+$0x48E0];
	v56 =	vmul.f32 v46, v52;
	[tilespmem:s0+$0x48B0] =	vst v45  }
0x155: {  	v44 =	vld [tilespmem:s0+$0x48F0];
	v17 =	vbroadcast v0, $0xD;
	v62 =	vmul.f32 v53, v52;
	[tilespmem:s0+$0x48C0] =	vst v47  }
0x156: {  	v48 =	vld [tilespmem:s0+$0x4910];
	v14 =	vmul.f32 v57, v52;
	[tilespmem:s0+$0x4900] =	vst v56  }
0x157: {  	v50 =	vld [tilespmem:s0+$0x4920];
	v21 =	vmul.f32 v63, v17;
	[tilespmem:s0+$0x4930] =	vst v62  }
0x158: {  	v55 =	vld [tilespmem:s0+$0x4940];
	v49 =	vmul.f32 v40, v35;
	[tilespmem:s0+$0x4950] =	vst v14  }
0x159: {  	v59 =	vld [tilespmem:s0+$0x4960];
	v51 =	vmul.f32 v42, v35;
	[tilespmem:s0+$0x4980] =	vst v21  }
0x15a: {  	v61 =	vld [tilespmem:s0+$0x4970];
	v54 =	vmul.f32 v44, v35;
	[tilespmem:s0+$0x48D0] =	vst v49  }
0x15b: {  	v13 =	vld [tilespmem:s0+$0x4990];
	v58 =	vmul.f32 v48, v52;
	[tilespmem:s0+$0x48E0] =	vst v51  }
0x15c: {  	v15 =	vld [tilespmem:s0+$0x49A0];
	v60 =	vmul.f32 v50, v52;
	[tilespmem:s0+$0x48F0] =	vst v54  }
0x15d: {  	v20 =	vld [tilespmem:s0+$0x49C0];
	v12 =	vmul.f32 v55, v52;
	[tilespmem:s0+$0x4910] =	vst v58  }
0x15e: {  	v22 =	vld [tilespmem:s0+$0x49D0];
	v16 =	vmul.f32 v59, v52;
	[tilespmem:s0+$0x4920] =	vst v60  }
0x15f: {  	v24 =	vld [tilespmem:s0+$0x49E0];
	v19 =	vmul.f32 v61, v52;
	[tilespmem:s0+$0x4940] =	vst v12  }
0x160: {  	v26 =	vld [tilespmem:s0+$0x49F0];
	v23 =	vmul.f32 v13, v17;
	[tilespmem:s0+$0x4960] =	vst v16  }
0x161: {  	v30 =	vld [tilespmem:s0+$0x4A10];
	v25 =	vmul.f32 v15, v17;
	[tilespmem:s0+$0x4970] =	vst v19  }
0x162: {  	v18 =	vld [tilespmem:s0+$0x49B0];
	v29 =	vmul.f32 v20, v17;
	[tilespmem:s0+$0x4990] =	vst v23  }
0x163: {  	v32 =	vld [tilespmem:s0+$0x4A20];
	v31 =	vmul.f32 v22, v17;
	[tilespmem:s0+$0x49A0] =	vst v25  }
0x164: {  	v34 =	vbroadcast v0, $0xE;
	v37 =	vld [tilespmem:s0+$0x4A40];
	v33 =	vmul.f32 v24, v17;
	[tilespmem:s0+$0x49C0] =	vst v29  }
0x165: {  	v41 =	vld [tilespmem:s0+$0x4A60];
	v36 =	vmul.f32 v26, v17;
	[tilespmem:s0+$0x49D0] =	vst v31  }
0x166: {  	v28 =	vld [tilespmem:s0+$0x4A00];
	v40 =	vmul.f32 v30, v34;
	[tilespmem:s0+$0x49E0] =	vst v33  }
0x167: {  	v53 =	vld [tilespmem:s0+$0x4AC0];
	v27 =	vmul.f32 v18, v17;
	[tilespmem:s0+$0x49F0] =	vst v36  }
0x168: {  	v57 =	vld [tilespmem:s0+$0x4AE0];
	v42 =	vmul.f32 v32, v34;
	[tilespmem:s0+$0x4A10] =	vst v40  }
0x169: {  	v35 =	vld [tilespmem:s0+$0x4A30];
	v46 =	vmul.f32 v37, v34;
	[tilespmem:s0+$0x49B0] =	vst v27  }
0x16a: {  	v0 =	vbroadcast v0, $0xF;
	v39 =	vld [tilespmem:s0+$0x4A50];
	v50 =	vmul.f32 v41, v34;
	[tilespmem:s0+$0x4A20] =	vst v42  }
0x16b: {  	v43 =	vld [tilespmem:s0+$0x4A70];
	v38 =	vmul.f32 v28, v34;
	[tilespmem:s0+$0x4A40] =	vst v46  }
0x16c: {  	v45 =	vld [tilespmem:s0+$0x4A80];
	v61 =	vmul.f32 v53, v0;
	[tilespmem:s0+$0x4A60] =	vst v50  }
0x16d: {  	v47 =	vld [tilespmem:s0+$0x4A90];
	v63 =	vmul.f32 v57, v0;
	[tilespmem:s0+$0x4A00] =	vst v38  }
0x16e: {  	v55 =	vld [tilespmem:s0+$0x4AD0];
	v44 =	vmul.f32 v35, v34;
	[tilespmem:s0+$0x4AC0] =	vst v61  }
0x16f: {  	v49 =	vld [tilespmem:s0+$0x4AA0];
	v48 =	vmul.f32 v39, v34;
	[tilespmem:s0+$0x4AE0] =	vst v63  }
0x170: {  	v51 =	vld [tilespmem:s0+$0x4AB0];
	v52 =	vmul.f32 v43, v34;
	[tilespmem:s0+$0x4A30] =	vst v44  }
0x171: {  	v59 =	vld [tilespmem:s0+$0x4AF0];
	v54 =	vmul.f32 v45, v0;
	[tilespmem:s0+$0x4A50] =	vst v48  }
0x172: {  	v56 =	vmul.f32 v47, v0;
	[tilespmem:s0+$0x4A70] =	vst v52  }
0x173: {  	p1 =	sne.s32 s29, $0x7;
	v62 =	vmul.f32 v55, v0;
	[tilespmem:s0+$0x4A80] =	vst v54  }
.Ltmp7:
0x174: {  	v58 =	vmul.f32 v49, v0;
	[tilespmem:s0+$0x4A90] =	vst v56;
	(pc) =	sbr.rel @p1 .LBB2_7-.Ltmp7, $4  }
0x175: {  	v60 =	vmul.f32 v51, v0;
	[tilespmem:s0+$0x4AD0] =	vst v62  }
0x176: {  	v0 =	vmul.f32 v59, v0;
	[tilespmem:s0+$0x4AA0] =	vst v58  }
0x177: {  	[tilespmem:s0+$0x4AB0] =	vst v60  }
0x178: {  	s29 =	sadd.s32 $0x1, s29;
	[tilespmem:s0+$0x4AF0] =	vst v0  }
.Ltmp8:
0x179: {  	(pc) =	sbr.rel .LBB2_9-.Ltmp8, $2  }
0x17a: {  	_ =	sdelay $0x2  }
0x17b: {  	[spmem:s3] =	stream.indirect.scatter.add.f32 [tilespmem:s25], [sflag:$0x2], $0x80, s24, s17, $0xb8;
	[tilespmem:$0x1BB80] =	vst v63  }
.LBB2_11:
0x17c: {  	_ =	sfence.sel $0x180000  }
0x17d: {  	[bflag:$0x0] =	sbarrier.arrive $0xFFFF  }
0x17e: {  	_ =	strace $0x90000047  }
0x17f: {  	s0 =	stileid.u32;
	[bflag:$0x2] =	sbarrier.arrive $0xFFFF  }
0x180: {  	p0 =	sne.s32 s0, $0x0;
	s0 =	rddreg [dreg:$0x3]  }
0x181: {  	s0 =	sadd.s32 @!p0 $0x100000, s0  }
0x182: {  	[sflag:s0] =	ssyncadd.tile.s32 @!p0 $0x1;
	_ =	shalt  }
.Lfunc_end2:
_tile_overlayer_lowered:
.L_overlay_start_2:
0x183: {  	(tag) =	ssettag $0x2  }
0x184: {  	s0 =	rddreg [dreg:$0x0];
	s2 =	stileid.u32  }
0x185: {  	s1 =	rddreg [dreg:$0x1];
	p0 =	sne.s32 s2, $0x0  }
0x186: {  	s3 =	rddreg [dreg:$0x2];
	[bflag:$0x3] =	sbarrier.arrive $0xFFFF;
	s2 =	simm.s32 @!p0 $0x1C03  }
0x187: {  	[timem:s3], [sflag:s2] =	dma.local @!p0 [hbm:s0], s1  }
0x188: {  	s0 =	simm.s32 @!p0 $0x3  }
0x189: {  	_ =	swait.ge @!p0 [sflag:s0], s1  }
0x18a: {  	s1 =	ssub.s32 @!p0 $0x0, s1;
	[sflag:s0] =	ssyncset.done @!p0 $0x0  }
0x18b: {  	[sflag:s0] =	ssyncadd.s32 @!p0 s1  }
0x18c: {  	[bflag:$0x3] =	sbarrier.arrive $0xFFFF  }
0x18d: {  	_ =	shalt  }

</sc_bundles>
